<compile_context>
chip_gen: v7x
topology: tpu7x:2x2x1
jax: 0.10.2.dev20260603
libtpu: 0.0.44.dev20260713+nightly
codegen_flags: <defaults>
</compile_context>

<pallas_src>
import functools

import jax
import jax.numpy as jnp
from jax import lax
from jax.experimental import pallas as pl
from jax.experimental.pallas import tpu as pltpu
from jax.experimental.pallas import tpu_sc as plsc

NC = 2
NS = 16
NW = NC * NS
L = 16
CH = 128
GRP = 8
NBG = 5
GAH = 3


def _mesh():
    return plsc.VectorSubcoreMesh(
        core_axis_name="c", subcore_axis_name="s", num_cores=NC, num_subcores=NS)


_SC_PARAMS = pltpu.CompilerParams(use_tc_tiling_on_sc=False)


GC = GRP * CH


def _load_edge_row(ei_hbm, row, idx_v, wid, epw0, nfull, rem, n, lsem):
    descs = []
    base = wid * epw0
    for r in range(nfull):
        descs.append(pltpu.async_copy(
            ei_hbm.at[row, pl.ds(base + r * GC, GC)], idx_v.at[r], lsem))
    if rem:
        iota16 = lax.iota(jnp.int32, L)
        for k in range((GC - rem) // L):
            idx_v[nfull, pl.ds(rem + k * L, L)] = n + ((iota16 + k * L) & 127)
        descs.append(pltpu.async_copy(
            ei_hbm.at[row, pl.ds(base + nfull * GC, rem)],
            idx_v.at[nfull, pl.ds(0, rem)], lsem))
    return descs


def _deg_kernel(ngrp, epw0, nfull, rem, n, n_pad):
    rpt = n_pad // NS

    @functools.partial(
        pl.kernel,
        out_type=jax.ShapeDtypeStruct((NC, n_pad), jnp.float32),
        mesh=_mesh(),
        scratch_types=[
            pltpu.VMEM((ngrp, GC), jnp.int32),
            pltpu.VMEM((GC,), jnp.float32),
            pltpu.VMEM((rpt,), jnp.float32),
            pltpu.VMEM_SHARED((n_pad,), jnp.float32),
            pltpu.SemaphoreType.DMA,
            pltpu.SemaphoreType.DMA,
        ],
        compiler_params=_SC_PARAMS,
    )
    def deg_k(ei_hbm, degp_hbm, idx_v, ones_v, stage_v, deg_sh, sem, lsem):
        cid = lax.axis_index("c")
        tid = lax.axis_index("s")
        wid = cid * NS + tid
        r0 = tid * rpt
        one16 = jnp.ones((L,), jnp.float32)
        zero16 = jnp.zeros((L,), jnp.float32)
        ld = _load_edge_row(ei_hbm, 1, idx_v, wid, epw0, nfull, rem, n, lsem)
        for k in range(GC // L):
            ones_v[pl.ds(k * L, L)] = one16
        for k in range(rpt // L):
            stage_v[pl.ds(k * L, L)] = zero16
        pltpu.sync_copy(stage_v, deg_sh.at[pl.ds(r0, rpt)])
        for dsc in ld:
            dsc.wait()
        plsc.subcore_barrier()
        descs = [None] * ngrp
        for j in range(ngrp):
            descs[j] = pltpu.async_copy(
                ones_v, deg_sh.at[idx_v.at[j]], sem, add=True)
            if j >= 4:
                descs[j - 4].wait()
        for j in range(max(0, ngrp - 4), ngrp):
            descs[j].wait()
        plsc.subcore_barrier()
        pltpu.sync_copy(deg_sh.at[pl.ds(r0, rpt)], degp_hbm.at[cid, pl.ds(r0, rpt)])

    return deg_k


def _msg_kernel(ngrp, epw0, nfull, rem, n, n_pad, dh):
    rpt = n_pad // NS

    @functools.partial(
        pl.kernel,
        out_type=jax.ShapeDtypeStruct((NC, n_pad, dh), jnp.float32),
        mesh=_mesh(),
        scratch_types=[
            pltpu.VMEM((ngrp, GC), jnp.int32),
            pltpu.VMEM((ngrp, GC), jnp.int32),
            pltpu.VMEM((NBG, GC, dh), jnp.float32),
            pltpu.VMEM((rpt, dh), jnp.float32),
            pltpu.VMEM_SHARED((n_pad, dh), jnp.float32),
            pltpu.SemaphoreType.DMA,
            pltpu.SemaphoreType.DMA,
            pltpu.SemaphoreType.DMA,
        ],
        compiler_params=_SC_PARAMS,
    )
    def msg_k(g_hbm, ei_hbm, zero_hbm, sp_hbm,
              src_v, dst_v, msg_v, stage_v, s_sh, gsem, ssem, lsem):
        cid = lax.axis_index("c")
        tid = lax.axis_index("s")
        wid = cid * NS + tid
        r0 = tid * rpt
        ld = _load_edge_row(ei_hbm, 0, src_v, wid, epw0, nfull, rem, n, lsem)
        ld += _load_edge_row(ei_hbm, 1, dst_v, wid, epw0, nfull, rem, n, lsem)
        pltpu.sync_copy(zero_hbm.at[pl.ds(r0, rpt)], s_sh.at[pl.ds(r0, rpt)])
        for dsc in ld:
            dsc.wait()
        plsc.subcore_barrier()
        gd = [None] * ngrp
        sd = [None] * ngrp
        for j in range(min(GAH, ngrp)):
            gd[j] = pltpu.async_copy(
                g_hbm.at[src_v.at[j]], msg_v.at[j % NBG], gsem)
        for j in range(ngrp):
            b = j % NBG
            gd[j].wait()
            sd[j] = pltpu.async_copy(
                msg_v.at[b], s_sh.at[dst_v.at[j]], ssem, add=True)
            nj = j + GAH
            if nj < ngrp:
                if nj >= NBG:
                    sd[nj - NBG].wait()
                gd[nj] = pltpu.async_copy(
                    g_hbm.at[src_v.at[nj]], msg_v.at[nj % NBG], gsem)
        for j in range(max(0, ngrp - NBG), ngrp):
            sd[j].wait()
        plsc.subcore_barrier()
        pltpu.sync_copy(s_sh.at[pl.ds(r0, rpt)], sp_hbm.at[cid, pl.ds(r0, rpt)])

    return msg_k


def _z_kernel(n_pad, dh):
    rpw = n_pad // NW
    flw = rpw * dh

    @functools.partial(
        pl.kernel,
        out_type=jax.ShapeDtypeStruct((n_pad, dh), jnp.float32),
        mesh=_mesh(),
        scratch_types=[
            pltpu.VMEM((rpw, dh), jnp.float32),
            pltpu.VMEM((rpw, dh), jnp.float32),
            pltpu.VMEM((rpw, dh), jnp.float32),
            pltpu.VMEM((rpw,), jnp.float32),
            pltpu.VMEM((dh,), jnp.float32),
            pltpu.VMEM((rpw, dh), jnp.float32),
            pltpu.SemaphoreType.DMA,
        ],
        compiler_params=_SC_PARAMS,
    )
    def z_k(sp_hbm, g_hbm, di_hbm, b_hbm, z_hbm,
            s0_v, s1_v, g_v, di_v, b_v, z_v, lsem):
        cid = lax.axis_index("c")
        tid = lax.axis_index("s")
        wid = cid * NS + tid
        row0 = wid * rpw
        ds = [
            pltpu.async_copy(sp_hbm.at[0, pl.ds(row0, rpw)], s0_v, lsem),
            pltpu.async_copy(sp_hbm.at[1, pl.ds(row0, rpw)], s1_v, lsem),
            pltpu.async_copy(g_hbm.at[pl.ds(row0, rpw)], g_v, lsem),
            pltpu.async_copy(di_hbm.at[0, pl.ds(row0, rpw)], di_v, lsem),
            pltpu.async_copy(b_hbm, b_v, lsem),
        ]
        for d in ds:
            d.wait()
        bvec = b_v[...]
        lane_ids = [jnp.full((L,), k, jnp.int32) for k in range(L)]

        def body(i, carry):
            dv16 = di_v[pl.ds(i * L, L)]
            for k in range(L):
                row = i * L + k
                s = s0_v[row] + s1_v[row] + g_v[row]
                dvb = dv16[lane_ids[k]]
                z_v[row] = jnp.maximum(s * dvb + bvec, 0.0)
            return carry

        lax.fori_loop(0, rpw // L, body, 0)
        pltpu.sync_copy(z_v, z_hbm.at[pl.ds(row0, rpw)])

    return z_k


def _encode_body(x_ref, w_ref, degp_ref, g_ref, dr_ref):
    deg = degp_ref[0:1, :] + degp_ref[1:2, :] + 1.0
    dinv_row = lax.rsqrt(deg)
    dinv = jnp.transpose(dinv_row)
    h = jnp.dot(x_ref[...], w_ref[...], preferred_element_type=jnp.float32,
                precision=lax.Precision.HIGHEST)
    g_ref[...] = h * dinv
    dr_ref[...] = dinv_row


def _decode_body(bmr, bnc, z_ref, out_ref):
    i = pl.program_id(0)
    j = pl.program_id(1)
    zr = z_ref[pl.ds(i * bmr, bmr), :]
    zc = z_ref[pl.ds(j * bnc, bnc), :]
    logits = lax.dot_general(
        zr, zc, (((1,), (1,)), ((), ())),
        preferred_element_type=jnp.float32)
    out_ref[...] = 0.5 * jnp.tanh(0.5 * logits) + 0.5


def kernel(x, edge_index, W, b):
    n, d_in = x.shape
    dh = W.shape[1]
    e = edge_index.shape[1]

    n_pad = ((n + 128 + 255) // 256) * 256
    assert e % (NW * L) == 0
    epw0 = e // NW
    nfull, rem = divmod(epw0, GC)
    ngrp = nfull + (1 if rem else 0)
    ei32 = edge_index.astype(jnp.int32)

    degp = _deg_kernel(ngrp, epw0, nfull, rem, n, n_pad)(ei32)

    bm = n_pad
    g_pad, dinv_row = pl.pallas_call(
        _encode_body,
        grid=(n_pad // bm,),
        in_specs=[
            pl.BlockSpec((bm, d_in), lambda i: (i, 0)),
            pl.BlockSpec((d_in, dh), lambda i: (0, 0)),
            pl.BlockSpec((2, bm), lambda i: (0, i)),
        ],
        out_specs=[
            pl.BlockSpec((bm, dh), lambda i: (i, 0)),
            pl.BlockSpec((1, bm), lambda i: (0, i)),
        ],
        out_shape=[
            jax.ShapeDtypeStruct((n_pad, dh), jnp.float32),
            jax.ShapeDtypeStruct((1, n_pad), jnp.float32),
        ],
    )(x, W, degp)

    zeros2d = jnp.zeros((n_pad, dh), jnp.float32)
    sp = _msg_kernel(ngrp, epw0, nfull, rem, n, n_pad, dh)(g_pad, ei32, zeros2d)

    z_pad = _z_kernel(n_pad, dh)(sp, g_pad, dinv_row, b)

    bmr, bnc = 2048, 2048
    adj = pl.pallas_call(
        functools.partial(_decode_body, bmr, bnc),
        grid=(-(-n // bmr), -(-n // bnc)),
        in_specs=[
            pl.BlockSpec((n_pad, dh), lambda i, j: (0, 0)),
        ],
        out_specs=pl.BlockSpec((bmr, bnc), lambda i, j: (i, j)),
        out_shape=jax.ShapeDtypeStruct((n, n), jnp.float32),
    )(z_pad)
    return adj

# --- scband reference (transcript-rebuilt; emitter-appended) ---
"""Pipeline reference for scband-graph-auto-encoder-12893491822679 (READ-ONLY COPY).

The authoritative reference and input builder live on the scoring server;
editing this copy changes nothing except your own understanding.
"""

import jax, jax.numpy as jnp
import numpy as np

N = 10000
E = 320000
D_IN = 128
D_H = 16


def setup_inputs(seed: int = 0) -> dict:
    key = jax.random.key(seed)
    k1, k2, k3 = jax.random.split(key, 3)
    x = jax.random.normal(k1, (N, D_IN), dtype=jnp.float32)
    edge_index = jax.random.randint(k2, (2, E), 0, N, dtype=jnp.int64)
    W = jax.random.normal(k3, (D_IN, D_H), dtype=jnp.float32) * (1.0 / np.sqrt(D_IN))
    b = jnp.zeros((D_H,), dtype=jnp.float32)
    return {"x": x, "edge_index": edge_index, "W": W, "b": b}


def _gcn_conv(x, edge_index, W, b):
    n = x.shape[0]
    src = edge_index[0]
    dst = edge_index[1]
    # add self loops (PyG GCNConv default)
    loop = jnp.arange(n, dtype=src.dtype)
    src = jnp.concatenate([src, loop])
    dst = jnp.concatenate([dst, loop])
    # symmetric normalization deg^-1/2 (src) * deg^-1/2 (dst)
    ones = jnp.ones((src.shape[0],), dtype=jnp.float32)
    deg = jax.ops.segment_sum(ones, dst, num_segments=n)
    dinv = jnp.where(deg > 0, jax.lax.rsqrt(deg), 0.0)
    norm = dinv[src] * dinv[dst]
    # transform then propagate
    h = x @ W
    msgs = h[src] * norm[:, None]
    out = jax.ops.segment_sum(msgs, dst, num_segments=n)
    return out + b


def reference(x, edge_index, W, b):
    # encode: ReLU(GCNConv(x, edge_index))
    z = jax.nn.relu(_gcn_conv(x, edge_index, W, b))
    # decode: inner-product decoder sigmoid(z z^T)
    adj = jax.nn.sigmoid(z @ z.T)
    return adj

if __name__ == "__main__":
    import jax
    _d = setup_inputs()
    print(jax.jit(kernel)(*tuple(_d.values())))

</pallas_src>

<mosaic_0001>
#map = affine_map<(d0, d1) -> (0, 0)>
#map1 = affine_map<(d0, d1) -> (0, 0, 0)>
module attributes {stable_mosaic.version = 14 : i64} {
  func.func @msg_k(%arg0: i32, %arg1: i32, %arg2: memref<10240x16xf32, #tpu.memory_space<hbm>>, %arg3: memref<2x320000xi32, #tpu.memory_space<hbm>>, %arg4: memref<10240x16xf32, #tpu.memory_space<hbm>>, %arg5: memref<2x10240x16xf32, #tpu.memory_space<hbm>>, %arg6: memref<10x1024xi32, #tpu.memory_space<vmem>>, %arg7: memref<10x1024xi32, #tpu.memory_space<vmem>>, %arg8: memref<5x1024x16xf32, #tpu.memory_space<vmem>>, %arg9: memref<640x16xf32, #tpu.memory_space<vmem>>, %arg10: memref<10240x16xf32, #tpu.memory_space<vmem_shared>>, %arg11: memref<!tpu.dma_semaphore, #tpu.memory_space<semaphore_mem>>, %arg12: memref<!tpu.dma_semaphore, #tpu.memory_space<semaphore_mem>>, %arg13: memref<!tpu.dma_semaphore, #tpu.memory_space<semaphore_mem>>) attributes {dimension_semantics = [#tpu.dimension_semantics<core_parallel>, #tpu.dimension_semantics<subcore_parallel>], iteration_bounds = array<i64: 2, 16>, scalar_prefetch = 0 : i64, scratch_operands = 8 : i64, tpu.core_type = #tpu.core_type<sc_vector_subcore>, window_params = [{transform_indices = #map}, {transform_indices = #map}, {transform_indices = #map}, {transform_indices = #map1}]} {
    %mul3A = arith.constant 16 : i32
    %mul3A_0 = arith.muli %arg0, %mul3A : i32
    %add3A = arith.addi %mul3A_0, %arg1 : i32
    %mul3A_1 = arith.constant 640 : i32
    %mul3A_2 = arith.muli %arg1, %mul3A_1 : i32
    %mul3A_3 = arith.constant 10000 : i32
    %mul3A_4 = arith.muli %add3A, %mul3A_3 : i32
    %add3A_5 = arith.constant 0 : i32
    %add3A_6 = arith.addi %mul3A_4, %add3A_5 : i32
    %dma_start3A = arith.constant 0 : i32
    %dma_start3A_7 = arith.constant 0 : i32
    %dma_start3A_8 = arith.constant 0 : i32
    %dma_start3A_9 = tpu.memref_slice %arg6[%dma_start3A_7, %dma_start3A_8] : memref<10x1024xi32, #tpu.memory_space<vmem>> -> memref<1x1024xi32, #tpu.memory_space<vmem>>
    %dma_start3A_10 = tpu.memref_squeeze %dma_start3A_9 : memref<1x1024xi32, #tpu.memory_space<vmem>> -> memref<1024xi32, #tpu.memory_space<vmem>>
    %dma_start3A_11 = tpu.memref_slice %arg3[%dma_start3A, %add3A_6] : memref<2x320000xi32, #tpu.memory_space<hbm>> -> memref<1x1024xi32, #tpu.memory_space<hbm>>
    %dma_start3A_12 = tpu.memref_squeeze %dma_start3A_11 : memref<1x1024xi32, #tpu.memory_space<hbm>> -> memref<1024xi32, #tpu.memory_space<hbm>>
    %dma_start3A_13 = arith.constant 0 : i32
    %dma_start3A_14 = tpu.memref_slice %arg6[%dma_start3A_7, %dma_start3A_13] : memref<10x1024xi32, #tpu.memory_space<vmem>> -> memref<1x1024xi32, #tpu.memory_space<vmem>>
    %dma_start3A_15 = tpu.memref_squeeze %dma_start3A_14 : memref<1x1024xi32, #tpu.memory_space<vmem>> -> memref<1024xi32, #tpu.memory_space<vmem>>
    %dma_start3A_16 = tpu.memref_slice %arg3[%dma_start3A, %add3A_6] : memref<2x320000xi32, #tpu.memory_space<hbm>> -> memref<1x1024xi32, #tpu.memory_space<hbm>>
    %dma_start3A_17 = tpu.memref_squeeze %dma_start3A_16 : memref<1x1024xi32, #tpu.memory_space<hbm>> -> memref<1024xi32, #tpu.memory_space<hbm>>
    tpu.enqueue_dma source(%dma_start3A_17 : memref<1024xi32, #tpu.memory_space<hbm>>) target(%dma_start3A_15 : memref<1024xi32, #tpu.memory_space<vmem>>) target_semaphore(%arg13 : memref<!tpu.dma_semaphore, #tpu.memory_space<semaphore_mem>>)
    %add3A_18 = arith.constant 1024 : i32
    %add3A_19 = arith.addi %mul3A_4, %add3A_18 : i32
    %dma_start3A_20 = arith.constant 0 : i32
    %dma_start3A_21 = arith.constant 1 : i32
    %dma_start3A_22 = arith.constant 0 : i32
    %dma_start3A_23 = tpu.memref_slice %arg6[%dma_start3A_21, %dma_start3A_22] : memref<10x1024xi32, #tpu.memory_space<vmem>> -> memref<1x1024xi32, #tpu.memory_space<vmem>>
    %dma_start3A_24 = tpu.memref_squeeze %dma_start3A_23 : memref<1x1024xi32, #tpu.memory_space<vmem>> -> memref<1024xi32, #tpu.memory_space<vmem>>
    %dma_start3A_25 = tpu.memref_slice %arg3[%dma_start3A_20, %add3A_19] : memref<2x320000xi32, #tpu.memory_space<hbm>> -> memref<1x1024xi32, #tpu.memory_space<hbm>>
    %dma_start3A_26 = tpu.memref_squeeze %dma_start3A_25 : memref<1x1024xi32, #tpu.memory_space<hbm>> -> memref<1024xi32, #tpu.memory_space<hbm>>
    %dma_start3A_27 = arith.constant 0 : i32
    %dma_start3A_28 = tpu.memref_slice %arg6[%dma_start3A_21, %dma_start3A_27] : memref<10x1024xi32, #tpu.memory_space<vmem>> -> memref<1x1024xi32, #tpu.memory_space<vmem>>
    %dma_start3A_29 = tpu.memref_squeeze %dma_start3A_28 : memref<1x1024xi32, #tpu.memory_space<vmem>> -> memref<1024xi32, #tpu.memory_space<vmem>>
    %dma_start3A_30 = tpu.memref_slice %arg3[%dma_start3A_20, %add3A_19] : memref<2x320000xi32, #tpu.memory_space<hbm>> -> memref<1x1024xi32, #tpu.memory_space<hbm>>
    %dma_start3A_31 = tpu.memref_squeeze %dma_start3A_30 : memref<1x1024xi32, #tpu.memory_space<hbm>> -> memref<1024xi32, #tpu.memory_space<hbm>>
    tpu.enqueue_dma source(%dma_start3A_31 : memref<1024xi32, #tpu.memory_space<hbm>>) target(%dma_start3A_29 : memref<1024xi32, #tpu.memory_space<vmem>>) target_semaphore(%arg13 : memref<!tpu.dma_semaphore, #tpu.memory_space<semaphore_mem>>)
    %add3A_32 = arith.constant 2048 : i32
    %add3A_33 = arith.addi %mul3A_4, %add3A_32 : i32
    %dma_start3A_34 = arith.constant 0 : i32
    %dma_start3A_35 = arith.constant 2 : i32
    %dma_start3A_36 = arith.constant 0 : i32
    %dma_start3A_37 = tpu.memref_slice %arg6[%dma_start3A_35, %dma_start3A_36] : memref<10x1024xi32, #tpu.memory_space<vmem>> -> memref<1x1024xi32, #tpu.memory_space<vmem>>
    %dma_start3A_38 = tpu.memref_squeeze %dma_start3A_37 : memref<1x1024xi32, #tpu.memory_space<vmem>> -> memref<1024xi32, #tpu.memory_space<vmem>>
    %dma_start3A_39 = tpu.memref_slice %arg3[%dma_start3A_34, %add3A_33] : memref<2x320000xi32, #tpu.memory_space<hbm>> -> memref<1x1024xi32, #tpu.memory_space<hbm>>
    %dma_start3A_40 = tpu.memref_squeeze %dma_start3A_39 : memref<1x1024xi32, #tpu.memory_space<hbm>> -> memref<1024xi32, #tpu.memory_space<hbm>>
    %dma_start3A_41 = arith.constant 0 : i32
    %dma_start3A_42 = tpu.memref_slice %arg6[%dma_start3A_35, %dma_start3A_41] : memref<10x1024xi32, #tpu.memory_space<vmem>> -> memref<1x1024xi32, #tpu.memory_space<vmem>>
    %dma_start3A_43 = tpu.memref_squeeze %dma_start3A_42 : memref<1x1024xi32, #tpu.memory_space<vmem>> -> memref<1024xi32, #tpu.memory_space<vmem>>
    %dma_start3A_44 = tpu.memref_slice %arg3[%dma_start3A_34, %add3A_33] : memref<2x320000xi32, #tpu.memory_space<hbm>> -> memref<1x1024xi32, #tpu.memory_space<hbm>>
    %dma_start3A_45 = tpu.memref_squeeze %dma_start3A_44 : memref<1x1024xi32, #tpu.memory_space<hbm>> -> memref<1024xi32, #tpu.memory_space<hbm>>
    tpu.enqueue_dma source(%dma_start3A_45 : memref<1024xi32, #tpu.memory_space<hbm>>) target(%dma_start3A_43 : memref<1024xi32, #tpu.memory_space<vmem>>) target_semaphore(%arg13 : memref<!tpu.dma_semaphore, #tpu.memory_space<semaphore_mem>>)
    %add3A_46 = arith.constant 3072 : i32
    %add3A_47 = arith.addi %mul3A_4, %add3A_46 : i32
    %dma_start3A_48 = arith.constant 0 : i32
    %dma_start3A_49 = arith.constant 3 : i32
    %dma_start3A_50 = arith.constant 0 : i32
    %dma_start3A_51 = tpu.memref_slice %arg6[%dma_start3A_49, %dma_start3A_50] : memref<10x1024xi32, #tpu.memory_space<vmem>> -> memref<1x1024xi32, #tpu.memory_space<vmem>>
    %dma_start3A_52 = tpu.memref_squeeze %dma_start3A_51 : memref<1x1024xi32, #tpu.memory_space<vmem>> -> memref<1024xi32, #tpu.memory_space<vmem>>
    %dma_start3A_53 = tpu.memref_slice %arg3[%dma_start3A_48, %add3A_47] : memref<2x320000xi32, #tpu.memory_space<hbm>> -> memref<1x1024xi32, #tpu.memory_space<hbm>>
    %dma_start3A_54 = tpu.memref_squeeze %dma_start3A_53 : memref<1x1024xi32, #tpu.memory_space<hbm>> -> memref<1024xi32, #tpu.memory_space<hbm>>
    %dma_start3A_55 = arith.constant 0 : i32
    %dma_start3A_56 = tpu.memref_slice %arg6[%dma_start3A_49, %dma_start3A_55] : memref<10x1024xi32, #tpu.memory_space<vmem>> -> memref<1x1024xi32, #tpu.memory_space<vmem>>
    %dma_start3A_57 = tpu.memref_squeeze %dma_start3A_56 : memref<1x1024xi32, #tpu.memory_space<vmem>> -> memref<1024xi32, #tpu.memory_space<vmem>>
    %dma_start3A_58 = tpu.memref_slice %arg3[%dma_start3A_48, %add3A_47] : memref<2x320000xi32, #tpu.memory_space<hbm>> -> memref<1x1024xi32, #tpu.memory_space<hbm>>
    %dma_start3A_59 = tpu.memref_squeeze %dma_start3A_58 : memref<1x1024xi32, #tpu.memory_space<hbm>> -> memref<1024xi32, #tpu.memory_space<hbm>>
    tpu.enqueue_dma source(%dma_start3A_59 : memref<1024xi32, #tpu.memory_space<hbm>>) target(%dma_start3A_57 : memref<1024xi32, #tpu.memory_space<vmem>>) target_semaphore(%arg13 : memref<!tpu.dma_semaphore, #tpu.memory_space<semaphore_mem>>)
    %add3A_60 = arith.constant 4096 : i32
    %add3A_61 = arith.addi %mul3A_4, %add3A_60 : i32
    %dma_start3A_62 = arith.constant 0 : i32
    %dma_start3A_63 = arith.constant 4 : i32
    %dma_start3A_64 = arith.constant 0 : i32
    %dma_start3A_65 = tpu.memref_slice %arg6[%dma_start3A_63, %dma_start3A_64] : memref<10x1024xi32, #tpu.memory_space<vmem>> -> memref<1x1024xi32, #tpu.memory_space<vmem>>
    %dma_start3A_66 = tpu.memref_squeeze %dma_start3A_65 : memref<1x1024xi32, #tpu.memory_space<vmem>> -> memref<1024xi32, #tpu.memory_space<vmem>>
    %dma_start3A_67 = tpu.memref_slice %arg3[%dma_start3A_62, %add3A_61] : memref<2x320000xi32, #tpu.memory_space<hbm>> -> memref<1x1024xi32, #tpu.memory_space<hbm>>
    %dma_start3A_68 = tpu.memref_squeeze %dma_start3A_67 : memref<1x1024xi32, #tpu.memory_space<hbm>> -> memref<1024xi32, #tpu.memory_space<hbm>>
    %dma_start3A_69 = arith.constant 0 : i32
    %dma_start3A_70 = tpu.memref_slice %arg6[%dma_start3A_63, %dma_start3A_69] : memref<10x1024xi32, #tpu.memory_space<vmem>> -> memref<1x1024xi32, #tpu.memory_space<vmem>>
    %dma_start3A_71 = tpu.memref_squeeze %dma_start3A_70 : memref<1x1024xi32, #tpu.memory_space<vmem>> -> memref<1024xi32, #tpu.memory_space<vmem>>
    %dma_start3A_72 = tpu.memref_slice %arg3[%dma_start3A_62, %add3A_61] : memref<2x320000xi32, #tpu.memory_space<hbm>> -> memref<1x1024xi32, #tpu.memory_space<hbm>>
    %dma_start3A_73 = tpu.memref_squeeze %dma_start3A_72 : memref<1x1024xi32, #tpu.memory_space<hbm>> -> memref<1024xi32, #tpu.memory_space<hbm>>
    tpu.enqueue_dma source(%dma_start3A_73 : memref<1024xi32, #tpu.memory_space<hbm>>) target(%dma_start3A_71 : memref<1024xi32, #tpu.memory_space<vmem>>) target_semaphore(%arg13 : memref<!tpu.dma_semaphore, #tpu.memory_space<semaphore_mem>>)
    %add3A_74 = arith.constant 5120 : i32
    %add3A_75 = arith.addi %mul3A_4, %add3A_74 : i32
    %dma_start3A_76 = arith.constant 0 : i32
    %dma_start3A_77 = arith.constant 5 : i32
    %dma_start3A_78 = arith.constant 0 : i32
    %dma_start3A_79 = tpu.memref_slice %arg6[%dma_start3A_77, %dma_start3A_78] : memref<10x1024xi32, #tpu.memory_space<vmem>> -> memref<1x1024xi32, #tpu.memory_space<vmem>>
    %dma_start3A_80 = tpu.memref_squeeze %dma_start3A_79 : memref<1x1024xi32, #tpu.memory_space<vmem>> -> memref<1024xi32, #tpu.memory_space<vmem>>
    %dma_start3A_81 = tpu.memref_slice %arg3[%dma_start3A_76, %add3A_75] : memref<2x320000xi32, #tpu.memory_space<hbm>> -> memref<1x1024xi32, #tpu.memory_space<hbm>>
    %dma_start3A_82 = tpu.memref_squeeze %dma_start3A_81 : memref<1x1024xi32, #tpu.memory_space<hbm>> -> memref<1024xi32, #tpu.memory_space<hbm>>
    %dma_start3A_83 = arith.constant 0 : i32
    %dma_start3A_84 = tpu.memref_slice %arg6[%dma_start3A_77, %dma_start3A_83] : memref<10x1024xi32, #tpu.memory_space<vmem>> -> memref<1x1024xi32, #tpu.memory_space<vmem>>
    %dma_start3A_85 = tpu.memref_squeeze %dma_start3A_84 : memref<1x1024xi32, #tpu.memory_space<vmem>> -> memref<1024xi32, #tpu.memory_space<vmem>>
    %dma_start3A_86 = tpu.memref_slice %arg3[%dma_start3A_76, %add3A_75] : memref<2x320000xi32, #tpu.memory_space<hbm>> -> memref<1x1024xi32, #tpu.memory_space<hbm>>
    %dma_start3A_87 = tpu.memref_squeeze %dma_start3A_86 : memref<1x1024xi32, #tpu.memory_space<hbm>> -> memref<1024xi32, #tpu.memory_space<hbm>>
    tpu.enqueue_dma source(%dma_start3A_87 : memref<1024xi32, #tpu.memory_space<hbm>>) target(%dma_start3A_85 : memref<1024xi32, #tpu.memory_space<vmem>>) target_semaphore(%arg13 : memref<!tpu.dma_semaphore, #tpu.memory_space<semaphore_mem>>)
    %add3A_88 = arith.constant 6144 : i32
    %add3A_89 = arith.addi %mul3A_4, %add3A_88 : i32
    %dma_start3A_90 = arith.constant 0 : i32
    %dma_start3A_91 = arith.constant 6 : i32
    %dma_start3A_92 = arith.constant 0 : i32
    %dma_start3A_93 = tpu.memref_slice %arg6[%dma_start3A_91, %dma_start3A_92] : memref<10x1024xi32, #tpu.memory_space<vmem>> -> memref<1x1024xi32, #tpu.memory_space<vmem>>
    %dma_start3A_94 = tpu.memref_squeeze %dma_start3A_93 : memref<1x1024xi32, #tpu.memory_space<vmem>> -> memref<1024xi32, #tpu.memory_space<vmem>>
    %dma_start3A_95 = tpu.memref_slice %arg3[%dma_start3A_90, %add3A_89] : memref<2x320000xi32, #tpu.memory_space<hbm>> -> memref<1x1024xi32, #tpu.memory_space<hbm>>
    %dma_start3A_96 = tpu.memref_squeeze %dma_start3A_95 : memref<1x1024xi32, #tpu.memory_space<hbm>> -> memref<1024xi32, #tpu.memory_space<hbm>>
    %dma_start3A_97 = arith.constant 0 : i32
    %dma_start3A_98 = tpu.memref_slice %arg6[%dma_start3A_91, %dma_start3A_97] : memref<10x1024xi32, #tpu.memory_space<vmem>> -> memref<1x1024xi32, #tpu.memory_space<vmem>>
    %dma_start3A_99 = tpu.memref_squeeze %dma_start3A_98 : memref<1x1024xi32, #tpu.memory_space<vmem>> -> memref<1024xi32, #tpu.memory_space<vmem>>
    %dma_start3A_100 = tpu.memref_slice %arg3[%dma_start3A_90, %add3A_89] : memref<2x320000xi32, #tpu.memory_space<hbm>> -> memref<1x1024xi32, #tpu.memory_space<hbm>>
    %dma_start3A_101 = tpu.memref_squeeze %dma_start3A_100 : memref<1x1024xi32, #tpu.memory_space<hbm>> -> memref<1024xi32, #tpu.memory_space<hbm>>
    tpu.enqueue_dma source(%dma_start3A_101 : memref<1024xi32, #tpu.memory_space<hbm>>) target(%dma_start3A_99 : memref<1024xi32, #tpu.memory_space<vmem>>) target_semaphore(%arg13 : memref<!tpu.dma_semaphore, #tpu.memory_space<semaphore_mem>>)
    %add3A_102 = arith.constant 7168 : i32
    %add3A_103 = arith.addi %mul3A_4, %add3A_102 : i32
    %dma_start3A_104 = arith.constant 0 : i32
    %dma_start3A_105 = arith.constant 7 : i32
    %dma_start3A_106 = arith.constant 0 : i32
    %dma_start3A_107 = tpu.memref_slice %arg6[%dma_start3A_105, %dma_start3A_106] : memref<10x1024xi32, #tpu.memory_space<vmem>> -> memref<1x1024xi32, #tpu.memory_space<vmem>>
    %dma_start3A_108 = tpu.memref_squeeze %dma_start3A_107 : memref<1x1024xi32, #tpu.memory_space<vmem>> -> memref<1024xi32, #tpu.memory_space<vmem>>
    %dma_start3A_109 = tpu.memref_slice %arg3[%dma_start3A_104, %add3A_103] : memref<2x320000xi32, #tpu.memory_space<hbm>> -> memref<1x1024xi32, #tpu.memory_space<hbm>>
    %dma_start3A_110 = tpu.memref_squeeze %dma_start3A_109 : memref<1x1024xi32, #tpu.memory_space<hbm>> -> memref<1024xi32, #tpu.memory_space<hbm>>
    %dma_start3A_111 = arith.constant 0 : i32
    %dma_start3A_112 = tpu.memref_slice %arg6[%dma_start3A_105, %dma_start3A_111] : memref<10x1024xi32, #tpu.memory_space<vmem>> -> memref<1x1024xi32, #tpu.memory_space<vmem>>
    %dma_start3A_113 = tpu.memref_squeeze %dma_start3A_112 : memref<1x1024xi32, #tpu.memory_space<vmem>> -> memref<1024xi32, #tpu.memory_space<vmem>>
    %dma_start3A_114 = tpu.memref_slice %arg3[%dma_start3A_104, %add3A_103] : memref<2x320000xi32, #tpu.memory_space<hbm>> -> memref<1x1024xi32, #tpu.memory_space<hbm>>
    %dma_start3A_115 = tpu.memref_squeeze %dma_start3A_114 : memref<1x1024xi32, #tpu.memory_space<hbm>> -> memref<1024xi32, #tpu.memory_space<hbm>>
    tpu.enqueue_dma source(%dma_start3A_115 : memref<1024xi32, #tpu.memory_space<hbm>>) target(%dma_start3A_113 : memref<1024xi32, #tpu.memory_space<vmem>>) target_semaphore(%arg13 : memref<!tpu.dma_semaphore, #tpu.memory_space<semaphore_mem>>)
    %add3A_116 = arith.constant 8192 : i32
    %add3A_117 = arith.addi %mul3A_4, %add3A_116 : i32
    %dma_start3A_118 = arith.constant 0 : i32
    %dma_start3A_119 = arith.constant 8 : i32
    %dma_start3A_120 = arith.constant 0 : i32
    %dma_start3A_121 = tpu.memref_slice %arg6[%dma_start3A_119, %dma_start3A_120] : memref<10x1024xi32, #tpu.memory_space<vmem>> -> memref<1x1024xi32, #tpu.memory_space<vmem>>
    %dma_start3A_122 = tpu.memref_squeeze %dma_start3A_121 : memref<1x1024xi32, #tpu.memory_space<vmem>> -> memref<1024xi32, #tpu.memory_space<vmem>>
    %dma_start3A_123 = tpu.memref_slice %arg3[%dma_start3A_118, %add3A_117] : memref<2x320000xi32, #tpu.memory_space<hbm>> -> memref<1x1024xi32, #tpu.memory_space<hbm>>
    %dma_start3A_124 = tpu.memref_squeeze %dma_start3A_123 : memref<1x1024xi32, #tpu.memory_space<hbm>> -> memref<1024xi32, #tpu.memory_space<hbm>>
    %dma_start3A_125 = arith.constant 0 : i32
    %dma_start3A_126 = tpu.memref_slice %arg6[%dma_start3A_119, %dma_start3A_125] : memref<10x1024xi32, #tpu.memory_space<vmem>> -> memref<1x1024xi32, #tpu.memory_space<vmem>>
    %dma_start3A_127 = tpu.memref_squeeze %dma_start3A_126 : memref<1x1024xi32, #tpu.memory_space<vmem>> -> memref<1024xi32, #tpu.memory_space<vmem>>
    %dma_start3A_128 = tpu.memref_slice %arg3[%dma_start3A_118, %add3A_117] : memref<2x320000xi32, #tpu.memory_space<hbm>> -> memref<1x1024xi32, #tpu.memory_space<hbm>>
    %dma_start3A_129 = tpu.memref_squeeze %dma_start3A_128 : memref<1x1024xi32, #tpu.memory_space<hbm>> -> memref<1024xi32, #tpu.memory_space<hbm>>
    tpu.enqueue_dma source(%dma_start3A_129 : memref<1024xi32, #tpu.memory_space<hbm>>) target(%dma_start3A_127 : memref<1024xi32, #tpu.memory_space<vmem>>) target_semaphore(%arg13 : memref<!tpu.dma_semaphore, #tpu.memory_space<semaphore_mem>>)
    %iota3A = tpu.iota {dimensions = array<i32: 0>} : vector<16xi32>
    %add3A_130 = arith.constant 0 : i32
    %add3A_131 = vector.broadcast %add3A_130 : i32 to vector<16xi32>
    %add3A_132 = arith.addi %iota3A, %add3A_131 : vector<16xi32>
    %and3A = arith.constant 127 : i32
    %and3A_133 = vector.broadcast %and3A : i32 to vector<16xi32>
    %and3A_134 = arith.andi %add3A_132, %and3A_133 : vector<16xi32>
    %add3A_135 = arith.constant 10000 : i32
    %add3A_136 = vector.broadcast %add3A_135 : i32 to vector<16xi32>
    %add3A_137 = arith.addi %add3A_136, %and3A_134 : vector<16xi32>
    %swap3A = arith.constant 9 : i32
    %swap3A_138 = arith.index_cast %swap3A : i32 to index
    %swap3A_139 = arith.constant 784 : index
    %swap3A_140 = tpu.vector_load %arg6[%swap3A_138, %swap3A_139] {strides = array<i32>} : memref<10x1024xi32, #tpu.memory_space<vmem>>, vector<1x16xi32>,
    %swap3A_141 = vector.shape_cast %swap3A_140 : vector<1x16xi32> to vector<16xi32>
    %swap3A_142 = vector.shape_cast %add3A_137 : vector<16xi32> to vector<1x16xi32>
    tpu.vector_store %arg6[%swap3A_138, %swap3A_139], %swap3A_142 {strides = array<i32>} : memref<10x1024xi32, #tpu.memory_space<vmem>>, vector<1x16xi32>,
    %add3A_143 = arith.constant 16 : i32
    %add3A_144 = vector.broadcast %add3A_143 : i32 to vector<16xi32>
    %add3A_145 = arith.addi %iota3A, %add3A_144 : vector<16xi32>
    %and3A_146 = arith.constant 127 : i32
    %and3A_147 = vector.broadcast %and3A_146 : i32 to vector<16xi32>
    %and3A_148 = arith.andi %add3A_145, %and3A_147 : vector<16xi32>
    %add3A_149 = arith.constant 10000 : i32
    %add3A_150 = vector.broadcast %add3A_149 : i32 to vector<16xi32>
    %add3A_151 = arith.addi %add3A_150, %and3A_148 : vector<16xi32>
    %swap3A_152 = arith.constant 9 : i32
    %swap3A_153 = arith.index_cast %swap3A_152 : i32 to index
    %swap3A_154 = arith.constant 800 : index
    %swap3A_155 = tpu.vector_load %arg6[%swap3A_153, %swap3A_154] {strides = array<i32>} : memref<10x1024xi32, #tpu.memory_space<vmem>>, vector<1x16xi32>,
    %swap3A_156 = vector.shape_cast %swap3A_155 : vector<1x16xi32> to vector<16xi32>
    %swap3A_157 = vector.shape_cast %add3A_151 : vector<16xi32> to vector<1x16xi32>
    tpu.vector_store %arg6[%swap3A_153, %swap3A_154], %swap3A_157 {strides = array<i32>} : memref<10x1024xi32, #tpu.memory_space<vmem>>, vector<1x16xi32>,
    %add3A_158 = arith.constant 32 : i32
    %add3A_159 = vector.broadcast %add3A_158 : i32 to vector<16xi32>
    %add3A_160 = arith.addi %iota3A, %add3A_159 : vector<16xi32>
    %and3A_161 = arith.constant 127 : i32
    %and3A_162 = vector.broadcast %and3A_161 : i32 to vector<16xi32>
    %and3A_163 = arith.andi %add3A_160, %and3A_162 : vector<16xi32>
    %add3A_164 = arith.constant 10000 : i32
    %add3A_165 = vector.broadcast %add3A_164 : i32 to vector<16xi32>
    %add3A_166 = arith.addi %add3A_165, %and3A_163 : vector<16xi32>
    %swap3A_167 = arith.constant 9 : i32
    %swap3A_168 = arith.index_cast %swap3A_167 : i32 to index
    %swap3A_169 = arith.constant 816 : index
    %swap3A_170 = tpu.vector_load %arg6[%swap3A_168, %swap3A_169] {strides = array<i32>} : memref<10x1024xi32, #tpu.memory_space<vmem>>, vector<1x16xi32>,
    %swap3A_171 = vector.shape_cast %swap3A_170 : vector<1x16xi32> to vector<16xi32>
    %swap3A_172 = vector.shape_cast %add3A_166 : vector<16xi32> to vector<1x16xi32>
    tpu.vector_store %arg6[%swap3A_168, %swap3A_169], %swap3A_172 {strides = array<i32>} : memref<10x1024xi32, #tpu.memory_space<vmem>>, vector<1x16xi32>,
    %add3A_173 = arith.constant 48 : i32
    %add3A_174 = vector.broadcast %add3A_173 : i32 to vector<16xi32>
    %add3A_175 = arith.addi %iota3A, %add3A_174 : vector<16xi32>
    %and3A_176 = arith.constant 127 : i32
    %and3A_177 = vector.broadcast %and3A_176 : i32 to vector<16xi32>
    %and3A_178 = arith.andi %add3A_175, %and3A_177 : vector<16xi32>
    %add3A_179 = arith.constant 10000 : i32
    %add3A_180 = vector.broadcast %add3A_179 : i32 to vector<16xi32>
    %add3A_181 = arith.addi %add3A_180, %and3A_178 : vector<16xi32>
    %swap3A_182 = arith.constant 9 : i32
    %swap3A_183 = arith.index_cast %swap3A_182 : i32 to index
    %swap3A_184 = arith.constant 832 : index
    %swap3A_185 = tpu.vector_load %arg6[%swap3A_183, %swap3A_184] {strides = array<i32>} : memref<10x1024xi32, #tpu.memory_space<vmem>>, vector<1x16xi32>,
    %swap3A_186 = vector.shape_cast %swap3A_185 : vector<1x16xi32> to vector<16xi32>
    %swap3A_187 = vector.shape_cast %add3A_181 : vector<16xi32> to vector<1x16xi32>
    tpu.vector_store %arg6[%swap3A_183, %swap3A_184], %swap3A_187 {strides = array<i32>} : memref<10x1024xi32, #tpu.memory_space<vmem>>, vector<1x16xi32>,
    %add3A_188 = arith.constant 64 : i32
    %add3A_189 = vector.broadcast %add3A_188 : i32 to vector<16xi32>
    %add3A_190 = arith.addi %iota3A, %add3A_189 : vector<16xi32>
    %and3A_191 = arith.constant 127 : i32
    %and3A_192 = vector.broadcast %and3A_191 : i32 to vector<16xi32>
    %and3A_193 = arith.andi %add3A_190, %and3A_192 : vector<16xi32>
    %add3A_194 = arith.constant 10000 : i32
    %add3A_195 = vector.broadcast %add3A_194 : i32 to vector<16xi32>
    %add3A_196 = arith.addi %add3A_195, %and3A_193 : vector<16xi32>
    %swap3A_197 = arith.constant 9 : i32
    %swap3A_198 = arith.index_cast %swap3A_197 : i32 to index
    %swap3A_199 = arith.constant 848 : index
    %swap3A_200 = tpu.vector_load %arg6[%swap3A_198, %swap3A_199] {strides = array<i32>} : memref<10x1024xi32, #tpu.memory_space<vmem>>, vector<1x16xi32>,
    %swap3A_201 = vector.shape_cast %swap3A_200 : vector<1x16xi32> to vector<16xi32>
    %swap3A_202 = vector.shape_cast %add3A_196 : vector<16xi32> to vector<1x16xi32>
    tpu.vector_store %arg6[%swap3A_198, %swap3A_199], %swap3A_202 {strides = array<i32>} : memref<10x1024xi32, #tpu.memory_space<vmem>>, vector<1x16xi32>,
    %add3A_203 = arith.constant 80 : i32
    %add3A_204 = vector.broadcast %add3A_203 : i32 to vector<16xi32>
    %add3A_205 = arith.addi %iota3A, %add3A_204 : vector<16xi32>
    %and3A_206 = arith.constant 127 : i32
    %and3A_207 = vector.broadcast %and3A_206 : i32 to vector<16xi32>
    %and3A_208 = arith.andi %add3A_205, %and3A_207 : vector<16xi32>
    %add3A_209 = arith.constant 10000 : i32
    %add3A_210 = vector.broadcast %add3A_209 : i32 to vector<16xi32>
    %add3A_211 = arith.addi %add3A_210, %and3A_208 : vector<16xi32>
    %swap3A_212 = arith.constant 9 : i32
    %swap3A_213 = arith.index_cast %swap3A_212 : i32 to index
    %swap3A_214 = arith.constant 864 : index
    %swap3A_215 = tpu.vector_load %arg6[%swap3A_213, %swap3A_214] {strides = array<i32>} : memref<10x1024xi32, #tpu.memory_space<vmem>>, vector<1x16xi32>,
    %swap3A_216 = vector.shape_cast %swap3A_215 : vector<1x16xi32> to vector<16xi32>
    %swap3A_217 = vector.shape_cast %add3A_211 : vector<16xi32> to vector<1x16xi32>
    tpu.vector_store %arg6[%swap3A_213, %swap3A_214], %swap3A_217 {strides = array<i32>} : memref<10x1024xi32, #tpu.memory_space<vmem>>, vector<1x16xi32>,
    %add3A_218 = arith.constant 96 : i32
    %add3A_219 = vector.broadcast %add3A_218 : i32 to vector<16xi32>
    %add3A_220 = arith.addi %iota3A, %add3A_219 : vector<16xi32>
    %and3A_221 = arith.constant 127 : i32
    %and3A_222 = vector.broadcast %and3A_221 : i32 to vector<16xi32>
    %and3A_223 = arith.andi %add3A_220, %and3A_222 : vector<16xi32>
    %add3A_224 = arith.constant 10000 : i32
    %add3A_225 = vector.broadcast %add3A_224 : i32 to vector<16xi32>
    %add3A_226 = arith.addi %add3A_225, %and3A_223 : vector<16xi32>
    %swap3A_227 = arith.constant 9 : i32
    %swap3A_228 = arith.index_cast %swap3A_227 : i32 to index
    %swap3A_229 = arith.constant 880 : index
    %swap3A_230 = tpu.vector_load %arg6[%swap3A_228, %swap3A_229] {strides = array<i32>} : memref<10x1024xi32, #tpu.memory_space<vmem>>, vector<1x16xi32>,
    %swap3A_231 = vector.shape_cast %swap3A_230 : vector<1x16xi32> to vector<16xi32>
    %swap3A_232 = vector.shape_cast %add3A_226 : vector<16xi32> to vector<1x16xi32>
    tpu.vector_store %arg6[%swap3A_228, %swap3A_229], %swap3A_232 {strides = array<i32>} : memref<10x1024xi32, #tpu.memory_space<vmem>>, vector<1x16xi32>,
    %add3A_233 = arith.constant 112 : i32
    %add3A_234 = vector.broadcast %add3A_233 : i32 to vector<16xi32>
    %add3A_235 = arith.addi %iota3A, %add3A_234 : vector<16xi32>
    %and3A_236 = arith.constant 127 : i32
    %and3A_237 = vector.broadcast %and3A_236 : i32 to vector<16xi32>
    %and3A_238 = arith.andi %add3A_235, %and3A_237 : vector<16xi32>
    %add3A_239 = arith.constant 10000 : i32
    %add3A_240 = vector.broadcast %add3A_239 : i32 to vector<16xi32>
    %add3A_241 = arith.addi %add3A_240, %and3A_238 : vector<16xi32>
    %swap3A_242 = arith.constant 9 : i32
    %swap3A_243 = arith.index_cast %swap3A_242 : i32 to index
    %swap3A_244 = arith.constant 896 : index
    %swap3A_245 = tpu.vector_load %arg6[%swap3A_243, %swap3A_244] {strides = array<i32>} : memref<10x1024xi32, #tpu.memory_space<vmem>>, vector<1x16xi32>,
    %swap3A_246 = vector.shape_cast %swap3A_245 : vector<1x16xi32> to vector<16xi32>
    %swap3A_247 = vector.shape_cast %add3A_241 : vector<16xi32> to vector<1x16xi32>
    tpu.vector_store %arg6[%swap3A_243, %swap3A_244], %swap3A_247 {strides = array<i32>} : memref<10x1024xi32, #tpu.memory_space<vmem>>, vector<1x16xi32>,
    %add3A_248 = arith.constant 128 : i32
    %add3A_249 = vector.broadcast %add3A_248 : i32 to vector<16xi32>
    %add3A_250 = arith.addi %iota3A, %add3A_249 : vector<16xi32>
    %and3A_251 = arith.constant 127 : i32
    %and3A_252 = vector.broadcast %and3A_251 : i32 to vector<16xi32>
    %and3A_253 = arith.andi %add3A_250, %and3A_252 : vector<16xi32>
    %add3A_254 = arith.constant 10000 : i32
    %add3A_255 = vector.broadcast %add3A_254 : i32 to vector<16xi32>
    %add3A_256 = arith.addi %add3A_255, %and3A_253 : vector<16xi32>
    %swap3A_257 = arith.constant 9 : i32
    %swap3A_258 = arith.index_cast %swap3A_257 : i32 to index
    %swap3A_259 = arith.constant 912 : index
    %swap3A_260 = tpu.vector_load %arg6[%swap3A_258, %swap3A_259] {strides = array<i32>} : memref<10x1024xi32, #tpu.memory_space<vmem>>, vector<1x16xi32>,
    %swap3A_261 = vector.shape_cast %swap3A_260 : vector<1x16xi32> to vector<16xi32>
    %swap3A_262 = vector.shape_cast %add3A_256 : vector<16xi32> to vector<1x16xi32>
    tpu.vector_store %arg6[%swap3A_258, %swap3A_259], %swap3A_262 {strides = array<i32>} : memref<10x1024xi32, #tpu.memory_space<vmem>>, vector<1x16xi32>,
    %add3A_263 = arith.constant 144 : i32
    %add3A_264 = vector.broadcast %add3A_263 : i32 to vector<16xi32>
    %add3A_265 = arith.addi %iota3A, %add3A_264 : vector<16xi32>
    %and3A_266 = arith.constant 127 : i32
    %and3A_267 = vector.broadcast %and3A_266 : i32 to vector<16xi32>
    %and3A_268 = arith.andi %add3A_265, %and3A_267 : vector<16xi32>
    %add3A_269 = arith.constant 10000 : i32
    %add3A_270 = vector.broadcast %add3A_269 : i32 to vector<16xi32>
    %add3A_271 = arith.addi %add3A_270, %and3A_268 : vector<16xi32>
    %swap3A_272 = arith.constant 9 : i32
    %swap3A_273 = arith.index_cast %swap3A_272 : i32 to index
    %swap3A_274 = arith.constant 928 : index
    %swap3A_275 = tpu.vector_load %arg6[%swap3A_273, %swap3A_274] {strides = array<i32>} : memref<10x1024xi32, #tpu.memory_space<vmem>>, vector<1x16xi32>,
    %swap3A_276 = vector.shape_cast %swap3A_275 : vector<1x16xi32> to vector<16xi32>
    %swap3A_277 = vector.shape_cast %add3A_271 : vector<16xi32> to vector<1x16xi32>
    tpu.vector_store %arg6[%swap3A_273, %swap3A_274], %swap3A_277 {strides = array<i32>} : memref<10x1024xi32, #tpu.memory_space<vmem>>, vector<1x16xi32>,
    %add3A_278 = arith.constant 160 : i32
    %add3A_279 = vector.broadcast %add3A_278 : i32 to vector<16xi32>
    %add3A_280 = arith.addi %iota3A, %add3A_279 : vector<16xi32>
    %and3A_281 = arith.constant 127 : i32
    %and3A_282 = vector.broadcast %and3A_281 : i32 to vector<16xi32>
    %and3A_283 = arith.andi %add3A_280, %and3A_282 : vector<16xi32>
    %add3A_284 = arith.constant 10000 : i32
    %add3A_285 = vector.broadcast %add3A_284 : i32 to vector<16xi32>
    %add3A_286 = arith.addi %add3A_285, %and3A_283 : vector<16xi32>
    %swap3A_287 = arith.constant 9 : i32
    %swap3A_288 = arith.index_cast %swap3A_287 : i32 to index
    %swap3A_289 = arith.constant 944 : index
    %swap3A_290 = tpu.vector_load %arg6[%swap3A_288, %swap3A_289] {strides = array<i32>} : memref<10x1024xi32, #tpu.memory_space<vmem>>, vector<1x16xi32>,
    %swap3A_291 = vector.shape_cast %swap3A_290 : vector<1x16xi32> to vector<16xi32>
    %swap3A_292 = vector.shape_cast %add3A_286 : vector<16xi32> to vector<1x16xi32>
    tpu.vector_store %arg6[%swap3A_288, %swap3A_289], %swap3A_292 {strides = array<i32>} : memref<10x1024xi32, #tpu.memory_space<vmem>>, vector<1x16xi32>,
    %add3A_293 = arith.constant 176 : i32
    %add3A_294 = vector.broadcast %add3A_293 : i32 to vector<16xi32>
    %add3A_295 = arith.addi %iota3A, %add3A_294 : vector<16xi32>
    %and3A_296 = arith.constant 127 : i32
    %and3A_297 = vector.broadcast %and3A_296 : i32 to vector<16xi32>
    %and3A_298 = arith.andi %add3A_295, %and3A_297 : vector<16xi32>
    %add3A_299 = arith.constant 10000 : i32
    %add3A_300 = vector.broadcast %add3A_299 : i32 to vector<16xi32>
    %add3A_301 = arith.addi %add3A_300, %and3A_298 : vector<16xi32>
    %swap3A_302 = arith.constant 9 : i32
    %swap3A_303 = arith.index_cast %swap3A_302 : i32 to index
    %swap3A_304 = arith.constant 960 : index
    %swap3A_305 = tpu.vector_load %arg6[%swap3A_303, %swap3A_304] {strides = array<i32>} : memref<10x1024xi32, #tpu.memory_space<vmem>>, vector<1x16xi32>,
    %swap3A_306 = vector.shape_cast %swap3A_305 : vector<1x16xi32> to vector<16xi32>
    %swap3A_307 = vector.shape_cast %add3A_301 : vector<16xi32> to vector<1x16xi32>
    tpu.vector_store %arg6[%swap3A_303, %swap3A_304], %swap3A_307 {strides = array<i32>} : memref<10x1024xi32, #tpu.memory_space<vmem>>, vector<1x16xi32>,
    %add3A_308 = arith.constant 192 : i32
    %add3A_309 = vector.broadcast %add3A_308 : i32 to vector<16xi32>
    %add3A_310 = arith.addi %iota3A, %add3A_309 : vector<16xi32>
    %and3A_311 = arith.constant 127 : i32
    %and3A_312 = vector.broadcast %and3A_311 : i32 to vector<16xi32>
    %and3A_313 = arith.andi %add3A_310, %and3A_312 : vector<16xi32>
    %add3A_314 = arith.constant 10000 : i32
    %add3A_315 = vector.broadcast %add3A_314 : i32 to vector<16xi32>
    %add3A_316 = arith.addi %add3A_315, %and3A_313 : vector<16xi32>
    %swap3A_317 = arith.constant 9 : i32
    %swap3A_318 = arith.index_cast %swap3A_317 : i32 to index
    %swap3A_319 = arith.constant 976 : index
    %swap3A_320 = tpu.vector_load %arg6[%swap3A_318, %swap3A_319] {strides = array<i32>} : memref<10x1024xi32, #tpu.memory_space<vmem>>, vector<1x16xi32>,
    %swap3A_321 = vector.shape_cast %swap3A_320 : vector<1x16xi32> to vector<16xi32>
    %swap3A_322 = vector.shape_cast %add3A_316 : vector<16xi32> to vector<1x16xi32>
    tpu.vector_store %arg6[%swap3A_318, %swap3A_319], %swap3A_322 {strides = array<i32>} : memref<10x1024xi32, #tpu.memory_space<vmem>>, vector<1x16xi32>,
    %add3A_323 = arith.constant 208 : i32
    %add3A_324 = vector.broadcast %add3A_323 : i32 to vector<16xi32>
    %add3A_325 = arith.addi %iota3A, %add3A_324 : vector<16xi32>
    %and3A_326 = arith.constant 127 : i32
    %and3A_327 = vector.broadcast %and3A_326 : i32 to vector<16xi32>
    %and3A_328 = arith.andi %add3A_325, %and3A_327 : vector<16xi32>
    %add3A_329 = arith.constant 10000 : i32
    %add3A_330 = vector.broadcast %add3A_329 : i32 to vector<16xi32>
    %add3A_331 = arith.addi %add3A_330, %and3A_328 : vector<16xi32>
    %swap3A_332 = arith.constant 9 : i32
    %swap3A_333 = arith.index_cast %swap3A_332 : i32 to index
    %swap3A_334 = arith.constant 992 : index
    %swap3A_335 = tpu.vector_load %arg6[%swap3A_333, %swap3A_334] {strides = array<i32>} : memref<10x1024xi32, #tpu.memory_space<vmem>>, vector<1x16xi32>,
    %swap3A_336 = vector.shape_cast %swap3A_335 : vector<1x16xi32> to vector<16xi32>
    %swap3A_337 = vector.shape_cast %add3A_331 : vector<16xi32> to vector<1x16xi32>
    tpu.vector_store %arg6[%swap3A_333, %swap3A_334], %swap3A_337 {strides = array<i32>} : memref<10x1024xi32, #tpu.memory_space<vmem>>, vector<1x16xi32>,
    %add3A_338 = arith.constant 224 : i32
    %add3A_339 = vector.broadcast %add3A_338 : i32 to vector<16xi32>
    %add3A_340 = arith.addi %iota3A, %add3A_339 : vector<16xi32>
    %and3A_341 = arith.constant 127 : i32
    %and3A_342 = vector.broadcast %and3A_341 : i32 to vector<16xi32>
    %and3A_343 = arith.andi %add3A_340, %and3A_342 : vector<16xi32>
    %add3A_344 = arith.constant 10000 : i32
    %add3A_345 = vector.broadcast %add3A_344 : i32 to vector<16xi32>
    %add3A_346 = arith.addi %add3A_345, %and3A_343 : vector<16xi32>
    %swap3A_347 = arith.constant 9 : i32
    %swap3A_348 = arith.index_cast %swap3A_347 : i32 to index
    %swap3A_349 = arith.constant 1008 : index
    %swap3A_350 = tpu.vector_load %arg6[%swap3A_348, %swap3A_349] {strides = array<i32>} : memref<10x1024xi32, #tpu.memory_space<vmem>>, vector<1x16xi32>,
    %swap3A_351 = vector.shape_cast %swap3A_350 : vector<1x16xi32> to vector<16xi32>
    %swap3A_352 = vector.shape_cast %add3A_346 : vector<16xi32> to vector<1x16xi32>
    tpu.vector_store %arg6[%swap3A_348, %swap3A_349], %swap3A_352 {strides = array<i32>} : memref<10x1024xi32, #tpu.memory_space<vmem>>, vector<1x16xi32>,
    %add3A_353 = arith.constant 9216 : i32
    %add3A_354 = arith.addi %mul3A_4, %add3A_353 : i32
    %dma_start3A_355 = arith.constant 0 : i32
    %dma_start3A_356 = arith.constant 9 : i32
    %dma_start3A_357 = arith.constant 0 : i32
    %dma_start3A_358 = tpu.memref_slice %arg6[%dma_start3A_356, %dma_start3A_357] : memref<10x1024xi32, #tpu.memory_space<vmem>> -> memref<1x784xi32, #tpu.memory_space<vmem>>
    %dma_start3A_359 = tpu.memref_squeeze %dma_start3A_358 : memref<1x784xi32, #tpu.memory_space<vmem>> -> memref<784xi32, #tpu.memory_space<vmem>>
    %dma_start3A_360 = tpu.memref_slice %arg3[%dma_start3A_355, %add3A_354] : memref<2x320000xi32, #tpu.memory_space<hbm>> -> memref<1x784xi32, #tpu.memory_space<hbm>>
    %dma_start3A_361 = tpu.memref_squeeze %dma_start3A_360 : memref<1x784xi32, #tpu.memory_space<hbm>> -> memref<784xi32, #tpu.memory_space<hbm>>
    %dma_start3A_362 = arith.constant 0 : i32
    %dma_start3A_363 = tpu.memref_slice %arg6[%dma_start3A_356, %dma_start3A_362] : memref<10x1024xi32, #tpu.memory_space<vmem>> -> memref<1x784xi32, #tpu.memory_space<vmem>>
    %dma_start3A_364 = tpu.memref_squeeze %dma_start3A_363 : memref<1x784xi32, #tpu.memory_space<vmem>> -> memref<784xi32, #tpu.memory_space<vmem>>
    %dma_start3A_365 = tpu.memref_slice %arg3[%dma_start3A_355, %add3A_354] : memref<2x320000xi32, #tpu.memory_space<hbm>> -> memref<1x784xi32, #tpu.memory_space<hbm>>
    %dma_start3A_366 = tpu.memref_squeeze %dma_start3A_365 : memref<1x784xi32, #tpu.memory_space<hbm>> -> memref<784xi32, #tpu.memory_space<hbm>>
    tpu.enqueue_dma source(%dma_start3A_366 : memref<784xi32, #tpu.memory_space<hbm>>) target(%dma_start3A_364 : memref<784xi32, #tpu.memory_space<vmem>>) target_semaphore(%arg13 : memref<!tpu.dma_semaphore, #tpu.memory_space<semaphore_mem>>)
    %mul3A_367 = arith.constant 10000 : i32
    %mul3A_368 = arith.muli %add3A, %mul3A_367 : i32
    %add3A_369 = arith.constant 0 : i32
    %add3A_370 = arith.addi %mul3A_368, %add3A_369 : i32
    %dma_start3A_371 = arith.constant 1 : i32
    %dma_start3A_372 = arith.constant 0 : i32
    %dma_start3A_373 = arith.constant 0 : i32
    %dma_start3A_374 = tpu.memref_slice %arg7[%dma_start3A_372, %dma_start3A_373] : memref<10x1024xi32, #tpu.memory_space<vmem>> -> memref<1x1024xi32, #tpu.memory_space<vmem>>
    %dma_start3A_375 = tpu.memref_squeeze %dma_start3A_374 : memref<1x1024xi32, #tpu.memory_space<vmem>> -> memref<1024xi32, #tpu.memory_space<vmem>>
    %dma_start3A_376 = tpu.memref_slice %arg3[%dma_start3A_371, %add3A_370] : memref<2x320000xi32, #tpu.memory_space<hbm>> -> memref<1x1024xi32, #tpu.memory_space<hbm>>
    %dma_start3A_377 = tpu.memref_squeeze %dma_start3A_376 : memref<1x1024xi32, #tpu.memory_space<hbm>> -> memref<1024xi32, #tpu.memory_space<hbm>>
    %dma_start3A_378 = arith.constant 0 : i32
    %dma_start3A_379 = tpu.memref_slice %arg7[%dma_start3A_372, %dma_start3A_378] : memref<10x1024xi32, #tpu.memory_space<vmem>> -> memref<1x1024xi32, #tpu.memory_space<vmem>>
    %dma_start3A_380 = tpu.memref_squeeze %dma_start3A_379 : memref<1x1024xi32, #tpu.memory_space<vmem>> -> memref<1024xi32, #tpu.memory_space<vmem>>
    %dma_start3A_381 = tpu.memref_slice %arg3[%dma_start3A_371, %add3A_370] : memref<2x320000xi32, #tpu.memory_space<hbm>> -> memref<1x1024xi32, #tpu.memory_space<hbm>>
    %dma_start3A_382 = tpu.memref_squeeze %dma_start3A_381 : memref<1x1024xi32, #tpu.memory_space<hbm>> -> memref<1024xi32, #tpu.memory_space<hbm>>
    tpu.enqueue_dma source(%dma_start3A_382 : memref<1024xi32, #tpu.memory_space<hbm>>) target(%dma_start3A_380 : memref<1024xi32, #tpu.memory_space<vmem>>) target_semaphore(%arg13 : memref<!tpu.dma_semaphore, #tpu.memory_space<semaphore_mem>>)
    %add3A_383 = arith.constant 1024 : i32
    %add3A_384 = arith.addi %mul3A_368, %add3A_383 : i32
    %dma_start3A_385 = arith.constant 1 : i32
    %dma_start3A_386 = arith.constant 1 : i32
    %dma_start3A_387 = arith.constant 0 : i32
    %dma_start3A_388 = tpu.memref_slice %arg7[%dma_start3A_386, %dma_start3A_387] : memref<10x1024xi32, #tpu.memory_space<vmem>> -> memref<1x1024xi32, #tpu.memory_space<vmem>>
    %dma_start3A_389 = tpu.memref_squeeze %dma_start3A_388 : memref<1x1024xi32, #tpu.memory_space<vmem>> -> memref<1024xi32, #tpu.memory_space<vmem>>
    %dma_start3A_390 = tpu.memref_slice %arg3[%dma_start3A_385, %add3A_384] : memref<2x320000xi32, #tpu.memory_space<hbm>> -> memref<1x1024xi32, #tpu.memory_space<hbm>>
    %dma_start3A_391 = tpu.memref_squeeze %dma_start3A_390 : memref<1x1024xi32, #tpu.memory_space<hbm>> -> memref<1024xi32, #tpu.memory_space<hbm>>
    %dma_start3A_392 = arith.constant 0 : i32
    %dma_start3A_393 = tpu.memref_slice %arg7[%dma_start3A_386, %dma_start3A_392] : memref<10x1024xi32, #tpu.memory_space<vmem>> -> memref<1x1024xi32, #tpu.memory_space<vmem>>
    %dma_start3A_394 = tpu.memref_squeeze %dma_start3A_393 : memref<1x1024xi32, #tpu.memory_space<vmem>> -> memref<1024xi32, #tpu.memory_space<vmem>>
    %dma_start3A_395 = tpu.memref_slice %arg3[%dma_start3A_385, %add3A_384] : memref<2x320000xi32, #tpu.memory_space<hbm>> -> memref<1x1024xi32, #tpu.memory_space<hbm>>
    %dma_start3A_396 = tpu.memref_squeeze %dma_start3A_395 : memref<1x1024xi32, #tpu.memory_space<hbm>> -> memref<1024xi32, #tpu.memory_space<hbm>>
    tpu.enqueue_dma source(%dma_start3A_396 : memref<1024xi32, #tpu.memory_space<hbm>>) target(%dma_start3A_394 : memref<1024xi32, #tpu.memory_space<vmem>>) target_semaphore(%arg13 : memref<!tpu.dma_semaphore, #tpu.memory_space<semaphore_mem>>)
    %add3A_397 = arith.constant 2048 : i32
    %add3A_398 = arith.addi %mul3A_368, %add3A_397 : i32
    %dma_start3A_399 = arith.constant 1 : i32
    %dma_start3A_400 = arith.constant 2 : i32
    %dma_start3A_401 = arith.constant 0 : i32
    %dma_start3A_402 = tpu.memref_slice %arg7[%dma_start3A_400, %dma_start3A_401] : memref<10x1024xi32, #tpu.memory_space<vmem>> -> memref<1x1024xi32, #tpu.memory_space<vmem>>
    %dma_start3A_403 = tpu.memref_squeeze %dma_start3A_402 : memref<1x1024xi32, #tpu.memory_space<vmem>> -> memref<1024xi32, #tpu.memory_space<vmem>>
    %dma_start3A_404 = tpu.memref_slice %arg3[%dma_start3A_399, %add3A_398] : memref<2x320000xi32, #tpu.memory_space<hbm>> -> memref<1x1024xi32, #tpu.memory_space<hbm>>
    %dma_start3A_405 = tpu.memref_squeeze %dma_start3A_404 : memref<1x1024xi32, #tpu.memory_space<hbm>> -> memref<1024xi32, #tpu.memory_space<hbm>>
    %dma_start3A_406 = arith.constant 0 : i32
    %dma_start3A_407 = tpu.memref_slice %arg7[%dma_start3A_400, %dma_start3A_406] : memref<10x1024xi32, #tpu.memory_space<vmem>> -> memref<1x1024xi32, #tpu.memory_space<vmem>>
    %dma_start3A_408 = tpu.memref_squeeze %dma_start3A_407 : memref<1x1024xi32, #tpu.memory_space<vmem>> -> memref<1024xi32, #tpu.memory_space<vmem>>
    %dma_start3A_409 = tpu.memref_slice %arg3[%dma_start3A_399, %add3A_398] : memref<2x320000xi32, #tpu.memory_space<hbm>> -> memref<1x1024xi32, #tpu.memory_space<hbm>>
    %dma_start3A_410 = tpu.memref_squeeze %dma_start3A_409 : memref<1x1024xi32, #tpu.memory_space<hbm>> -> memref<1024xi32, #tpu.memory_space<hbm>>
    tpu.enqueue_dma source(%dma_start3A_410 : memref<1024xi32, #tpu.memory_space<hbm>>) target(%dma_start3A_408 : memref<1024xi32, #tpu.memory_space<vmem>>) target_semaphore(%arg13 : memref<!tpu.dma_semaphore, #tpu.memory_space<semaphore_mem>>)
    %add3A_411 = arith.constant 3072 : i32
    %add3A_412 = arith.addi %mul3A_368, %add3A_411 : i32
    %dma_start3A_413 = arith.constant 1 : i32
    %dma_start3A_414 = arith.constant 3 : i32
    %dma_start3A_415 = arith.constant 0 : i32
    %dma_start3A_416 = tpu.memref_slice %arg7[%dma_start3A_414, %dma_start3A_415] : memref<10x1024xi32, #tpu.memory_space<vmem>> -> memref<1x1024xi32, #tpu.memory_space<vmem>>
    %dma_start3A_417 = tpu.memref_squeeze %dma_start3A_416 : memref<1x1024xi32, #tpu.memory_space<vmem>> -> memref<1024xi32, #tpu.memory_space<vmem>>
    %dma_start3A_418 = tpu.memref_slice %arg3[%dma_start3A_413, %add3A_412] : memref<2x320000xi32, #tpu.memory_space<hbm>> -> memref<1x1024xi32, #tpu.memory_space<hbm>>
    %dma_start3A_419 = tpu.memref_squeeze %dma_start3A_418 : memref<1x1024xi32, #tpu.memory_space<hbm>> -> memref<1024xi32, #tpu.memory_space<hbm>>
    %dma_start3A_420 = arith.constant 0 : i32
    %dma_start3A_421 = tpu.memref_slice %arg7[%dma_start3A_414, %dma_start3A_420] : memref<10x1024xi32, #tpu.memory_space<vmem>> -> memref<1x1024xi32, #tpu.memory_space<vmem>>
    %dma_start3A_422 = tpu.memref_squeeze %dma_start3A_421 : memref<1x1024xi32, #tpu.memory_space<vmem>> -> memref<1024xi32, #tpu.memory_space<vmem>>
    %dma_start3A_423 = tpu.memref_slice %arg3[%dma_start3A_413, %add3A_412] : memref<2x320000xi32, #tpu.memory_space<hbm>> -> memref<1x1024xi32, #tpu.memory_space<hbm>>
    %dma_start3A_424 = tpu.memref_squeeze %dma_start3A_423 : memref<1x1024xi32, #tpu.memory_space<hbm>> -> memref<1024xi32, #tpu.memory_space<hbm>>
    tpu.enqueue_dma source(%dma_start3A_424 : memref<1024xi32, #tpu.memory_space<hbm>>) target(%dma_start3A_422 : memref<1024xi32, #tpu.memory_space<vmem>>) target_semaphore(%arg13 : memref<!tpu.dma_semaphore, #tpu.memory_space<semaphore_mem>>)
    %add3A_425 = arith.constant 4096 : i32
    %add3A_426 = arith.addi %mul3A_368, %add3A_425 : i32
    %dma_start3A_427 = arith.constant 1 : i32
    %dma_start3A_428 = arith.constant 4 : i32
    %dma_start3A_429 = arith.constant 0 : i32
    %dma_start3A_430 = tpu.memref_slice %arg7[%dma_start3A_428, %dma_start3A_429] : memref<10x1024xi32, #tpu.memory_space<vmem>> -> memref<1x1024xi32, #tpu.memory_space<vmem>>
    %dma_start3A_431 = tpu.memref_squeeze %dma_start3A_430 : memref<1x1024xi32, #tpu.memory_space<vmem>> -> memref<1024xi32, #tpu.memory_space<vmem>>
    %dma_start3A_432 = tpu.memref_slice %arg3[%dma_start3A_427, %add3A_426] : memref<2x320000xi32, #tpu.memory_space<hbm>> -> memref<1x1024xi32, #tpu.memory_space<hbm>>
    %dma_start3A_433 = tpu.memref_squeeze %dma_start3A_432 : memref<1x1024xi32, #tpu.memory_space<hbm>> -> memref<1024xi32, #tpu.memory_space<hbm>>
    %dma_start3A_434 = arith.constant 0 : i32
    %dma_start3A_435 = tpu.memref_slice %arg7[%dma_start3A_428, %dma_start3A_434] : memref<10x1024xi32, #tpu.memory_space<vmem>> -> memref<1x1024xi32, #tpu.memory_space<vmem>>
    %dma_start3A_436 = tpu.memref_squeeze %dma_start3A_435 : memref<1x1024xi32, #tpu.memory_space<vmem>> -> memref<1024xi32, #tpu.memory_space<vmem>>
    %dma_start3A_437 = tpu.memref_slice %arg3[%dma_start3A_427, %add3A_426] : memref<2x320000xi32, #tpu.memory_space<hbm>> -> memref<1x1024xi32, #tpu.memory_space<hbm>>
    %dma_start3A_438 = tpu.memref_squeeze %dma_start3A_437 : memref<1x1024xi32, #tpu.memory_space<hbm>> -> memref<1024xi32, #tpu.memory_space<hbm>>
    tpu.enqueue_dma source(%dma_start3A_438 : memref<1024xi32, #tpu.memory_space<hbm>>) target(%dma_start3A_436 : memref<1024xi32, #tpu.memory_space<vmem>>) target_semaphore(%arg13 : memref<!tpu.dma_semaphore, #tpu.memory_space<semaphore_mem>>)
    %add3A_439 = arith.constant 5120 : i32
    %add3A_440 = arith.addi %mul3A_368, %add3A_439 : i32
    %dma_start3A_441 = arith.constant 1 : i32
    %dma_start3A_442 = arith.constant 5 : i32
    %dma_start3A_443 = arith.constant 0 : i32
    %dma_start3A_444 = tpu.memref_slice %arg7[%dma_start3A_442, %dma_start3A_443] : memref<10x1024xi32, #tpu.memory_space<vmem>> -> memref<1x1024xi32, #tpu.memory_space<vmem>>
    %dma_start3A_445 = tpu.memref_squeeze %dma_start3A_444 : memref<1x1024xi32, #tpu.memory_space<vmem>> -> memref<1024xi32, #tpu.memory_space<vmem>>
    %dma_start3A_446 = tpu.memref_slice %arg3[%dma_start3A_441, %add3A_440] : memref<2x320000xi32, #tpu.memory_space<hbm>> -> memref<1x1024xi32, #tpu.memory_space<hbm>>
    %dma_start3A_447 = tpu.memref_squeeze %dma_start3A_446 : memref<1x1024xi32, #tpu.memory_space<hbm>> -> memref<1024xi32, #tpu.memory_space<hbm>>
    %dma_start3A_448 = arith.constant 0 : i32
    %dma_start3A_449 = tpu.memref_slice %arg7[%dma_start3A_442, %dma_start3A_448] : memref<10x1024xi32, #tpu.memory_space<vmem>> -> memref<1x1024xi32, #tpu.memory_space<vmem>>
    %dma_start3A_450 = tpu.memref_squeeze %dma_start3A_449 : memref<1x1024xi32, #tpu.memory_space<vmem>> -> memref<1024xi32, #tpu.memory_space<vmem>>
    %dma_start3A_451 = tpu.memref_slice %arg3[%dma_start3A_441, %add3A_440] : memref<2x320000xi32, #tpu.memory_space<hbm>> -> memref<1x1024xi32, #tpu.memory_space<hbm>>
    %dma_start3A_452 = tpu.memref_squeeze %dma_start3A_451 : memref<1x1024xi32, #tpu.memory_space<hbm>> -> memref<1024xi32, #tpu.memory_space<hbm>>
    tpu.enqueue_dma source(%dma_start3A_452 : memref<1024xi32, #tpu.memory_space<hbm>>) target(%dma_start3A_450 : memref<1024xi32, #tpu.memory_space<vmem>>) target_semaphore(%arg13 : memref<!tpu.dma_semaphore, #tpu.memory_space<semaphore_mem>>)
    %add3A_453 = arith.constant 6144 : i32
    %add3A_454 = arith.addi %mul3A_368, %add3A_453 : i32
    %dma_start3A_455 = arith.constant 1 : i32
    %dma_start3A_456 = arith.constant 6 : i32
    %dma_start3A_457 = arith.constant 0 : i32
    %dma_start3A_458 = tpu.memref_slice %arg7[%dma_start3A_456, %dma_start3A_457] : memref<10x1024xi32, #tpu.memory_space<vmem>> -> memref<1x1024xi32, #tpu.memory_space<vmem>>
    %dma_start3A_459 = tpu.memref_squeeze %dma_start3A_458 : memref<1x1024xi32, #tpu.memory_space<vmem>> -> memref<1024xi32, #tpu.memory_space<vmem>>
    %dma_start3A_460 = tpu.memref_slice %arg3[%dma_start3A_455, %add3A_454] : memref<2x320000xi32, #tpu.memory_space<hbm>> -> memref<1x1024xi32, #tpu.memory_space<hbm>>
    %dma_start3A_461 = tpu.memref_squeeze %dma_start3A_460 : memref<1x1024xi32, #tpu.memory_space<hbm>> -> memref<1024xi32, #tpu.memory_space<hbm>>
    %dma_start3A_462 = arith.constant 0 : i32
    %dma_start3A_463 = tpu.memref_slice %arg7[%dma_start3A_456, %dma_start3A_462] : memref<10x1024xi32, #tpu.memory_space<vmem>> -> memref<1x1024xi32, #tpu.memory_space<vmem>>
    %dma_start3A_464 = tpu.memref_squeeze %dma_start3A_463 : memref<1x1024xi32, #tpu.memory_space<vmem>> -> memref<1024xi32, #tpu.memory_space<vmem>>
    %dma_start3A_465 = tpu.memref_slice %arg3[%dma_start3A_455, %add3A_454] : memref<2x320000xi32, #tpu.memory_space<hbm>> -> memref<1x1024xi32, #tpu.memory_space<hbm>>
    %dma_start3A_466 = tpu.memref_squeeze %dma_start3A_465 : memref<1x1024xi32, #tpu.memory_space<hbm>> -> memref<1024xi32, #tpu.memory_space<hbm>>
    tpu.enqueue_dma source(%dma_start3A_466 : memref<1024xi32, #tpu.memory_space<hbm>>) target(%dma_start3A_464 : memref<1024xi32, #tpu.memory_space<vmem>>) target_semaphore(%arg13 : memref<!tpu.dma_semaphore, #tpu.memory_space<semaphore_mem>>)
    %add3A_467 = arith.constant 7168 : i32
    %add3A_468 = arith.addi %mul3A_368, %add3A_467 : i32
    %dma_start3A_469 = arith.constant 1 : i32
    %dma_start3A_470 = arith.constant 7 : i32
    %dma_start3A_471 = arith.constant 0 : i32
    %dma_start3A_472 = tpu.memref_slice %arg7[%dma_start3A_470, %dma_start3A_471] : memref<10x1024xi32, #tpu.memory_space<vmem>> -> memref<1x1024xi32, #tpu.memory_space<vmem>>
    %dma_start3A_473 = tpu.memref_squeeze %dma_start3A_472 : memref<1x1024xi32, #tpu.memory_space<vmem>> -> memref<1024xi32, #tpu.memory_space<vmem>>
    %dma_start3A_474 = tpu.memref_slice %arg3[%dma_start3A_469, %add3A_468] : memref<2x320000xi32, #tpu.memory_space<hbm>> -> memref<1x1024xi32, #tpu.memory_space<hbm>>
    %dma_start3A_475 = tpu.memref_squeeze %dma_start3A_474 : memref<1x1024xi32, #tpu.memory_space<hbm>> -> memref<1024xi32, #tpu.memory_space<hbm>>
    %dma_start3A_476 = arith.constant 0 : i32
    %dma_start3A_477 = tpu.memref_slice %arg7[%dma_start3A_470, %dma_start3A_476] : memref<10x1024xi32, #tpu.memory_space<vmem>> -> memref<1x1024xi32, #tpu.memory_space<vmem>>
    %dma_start3A_478 = tpu.memref_squeeze %dma_start3A_477 : memref<1x1024xi32, #tpu.memory_space<vmem>> -> memref<1024xi32, #tpu.memory_space<vmem>>
    %dma_start3A_479 = tpu.memref_slice %arg3[%dma_start3A_469, %add3A_468] : memref<2x320000xi32, #tpu.memory_space<hbm>> -> memref<1x1024xi32, #tpu.memory_space<hbm>>
    %dma_start3A_480 = tpu.memref_squeeze %dma_start3A_479 : memref<1x1024xi32, #tpu.memory_space<hbm>> -> memref<1024xi32, #tpu.memory_space<hbm>>
    tpu.enqueue_dma source(%dma_start3A_480 : memref<1024xi32, #tpu.memory_space<hbm>>) target(%dma_start3A_478 : memref<1024xi32, #tpu.memory_space<vmem>>) target_semaphore(%arg13 : memref<!tpu.dma_semaphore, #tpu.memory_space<semaphore_mem>>)
    %add3A_481 = arith.constant 8192 : i32
    %add3A_482 = arith.addi %mul3A_368, %add3A_481 : i32
    %dma_start3A_483 = arith.constant 1 : i32
    %dma_start3A_484 = arith.constant 8 : i32
    %dma_start3A_485 = arith.constant 0 : i32
    %dma_start3A_486 = tpu.memref_slice %arg7[%dma_start3A_484, %dma_start3A_485] : memref<10x1024xi32, #tpu.memory_space<vmem>> -> memref<1x1024xi32, #tpu.memory_space<vmem>>
    %dma_start3A_487 = tpu.memref_squeeze %dma_start3A_486 : memref<1x1024xi32, #tpu.memory_space<vmem>> -> memref<1024xi32, #tpu.memory_space<vmem>>
    %dma_start3A_488 = tpu.memref_slice %arg3[%dma_start3A_483, %add3A_482] : memref<2x320000xi32, #tpu.memory_space<hbm>> -> memref<1x1024xi32, #tpu.memory_space<hbm>>
    %dma_start3A_489 = tpu.memref_squeeze %dma_start3A_488 : memref<1x1024xi32, #tpu.memory_space<hbm>> -> memref<1024xi32, #tpu.memory_space<hbm>>
    %dma_start3A_490 = arith.constant 0 : i32
    %dma_start3A_491 = tpu.memref_slice %arg7[%dma_start3A_484, %dma_start3A_490] : memref<10x1024xi32, #tpu.memory_space<vmem>> -> memref<1x1024xi32, #tpu.memory_space<vmem>>
    %dma_start3A_492 = tpu.memref_squeeze %dma_start3A_491 : memref<1x1024xi32, #tpu.memory_space<vmem>> -> memref<1024xi32, #tpu.memory_space<vmem>>
    %dma_start3A_493 = tpu.memref_slice %arg3[%dma_start3A_483, %add3A_482] : memref<2x320000xi32, #tpu.memory_space<hbm>> -> memref<1x1024xi32, #tpu.memory_space<hbm>>
    %dma_start3A_494 = tpu.memref_squeeze %dma_start3A_493 : memref<1x1024xi32, #tpu.memory_space<hbm>> -> memref<1024xi32, #tpu.memory_space<hbm>>
    tpu.enqueue_dma source(%dma_start3A_494 : memref<1024xi32, #tpu.memory_space<hbm>>) target(%dma_start3A_492 : memref<1024xi32, #tpu.memory_space<vmem>>) target_semaphore(%arg13 : memref<!tpu.dma_semaphore, #tpu.memory_space<semaphore_mem>>)
    %iota3A_495 = tpu.iota {dimensions = array<i32: 0>} : vector<16xi32>
    %add3A_496 = arith.constant 0 : i32
    %add3A_497 = vector.broadcast %add3A_496 : i32 to vector<16xi32>
    %add3A_498 = arith.addi %iota3A_495, %add3A_497 : vector<16xi32>
    %and3A_499 = arith.constant 127 : i32
    %and3A_500 = vector.broadcast %and3A_499 : i32 to vector<16xi32>
    %and3A_501 = arith.andi %add3A_498, %and3A_500 : vector<16xi32>
    %add3A_502 = arith.constant 10000 : i32
    %add3A_503 = vector.broadcast %add3A_502 : i32 to vector<16xi32>
    %add3A_504 = arith.addi %add3A_503, %and3A_501 : vector<16xi32>
    %swap3A_505 = arith.constant 9 : i32
    %swap3A_506 = arith.index_cast %swap3A_505 : i32 to index
    %swap3A_507 = arith.constant 784 : index
    %swap3A_508 = tpu.vector_load %arg7[%swap3A_506, %swap3A_507] {strides = array<i32>} : memref<10x1024xi32, #tpu.memory_space<vmem>>, vector<1x16xi32>,
    %swap3A_509 = vector.shape_cast %swap3A_508 : vector<1x16xi32> to vector<16xi32>
    %swap3A_510 = vector.shape_cast %add3A_504 : vector<16xi32> to vector<1x16xi32>
    tpu.vector_store %arg7[%swap3A_506, %swap3A_507], %swap3A_510 {strides = array<i32>} : memref<10x1024xi32, #tpu.memory_space<vmem>>, vector<1x16xi32>,
    %add3A_511 = arith.constant 16 : i32
    %add3A_512 = vector.broadcast %add3A_511 : i32 to vector<16xi32>
    %add3A_513 = arith.addi %iota3A_495, %add3A_512 : vector<16xi32>
    %and3A_514 = arith.constant 127 : i32
    %and3A_515 = vector.broadcast %and3A_514 : i32 to vector<16xi32>
    %and3A_516 = arith.andi %add3A_513, %and3A_515 : vector<16xi32>
    %add3A_517 = arith.constant 10000 : i32
    %add3A_518 = vector.broadcast %add3A_517 : i32 to vector<16xi32>
    %add3A_519 = arith.addi %add3A_518, %and3A_516 : vector<16xi32>
    %swap3A_520 = arith.constant 9 : i32
    %swap3A_521 = arith.index_cast %swap3A_520 : i32 to index
    %swap3A_522 = arith.constant 800 : index
    %swap3A_523 = tpu.vector_load %arg7[%swap3A_521, %swap3A_522] {strides = array<i32>} : memref<10x1024xi32, #tpu.memory_space<vmem>>, vector<1x16xi32>,
    %swap3A_524 = vector.shape_cast %swap3A_523 : vector<1x16xi32> to vector<16xi32>
    %swap3A_525 = vector.shape_cast %add3A_519 : vector<16xi32> to vector<1x16xi32>
    tpu.vector_store %arg7[%swap3A_521, %swap3A_522], %swap3A_525 {strides = array<i32>} : memref<10x1024xi32, #tpu.memory_space<vmem>>, vector<1x16xi32>,
    %add3A_526 = arith.constant 32 : i32
    %add3A_527 = vector.broadcast %add3A_526 : i32 to vector<16xi32>
    %add3A_528 = arith.addi %iota3A_495, %add3A_527 : vector<16xi32>
    %and3A_529 = arith.constant 127 : i32
    %and3A_530 = vector.broadcast %and3A_529 : i32 to vector<16xi32>
    %and3A_531 = arith.andi %add3A_528, %and3A_530 : vector<16xi32>
    %add3A_532 = arith.constant 10000 : i32
    %add3A_533 = vector.broadcast %add3A_532 : i32 to vector<16xi32>
    %add3A_534 = arith.addi %add3A_533, %and3A_531 : vector<16xi32>
    %swap3A_535 = arith.constant 9 : i32
    %swap3A_536 = arith.index_cast %swap3A_535 : i32 to index
    %swap3A_537 = arith.constant 816 : index
    %swap3A_538 = tpu.vector_load %arg7[%swap3A_536, %swap3A_537] {strides = array<i32>} : memref<10x1024xi32, #tpu.memory_space<vmem>>, vector<1x16xi32>,
    %swap3A_539 = vector.shape_cast %swap3A_538 : vector<1x16xi32> to vector<16xi32>
    %swap3A_540 = vector.shape_cast %add3A_534 : vector<16xi32> to vector<1x16xi32>
    tpu.vector_store %arg7[%swap3A_536, %swap3A_537], %swap3A_540 {strides = array<i32>} : memref<10x1024xi32, #tpu.memory_space<vmem>>, vector<1x16xi32>,
    %add3A_541 = arith.constant 48 : i32
    %add3A_542 = vector.broadcast %add3A_541 : i32 to vector<16xi32>
    %add3A_543 = arith.addi %iota3A_495, %add3A_542 : vector<16xi32>
    %and3A_544 = arith.constant 127 : i32
    %and3A_545 = vector.broadcast %and3A_544 : i32 to vector<16xi32>
    %and3A_546 = arith.andi %add3A_543, %and3A_545 : vector<16xi32>
    %add3A_547 = arith.constant 10000 : i32
    %add3A_548 = vector.broadcast %add3A_547 : i32 to vector<16xi32>
    %add3A_549 = arith.addi %add3A_548, %and3A_546 : vector<16xi32>
    %swap3A_550 = arith.constant 9 : i32
    %swap3A_551 = arith.index_cast %swap3A_550 : i32 to index
    %swap3A_552 = arith.constant 832 : index
    %swap3A_553 = tpu.vector_load %arg7[%swap3A_551, %swap3A_552] {strides = array<i32>} : memref<10x1024xi32, #tpu.memory_space<vmem>>, vector<1x16xi32>,
    %swap3A_554 = vector.shape_cast %swap3A_553 : vector<1x16xi32> to vector<16xi32>
    %swap3A_555 = vector.shape_cast %add3A_549 : vector<16xi32> to vector<1x16xi32>
    tpu.vector_store %arg7[%swap3A_551, %swap3A_552], %swap3A_555 {strides = array<i32>} : memref<10x1024xi32, #tpu.memory_space<vmem>>, vector<1x16xi32>,
    %add3A_556 = arith.constant 64 : i32
    %add3A_557 = vector.broadcast %add3A_556 : i32 to vector<16xi32>
    %add3A_558 = arith.addi %iota3A_495, %add3A_557 : vector<16xi32>
    %and3A_559 = arith.constant 127 : i32
    %and3A_560 = vector.broadcast %and3A_559 : i32 to vector<16xi32>
    %and3A_561 = arith.andi %add3A_558, %and3A_560 : vector<16xi32>
    %add3A_562 = arith.constant 10000 : i32
    %add3A_563 = vector.broadcast %add3A_562 : i32 to vector<16xi32>
    %add3A_564 = arith.addi %add3A_563, %and3A_561 : vector<16xi32>
    %swap3A_565 = arith.constant 9 : i32
    %swap3A_566 = arith.index_cast %swap3A_565 : i32 to index
    %swap3A_567 = arith.constant 848 : index
    %swap3A_568 = tpu.vector_load %arg7[%swap3A_566, %swap3A_567] {strides = array<i32>} : memref<10x1024xi32, #tpu.memory_space<vmem>>, vector<1x16xi32>,
    %swap3A_569 = vector.shape_cast %swap3A_568 : vector<1x16xi32> to vector<16xi32>
    %swap3A_570 = vector.shape_cast %add3A_564 : vector<16xi32> to vector<1x16xi32>
    tpu.vector_store %arg7[%swap3A_566, %swap3A_567], %swap3A_570 {strides = array<i32>} : memref<10x1024xi32, #tpu.memory_space<vmem>>, vector<1x16xi32>,
    %add3A_571 = arith.constant 80 : i32
    %add3A_572 = vector.broadcast %add3A_571 : i32 to vector<16xi32>
    %add3A_573 = arith.addi %iota3A_495, %add3A_572 : vector<16xi32>
    %and3A_574 = arith.constant 127 : i32
    %and3A_575 = vector.broadcast %and3A_574 : i32 to vector<16xi32>
    %and3A_576 = arith.andi %add3A_573, %and3A_575 : vector<16xi32>
    %add3A_577 = arith.constant 10000 : i32
    %add3A_578 = vector.broadcast %add3A_577 : i32 to vector<16xi32>
    %add3A_579 = arith.addi %add3A_578, %and3A_576 : vector<16xi32>
    %swap3A_580 = arith.constant 9 : i32
    %swap3A_581 = arith.index_cast %swap3A_580 : i32 to index
    %swap3A_582 = arith.constant 864 : index
    %swap3A_583 = tpu.vector_load %arg7[%swap3A_581, %swap3A_582] {strides = array<i32>} : memref<10x1024xi32, #tpu.memory_space<vmem>>, vector<1x16xi32>,
    %swap3A_584 = vector.shape_cast %swap3A_583 : vector<1x16xi32> to vector<16xi32>
    %swap3A_585 = vector.shape_cast %add3A_579 : vector<16xi32> to vector<1x16xi32>
    tpu.vector_store %arg7[%swap3A_581, %swap3A_582], %swap3A_585 {strides = array<i32>} : memref<10x1024xi32, #tpu.memory_space<vmem>>, vector<1x16xi32>,
    %add3A_586 = arith.constant 96 : i32
    %add3A_587 = vector.broadcast %add3A_586 : i32 to vector<16xi32>
    %add3A_588 = arith.addi %iota3A_495, %add3A_587 : vector<16xi32>
    %and3A_589 = arith.constant 127 : i32
    %and3A_590 = vector.broadcast %and3A_589 : i32 to vector<16xi32>
    %and3A_591 = arith.andi %add3A_588, %and3A_590 : vector<16xi32>
    %add3A_592 = arith.constant 10000 : i32
    %add3A_593 = vector.broadcast %add3A_592 : i32 to vector<16xi32>
    %add3A_594 = arith.addi %add3A_593, %and3A_591 : vector<16xi32>
    %swap3A_595 = arith.constant 9 : i32
    %swap3A_596 = arith.index_cast %swap3A_595 : i32 to index
    %swap3A_597 = arith.constant 880 : index
    %swap3A_598 = tpu.vector_load %arg7[%swap3A_596, %swap3A_597] {strides = array<i32>} : memref<10x1024xi32, #tpu.memory_space<vmem>>, vector<1x16xi32>,
    %swap3A_599 = vector.shape_cast %swap3A_598 : vector<1x16xi32> to vector<16xi32>
    %swap3A_600 = vector.shape_cast %add3A_594 : vector<16xi32> to vector<1x16xi32>
    tpu.vector_store %arg7[%swap3A_596, %swap3A_597], %swap3A_600 {strides = array<i32>} : memref<10x1024xi32, #tpu.memory_space<vmem>>, vector<1x16xi32>,
    %add3A_601 = arith.constant 112 : i32
    %add3A_602 = vector.broadcast %add3A_601 : i32 to vector<16xi32>
    %add3A_603 = arith.addi %iota3A_495, %add3A_602 : vector<16xi32>
    %and3A_604 = arith.constant 127 : i32
    %and3A_605 = vector.broadcast %and3A_604 : i32 to vector<16xi32>
    %and3A_606 = arith.andi %add3A_603, %and3A_605 : vector<16xi32>
    %add3A_607 = arith.constant 10000 : i32
    %add3A_608 = vector.broadcast %add3A_607 : i32 to vector<16xi32>
    %add3A_609 = arith.addi %add3A_608, %and3A_606 : vector<16xi32>
    %swap3A_610 = arith.constant 9 : i32
    %swap3A_611 = arith.index_cast %swap3A_610 : i32 to index
    %swap3A_612 = arith.constant 896 : index
    %swap3A_613 = tpu.vector_load %arg7[%swap3A_611, %swap3A_612] {strides = array<i32>} : memref<10x1024xi32, #tpu.memory_space<vmem>>, vector<1x16xi32>,
    %swap3A_614 = vector.shape_cast %swap3A_613 : vector<1x16xi32> to vector<16xi32>
    %swap3A_615 = vector.shape_cast %add3A_609 : vector<16xi32> to vector<1x16xi32>
    tpu.vector_store %arg7[%swap3A_611, %swap3A_612], %swap3A_615 {strides = array<i32>} : memref<10x1024xi32, #tpu.memory_space<vmem>>, vector<1x16xi32>,
    %add3A_616 = arith.constant 128 : i32
    %add3A_617 = vector.broadcast %add3A_616 : i32 to vector<16xi32>
    %add3A_618 = arith.addi %iota3A_495, %add3A_617 : vector<16xi32>
    %and3A_619 = arith.constant 127 : i32
    %and3A_620 = vector.broadcast %and3A_619 : i32 to vector<16xi32>
    %and3A_621 = arith.andi %add3A_618, %and3A_620 : vector<16xi32>
    %add3A_622 = arith.constant 10000 : i32
    %add3A_623 = vector.broadcast %add3A_622 : i32 to vector<16xi32>
    %add3A_624 = arith.addi %add3A_623, %and3A_621 : vector<16xi32>
    %swap3A_625 = arith.constant 9 : i32
    %swap3A_626 = arith.index_cast %swap3A_625 : i32 to index
    %swap3A_627 = arith.constant 912 : index
    %swap3A_628 = tpu.vector_load %arg7[%swap3A_626, %swap3A_627] {strides = array<i32>} : memref<10x1024xi32, #tpu.memory_space<vmem>>, vector<1x16xi32>,
    %swap3A_629 = vector.shape_cast %swap3A_628 : vector<1x16xi32> to vector<16xi32>
    %swap3A_630 = vector.shape_cast %add3A_624 : vector<16xi32> to vector<1x16xi32>
    tpu.vector_store %arg7[%swap3A_626, %swap3A_627], %swap3A_630 {strides = array<i32>} : memref<10x1024xi32, #tpu.memory_space<vmem>>, vector<1x16xi32>,
    %add3A_631 = arith.constant 144 : i32
    %add3A_632 = vector.broadcast %add3A_631 : i32 to vector<16xi32>
    %add3A_633 = arith.addi %iota3A_495, %add3A_632 : vector<16xi32>
    %and3A_634 = arith.constant 127 : i32
    %and3A_635 = vector.broadcast %and3A_634 : i32 to vector<16xi32>
    %and3A_636 = arith.andi %add3A_633, %and3A_635 : vector<16xi32>
    %add3A_637 = arith.constant 10000 : i32
    %add3A_638 = vector.broadcast %add3A_637 : i32 to vector<16xi32>
    %add3A_639 = arith.addi %add3A_638, %and3A_636 : vector<16xi32>
    %swap3A_640 = arith.constant 9 : i32
    %swap3A_641 = arith.index_cast %swap3A_640 : i32 to index
    %swap3A_642 = arith.constant 928 : index
    %swap3A_643 = tpu.vector_load %arg7[%swap3A_641, %swap3A_642] {strides = array<i32>} : memref<10x1024xi32, #tpu.memory_space<vmem>>, vector<1x16xi32>,
    %swap3A_644 = vector.shape_cast %swap3A_643 : vector<1x16xi32> to vector<16xi32>
    %swap3A_645 = vector.shape_cast %add3A_639 : vector<16xi32> to vector<1x16xi32>
    tpu.vector_store %arg7[%swap3A_641, %swap3A_642], %swap3A_645 {strides = array<i32>} : memref<10x1024xi32, #tpu.memory_space<vmem>>, vector<1x16xi32>,
    %add3A_646 = arith.constant 160 : i32
    %add3A_647 = vector.broadcast %add3A_646 : i32 to vector<16xi32>
    %add3A_648 = arith.addi %iota3A_495, %add3A_647 : vector<16xi32>
    %and3A_649 = arith.constant 127 : i32
    %and3A_650 = vector.broadcast %and3A_649 : i32 to vector<16xi32>
    %and3A_651 = arith.andi %add3A_648, %and3A_650 : vector<16xi32>
    %add3A_652 = arith.constant 10000 : i32
    %add3A_653 = vector.broadcast %add3A_652 : i32 to vector<16xi32>
    %add3A_654 = arith.addi %add3A_653, %and3A_651 : vector<16xi32>
    %swap3A_655 = arith.constant 9 : i32
    %swap3A_656 = arith.index_cast %swap3A_655 : i32 to index
    %swap3A_657 = arith.constant 944 : index
    %swap3A_658 = tpu.vector_load %arg7[%swap3A_656, %swap3A_657] {strides = array<i32>} : memref<10x1024xi32, #tpu.memory_space<vmem>>, vector<1x16xi32>,
    %swap3A_659 = vector.shape_cast %swap3A_658 : vector<1x16xi32> to vector<16xi32>
    %swap3A_660 = vector.shape_cast %add3A_654 : vector<16xi32> to vector<1x16xi32>
    tpu.vector_store %arg7[%swap3A_656, %swap3A_657], %swap3A_660 {strides = array<i32>} : memref<10x1024xi32, #tpu.memory_space<vmem>>, vector<1x16xi32>,
    %add3A_661 = arith.constant 176 : i32
    %add3A_662 = vector.broadcast %add3A_661 : i32 to vector<16xi32>
    %add3A_663 = arith.addi %iota3A_495, %add3A_662 : vector<16xi32>
    %and3A_664 = arith.constant 127 : i32
    %and3A_665 = vector.broadcast %and3A_664 : i32 to vector<16xi32>
    %and3A_666 = arith.andi %add3A_663, %and3A_665 : vector<16xi32>
    %add3A_667 = arith.constant 10000 : i32
    %add3A_668 = vector.broadcast %add3A_667 : i32 to vector<16xi32>
    %add3A_669 = arith.addi %add3A_668, %and3A_666 : vector<16xi32>
    %swap3A_670 = arith.constant 9 : i32
    %swap3A_671 = arith.index_cast %swap3A_670 : i32 to index
    %swap3A_672 = arith.constant 960 : index
    %swap3A_673 = tpu.vector_load %arg7[%swap3A_671, %swap3A_672] {strides = array<i32>} : memref<10x1024xi32, #tpu.memory_space<vmem>>, vector<1x16xi32>,
    %swap3A_674 = vector.shape_cast %swap3A_673 : vector<1x16xi32> to vector<16xi32>
    %swap3A_675 = vector.shape_cast %add3A_669 : vector<16xi32> to vector<1x16xi32>
    tpu.vector_store %arg7[%swap3A_671, %swap3A_672], %swap3A_675 {strides = array<i32>} : memref<10x1024xi32, #tpu.memory_space<vmem>>, vector<1x16xi32>,
    %add3A_676 = arith.constant 192 : i32
    %add3A_677 = vector.broadcast %add3A_676 : i32 to vector<16xi32>
    %add3A_678 = arith.addi %iota3A_495, %add3A_677 : vector<16xi32>
    %and3A_679 = arith.constant 127 : i32
    %and3A_680 = vector.broadcast %and3A_679 : i32 to vector<16xi32>
    %and3A_681 = arith.andi %add3A_678, %and3A_680 : vector<16xi32>
    %add3A_682 = arith.constant 10000 : i32
    %add3A_683 = vector.broadcast %add3A_682 : i32 to vector<16xi32>
    %add3A_684 = arith.addi %add3A_683, %and3A_681 : vector<16xi32>
    %swap3A_685 = arith.constant 9 : i32
    %swap3A_686 = arith.index_cast %swap3A_685 : i32 to index
    %swap3A_687 = arith.constant 976 : index
    %swap3A_688 = tpu.vector_load %arg7[%swap3A_686, %swap3A_687] {strides = array<i32>} : memref<10x1024xi32, #tpu.memory_space<vmem>>, vector<1x16xi32>,
    %swap3A_689 = vector.shape_cast %swap3A_688 : vector<1x16xi32> to vector<16xi32>
    %swap3A_690 = vector.shape_cast %add3A_684 : vector<16xi32> to vector<1x16xi32>
    tpu.vector_store %arg7[%swap3A_686, %swap3A_687], %swap3A_690 {strides = array<i32>} : memref<10x1024xi32, #tpu.memory_space<vmem>>, vector<1x16xi32>,
    %add3A_691 = arith.constant 208 : i32
    %add3A_692 = vector.broadcast %add3A_691 : i32 to vector<16xi32>
    %add3A_693 = arith.addi %iota3A_495, %add3A_692 : vector<16xi32>
    %and3A_694 = arith.constant 127 : i32
    %and3A_695 = vector.broadcast %and3A_694 : i32 to vector<16xi32>
    %and3A_696 = arith.andi %add3A_693, %and3A_695 : vector<16xi32>
    %add3A_697 = arith.constant 10000 : i32
    %add3A_698 = vector.broadcast %add3A_697 : i32 to vector<16xi32>
    %add3A_699 = arith.addi %add3A_698, %and3A_696 : vector<16xi32>
    %swap3A_700 = arith.constant 9 : i32
    %swap3A_701 = arith.index_cast %swap3A_700 : i32 to index
    %swap3A_702 = arith.constant 992 : index
    %swap3A_703 = tpu.vector_load %arg7[%swap3A_701, %swap3A_702] {strides = array<i32>} : memref<10x1024xi32, #tpu.memory_space<vmem>>, vector<1x16xi32>,
    %swap3A_704 = vector.shape_cast %swap3A_703 : vector<1x16xi32> to vector<16xi32>
    %swap3A_705 = vector.shape_cast %add3A_699 : vector<16xi32> to vector<1x16xi32>
    tpu.vector_store %arg7[%swap3A_701, %swap3A_702], %swap3A_705 {strides = array<i32>} : memref<10x1024xi32, #tpu.memory_space<vmem>>, vector<1x16xi32>,
    %add3A_706 = arith.constant 224 : i32
    %add3A_707 = vector.broadcast %add3A_706 : i32 to vector<16xi32>
    %add3A_708 = arith.addi %iota3A_495, %add3A_707 : vector<16xi32>
    %and3A_709 = arith.constant 127 : i32
    %and3A_710 = vector.broadcast %and3A_709 : i32 to vector<16xi32>
    %and3A_711 = arith.andi %add3A_708, %and3A_710 : vector<16xi32>
    %add3A_712 = arith.constant 10000 : i32
    %add3A_713 = vector.broadcast %add3A_712 : i32 to vector<16xi32>
    %add3A_714 = arith.addi %add3A_713, %and3A_711 : vector<16xi32>
    %swap3A_715 = arith.constant 9 : i32
    %swap3A_716 = arith.index_cast %swap3A_715 : i32 to index
    %swap3A_717 = arith.constant 1008 : index
    %swap3A_718 = tpu.vector_load %arg7[%swap3A_716, %swap3A_717] {strides = array<i32>} : memref<10x1024xi32, #tpu.memory_space<vmem>>, vector<1x16xi32>,
    %swap3A_719 = vector.shape_cast %swap3A_718 : vector<1x16xi32> to vector<16xi32>
    %swap3A_720 = vector.shape_cast %add3A_714 : vector<16xi32> to vector<1x16xi32>
    tpu.vector_store %arg7[%swap3A_716, %swap3A_717], %swap3A_720 {strides = array<i32>} : memref<10x1024xi32, #tpu.memory_space<vmem>>, vector<1x16xi32>,
    %add3A_721 = arith.constant 9216 : i32
    %add3A_722 = arith.addi %mul3A_368, %add3A_721 : i32
    %dma_start3A_723 = arith.constant 1 : i32
    %dma_start3A_724 = arith.constant 9 : i32
    %dma_start3A_725 = arith.constant 0 : i32
    %dma_start3A_726 = tpu.memref_slice %arg7[%dma_start3A_724, %dma_start3A_725] : memref<10x1024xi32, #tpu.memory_space<vmem>> -> memref<1x784xi32, #tpu.memory_space<vmem>>
    %dma_start3A_727 = tpu.memref_squeeze %dma_start3A_726 : memref<1x784xi32, #tpu.memory_space<vmem>> -> memref<784xi32, #tpu.memory_space<vmem>>
    %dma_start3A_728 = tpu.memref_slice %arg3[%dma_start3A_723, %add3A_722] : memref<2x320000xi32, #tpu.memory_space<hbm>> -> memref<1x784xi32, #tpu.memory_space<hbm>>
    %dma_start3A_729 = tpu.memref_squeeze %dma_start3A_728 : memref<1x784xi32, #tpu.memory_space<hbm>> -> memref<784xi32, #tpu.memory_space<hbm>>
    %dma_start3A_730 = arith.constant 0 : i32
    %dma_start3A_731 = tpu.memref_slice %arg7[%dma_start3A_724, %dma_start3A_730] : memref<10x1024xi32, #tpu.memory_space<vmem>> -> memref<1x784xi32, #tpu.memory_space<vmem>>
    %dma_start3A_732 = tpu.memref_squeeze %dma_start3A_731 : memref<1x784xi32, #tpu.memory_space<vmem>> -> memref<784xi32, #tpu.memory_space<vmem>>
    %dma_start3A_733 = tpu.memref_slice %arg3[%dma_start3A_723, %add3A_722] : memref<2x320000xi32, #tpu.memory_space<hbm>> -> memref<1x784xi32, #tpu.memory_space<hbm>>
    %dma_start3A_734 = tpu.memref_squeeze %dma_start3A_733 : memref<1x784xi32, #tpu.memory_space<hbm>> -> memref<784xi32, #tpu.memory_space<hbm>>
    tpu.enqueue_dma source(%dma_start3A_734 : memref<784xi32, #tpu.memory_space<hbm>>) target(%dma_start3A_732 : memref<784xi32, #tpu.memory_space<vmem>>) target_semaphore(%arg13 : memref<!tpu.dma_semaphore, #tpu.memory_space<semaphore_mem>>)
    "tpu.region"() ({
      %run_scoped3A = tpu.sem_alloc : memref<!tpu.dma_semaphore, #tpu.memory_space<semaphore_mem>>
      %dma_start3A_1455 = arith.constant 0 : i32
      %dma_start3A_1456 = tpu.memref_slice %arg10[%mul3A_2, %dma_start3A_1455] : memref<10240x16xf32, #tpu.memory_space<vmem_shared>> -> memref<640x16xf32, #tpu.memory_space<vmem_shared>>
      %dma_start3A_1457 = arith.constant 0 : i32
      %dma_start3A_1458 = tpu.memref_slice %arg4[%mul3A_2, %dma_start3A_1457] : memref<10240x16xf32, #tpu.memory_space<hbm>> -> memref<640x16xf32, #tpu.memory_space<hbm>>
      tpu.enqueue_dma source(%dma_start3A_1458 : memref<640x16xf32, #tpu.memory_space<hbm>>) target(%dma_start3A_1456 : memref<640x16xf32, #tpu.memory_space<vmem_shared>>) target_semaphore(%run_scoped3A : memref<!tpu.dma_semaphore, #tpu.memory_space<semaphore_mem>>)
      %dma_wait3A_1459 = arith.constant 0 : i32
      %dma_wait3A_1460 = tpu.memref_slice %arg10[%mul3A_2, %dma_wait3A_1459] : memref<10240x16xf32, #tpu.memory_space<vmem_shared>> -> memref<640x16xf32, #tpu.memory_space<vmem_shared>>
      %dma_wait3A_1461 = arith.constant 0 : i32
      %dma_wait3A_1462 = tpu.memref_slice %arg4[%mul3A_2, %dma_wait3A_1461] : memref<10240x16xf32, #tpu.memory_space<hbm>> -> memref<640x16xf32, #tpu.memory_space<hbm>>
      tpu.wait_dma2 semaphore(%run_scoped3A : memref<!tpu.dma_semaphore, #tpu.memory_space<semaphore_mem>>) src(%dma_wait3A_1462 : memref<640x16xf32, #tpu.memory_space<hbm>>) dst(%dma_wait3A_1460 : memref<640x16xf32, #tpu.memory_space<vmem_shared>>)
      tpu.yield
    }) : () -> ()
    %dma_wait3A = arith.constant 0 : i32
    %dma_wait3A_735 = arith.constant 0 : i32
    %dma_wait3A_736 = arith.constant 0 : i32
    %dma_wait3A_737 = tpu.memref_slice %arg6[%dma_wait3A_735, %dma_wait3A_736] : memref<10x1024xi32, #tpu.memory_space<vmem>> -> memref<1x1024xi32, #tpu.memory_space<vmem>>
    %dma_wait3A_738 = tpu.memref_squeeze %dma_wait3A_737 : memref<1x1024xi32, #tpu.memory_space<vmem>> -> memref<1024xi32, #tpu.memory_space<vmem>>
    %dma_wait3A_739 = tpu.memref_slice %arg3[%dma_wait3A, %add3A_6] : memref<2x320000xi32, #tpu.memory_space<hbm>> -> memref<1x1024xi32, #tpu.memory_space<hbm>>
    %dma_wait3A_740 = tpu.memref_squeeze %dma_wait3A_739 : memref<1x1024xi32, #tpu.memory_space<hbm>> -> memref<1024xi32, #tpu.memory_space<hbm>>
    %dma_wait3A_741 = arith.constant 0 : i32
    %dma_wait3A_742 = tpu.memref_slice %arg6[%dma_wait3A_735, %dma_wait3A_741] : memref<10x1024xi32, #tpu.memory_space<vmem>> -> memref<1x1024xi32, #tpu.memory_space<vmem>>
    %dma_wait3A_743 = tpu.memref_squeeze %dma_wait3A_742 : memref<1x1024xi32, #tpu.memory_space<vmem>> -> memref<1024xi32, #tpu.memory_space<vmem>>
    %dma_wait3A_744 = tpu.memref_slice %arg3[%dma_wait3A, %add3A_6] : memref<2x320000xi32, #tpu.memory_space<hbm>> -> memref<1x1024xi32, #tpu.memory_space<hbm>>
    %dma_wait3A_745 = tpu.memref_squeeze %dma_wait3A_744 : memref<1x1024xi32, #tpu.memory_space<hbm>> -> memref<1024xi32, #tpu.memory_space<hbm>>
    tpu.wait_dma2 semaphore(%arg13 : memref<!tpu.dma_semaphore, #tpu.memory_space<semaphore_mem>>) src(%dma_wait3A_745 : memref<1024xi32, #tpu.memory_space<hbm>>) dst(%dma_wait3A_743 : memref<1024xi32, #tpu.memory_space<vmem>>)
    %dma_wait3A_746 = arith.constant 0 : i32
    %dma_wait3A_747 = arith.constant 1 : i32
    %dma_wait3A_748 = arith.constant 0 : i32
    %dma_wait3A_749 = tpu.memref_slice %arg6[%dma_wait3A_747, %dma_wait3A_748] : memref<10x1024xi32, #tpu.memory_space<vmem>> -> memref<1x1024xi32, #tpu.memory_space<vmem>>
    %dma_wait3A_750 = tpu.memref_squeeze %dma_wait3A_749 : memref<1x1024xi32, #tpu.memory_space<vmem>> -> memref<1024xi32, #tpu.memory_space<vmem>>
    %dma_wait3A_751 = tpu.memref_slice %arg3[%dma_wait3A_746, %add3A_19] : memref<2x320000xi32, #tpu.memory_space<hbm>> -> memref<1x1024xi32, #tpu.memory_space<hbm>>
    %dma_wait3A_752 = tpu.memref_squeeze %dma_wait3A_751 : memref<1x1024xi32, #tpu.memory_space<hbm>> -> memref<1024xi32, #tpu.memory_space<hbm>>
    %dma_wait3A_753 = arith.constant 0 : i32
    %dma_wait3A_754 = tpu.memref_slice %arg6[%dma_wait3A_747, %dma_wait3A_753] : memref<10x1024xi32, #tpu.memory_space<vmem>> -> memref<1x1024xi32, #tpu.memory_space<vmem>>
    %dma_wait3A_755 = tpu.memref_squeeze %dma_wait3A_754 : memref<1x1024xi32, #tpu.memory_space<vmem>> -> memref<1024xi32, #tpu.memory_space<vmem>>
    %dma_wait3A_756 = tpu.memref_slice %arg3[%dma_wait3A_746, %add3A_19] : memref<2x320000xi32, #tpu.memory_space<hbm>> -> memref<1x1024xi32, #tpu.memory_space<hbm>>
    %dma_wait3A_757 = tpu.memref_squeeze %dma_wait3A_756 : memref<1x1024xi32, #tpu.memory_space<hbm>> -> memref<1024xi32, #tpu.memory_space<hbm>>
    tpu.wait_dma2 semaphore(%arg13 : memref<!tpu.dma_semaphore, #tpu.memory_space<semaphore_mem>>) src(%dma_wait3A_757 : memref<1024xi32, #tpu.memory_space<hbm>>) dst(%dma_wait3A_755 : memref<1024xi32, #tpu.memory_space<vmem>>)
    %dma_wait3A_758 = arith.constant 0 : i32
    %dma_wait3A_759 = arith.constant 2 : i32
    %dma_wait3A_760 = arith.constant 0 : i32
    %dma_wait3A_761 = tpu.memref_slice %arg6[%dma_wait3A_759, %dma_wait3A_760] : memref<10x1024xi32, #tpu.memory_space<vmem>> -> memref<1x1024xi32, #tpu.memory_space<vmem>>
    %dma_wait3A_762 = tpu.memref_squeeze %dma_wait3A_761 : memref<1x1024xi32, #tpu.memory_space<vmem>> -> memref<1024xi32, #tpu.memory_space<vmem>>
    %dma_wait3A_763 = tpu.memref_slice %arg3[%dma_wait3A_758, %add3A_33] : memref<2x320000xi32, #tpu.memory_space<hbm>> -> memref<1x1024xi32, #tpu.memory_space<hbm>>
    %dma_wait3A_764 = tpu.memref_squeeze %dma_wait3A_763 : memref<1x1024xi32, #tpu.memory_space<hbm>> -> memref<1024xi32, #tpu.memory_space<hbm>>
    %dma_wait3A_765 = arith.constant 0 : i32
    %dma_wait3A_766 = tpu.memref_slice %arg6[%dma_wait3A_759, %dma_wait3A_765] : memref<10x1024xi32, #tpu.memory_space<vmem>> -> memref<1x1024xi32, #tpu.memory_space<vmem>>
    %dma_wait3A_767 = tpu.memref_squeeze %dma_wait3A_766 : memref<1x1024xi32, #tpu.memory_space<vmem>> -> memref<1024xi32, #tpu.memory_space<vmem>>
    %dma_wait3A_768 = tpu.memref_slice %arg3[%dma_wait3A_758, %add3A_33] : memref<2x320000xi32, #tpu.memory_space<hbm>> -> memref<1x1024xi32, #tpu.memory_space<hbm>>
    %dma_wait3A_769 = tpu.memref_squeeze %dma_wait3A_768 : memref<1x1024xi32, #tpu.memory_space<hbm>> -> memref<1024xi32, #tpu.memory_space<hbm>>
    tpu.wait_dma2 semaphore(%arg13 : memref<!tpu.dma_semaphore, #tpu.memory_space<semaphore_mem>>) src(%dma_wait3A_769 : memref<1024xi32, #tpu.memory_space<hbm>>) dst(%dma_wait3A_767 : memref<1024xi32, #tpu.memory_space<vmem>>)
    %dma_wait3A_770 = arith.constant 0 : i32
    %dma_wait3A_771 = arith.constant 3 : i32
    %dma_wait3A_772 = arith.constant 0 : i32
    %dma_wait3A_773 = tpu.memref_slice %arg6[%dma_wait3A_771, %dma_wait3A_772] : memref<10x1024xi32, #tpu.memory_space<vmem>> -> memref<1x1024xi32, #tpu.memory_space<vmem>>
    %dma_wait3A_774 = tpu.memref_squeeze %dma_wait3A_773 : memref<1x1024xi32, #tpu.memory_space<vmem>> -> memref<1024xi32, #tpu.memory_space<vmem>>
    %dma_wait3A_775 = tpu.memref_slice %arg3[%dma_wait3A_770, %add3A_47] : memref<2x320000xi32, #tpu.memory_space<hbm>> -> memref<1x1024xi32, #tpu.memory_space<hbm>>
    %dma_wait3A_776 = tpu.memref_squeeze %dma_wait3A_775 : memref<1x1024xi32, #tpu.memory_space<hbm>> -> memref<1024xi32, #tpu.memory_space<hbm>>
    %dma_wait3A_777 = arith.constant 0 : i32
    %dma_wait3A_778 = tpu.memref_slice %arg6[%dma_wait3A_771, %dma_wait3A_777] : memref<10x1024xi32, #tpu.memory_space<vmem>> -> memref<1x1024xi32, #tpu.memory_space<vmem>>
    %dma_wait3A_779 = tpu.memref_squeeze %dma_wait3A_778 : memref<1x1024xi32, #tpu.memory_space<vmem>> -> memref<1024xi32, #tpu.memory_space<vmem>>
    %dma_wait3A_780 = tpu.memref_slice %arg3[%dma_wait3A_770, %add3A_47] : memref<2x320000xi32, #tpu.memory_space<hbm>> -> memref<1x1024xi32, #tpu.memory_space<hbm>>
    %dma_wait3A_781 = tpu.memref_squeeze %dma_wait3A_780 : memref<1x1024xi32, #tpu.memory_space<hbm>> -> memref<1024xi32, #tpu.memory_space<hbm>>
    tpu.wait_dma2 semaphore(%arg13 : memref<!tpu.dma_semaphore, #tpu.memory_space<semaphore_mem>>) src(%dma_wait3A_781 : memref<1024xi32, #tpu.memory_space<hbm>>) dst(%dma_wait3A_779 : memref<1024xi32, #tpu.memory_space<vmem>>)
    %dma_wait3A_782 = arith.constant 0 : i32
    %dma_wait3A_783 = arith.constant 4 : i32
    %dma_wait3A_784 = arith.constant 0 : i32
    %dma_wait3A_785 = tpu.memref_slice %arg6[%dma_wait3A_783, %dma_wait3A_784] : memref<10x1024xi32, #tpu.memory_space<vmem>> -> memref<1x1024xi32, #tpu.memory_space<vmem>>
    %dma_wait3A_786 = tpu.memref_squeeze %dma_wait3A_785 : memref<1x1024xi32, #tpu.memory_space<vmem>> -> memref<1024xi32, #tpu.memory_space<vmem>>
    %dma_wait3A_787 = tpu.memref_slice %arg3[%dma_wait3A_782, %add3A_61] : memref<2x320000xi32, #tpu.memory_space<hbm>> -> memref<1x1024xi32, #tpu.memory_space<hbm>>
    %dma_wait3A_788 = tpu.memref_squeeze %dma_wait3A_787 : memref<1x1024xi32, #tpu.memory_space<hbm>> -> memref<1024xi32, #tpu.memory_space<hbm>>
    %dma_wait3A_789 = arith.constant 0 : i32
    %dma_wait3A_790 = tpu.memref_slice %arg6[%dma_wait3A_783, %dma_wait3A_789] : memref<10x1024xi32, #tpu.memory_space<vmem>> -> memref<1x1024xi32, #tpu.memory_space<vmem>>
    %dma_wait3A_791 = tpu.memref_squeeze %dma_wait3A_790 : memref<1x1024xi32, #tpu.memory_space<vmem>> -> memref<1024xi32, #tpu.memory_space<vmem>>
    %dma_wait3A_792 = tpu.memref_slice %arg3[%dma_wait3A_782, %add3A_61] : memref<2x320000xi32, #tpu.memory_space<hbm>> -> memref<1x1024xi32, #tpu.memory_space<hbm>>
    %dma_wait3A_793 = tpu.memref_squeeze %dma_wait3A_792 : memref<1x1024xi32, #tpu.memory_space<hbm>> -> memref<1024xi32, #tpu.memory_space<hbm>>
    tpu.wait_dma2 semaphore(%arg13 : memref<!tpu.dma_semaphore, #tpu.memory_space<semaphore_mem>>) src(%dma_wait3A_793 : memref<1024xi32, #tpu.memory_space<hbm>>) dst(%dma_wait3A_791 : memref<1024xi32, #tpu.memory_space<vmem>>)
    %dma_wait3A_794 = arith.constant 0 : i32
    %dma_wait3A_795 = arith.constant 5 : i32
    %dma_wait3A_796 = arith.constant 0 : i32
    %dma_wait3A_797 = tpu.memref_slice %arg6[%dma_wait3A_795, %dma_wait3A_796] : memref<10x1024xi32, #tpu.memory_space<vmem>> -> memref<1x1024xi32, #tpu.memory_space<vmem>>
    %dma_wait3A_798 = tpu.memref_squeeze %dma_wait3A_797 : memref<1x1024xi32, #tpu.memory_space<vmem>> -> memref<1024xi32, #tpu.memory_space<vmem>>
    %dma_wait3A_799 = tpu.memref_slice %arg3[%dma_wait3A_794, %add3A_75] : memref<2x320000xi32, #tpu.memory_space<hbm>> -> memref<1x1024xi32, #tpu.memory_space<hbm>>
    %dma_wait3A_800 = tpu.memref_squeeze %dma_wait3A_799 : memref<1x1024xi32, #tpu.memory_space<hbm>> -> memref<1024xi32, #tpu.memory_space<hbm>>
    %dma_wait3A_801 = arith.constant 0 : i32
    %dma_wait3A_802 = tpu.memref_slice %arg6[%dma_wait3A_795, %dma_wait3A_801] : memref<10x1024xi32, #tpu.memory_space<vmem>> -> memref<1x1024xi32, #tpu.memory_space<vmem>>
    %dma_wait3A_803 = tpu.memref_squeeze %dma_wait3A_802 : memref<1x1024xi32, #tpu.memory_space<vmem>> -> memref<1024xi32, #tpu.memory_space<vmem>>
    %dma_wait3A_804 = tpu.memref_slice %arg3[%dma_wait3A_794, %add3A_75] : memref<2x320000xi32, #tpu.memory_space<hbm>> -> memref<1x1024xi32, #tpu.memory_space<hbm>>
    %dma_wait3A_805 = tpu.memref_squeeze %dma_wait3A_804 : memref<1x1024xi32, #tpu.memory_space<hbm>> -> memref<1024xi32, #tpu.memory_space<hbm>>
    tpu.wait_dma2 semaphore(%arg13 : memref<!tpu.dma_semaphore, #tpu.memory_space<semaphore_mem>>) src(%dma_wait3A_805 : memref<1024xi32, #tpu.memory_space<hbm>>) dst(%dma_wait3A_803 : memref<1024xi32, #tpu.memory_space<vmem>>)
    %dma_wait3A_806 = arith.constant 0 : i32
    %dma_wait3A_807 = arith.constant 6 : i32
    %dma_wait3A_808 = arith.constant 0 : i32
    %dma_wait3A_809 = tpu.memref_slice %arg6[%dma_wait3A_807, %dma_wait3A_808] : memref<10x1024xi32, #tpu.memory_space<vmem>> -> memref<1x1024xi32, #tpu.memory_space<vmem>>
    %dma_wait3A_810 = tpu.memref_squeeze %dma_wait3A_809 : memref<1x1024xi32, #tpu.memory_space<vmem>> -> memref<1024xi32, #tpu.memory_space<vmem>>
    %dma_wait3A_811 = tpu.memref_slice %arg3[%dma_wait3A_806, %add3A_89] : memref<2x320000xi32, #tpu.memory_space<hbm>> -> memref<1x1024xi32, #tpu.memory_space<hbm>>
    %dma_wait3A_812 = tpu.memref_squeeze %dma_wait3A_811 : memref<1x1024xi32, #tpu.memory_space<hbm>> -> memref<1024xi32, #tpu.memory_space<hbm>>
    %dma_wait3A_813 = arith.constant 0 : i32
    %dma_wait3A_814 = tpu.memref_slice %arg6[%dma_wait3A_807, %dma_wait3A_813] : memref<10x1024xi32, #tpu.memory_space<vmem>> -> memref<1x1024xi32, #tpu.memory_space<vmem>>
    %dma_wait3A_815 = tpu.memref_squeeze %dma_wait3A_814 : memref<1x1024xi32, #tpu.memory_space<vmem>> -> memref<1024xi32, #tpu.memory_space<vmem>>
    %dma_wait3A_816 = tpu.memref_slice %arg3[%dma_wait3A_806, %add3A_89] : memref<2x320000xi32, #tpu.memory_space<hbm>> -> memref<1x1024xi32, #tpu.memory_space<hbm>>
    %dma_wait3A_817 = tpu.memref_squeeze %dma_wait3A_816 : memref<1x1024xi32, #tpu.memory_space<hbm>> -> memref<1024xi32, #tpu.memory_space<hbm>>
    tpu.wait_dma2 semaphore(%arg13 : memref<!tpu.dma_semaphore, #tpu.memory_space<semaphore_mem>>) src(%dma_wait3A_817 : memref<1024xi32, #tpu.memory_space<hbm>>) dst(%dma_wait3A_815 : memref<1024xi32, #tpu.memory_space<vmem>>)
    %dma_wait3A_818 = arith.constant 0 : i32
    %dma_wait3A_819 = arith.constant 7 : i32
    %dma_wait3A_820 = arith.constant 0 : i32
    %dma_wait3A_821 = tpu.memref_slice %arg6[%dma_wait3A_819, %dma_wait3A_820] : memref<10x1024xi32, #tpu.memory_space<vmem>> -> memref<1x1024xi32, #tpu.memory_space<vmem>>
    %dma_wait3A_822 = tpu.memref_squeeze %dma_wait3A_821 : memref<1x1024xi32, #tpu.memory_space<vmem>> -> memref<1024xi32, #tpu.memory_space<vmem>>
    %dma_wait3A_823 = tpu.memref_slice %arg3[%dma_wait3A_818, %add3A_103] : memref<2x320000xi32, #tpu.memory_space<hbm>> -> memref<1x1024xi32, #tpu.memory_space<hbm>>
    %dma_wait3A_824 = tpu.memref_squeeze %dma_wait3A_823 : memref<1x1024xi32, #tpu.memory_space<hbm>> -> memref<1024xi32, #tpu.memory_space<hbm>>
    %dma_wait3A_825 = arith.constant 0 : i32
    %dma_wait3A_826 = tpu.memref_slice %arg6[%dma_wait3A_819, %dma_wait3A_825] : memref<10x1024xi32, #tpu.memory_space<vmem>> -> memref<1x1024xi32, #tpu.memory_space<vmem>>
    %dma_wait3A_827 = tpu.memref_squeeze %dma_wait3A_826 : memref<1x1024xi32, #tpu.memory_space<vmem>> -> memref<1024xi32, #tpu.memory_space<vmem>>
    %dma_wait3A_828 = tpu.memref_slice %arg3[%dma_wait3A_818, %add3A_103] : memref<2x320000xi32, #tpu.memory_space<hbm>> -> memref<1x1024xi32, #tpu.memory_space<hbm>>
    %dma_wait3A_829 = tpu.memref_squeeze %dma_wait3A_828 : memref<1x1024xi32, #tpu.memory_space<hbm>> -> memref<1024xi32, #tpu.memory_space<hbm>>
    tpu.wait_dma2 semaphore(%arg13 : memref<!tpu.dma_semaphore, #tpu.memory_space<semaphore_mem>>) src(%dma_wait3A_829 : memref<1024xi32, #tpu.memory_space<hbm>>) dst(%dma_wait3A_827 : memref<1024xi32, #tpu.memory_space<vmem>>)
    %dma_wait3A_830 = arith.constant 0 : i32
    %dma_wait3A_831 = arith.constant 8 : i32
    %dma_wait3A_832 = arith.constant 0 : i32
    %dma_wait3A_833 = tpu.memref_slice %arg6[%dma_wait3A_831, %dma_wait3A_832] : memref<10x1024xi32, #tpu.memory_space<vmem>> -> memref<1x1024xi32, #tpu.memory_space<vmem>>
    %dma_wait3A_834 = tpu.memref_squeeze %dma_wait3A_833 : memref<1x1024xi32, #tpu.memory_space<vmem>> -> memref<1024xi32, #tpu.memory_space<vmem>>
    %dma_wait3A_835 = tpu.memref_slice %arg3[%dma_wait3A_830, %add3A_117] : memref<2x320000xi32, #tpu.memory_space<hbm>> -> memref<1x1024xi32, #tpu.memory_space<hbm>>
    %dma_wait3A_836 = tpu.memref_squeeze %dma_wait3A_835 : memref<1x1024xi32, #tpu.memory_space<hbm>> -> memref<1024xi32, #tpu.memory_space<hbm>>
    %dma_wait3A_837 = arith.constant 0 : i32
    %dma_wait3A_838 = tpu.memref_slice %arg6[%dma_wait3A_831, %dma_wait3A_837] : memref<10x1024xi32, #tpu.memory_space<vmem>> -> memref<1x1024xi32, #tpu.memory_space<vmem>>
    %dma_wait3A_839 = tpu.memref_squeeze %dma_wait3A_838 : memref<1x1024xi32, #tpu.memory_space<vmem>> -> memref<1024xi32, #tpu.memory_space<vmem>>
    %dma_wait3A_840 = tpu.memref_slice %arg3[%dma_wait3A_830, %add3A_117] : memref<2x320000xi32, #tpu.memory_space<hbm>> -> memref<1x1024xi32, #tpu.memory_space<hbm>>
    %dma_wait3A_841 = tpu.memref_squeeze %dma_wait3A_840 : memref<1x1024xi32, #tpu.memory_space<hbm>> -> memref<1024xi32, #tpu.memory_space<hbm>>
    tpu.wait_dma2 semaphore(%arg13 : memref<!tpu.dma_semaphore, #tpu.memory_space<semaphore_mem>>) src(%dma_wait3A_841 : memref<1024xi32, #tpu.memory_space<hbm>>) dst(%dma_wait3A_839 : memref<1024xi32, #tpu.memory_space<vmem>>)
    %dma_wait3A_842 = arith.constant 0 : i32
    %dma_wait3A_843 = arith.constant 9 : i32
    %dma_wait3A_844 = arith.constant 0 : i32
    %dma_wait3A_845 = tpu.memref_slice %arg6[%dma_wait3A_843, %dma_wait3A_844] : memref<10x1024xi32, #tpu.memory_space<vmem>> -> memref<1x784xi32, #tpu.memory_space<vmem>>
    %dma_wait3A_846 = tpu.memref_squeeze %dma_wait3A_845 : memref<1x784xi32, #tpu.memory_space<vmem>> -> memref<784xi32, #tpu.memory_space<vmem>>
    %dma_wait3A_847 = tpu.memref_slice %arg3[%dma_wait3A_842, %add3A_354] : memref<2x320000xi32, #tpu.memory_space<hbm>> -> memref<1x784xi32, #tpu.memory_space<hbm>>
    %dma_wait3A_848 = tpu.memref_squeeze %dma_wait3A_847 : memref<1x784xi32, #tpu.memory_space<hbm>> -> memref<784xi32, #tpu.memory_space<hbm>>
    %dma_wait3A_849 = arith.constant 0 : i32
    %dma_wait3A_850 = tpu.memref_slice %arg6[%dma_wait3A_843, %dma_wait3A_849] : memref<10x1024xi32, #tpu.memory_space<vmem>> -> memref<1x784xi32, #tpu.memory_space<vmem>>
    %dma_wait3A_851 = tpu.memref_squeeze %dma_wait3A_850 : memref<1x784xi32, #tpu.memory_space<vmem>> -> memref<784xi32, #tpu.memory_space<vmem>>
    %dma_wait3A_852 = tpu.memref_slice %arg3[%dma_wait3A_842, %add3A_354] : memref<2x320000xi32, #tpu.memory_space<hbm>> -> memref<1x784xi32, #tpu.memory_space<hbm>>
    %dma_wait3A_853 = tpu.memref_squeeze %dma_wait3A_852 : memref<1x784xi32, #tpu.memory_space<hbm>> -> memref<784xi32, #tpu.memory_space<hbm>>
    tpu.wait_dma2 semaphore(%arg13 : memref<!tpu.dma_semaphore, #tpu.memory_space<semaphore_mem>>) src(%dma_wait3A_853 : memref<784xi32, #tpu.memory_space<hbm>>) dst(%dma_wait3A_851 : memref<784xi32, #tpu.memory_space<vmem>>)
    %dma_wait3A_854 = arith.constant 1 : i32
    %dma_wait3A_855 = arith.constant 0 : i32
    %dma_wait3A_856 = arith.constant 0 : i32
    %dma_wait3A_857 = tpu.memref_slice %arg7[%dma_wait3A_855, %dma_wait3A_856] : memref<10x1024xi32, #tpu.memory_space<vmem>> -> memref<1x1024xi32, #tpu.memory_space<vmem>>
    %dma_wait3A_858 = tpu.memref_squeeze %dma_wait3A_857 : memref<1x1024xi32, #tpu.memory_space<vmem>> -> memref<1024xi32, #tpu.memory_space<vmem>>
    %dma_wait3A_859 = tpu.memref_slice %arg3[%dma_wait3A_854, %add3A_370] : memref<2x320000xi32, #tpu.memory_space<hbm>> -> memref<1x1024xi32, #tpu.memory_space<hbm>>
    %dma_wait3A_860 = tpu.memref_squeeze %dma_wait3A_859 : memref<1x1024xi32, #tpu.memory_space<hbm>> -> memref<1024xi32, #tpu.memory_space<hbm>>
    %dma_wait3A_861 = arith.constant 0 : i32
    %dma_wait3A_862 = tpu.memref_slice %arg7[%dma_wait3A_855, %dma_wait3A_861] : memref<10x1024xi32, #tpu.memory_space<vmem>> -> memref<1x1024xi32, #tpu.memory_space<vmem>>
    %dma_wait3A_863 = tpu.memref_squeeze %dma_wait3A_862 : memref<1x1024xi32, #tpu.memory_space<vmem>> -> memref<1024xi32, #tpu.memory_space<vmem>>
    %dma_wait3A_864 = tpu.memref_slice %arg3[%dma_wait3A_854, %add3A_370] : memref<2x320000xi32, #tpu.memory_space<hbm>> -> memref<1x1024xi32, #tpu.memory_space<hbm>>
    %dma_wait3A_865 = tpu.memref_squeeze %dma_wait3A_864 : memref<1x1024xi32, #tpu.memory_space<hbm>> -> memref<1024xi32, #tpu.memory_space<hbm>>
    tpu.wait_dma2 semaphore(%arg13 : memref<!tpu.dma_semaphore, #tpu.memory_space<semaphore_mem>>) src(%dma_wait3A_865 : memref<1024xi32, #tpu.memory_space<hbm>>) dst(%dma_wait3A_863 : memref<1024xi32, #tpu.memory_space<vmem>>)
    %dma_wait3A_866 = arith.constant 1 : i32
    %dma_wait3A_867 = arith.constant 1 : i32
    %dma_wait3A_868 = arith.constant 0 : i32
    %dma_wait3A_869 = tpu.memref_slice %arg7[%dma_wait3A_867, %dma_wait3A_868] : memref<10x1024xi32, #tpu.memory_space<vmem>> -> memref<1x1024xi32, #tpu.memory_space<vmem>>
    %dma_wait3A_870 = tpu.memref_squeeze %dma_wait3A_869 : memref<1x1024xi32, #tpu.memory_space<vmem>> -> memref<1024xi32, #tpu.memory_space<vmem>>
    %dma_wait3A_871 = tpu.memref_slice %arg3[%dma_wait3A_866, %add3A_384] : memref<2x320000xi32, #tpu.memory_space<hbm>> -> memref<1x1024xi32, #tpu.memory_space<hbm>>
    %dma_wait3A_872 = tpu.memref_squeeze %dma_wait3A_871 : memref<1x1024xi32, #tpu.memory_space<hbm>> -> memref<1024xi32, #tpu.memory_space<hbm>>
    %dma_wait3A_873 = arith.constant 0 : i32
    %dma_wait3A_874 = tpu.memref_slice %arg7[%dma_wait3A_867, %dma_wait3A_873] : memref<10x1024xi32, #tpu.memory_space<vmem>> -> memref<1x1024xi32, #tpu.memory_space<vmem>>
    %dma_wait3A_875 = tpu.memref_squeeze %dma_wait3A_874 : memref<1x1024xi32, #tpu.memory_space<vmem>> -> memref<1024xi32, #tpu.memory_space<vmem>>
    %dma_wait3A_876 = tpu.memref_slice %arg3[%dma_wait3A_866, %add3A_384] : memref<2x320000xi32, #tpu.memory_space<hbm>> -> memref<1x1024xi32, #tpu.memory_space<hbm>>
    %dma_wait3A_877 = tpu.memref_squeeze %dma_wait3A_876 : memref<1x1024xi32, #tpu.memory_space<hbm>> -> memref<1024xi32, #tpu.memory_space<hbm>>
    tpu.wait_dma2 semaphore(%arg13 : memref<!tpu.dma_semaphore, #tpu.memory_space<semaphore_mem>>) src(%dma_wait3A_877 : memref<1024xi32, #tpu.memory_space<hbm>>) dst(%dma_wait3A_875 : memref<1024xi32, #tpu.memory_space<vmem>>)
    %dma_wait3A_878 = arith.constant 1 : i32
    %dma_wait3A_879 = arith.constant 2 : i32
    %dma_wait3A_880 = arith.constant 0 : i32
    %dma_wait3A_881 = tpu.memref_slice %arg7[%dma_wait3A_879, %dma_wait3A_880] : memref<10x1024xi32, #tpu.memory_space<vmem>> -> memref<1x1024xi32, #tpu.memory_space<vmem>>
    %dma_wait3A_882 = tpu.memref_squeeze %dma_wait3A_881 : memref<1x1024xi32, #tpu.memory_space<vmem>> -> memref<1024xi32, #tpu.memory_space<vmem>>
    %dma_wait3A_883 = tpu.memref_slice %arg3[%dma_wait3A_878, %add3A_398] : memref<2x320000xi32, #tpu.memory_space<hbm>> -> memref<1x1024xi32, #tpu.memory_space<hbm>>
    %dma_wait3A_884 = tpu.memref_squeeze %dma_wait3A_883 : memref<1x1024xi32, #tpu.memory_space<hbm>> -> memref<1024xi32, #tpu.memory_space<hbm>>
    %dma_wait3A_885 = arith.constant 0 : i32
    %dma_wait3A_886 = tpu.memref_slice %arg7[%dma_wait3A_879, %dma_wait3A_885] : memref<10x1024xi32, #tpu.memory_space<vmem>> -> memref<1x1024xi32, #tpu.memory_space<vmem>>
    %dma_wait3A_887 = tpu.memref_squeeze %dma_wait3A_886 : memref<1x1024xi32, #tpu.memory_space<vmem>> -> memref<1024xi32, #tpu.memory_space<vmem>>
    %dma_wait3A_888 = tpu.memref_slice %arg3[%dma_wait3A_878, %add3A_398] : memref<2x320000xi32, #tpu.memory_space<hbm>> -> memref<1x1024xi32, #tpu.memory_space<hbm>>
    %dma_wait3A_889 = tpu.memref_squeeze %dma_wait3A_888 : memref<1x1024xi32, #tpu.memory_space<hbm>> -> memref<1024xi32, #tpu.memory_space<hbm>>
    tpu.wait_dma2 semaphore(%arg13 : memref<!tpu.dma_semaphore, #tpu.memory_space<semaphore_mem>>) src(%dma_wait3A_889 : memref<1024xi32, #tpu.memory_space<hbm>>) dst(%dma_wait3A_887 : memref<1024xi32, #tpu.memory_space<vmem>>)
    %dma_wait3A_890 = arith.constant 1 : i32
    %dma_wait3A_891 = arith.constant 3 : i32
    %dma_wait3A_892 = arith.constant 0 : i32
    %dma_wait3A_893 = tpu.memref_slice %arg7[%dma_wait3A_891, %dma_wait3A_892] : memref<10x1024xi32, #tpu.memory_space<vmem>> -> memref<1x1024xi32, #tpu.memory_space<vmem>>
    %dma_wait3A_894 = tpu.memref_squeeze %dma_wait3A_893 : memref<1x1024xi32, #tpu.memory_space<vmem>> -> memref<1024xi32, #tpu.memory_space<vmem>>
    %dma_wait3A_895 = tpu.memref_slice %arg3[%dma_wait3A_890, %add3A_412] : memref<2x320000xi32, #tpu.memory_space<hbm>> -> memref<1x1024xi32, #tpu.memory_space<hbm>>
    %dma_wait3A_896 = tpu.memref_squeeze %dma_wait3A_895 : memref<1x1024xi32, #tpu.memory_space<hbm>> -> memref<1024xi32, #tpu.memory_space<hbm>>
    %dma_wait3A_897 = arith.constant 0 : i32
    %dma_wait3A_898 = tpu.memref_slice %arg7[%dma_wait3A_891, %dma_wait3A_897] : memref<10x1024xi32, #tpu.memory_space<vmem>> -> memref<1x1024xi32, #tpu.memory_space<vmem>>
    %dma_wait3A_899 = tpu.memref_squeeze %dma_wait3A_898 : memref<1x1024xi32, #tpu.memory_space<vmem>> -> memref<1024xi32, #tpu.memory_space<vmem>>
    %dma_wait3A_900 = tpu.memref_slice %arg3[%dma_wait3A_890, %add3A_412] : memref<2x320000xi32, #tpu.memory_space<hbm>> -> memref<1x1024xi32, #tpu.memory_space<hbm>>
    %dma_wait3A_901 = tpu.memref_squeeze %dma_wait3A_900 : memref<1x1024xi32, #tpu.memory_space<hbm>> -> memref<1024xi32, #tpu.memory_space<hbm>>
    tpu.wait_dma2 semaphore(%arg13 : memref<!tpu.dma_semaphore, #tpu.memory_space<semaphore_mem>>) src(%dma_wait3A_901 : memref<1024xi32, #tpu.memory_space<hbm>>) dst(%dma_wait3A_899 : memref<1024xi32, #tpu.memory_space<vmem>>)
    %dma_wait3A_902 = arith.constant 1 : i32
    %dma_wait3A_903 = arith.constant 4 : i32
    %dma_wait3A_904 = arith.constant 0 : i32
    %dma_wait3A_905 = tpu.memref_slice %arg7[%dma_wait3A_903, %dma_wait3A_904] : memref<10x1024xi32, #tpu.memory_space<vmem>> -> memref<1x1024xi32, #tpu.memory_space<vmem>>
    %dma_wait3A_906 = tpu.memref_squeeze %dma_wait3A_905 : memref<1x1024xi32, #tpu.memory_space<vmem>> -> memref<1024xi32, #tpu.memory_space<vmem>>
    %dma_wait3A_907 = tpu.memref_slice %arg3[%dma_wait3A_902, %add3A_426] : memref<2x320000xi32, #tpu.memory_space<hbm>> -> memref<1x1024xi32, #tpu.memory_space<hbm>>
    %dma_wait3A_908 = tpu.memref_squeeze %dma_wait3A_907 : memref<1x1024xi32, #tpu.memory_space<hbm>> -> memref<1024xi32, #tpu.memory_space<hbm>>
    %dma_wait3A_909 = arith.constant 0 : i32
    %dma_wait3A_910 = tpu.memref_slice %arg7[%dma_wait3A_903, %dma_wait3A_909] : memref<10x1024xi32, #tpu.memory_space<vmem>> -> memref<1x1024xi32, #tpu.memory_space<vmem>>
    %dma_wait3A_911 = tpu.memref_squeeze %dma_wait3A_910 : memref<1x1024xi32, #tpu.memory_space<vmem>> -> memref<1024xi32, #tpu.memory_space<vmem>>
    %dma_wait3A_912 = tpu.memref_slice %arg3[%dma_wait3A_902, %add3A_426] : memref<2x320000xi32, #tpu.memory_space<hbm>> -> memref<1x1024xi32, #tpu.memory_space<hbm>>
    %dma_wait3A_913 = tpu.memref_squeeze %dma_wait3A_912 : memref<1x1024xi32, #tpu.memory_space<hbm>> -> memref<1024xi32, #tpu.memory_space<hbm>>
    tpu.wait_dma2 semaphore(%arg13 : memref<!tpu.dma_semaphore, #tpu.memory_space<semaphore_mem>>) src(%dma_wait3A_913 : memref<1024xi32, #tpu.memory_space<hbm>>) dst(%dma_wait3A_911 : memref<1024xi32, #tpu.memory_space<vmem>>)
    %dma_wait3A_914 = arith.constant 1 : i32
    %dma_wait3A_915 = arith.constant 5 : i32
    %dma_wait3A_916 = arith.constant 0 : i32
    %dma_wait3A_917 = tpu.memref_slice %arg7[%dma_wait3A_915, %dma_wait3A_916] : memref<10x1024xi32, #tpu.memory_space<vmem>> -> memref<1x1024xi32, #tpu.memory_space<vmem>>
    %dma_wait3A_918 = tpu.memref_squeeze %dma_wait3A_917 : memref<1x1024xi32, #tpu.memory_space<vmem>> -> memref<1024xi32, #tpu.memory_space<vmem>>
    %dma_wait3A_919 = tpu.memref_slice %arg3[%dma_wait3A_914, %add3A_440] : memref<2x320000xi32, #tpu.memory_space<hbm>> -> memref<1x1024xi32, #tpu.memory_space<hbm>>
    %dma_wait3A_920 = tpu.memref_squeeze %dma_wait3A_919 : memref<1x1024xi32, #tpu.memory_space<hbm>> -> memref<1024xi32, #tpu.memory_space<hbm>>
    %dma_wait3A_921 = arith.constant 0 : i32
    %dma_wait3A_922 = tpu.memref_slice %arg7[%dma_wait3A_915, %dma_wait3A_921] : memref<10x1024xi32, #tpu.memory_space<vmem>> -> memref<1x1024xi32, #tpu.memory_space<vmem>>
    %dma_wait3A_923 = tpu.memref_squeeze %dma_wait3A_922 : memref<1x1024xi32, #tpu.memory_space<vmem>> -> memref<1024xi32, #tpu.memory_space<vmem>>
    %dma_wait3A_924 = tpu.memref_slice %arg3[%dma_wait3A_914, %add3A_440] : memref<2x320000xi32, #tpu.memory_space<hbm>> -> memref<1x1024xi32, #tpu.memory_space<hbm>>
    %dma_wait3A_925 = tpu.memref_squeeze %dma_wait3A_924 : memref<1x1024xi32, #tpu.memory_space<hbm>> -> memref<1024xi32, #tpu.memory_space<hbm>>
    tpu.wait_dma2 semaphore(%arg13 : memref<!tpu.dma_semaphore, #tpu.memory_space<semaphore_mem>>) src(%dma_wait3A_925 : memref<1024xi32, #tpu.memory_space<hbm>>) dst(%dma_wait3A_923 : memref<1024xi32, #tpu.memory_space<vmem>>)
    %dma_wait3A_926 = arith.constant 1 : i32
    %dma_wait3A_927 = arith.constant 6 : i32
    %dma_wait3A_928 = arith.constant 0 : i32
    %dma_wait3A_929 = tpu.memref_slice %arg7[%dma_wait3A_927, %dma_wait3A_928] : memref<10x1024xi32, #tpu.memory_space<vmem>> -> memref<1x1024xi32, #tpu.memory_space<vmem>>
    %dma_wait3A_930 = tpu.memref_squeeze %dma_wait3A_929 : memref<1x1024xi32, #tpu.memory_space<vmem>> -> memref<1024xi32, #tpu.memory_space<vmem>>
    %dma_wait3A_931 = tpu.memref_slice %arg3[%dma_wait3A_926, %add3A_454] : memref<2x320000xi32, #tpu.memory_space<hbm>> -> memref<1x1024xi32, #tpu.memory_space<hbm>>
    %dma_wait3A_932 = tpu.memref_squeeze %dma_wait3A_931 : memref<1x1024xi32, #tpu.memory_space<hbm>> -> memref<1024xi32, #tpu.memory_space<hbm>>
    %dma_wait3A_933 = arith.constant 0 : i32
    %dma_wait3A_934 = tpu.memref_slice %arg7[%dma_wait3A_927, %dma_wait3A_933] : memref<10x1024xi32, #tpu.memory_space<vmem>> -> memref<1x1024xi32, #tpu.memory_space<vmem>>
    %dma_wait3A_935 = tpu.memref_squeeze %dma_wait3A_934 : memref<1x1024xi32, #tpu.memory_space<vmem>> -> memref<1024xi32, #tpu.memory_space<vmem>>
    %dma_wait3A_936 = tpu.memref_slice %arg3[%dma_wait3A_926, %add3A_454] : memref<2x320000xi32, #tpu.memory_space<hbm>> -> memref<1x1024xi32, #tpu.memory_space<hbm>>
    %dma_wait3A_937 = tpu.memref_squeeze %dma_wait3A_936 : memref<1x1024xi32, #tpu.memory_space<hbm>> -> memref<1024xi32, #tpu.memory_space<hbm>>
    tpu.wait_dma2 semaphore(%arg13 : memref<!tpu.dma_semaphore, #tpu.memory_space<semaphore_mem>>) src(%dma_wait3A_937 : memref<1024xi32, #tpu.memory_space<hbm>>) dst(%dma_wait3A_935 : memref<1024xi32, #tpu.memory_space<vmem>>)
    %dma_wait3A_938 = arith.constant 1 : i32
    %dma_wait3A_939 = arith.constant 7 : i32
    %dma_wait3A_940 = arith.constant 0 : i32
    %dma_wait3A_941 = tpu.memref_slice %arg7[%dma_wait3A_939, %dma_wait3A_940] : memref<10x1024xi32, #tpu.memory_space<vmem>> -> memref<1x1024xi32, #tpu.memory_space<vmem>>
    %dma_wait3A_942 = tpu.memref_squeeze %dma_wait3A_941 : memref<1x1024xi32, #tpu.memory_space<vmem>> -> memref<1024xi32, #tpu.memory_space<vmem>>
    %dma_wait3A_943 = tpu.memref_slice %arg3[%dma_wait3A_938, %add3A_468] : memref<2x320000xi32, #tpu.memory_space<hbm>> -> memref<1x1024xi32, #tpu.memory_space<hbm>>
    %dma_wait3A_944 = tpu.memref_squeeze %dma_wait3A_943 : memref<1x1024xi32, #tpu.memory_space<hbm>> -> memref<1024xi32, #tpu.memory_space<hbm>>
    %dma_wait3A_945 = arith.constant 0 : i32
    %dma_wait3A_946 = tpu.memref_slice %arg7[%dma_wait3A_939, %dma_wait3A_945] : memref<10x1024xi32, #tpu.memory_space<vmem>> -> memref<1x1024xi32, #tpu.memory_space<vmem>>
    %dma_wait3A_947 = tpu.memref_squeeze %dma_wait3A_946 : memref<1x1024xi32, #tpu.memory_space<vmem>> -> memref<1024xi32, #tpu.memory_space<vmem>>
    %dma_wait3A_948 = tpu.memref_slice %arg3[%dma_wait3A_938, %add3A_468] : memref<2x320000xi32, #tpu.memory_space<hbm>> -> memref<1x1024xi32, #tpu.memory_space<hbm>>
    %dma_wait3A_949 = tpu.memref_squeeze %dma_wait3A_948 : memref<1x1024xi32, #tpu.memory_space<hbm>> -> memref<1024xi32, #tpu.memory_space<hbm>>
    tpu.wait_dma2 semaphore(%arg13 : memref<!tpu.dma_semaphore, #tpu.memory_space<semaphore_mem>>) src(%dma_wait3A_949 : memref<1024xi32, #tpu.memory_space<hbm>>) dst(%dma_wait3A_947 : memref<1024xi32, #tpu.memory_space<vmem>>)
    %dma_wait3A_950 = arith.constant 1 : i32
    %dma_wait3A_951 = arith.constant 8 : i32
    %dma_wait3A_952 = arith.constant 0 : i32
    %dma_wait3A_953 = tpu.memref_slice %arg7[%dma_wait3A_951, %dma_wait3A_952] : memref<10x1024xi32, #tpu.memory_space<vmem>> -> memref<1x1024xi32, #tpu.memory_space<vmem>>
    %dma_wait3A_954 = tpu.memref_squeeze %dma_wait3A_953 : memref<1x1024xi32, #tpu.memory_space<vmem>> -> memref<1024xi32, #tpu.memory_space<vmem>>
    %dma_wait3A_955 = tpu.memref_slice %arg3[%dma_wait3A_950, %add3A_482] : memref<2x320000xi32, #tpu.memory_space<hbm>> -> memref<1x1024xi32, #tpu.memory_space<hbm>>
    %dma_wait3A_956 = tpu.memref_squeeze %dma_wait3A_955 : memref<1x1024xi32, #tpu.memory_space<hbm>> -> memref<1024xi32, #tpu.memory_space<hbm>>
    %dma_wait3A_957 = arith.constant 0 : i32
    %dma_wait3A_958 = tpu.memref_slice %arg7[%dma_wait3A_951, %dma_wait3A_957] : memref<10x1024xi32, #tpu.memory_space<vmem>> -> memref<1x1024xi32, #tpu.memory_space<vmem>>
    %dma_wait3A_959 = tpu.memref_squeeze %dma_wait3A_958 : memref<1x1024xi32, #tpu.memory_space<vmem>> -> memref<1024xi32, #tpu.memory_space<vmem>>
    %dma_wait3A_960 = tpu.memref_slice %arg3[%dma_wait3A_950, %add3A_482] : memref<2x320000xi32, #tpu.memory_space<hbm>> -> memref<1x1024xi32, #tpu.memory_space<hbm>>
    %dma_wait3A_961 = tpu.memref_squeeze %dma_wait3A_960 : memref<1x1024xi32, #tpu.memory_space<hbm>> -> memref<1024xi32, #tpu.memory_space<hbm>>
    tpu.wait_dma2 semaphore(%arg13 : memref<!tpu.dma_semaphore, #tpu.memory_space<semaphore_mem>>) src(%dma_wait3A_961 : memref<1024xi32, #tpu.memory_space<hbm>>) dst(%dma_wait3A_959 : memref<1024xi32, #tpu.memory_space<vmem>>)
    %dma_wait3A_962 = arith.constant 1 : i32
    %dma_wait3A_963 = arith.constant 9 : i32
    %dma_wait3A_964 = arith.constant 0 : i32
    %dma_wait3A_965 = tpu.memref_slice %arg7[%dma_wait3A_963, %dma_wait3A_964] : memref<10x1024xi32, #tpu.memory_space<vmem>> -> memref<1x784xi32, #tpu.memory_space<vmem>>
    %dma_wait3A_966 = tpu.memref_squeeze %dma_wait3A_965 : memref<1x784xi32, #tpu.memory_space<vmem>> -> memref<784xi32, #tpu.memory_space<vmem>>
    %dma_wait3A_967 = tpu.memref_slice %arg3[%dma_wait3A_962, %add3A_722] : memref<2x320000xi32, #tpu.memory_space<hbm>> -> memref<1x784xi32, #tpu.memory_space<hbm>>
    %dma_wait3A_968 = tpu.memref_squeeze %dma_wait3A_967 : memref<1x784xi32, #tpu.memory_space<hbm>> -> memref<784xi32, #tpu.memory_space<hbm>>
    %dma_wait3A_969 = arith.constant 0 : i32
    %dma_wait3A_970 = tpu.memref_slice %arg7[%dma_wait3A_963, %dma_wait3A_969] : memref<10x1024xi32, #tpu.memory_space<vmem>> -> memref<1x784xi32, #tpu.memory_space<vmem>>
    %dma_wait3A_971 = tpu.memref_squeeze %dma_wait3A_970 : memref<1x784xi32, #tpu.memory_space<vmem>> -> memref<784xi32, #tpu.memory_space<vmem>>
    %dma_wait3A_972 = tpu.memref_slice %arg3[%dma_wait3A_962, %add3A_722] : memref<2x320000xi32, #tpu.memory_space<hbm>> -> memref<1x784xi32, #tpu.memory_space<hbm>>
    %dma_wait3A_973 = tpu.memref_squeeze %dma_wait3A_972 : memref<1x784xi32, #tpu.memory_space<hbm>> -> memref<784xi32, #tpu.memory_space<hbm>>
    tpu.wait_dma2 semaphore(%arg13 : memref<!tpu.dma_semaphore, #tpu.memory_space<semaphore_mem>>) src(%dma_wait3A_973 : memref<784xi32, #tpu.memory_space<hbm>>) dst(%dma_wait3A_971 : memref<784xi32, #tpu.memory_space<vmem>>)
    %barrier3A = arith.constant 0 : index
    tpu.barrier barrier_id(%barrier3A)
    %dma_start3A_974 = arith.constant 0 : i32
    %dma_start3A_975 = arith.constant 0 : i32
    %dma_start3A_976 = arith.constant 0 : i32
    %dma_start3A_977 = arith.constant 0 : i32
    %dma_start3A_978 = tpu.memref_slice %arg8[%dma_start3A_975, %dma_start3A_976, %dma_start3A_977] : memref<5x1024x16xf32, #tpu.memory_space<vmem>> -> memref<1x1024x16xf32, #tpu.memory_space<vmem>>
    %dma_start3A_979 = tpu.memref_squeeze %dma_start3A_978 : memref<1x1024x16xf32, #tpu.memory_space<vmem>> -> memref<1024x16xf32, #tpu.memory_space<vmem>>
    %dma_start3A_980 = arith.constant 0 : i32
    %dma_start3A_981 = tpu.memref_slice %arg6[%dma_start3A_974, %dma_start3A_980] : memref<10x1024xi32, #tpu.memory_space<vmem>> -> memref<1x1024xi32, #tpu.memory_space<vmem>>
    %dma_start3A_982 = tpu.memref_squeeze %dma_start3A_981 : memref<1x1024xi32, #tpu.memory_space<vmem>> -> memref<1024xi32, #tpu.memory_space<vmem>>
    %dma_start3A_983 = arith.constant 0 : i32
    %dma_start3A_984 = arith.constant 0 : i32
    %dma_start3A_985 = tpu.memref_slice %arg2[%dma_start3A_983, %dma_start3A_984] : memref<10240x16xf32, #tpu.memory_space<hbm>> -> memref<10240x16xf32, #tpu.memory_space<hbm>>
    tpu.enqueue_indirect_dma source(%dma_start3A_985 : memref<10240x16xf32, #tpu.memory_space<hbm>>) target(%dma_start3A_979 : memref<1024x16xf32, #tpu.memory_space<vmem>>) offsets(%dma_start3A_982 : memref<1024xi32, #tpu.memory_space<vmem>>) semaphore(%arg11 : memref<!tpu.dma_semaphore, #tpu.memory_space<semaphore_mem>>)
    %dma_start3A_986 = arith.constant 1 : i32
    %dma_start3A_987 = arith.constant 1 : i32
    %dma_start3A_988 = arith.constant 0 : i32
    %dma_start3A_989 = arith.constant 0 : i32
    %dma_start3A_990 = tpu.memref_slice %arg8[%dma_start3A_987, %dma_start3A_988, %dma_start3A_989] : memref<5x1024x16xf32, #tpu.memory_space<vmem>> -> memref<1x1024x16xf32, #tpu.memory_space<vmem>>
    %dma_start3A_991 = tpu.memref_squeeze %dma_start3A_990 : memref<1x1024x16xf32, #tpu.memory_space<vmem>> -> memref<1024x16xf32, #tpu.memory_space<vmem>>
    %dma_start3A_992 = arith.constant 0 : i32
    %dma_start3A_993 = tpu.memref_slice %arg6[%dma_start3A_986, %dma_start3A_992] : memref<10x1024xi32, #tpu.memory_space<vmem>> -> memref<1x1024xi32, #tpu.memory_space<vmem>>
    %dma_start3A_994 = tpu.memref_squeeze %dma_start3A_993 : memref<1x1024xi32, #tpu.memory_space<vmem>> -> memref<1024xi32, #tpu.memory_space<vmem>>
    %dma_start3A_995 = arith.constant 0 : i32
    %dma_start3A_996 = arith.constant 0 : i32
    %dma_start3A_997 = tpu.memref_slice %arg2[%dma_start3A_995, %dma_start3A_996] : memref<10240x16xf32, #tpu.memory_space<hbm>> -> memref<10240x16xf32, #tpu.memory_space<hbm>>
    tpu.enqueue_indirect_dma source(%dma_start3A_997 : memref<10240x16xf32, #tpu.memory_space<hbm>>) target(%dma_start3A_991 : memref<1024x16xf32, #tpu.memory_space<vmem>>) offsets(%dma_start3A_994 : memref<1024xi32, #tpu.memory_space<vmem>>) semaphore(%arg11 : memref<!tpu.dma_semaphore, #tpu.memory_space<semaphore_mem>>)
    %dma_start3A_998 = arith.constant 2 : i32
    %dma_start3A_999 = arith.constant 2 : i32
    %dma_start3A_1000 = arith.constant 0 : i32
    %dma_start3A_1001 = arith.constant 0 : i32
    %dma_start3A_1002 = tpu.memref_slice %arg8[%dma_start3A_999, %dma_start3A_1000, %dma_start3A_1001] : memref<5x1024x16xf32, #tpu.memory_space<vmem>> -> memref<1x1024x16xf32, #tpu.memory_space<vmem>>
    %dma_start3A_1003 = tpu.memref_squeeze %dma_start3A_1002 : memref<1x1024x16xf32, #tpu.memory_space<vmem>> -> memref<1024x16xf32, #tpu.memory_space<vmem>>
    %dma_start3A_1004 = arith.constant 0 : i32
    %dma_start3A_1005 = tpu.memref_slice %arg6[%dma_start3A_998, %dma_start3A_1004] : memref<10x1024xi32, #tpu.memory_space<vmem>> -> memref<1x1024xi32, #tpu.memory_space<vmem>>
    %dma_start3A_1006 = tpu.memref_squeeze %dma_start3A_1005 : memref<1x1024xi32, #tpu.memory_space<vmem>> -> memref<1024xi32, #tpu.memory_space<vmem>>
    %dma_start3A_1007 = arith.constant 0 : i32
    %dma_start3A_1008 = arith.constant 0 : i32
    %dma_start3A_1009 = tpu.memref_slice %arg2[%dma_start3A_1007, %dma_start3A_1008] : memref<10240x16xf32, #tpu.memory_space<hbm>> -> memref<10240x16xf32, #tpu.memory_space<hbm>>
    tpu.enqueue_indirect_dma source(%dma_start3A_1009 : memref<10240x16xf32, #tpu.memory_space<hbm>>) target(%dma_start3A_1003 : memref<1024x16xf32, #tpu.memory_space<vmem>>) offsets(%dma_start3A_1006 : memref<1024xi32, #tpu.memory_space<vmem>>) semaphore(%arg11 : memref<!tpu.dma_semaphore, #tpu.memory_space<semaphore_mem>>)
    %dma_wait3A_1010 = arith.constant 0 : i32
    %dma_wait3A_1011 = arith.constant 0 : i32
    %dma_wait3A_1012 = arith.constant 0 : i32
    %dma_wait3A_1013 = arith.constant 0 : i32
    %dma_wait3A_1014 = tpu.memref_slice %arg8[%dma_wait3A_1011, %dma_wait3A_1012, %dma_wait3A_1013] : memref<5x1024x16xf32, #tpu.memory_space<vmem>> -> memref<1x1024x16xf32, #tpu.memory_space<vmem>>
    %dma_wait3A_1015 = tpu.memref_squeeze %dma_wait3A_1014 : memref<1x1024x16xf32, #tpu.memory_space<vmem>> -> memref<1024x16xf32, #tpu.memory_space<vmem>>
    %dma_wait3A_1016 = arith.constant 0 : i32
    %dma_wait3A_1017 = tpu.memref_slice %arg6[%dma_wait3A_1010, %dma_wait3A_1016] : memref<10x1024xi32, #tpu.memory_space<vmem>> -> memref<1x1024xi32, #tpu.memory_space<vmem>>
    %dma_wait3A_1018 = tpu.memref_squeeze %dma_wait3A_1017 : memref<1x1024xi32, #tpu.memory_space<vmem>> -> memref<1024xi32, #tpu.memory_space<vmem>>
    %dma_wait3A_1019 = arith.constant 0 : i32
    %dma_wait3A_1020 = arith.constant 0 : i32
    %dma_wait3A_1021 = tpu.memref_slice %arg2[%dma_wait3A_1019, %dma_wait3A_1020] : memref<10240x16xf32, #tpu.memory_space<hbm>> -> memref<10240x16xf32, #tpu.memory_space<hbm>>
    tpu.wait_indirect_dma semaphore(%arg11 : memref<!tpu.dma_semaphore, #tpu.memory_space<semaphore_mem>>) src(%dma_wait3A_1021 : memref<10240x16xf32, #tpu.memory_space<hbm>>) dst(%dma_wait3A_1015 : memref<1024x16xf32, #tpu.memory_space<vmem>>)
    %dma_start3A_1022 = arith.constant 0 : i32
    %dma_start3A_1023 = arith.constant 0 : i32
    %dma_start3A_1024 = arith.constant 0 : i32
    %dma_start3A_1025 = arith.constant 0 : i32
    %dma_start3A_1026 = tpu.memref_slice %arg8[%dma_start3A_1022, %dma_start3A_1024, %dma_start3A_1025] : memref<5x1024x16xf32, #tpu.memory_space<vmem>> -> memref<1x1024x16xf32, #tpu.memory_space<vmem>>
    %dma_start3A_1027 = tpu.memref_squeeze %dma_start3A_1026 : memref<1x1024x16xf32, #tpu.memory_space<vmem>> -> memref<1024x16xf32, #tpu.memory_space<vmem>>
    %dma_start3A_1028 = arith.constant 0 : i32
    %dma_start3A_1029 = tpu.memref_slice %arg7[%dma_start3A_1023, %dma_start3A_1028] : memref<10x1024xi32, #tpu.memory_space<vmem>> -> memref<1x1024xi32, #tpu.memory_space<vmem>>
    %dma_start3A_1030 = tpu.memref_squeeze %dma_start3A_1029 : memref<1x1024xi32, #tpu.memory_space<vmem>> -> memref<1024xi32, #tpu.memory_space<vmem>>
    %dma_start3A_1031 = arith.constant 0 : i32
    %dma_start3A_1032 = arith.constant 0 : i32
    %dma_start3A_1033 = tpu.memref_slice %arg10[%dma_start3A_1031, %dma_start3A_1032] : memref<10240x16xf32, #tpu.memory_space<vmem_shared>> -> memref<10240x16xf32, #tpu.memory_space<vmem_shared>>
    tpu.enqueue_indirect_dma source(%dma_start3A_1027 : memref<1024x16xf32, #tpu.memory_space<vmem>>) target(%dma_start3A_1033 : memref<10240x16xf32, #tpu.memory_space<vmem_shared>>) offsets(%dma_start3A_1030 : memref<1024xi32, #tpu.memory_space<vmem>>) semaphore(%arg12 : memref<!tpu.dma_semaphore, #tpu.memory_space<semaphore_mem>>) {add = true}
    %dma_start3A_1034 = arith.constant 3 : i32
    %dma_start3A_1035 = arith.constant 3 : i32
    %dma_start3A_1036 = arith.constant 0 : i32
    %dma_start3A_1037 = arith.constant 0 : i32
    %dma_start3A_1038 = tpu.memref_slice %arg8[%dma_start3A_1035, %dma_start3A_1036, %dma_start3A_1037] : memref<5x1024x16xf32, #tpu.memory_space<vmem>> -> memref<1x1024x16xf32, #tpu.memory_space<vmem>>
    %dma_start3A_1039 = tpu.memref_squeeze %dma_start3A_1038 : memref<1x1024x16xf32, #tpu.memory_space<vmem>> -> memref<1024x16xf32, #tpu.memory_space<vmem>>
    %dma_start3A_1040 = arith.constant 0 : i32
    %dma_start3A_1041 = tpu.memref_slice %arg6[%dma_start3A_1034, %dma_start3A_1040] : memref<10x1024xi32, #tpu.memory_space<vmem>> -> memref<1x1024xi32, #tpu.memory_space<vmem>>
    %dma_start3A_1042 = tpu.memref_squeeze %dma_start3A_1041 : memref<1x1024xi32, #tpu.memory_space<vmem>> -> memref<1024xi32, #tpu.memory_space<vmem>>
    %dma_start3A_1043 = arith.constant 0 : i32
    %dma_start3A_1044 = arith.constant 0 : i32
    %dma_start3A_1045 = tpu.memref_slice %arg2[%dma_start3A_1043, %dma_start3A_1044] : memref<10240x16xf32, #tpu.memory_space<hbm>> -> memref<10240x16xf32, #tpu.memory_space<hbm>>
    tpu.enqueue_indirect_dma source(%dma_start3A_1045 : memref<10240x16xf32, #tpu.memory_space<hbm>>) target(%dma_start3A_1039 : memref<1024x16xf32, #tpu.memory_space<vmem>>) offsets(%dma_start3A_1042 : memref<1024xi32, #tpu.memory_space<vmem>>) semaphore(%arg11 : memref<!tpu.dma_semaphore, #tpu.memory_space<semaphore_mem>>)
    %dma_wait3A_1046 = arith.constant 1 : i32
    %dma_wait3A_1047 = arith.constant 1 : i32
    %dma_wait3A_1048 = arith.constant 0 : i32
    %dma_wait3A_1049 = arith.constant 0 : i32
    %dma_wait3A_1050 = tpu.memref_slice %arg8[%dma_wait3A_1047, %dma_wait3A_1048, %dma_wait3A_1049] : memref<5x1024x16xf32, #tpu.memory_space<vmem>> -> memref<1x1024x16xf32, #tpu.memory_space<vmem>>
    %dma_wait3A_1051 = tpu.memref_squeeze %dma_wait3A_1050 : memref<1x1024x16xf32, #tpu.memory_space<vmem>> -> memref<1024x16xf32, #tpu.memory_space<vmem>>
    %dma_wait3A_1052 = arith.constant 0 : i32
    %dma_wait3A_1053 = tpu.memref_slice %arg6[%dma_wait3A_1046, %dma_wait3A_1052] : memref<10x1024xi32, #tpu.memory_space<vmem>> -> memref<1x1024xi32, #tpu.memory_space<vmem>>
    %dma_wait3A_1054 = tpu.memref_squeeze %dma_wait3A_1053 : memref<1x1024xi32, #tpu.memory_space<vmem>> -> memref<1024xi32, #tpu.memory_space<vmem>>
    %dma_wait3A_1055 = arith.constant 0 : i32
    %dma_wait3A_1056 = arith.constant 0 : i32
    %dma_wait3A_1057 = tpu.memref_slice %arg2[%dma_wait3A_1055, %dma_wait3A_1056] : memref<10240x16xf32, #tpu.memory_space<hbm>> -> memref<10240x16xf32, #tpu.memory_space<hbm>>
    tpu.wait_indirect_dma semaphore(%arg11 : memref<!tpu.dma_semaphore, #tpu.memory_space<semaphore_mem>>) src(%dma_wait3A_1057 : memref<10240x16xf32, #tpu.memory_space<hbm>>) dst(%dma_wait3A_1051 : memref<1024x16xf32, #tpu.memory_space<vmem>>)
    %dma_start3A_1058 = arith.constant 1 : i32
    %dma_start3A_1059 = arith.constant 1 : i32
    %dma_start3A_1060 = arith.constant 0 : i32
    %dma_start3A_1061 = arith.constant 0 : i32
    %dma_start3A_1062 = tpu.memref_slice %arg8[%dma_start3A_1058, %dma_start3A_1060, %dma_start3A_1061] : memref<5x1024x16xf32, #tpu.memory_space<vmem>> -> memref<1x1024x16xf32, #tpu.memory_space<vmem>>
    %dma_start3A_1063 = tpu.memref_squeeze %dma_start3A_1062 : memref<1x1024x16xf32, #tpu.memory_space<vmem>> -> memref<1024x16xf32, #tpu.memory_space<vmem>>
    %dma_start3A_1064 = arith.constant 0 : i32
    %dma_start3A_1065 = tpu.memref_slice %arg7[%dma_start3A_1059, %dma_start3A_1064] : memref<10x1024xi32, #tpu.memory_space<vmem>> -> memref<1x1024xi32, #tpu.memory_space<vmem>>
    %dma_start3A_1066 = tpu.memref_squeeze %dma_start3A_1065 : memref<1x1024xi32, #tpu.memory_space<vmem>> -> memref<1024xi32, #tpu.memory_space<vmem>>
    %dma_start3A_1067 = arith.constant 0 : i32
    %dma_start3A_1068 = arith.constant 0 : i32
    %dma_start3A_1069 = tpu.memref_slice %arg10[%dma_start3A_1067, %dma_start3A_1068] : memref<10240x16xf32, #tpu.memory_space<vmem_shared>> -> memref<10240x16xf32, #tpu.memory_space<vmem_shared>>
    tpu.enqueue_indirect_dma source(%dma_start3A_1063 : memref<1024x16xf32, #tpu.memory_space<vmem>>) target(%dma_start3A_1069 : memref<10240x16xf32, #tpu.memory_space<vmem_shared>>) offsets(%dma_start3A_1066 : memref<1024xi32, #tpu.memory_space<vmem>>) semaphore(%arg12 : memref<!tpu.dma_semaphore, #tpu.memory_space<semaphore_mem>>) {add = true}
    %dma_start3A_1070 = arith.constant 4 : i32
    %dma_start3A_1071 = arith.constant 4 : i32
    %dma_start3A_1072 = arith.constant 0 : i32
    %dma_start3A_1073 = arith.constant 0 : i32
    %dma_start3A_1074 = tpu.memref_slice %arg8[%dma_start3A_1071, %dma_start3A_1072, %dma_start3A_1073] : memref<5x1024x16xf32, #tpu.memory_space<vmem>> -> memref<1x1024x16xf32, #tpu.memory_space<vmem>>
    %dma_start3A_1075 = tpu.memref_squeeze %dma_start3A_1074 : memref<1x1024x16xf32, #tpu.memory_space<vmem>> -> memref<1024x16xf32, #tpu.memory_space<vmem>>
    %dma_start3A_1076 = arith.constant 0 : i32
    %dma_start3A_1077 = tpu.memref_slice %arg6[%dma_start3A_1070, %dma_start3A_1076] : memref<10x1024xi32, #tpu.memory_space<vmem>> -> memref<1x1024xi32, #tpu.memory_space<vmem>>
    %dma_start3A_1078 = tpu.memref_squeeze %dma_start3A_1077 : memref<1x1024xi32, #tpu.memory_space<vmem>> -> memref<1024xi32, #tpu.memory_space<vmem>>
    %dma_start3A_1079 = arith.constant 0 : i32
    %dma_start3A_1080 = arith.constant 0 : i32
    %dma_start3A_1081 = tpu.memref_slice %arg2[%dma_start3A_1079, %dma_start3A_1080] : memref<10240x16xf32, #tpu.memory_space<hbm>> -> memref<10240x16xf32, #tpu.memory_space<hbm>>
    tpu.enqueue_indirect_dma source(%dma_start3A_1081 : memref<10240x16xf32, #tpu.memory_space<hbm>>) target(%dma_start3A_1075 : memref<1024x16xf32, #tpu.memory_space<vmem>>) offsets(%dma_start3A_1078 : memref<1024xi32, #tpu.memory_space<vmem>>) semaphore(%arg11 : memref<!tpu.dma_semaphore, #tpu.memory_space<semaphore_mem>>)
    %dma_wait3A_1082 = arith.constant 2 : i32
    %dma_wait3A_1083 = arith.constant 2 : i32
    %dma_wait3A_1084 = arith.constant 0 : i32
    %dma_wait3A_1085 = arith.constant 0 : i32
    %dma_wait3A_1086 = tpu.memref_slice %arg8[%dma_wait3A_1083, %dma_wait3A_1084, %dma_wait3A_1085] : memref<5x1024x16xf32, #tpu.memory_space<vmem>> -> memref<1x1024x16xf32, #tpu.memory_space<vmem>>
    %dma_wait3A_1087 = tpu.memref_squeeze %dma_wait3A_1086 : memref<1x1024x16xf32, #tpu.memory_space<vmem>> -> memref<1024x16xf32, #tpu.memory_space<vmem>>
    %dma_wait3A_1088 = arith.constant 0 : i32
    %dma_wait3A_1089 = tpu.memref_slice %arg6[%dma_wait3A_1082, %dma_wait3A_1088] : memref<10x1024xi32, #tpu.memory_space<vmem>> -> memref<1x1024xi32, #tpu.memory_space<vmem>>
    %dma_wait3A_1090 = tpu.memref_squeeze %dma_wait3A_1089 : memref<1x1024xi32, #tpu.memory_space<vmem>> -> memref<1024xi32, #tpu.memory_space<vmem>>
    %dma_wait3A_1091 = arith.constant 0 : i32
    %dma_wait3A_1092 = arith.constant 0 : i32
    %dma_wait3A_1093 = tpu.memref_slice %arg2[%dma_wait3A_1091, %dma_wait3A_1092] : memref<10240x16xf32, #tpu.memory_space<hbm>> -> memref<10240x16xf32, #tpu.memory_space<hbm>>
    tpu.wait_indirect_dma semaphore(%arg11 : memref<!tpu.dma_semaphore, #tpu.memory_space<semaphore_mem>>) src(%dma_wait3A_1093 : memref<10240x16xf32, #tpu.memory_space<hbm>>) dst(%dma_wait3A_1087 : memref<1024x16xf32, #tpu.memory_space<vmem>>)
    %dma_start3A_1094 = arith.constant 2 : i32
    %dma_start3A_1095 = arith.constant 2 : i32
    %dma_start3A_1096 = arith.constant 0 : i32
    %dma_start3A_1097 = arith.constant 0 : i32
    %dma_start3A_1098 = tpu.memref_slice %arg8[%dma_start3A_1094, %dma_start3A_1096, %dma_start3A_1097] : memref<5x1024x16xf32, #tpu.memory_space<vmem>> -> memref<1x1024x16xf32, #tpu.memory_space<vmem>>
    %dma_start3A_1099 = tpu.memref_squeeze %dma_start3A_1098 : memref<1x1024x16xf32, #tpu.memory_space<vmem>> -> memref<1024x16xf32, #tpu.memory_space<vmem>>
    %dma_start3A_1100 = arith.constant 0 : i32
    %dma_start3A_1101 = tpu.memref_slice %arg7[%dma_start3A_1095, %dma_start3A_1100] : memref<10x1024xi32, #tpu.memory_space<vmem>> -> memref<1x1024xi32, #tpu.memory_space<vmem>>
    %dma_start3A_1102 = tpu.memref_squeeze %dma_start3A_1101 : memref<1x1024xi32, #tpu.memory_space<vmem>> -> memref<1024xi32, #tpu.memory_space<vmem>>
    %dma_start3A_1103 = arith.constant 0 : i32
    %dma_start3A_1104 = arith.constant 0 : i32
    %dma_start3A_1105 = tpu.memref_slice %arg10[%dma_start3A_1103, %dma_start3A_1104] : memref<10240x16xf32, #tpu.memory_space<vmem_shared>> -> memref<10240x16xf32, #tpu.memory_space<vmem_shared>>
    tpu.enqueue_indirect_dma source(%dma_start3A_1099 : memref<1024x16xf32, #tpu.memory_space<vmem>>) target(%dma_start3A_1105 : memref<10240x16xf32, #tpu.memory_space<vmem_shared>>) offsets(%dma_start3A_1102 : memref<1024xi32, #tpu.memory_space<vmem>>) semaphore(%arg12 : memref<!tpu.dma_semaphore, #tpu.memory_space<semaphore_mem>>) {add = true}
    %dma_wait3A_1106 = arith.constant 0 : i32
    %dma_wait3A_1107 = arith.constant 0 : i32
    %dma_wait3A_1108 = arith.constant 0 : i32
    %dma_wait3A_1109 = arith.constant 0 : i32
    %dma_wait3A_1110 = tpu.memref_slice %arg8[%dma_wait3A_1106, %dma_wait3A_1108, %dma_wait3A_1109] : memref<5x1024x16xf32, #tpu.memory_space<vmem>> -> memref<1x1024x16xf32, #tpu.memory_space<vmem>>
    %dma_wait3A_1111 = tpu.memref_squeeze %dma_wait3A_1110 : memref<1x1024x16xf32, #tpu.memory_space<vmem>> -> memref<1024x16xf32, #tpu.memory_space<vmem>>
    %dma_wait3A_1112 = arith.constant 0 : i32
    %dma_wait3A_1113 = tpu.memref_slice %arg7[%dma_wait3A_1107, %dma_wait3A_1112] : memref<10x1024xi32, #tpu.memory_space<vmem>> -> memref<1x1024xi32, #tpu.memory_space<vmem>>
    %dma_wait3A_1114 = tpu.memref_squeeze %dma_wait3A_1113 : memref<1x1024xi32, #tpu.memory_space<vmem>> -> memref<1024xi32, #tpu.memory_space<vmem>>
    %dma_wait3A_1115 = arith.constant 0 : i32
    %dma_wait3A_1116 = arith.constant 0 : i32
    %dma_wait3A_1117 = tpu.memref_slice %arg10[%dma_wait3A_1115, %dma_wait3A_1116] : memref<10240x16xf32, #tpu.memory_space<vmem_shared>> -> memref<10240x16xf32, #tpu.memory_space<vmem_shared>>
    tpu.wait_indirect_dma semaphore(%arg12 : memref<!tpu.dma_semaphore, #tpu.memory_space<semaphore_mem>>) src(%dma_wait3A_1111 : memref<1024x16xf32, #tpu.memory_space<vmem>>) dst(%dma_wait3A_1117 : memref<10240x16xf32, #tpu.memory_space<vmem_shared>>)
    %dma_start3A_1118 = arith.constant 5 : i32
    %dma_start3A_1119 = arith.constant 0 : i32
    %dma_start3A_1120 = arith.constant 0 : i32
    %dma_start3A_1121 = arith.constant 0 : i32
    %dma_start3A_1122 = tpu.memref_slice %arg8[%dma_start3A_1119, %dma_start3A_1120, %dma_start3A_1121] : memref<5x1024x16xf32, #tpu.memory_space<vmem>> -> memref<1x1024x16xf32, #tpu.memory_space<vmem>>
    %dma_start3A_1123 = tpu.memref_squeeze %dma_start3A_1122 : memref<1x1024x16xf32, #tpu.memory_space<vmem>> -> memref<1024x16xf32, #tpu.memory_space<vmem>>
    %dma_start3A_1124 = arith.constant 0 : i32
    %dma_start3A_1125 = tpu.memref_slice %arg6[%dma_start3A_1118, %dma_start3A_1124] : memref<10x1024xi32, #tpu.memory_space<vmem>> -> memref<1x1024xi32, #tpu.memory_space<vmem>>
    %dma_start3A_1126 = tpu.memref_squeeze %dma_start3A_1125 : memref<1x1024xi32, #tpu.memory_space<vmem>> -> memref<1024xi32, #tpu.memory_space<vmem>>
    %dma_start3A_1127 = arith.constant 0 : i32
    %dma_start3A_1128 = arith.constant 0 : i32
    %dma_start3A_1129 = tpu.memref_slice %arg2[%dma_start3A_1127, %dma_start3A_1128] : memref<10240x16xf32, #tpu.memory_space<hbm>> -> memref<10240x16xf32, #tpu.memory_space<hbm>>
    tpu.enqueue_indirect_dma source(%dma_start3A_1129 : memref<10240x16xf32, #tpu.memory_space<hbm>>) target(%dma_start3A_1123 : memref<1024x16xf32, #tpu.memory_space<vmem>>) offsets(%dma_start3A_1126 : memref<1024xi32, #tpu.memory_space<vmem>>) semaphore(%arg11 : memref<!tpu.dma_semaphore, #tpu.memory_space<semaphore_mem>>)
    %dma_wait3A_1130 = arith.constant 3 : i32
    %dma_wait3A_1131 = arith.constant 3 : i32
    %dma_wait3A_1132 = arith.constant 0 : i32
    %dma_wait3A_1133 = arith.constant 0 : i32
    %dma_wait3A_1134 = tpu.memref_slice %arg8[%dma_wait3A_1131, %dma_wait3A_1132, %dma_wait3A_1133] : memref<5x1024x16xf32, #tpu.memory_space<vmem>> -> memref<1x1024x16xf32, #tpu.memory_space<vmem>>
    %dma_wait3A_1135 = tpu.memref_squeeze %dma_wait3A_1134 : memref<1x1024x16xf32, #tpu.memory_space<vmem>> -> memref<1024x16xf32, #tpu.memory_space<vmem>>
    %dma_wait3A_1136 = arith.constant 0 : i32
    %dma_wait3A_1137 = tpu.memref_slice %arg6[%dma_wait3A_1130, %dma_wait3A_1136] : memref<10x1024xi32, #tpu.memory_space<vmem>> -> memref<1x1024xi32, #tpu.memory_space<vmem>>
    %dma_wait3A_1138 = tpu.memref_squeeze %dma_wait3A_1137 : memref<1x1024xi32, #tpu.memory_space<vmem>> -> memref<1024xi32, #tpu.memory_space<vmem>>
    %dma_wait3A_1139 = arith.constant 0 : i32
    %dma_wait3A_1140 = arith.constant 0 : i32
    %dma_wait3A_1141 = tpu.memref_slice %arg2[%dma_wait3A_1139, %dma_wait3A_1140] : memref<10240x16xf32, #tpu.memory_space<hbm>> -> memref<10240x16xf32, #tpu.memory_space<hbm>>
    tpu.wait_indirect_dma semaphore(%arg11 : memref<!tpu.dma_semaphore, #tpu.memory_space<semaphore_mem>>) src(%dma_wait3A_1141 : memref<10240x16xf32, #tpu.memory_space<hbm>>) dst(%dma_wait3A_1135 : memref<1024x16xf32, #tpu.memory_space<vmem>>)
    %dma_start3A_1142 = arith.constant 3 : i32
    %dma_start3A_1143 = arith.constant 3 : i32
    %dma_start3A_1144 = arith.constant 0 : i32
    %dma_start3A_1145 = arith.constant 0 : i32
    %dma_start3A_1146 = tpu.memref_slice %arg8[%dma_start3A_1142, %dma_start3A_1144, %dma_start3A_1145] : memref<5x1024x16xf32, #tpu.memory_space<vmem>> -> memref<1x1024x16xf32, #tpu.memory_space<vmem>>
    %dma_start3A_1147 = tpu.memref_squeeze %dma_start3A_1146 : memref<1x1024x16xf32, #tpu.memory_space<vmem>> -> memref<1024x16xf32, #tpu.memory_space<vmem>>
    %dma_start3A_1148 = arith.constant 0 : i32
    %dma_start3A_1149 = tpu.memref_slice %arg7[%dma_start3A_1143, %dma_start3A_1148] : memref<10x1024xi32, #tpu.memory_space<vmem>> -> memref<1x1024xi32, #tpu.memory_space<vmem>>
    %dma_start3A_1150 = tpu.memref_squeeze %dma_start3A_1149 : memref<1x1024xi32, #tpu.memory_space<vmem>> -> memref<1024xi32, #tpu.memory_space<vmem>>
    %dma_start3A_1151 = arith.constant 0 : i32
    %dma_start3A_1152 = arith.constant 0 : i32
    %dma_start3A_1153 = tpu.memref_slice %arg10[%dma_start3A_1151, %dma_start3A_1152] : memref<10240x16xf32, #tpu.memory_space<vmem_shared>> -> memref<10240x16xf32, #tpu.memory_space<vmem_shared>>
    tpu.enqueue_indirect_dma source(%dma_start3A_1147 : memref<1024x16xf32, #tpu.memory_space<vmem>>) target(%dma_start3A_1153 : memref<10240x16xf32, #tpu.memory_space<vmem_shared>>) offsets(%dma_start3A_1150 : memref<1024xi32, #tpu.memory_space<vmem>>) semaphore(%arg12 : memref<!tpu.dma_semaphore, #tpu.memory_space<semaphore_mem>>) {add = true}
    %dma_wait3A_1154 = arith.constant 1 : i32
    %dma_wait3A_1155 = arith.constant 1 : i32
    %dma_wait3A_1156 = arith.constant 0 : i32
    %dma_wait3A_1157 = arith.constant 0 : i32
    %dma_wait3A_1158 = tpu.memref_slice %arg8[%dma_wait3A_1154, %dma_wait3A_1156, %dma_wait3A_1157] : memref<5x1024x16xf32, #tpu.memory_space<vmem>> -> memref<1x1024x16xf32, #tpu.memory_space<vmem>>
    %dma_wait3A_1159 = tpu.memref_squeeze %dma_wait3A_1158 : memref<1x1024x16xf32, #tpu.memory_space<vmem>> -> memref<1024x16xf32, #tpu.memory_space<vmem>>
    %dma_wait3A_1160 = arith.constant 0 : i32
    %dma_wait3A_1161 = tpu.memref_slice %arg7[%dma_wait3A_1155, %dma_wait3A_1160] : memref<10x1024xi32, #tpu.memory_space<vmem>> -> memref<1x1024xi32, #tpu.memory_space<vmem>>
    %dma_wait3A_1162 = tpu.memref_squeeze %dma_wait3A_1161 : memref<1x1024xi32, #tpu.memory_space<vmem>> -> memref<1024xi32, #tpu.memory_space<vmem>>
    %dma_wait3A_1163 = arith.constant 0 : i32
    %dma_wait3A_1164 = arith.constant 0 : i32
    %dma_wait3A_1165 = tpu.memref_slice %arg10[%dma_wait3A_1163, %dma_wait3A_1164] : memref<10240x16xf32, #tpu.memory_space<vmem_shared>> -> memref<10240x16xf32, #tpu.memory_space<vmem_shared>>
    tpu.wait_indirect_dma semaphore(%arg12 : memref<!tpu.dma_semaphore, #tpu.memory_space<semaphore_mem>>) src(%dma_wait3A_1159 : memref<1024x16xf32, #tpu.memory_space<vmem>>) dst(%dma_wait3A_1165 : memref<10240x16xf32, #tpu.memory_space<vmem_shared>>)
    %dma_start3A_1166 = arith.constant 6 : i32
    %dma_start3A_1167 = arith.constant 1 : i32
    %dma_start3A_1168 = arith.constant 0 : i32
    %dma_start3A_1169 = arith.constant 0 : i32
    %dma_start3A_1170 = tpu.memref_slice %arg8[%dma_start3A_1167, %dma_start3A_1168, %dma_start3A_1169] : memref<5x1024x16xf32, #tpu.memory_space<vmem>> -> memref<1x1024x16xf32, #tpu.memory_space<vmem>>
    %dma_start3A_1171 = tpu.memref_squeeze %dma_start3A_1170 : memref<1x1024x16xf32, #tpu.memory_space<vmem>> -> memref<1024x16xf32, #tpu.memory_space<vmem>>
    %dma_start3A_1172 = arith.constant 0 : i32
    %dma_start3A_1173 = tpu.memref_slice %arg6[%dma_start3A_1166, %dma_start3A_1172] : memref<10x1024xi32, #tpu.memory_space<vmem>> -> memref<1x1024xi32, #tpu.memory_space<vmem>>
    %dma_start3A_1174 = tpu.memref_squeeze %dma_start3A_1173 : memref<1x1024xi32, #tpu.memory_space<vmem>> -> memref<1024xi32, #tpu.memory_space<vmem>>
    %dma_start3A_1175 = arith.constant 0 : i32
    %dma_start3A_1176 = arith.constant 0 : i32
    %dma_start3A_1177 = tpu.memref_slice %arg2[%dma_start3A_1175, %dma_start3A_1176] : memref<10240x16xf32, #tpu.memory_space<hbm>> -> memref<10240x16xf32, #tpu.memory_space<hbm>>
    tpu.enqueue_indirect_dma source(%dma_start3A_1177 : memref<10240x16xf32, #tpu.memory_space<hbm>>) target(%dma_start3A_1171 : memref<1024x16xf32, #tpu.memory_space<vmem>>) offsets(%dma_start3A_1174 : memref<1024xi32, #tpu.memory_space<vmem>>) semaphore(%arg11 : memref<!tpu.dma_semaphore, #tpu.memory_space<semaphore_mem>>)
    %dma_wait3A_1178 = arith.constant 4 : i32
    %dma_wait3A_1179 = arith.constant 4 : i32
    %dma_wait3A_1180 = arith.constant 0 : i32
    %dma_wait3A_1181 = arith.constant 0 : i32
    %dma_wait3A_1182 = tpu.memref_slice %arg8[%dma_wait3A_1179, %dma_wait3A_1180, %dma_wait3A_1181] : memref<5x1024x16xf32, #tpu.memory_space<vmem>> -> memref<1x1024x16xf32, #tpu.memory_space<vmem>>
    %dma_wait3A_1183 = tpu.memref_squeeze %dma_wait3A_1182 : memref<1x1024x16xf32, #tpu.memory_space<vmem>> -> memref<1024x16xf32, #tpu.memory_space<vmem>>
    %dma_wait3A_1184 = arith.constant 0 : i32
    %dma_wait3A_1185 = tpu.memref_slice %arg6[%dma_wait3A_1178, %dma_wait3A_1184] : memref<10x1024xi32, #tpu.memory_space<vmem>> -> memref<1x1024xi32, #tpu.memory_space<vmem>>
    %dma_wait3A_1186 = tpu.memref_squeeze %dma_wait3A_1185 : memref<1x1024xi32, #tpu.memory_space<vmem>> -> memref<1024xi32, #tpu.memory_space<vmem>>
    %dma_wait3A_1187 = arith.constant 0 : i32
    %dma_wait3A_1188 = arith.constant 0 : i32
    %dma_wait3A_1189 = tpu.memref_slice %arg2[%dma_wait3A_1187, %dma_wait3A_1188] : memref<10240x16xf32, #tpu.memory_space<hbm>> -> memref<10240x16xf32, #tpu.memory_space<hbm>>
    tpu.wait_indirect_dma semaphore(%arg11 : memref<!tpu.dma_semaphore, #tpu.memory_space<semaphore_mem>>) src(%dma_wait3A_1189 : memref<10240x16xf32, #tpu.memory_space<hbm>>) dst(%dma_wait3A_1183 : memref<1024x16xf32, #tpu.memory_space<vmem>>)
    %dma_start3A_1190 = arith.constant 4 : i32
    %dma_start3A_1191 = arith.constant 4 : i32
    %dma_start3A_1192 = arith.constant 0 : i32
    %dma_start3A_1193 = arith.constant 0 : i32
    %dma_start3A_1194 = tpu.memref_slice %arg8[%dma_start3A_1190, %dma_start3A_1192, %dma_start3A_1193] : memref<5x1024x16xf32, #tpu.memory_space<vmem>> -> memref<1x1024x16xf32, #tpu.memory_space<vmem>>
    %dma_start3A_1195 = tpu.memref_squeeze %dma_start3A_1194 : memref<1x1024x16xf32, #tpu.memory_space<vmem>> -> memref<1024x16xf32, #tpu.memory_space<vmem>>
    %dma_start3A_1196 = arith.constant 0 : i32
    %dma_start3A_1197 = tpu.memref_slice %arg7[%dma_start3A_1191, %dma_start3A_1196] : memref<10x1024xi32, #tpu.memory_space<vmem>> -> memref<1x1024xi32, #tpu.memory_space<vmem>>
    %dma_start3A_1198 = tpu.memref_squeeze %dma_start3A_1197 : memref<1x1024xi32, #tpu.memory_space<vmem>> -> memref<1024xi32, #tpu.memory_space<vmem>>
    %dma_start3A_1199 = arith.constant 0 : i32
    %dma_start3A_1200 = arith.constant 0 : i32
    %dma_start3A_1201 = tpu.memref_slice %arg10[%dma_start3A_1199, %dma_start3A_1200] : memref<10240x16xf32, #tpu.memory_space<vmem_shared>> -> memref<10240x16xf32, #tpu.memory_space<vmem_shared>>
    tpu.enqueue_indirect_dma source(%dma_start3A_1195 : memref<1024x16xf32, #tpu.memory_space<vmem>>) target(%dma_start3A_1201 : memref<10240x16xf32, #tpu.memory_space<vmem_shared>>) offsets(%dma_start3A_1198 : memref<1024xi32, #tpu.memory_space<vmem>>) semaphore(%arg12 : memref<!tpu.dma_semaphore, #tpu.memory_space<semaphore_mem>>) {add = true}
    %dma_wait3A_1202 = arith.constant 2 : i32
    %dma_wait3A_1203 = arith.constant 2 : i32
    %dma_wait3A_1204 = arith.constant 0 : i32
    %dma_wait3A_1205 = arith.constant 0 : i32
    %dma_wait3A_1206 = tpu.memref_slice %arg8[%dma_wait3A_1202, %dma_wait3A_1204, %dma_wait3A_1205] : memref<5x1024x16xf32, #tpu.memory_space<vmem>> -> memref<1x1024x16xf32, #tpu.memory_space<vmem>>
    %dma_wait3A_1207 = tpu.memref_squeeze %dma_wait3A_1206 : memref<1x1024x16xf32, #tpu.memory_space<vmem>> -> memref<1024x16xf32, #tpu.memory_space<vmem>>
    %dma_wait3A_1208 = arith.constant 0 : i32
    %dma_wait3A_1209 = tpu.memref_slice %arg7[%dma_wait3A_1203, %dma_wait3A_1208] : memref<10x1024xi32, #tpu.memory_space<vmem>> -> memref<1x1024xi32, #tpu.memory_space<vmem>>
    %dma_wait3A_1210 = tpu.memref_squeeze %dma_wait3A_1209 : memref<1x1024xi32, #tpu.memory_space<vmem>> -> memref<1024xi32, #tpu.memory_space<vmem>>
    %dma_wait3A_1211 = arith.constant 0 : i32
    %dma_wait3A_1212 = arith.constant 0 : i32
    %dma_wait3A_1213 = tpu.memref_slice %arg10[%dma_wait3A_1211, %dma_wait3A_1212] : memref<10240x16xf32, #tpu.memory_space<vmem_shared>> -> memref<10240x16xf32, #tpu.memory_space<vmem_shared>>
    tpu.wait_indirect_dma semaphore(%arg12 : memref<!tpu.dma_semaphore, #tpu.memory_space<semaphore_mem>>) src(%dma_wait3A_1207 : memref<1024x16xf32, #tpu.memory_space<vmem>>) dst(%dma_wait3A_1213 : memref<10240x16xf32, #tpu.memory_space<vmem_shared>>)
    %dma_start3A_1214 = arith.constant 7 : i32
    %dma_start3A_1215 = arith.constant 2 : i32
    %dma_start3A_1216 = arith.constant 0 : i32
    %dma_start3A_1217 = arith.constant 0 : i32
    %dma_start3A_1218 = tpu.memref_slice %arg8[%dma_start3A_1215, %dma_start3A_1216, %dma_start3A_1217] : memref<5x1024x16xf32, #tpu.memory_space<vmem>> -> memref<1x1024x16xf32, #tpu.memory_space<vmem>>
    %dma_start3A_1219 = tpu.memref_squeeze %dma_start3A_1218 : memref<1x1024x16xf32, #tpu.memory_space<vmem>> -> memref<1024x16xf32, #tpu.memory_space<vmem>>
    %dma_start3A_1220 = arith.constant 0 : i32
    %dma_start3A_1221 = tpu.memref_slice %arg6[%dma_start3A_1214, %dma_start3A_1220] : memref<10x1024xi32, #tpu.memory_space<vmem>> -> memref<1x1024xi32, #tpu.memory_space<vmem>>
    %dma_start3A_1222 = tpu.memref_squeeze %dma_start3A_1221 : memref<1x1024xi32, #tpu.memory_space<vmem>> -> memref<1024xi32, #tpu.memory_space<vmem>>
    %dma_start3A_1223 = arith.constant 0 : i32
    %dma_start3A_1224 = arith.constant 0 : i32
    %dma_start3A_1225 = tpu.memref_slice %arg2[%dma_start3A_1223, %dma_start3A_1224] : memref<10240x16xf32, #tpu.memory_space<hbm>> -> memref<10240x16xf32, #tpu.memory_space<hbm>>
    tpu.enqueue_indirect_dma source(%dma_start3A_1225 : memref<10240x16xf32, #tpu.memory_space<hbm>>) target(%dma_start3A_1219 : memref<1024x16xf32, #tpu.memory_space<vmem>>) offsets(%dma_start3A_1222 : memref<1024xi32, #tpu.memory_space<vmem>>) semaphore(%arg11 : memref<!tpu.dma_semaphore, #tpu.memory_space<semaphore_mem>>)
    %dma_wait3A_1226 = arith.constant 5 : i32
    %dma_wait3A_1227 = arith.constant 0 : i32
    %dma_wait3A_1228 = arith.constant 0 : i32
    %dma_wait3A_1229 = arith.constant 0 : i32
    %dma_wait3A_1230 = tpu.memref_slice %arg8[%dma_wait3A_1227, %dma_wait3A_1228, %dma_wait3A_1229] : memref<5x1024x16xf32, #tpu.memory_space<vmem>> -> memref<1x1024x16xf32, #tpu.memory_space<vmem>>
    %dma_wait3A_1231 = tpu.memref_squeeze %dma_wait3A_1230 : memref<1x1024x16xf32, #tpu.memory_space<vmem>> -> memref<1024x16xf32, #tpu.memory_space<vmem>>
    %dma_wait3A_1232 = arith.constant 0 : i32
    %dma_wait3A_1233 = tpu.memref_slice %arg6[%dma_wait3A_1226, %dma_wait3A_1232] : memref<10x1024xi32, #tpu.memory_space<vmem>> -> memref<1x1024xi32, #tpu.memory_space<vmem>>
    %dma_wait3A_1234 = tpu.memref_squeeze %dma_wait3A_1233 : memref<1x1024xi32, #tpu.memory_space<vmem>> -> memref<1024xi32, #tpu.memory_space<vmem>>
    %dma_wait3A_1235 = arith.constant 0 : i32
    %dma_wait3A_1236 = arith.constant 0 : i32
    %dma_wait3A_1237 = tpu.memref_slice %arg2[%dma_wait3A_1235, %dma_wait3A_1236] : memref<10240x16xf32, #tpu.memory_space<hbm>> -> memref<10240x16xf32, #tpu.memory_space<hbm>>
    tpu.wait_indirect_dma semaphore(%arg11 : memref<!tpu.dma_semaphore, #tpu.memory_space<semaphore_mem>>) src(%dma_wait3A_1237 : memref<10240x16xf32, #tpu.memory_space<hbm>>) dst(%dma_wait3A_1231 : memref<1024x16xf32, #tpu.memory_space<vmem>>)
    %dma_start3A_1238 = arith.constant 0 : i32
    %dma_start3A_1239 = arith.constant 5 : i32
    %dma_start3A_1240 = arith.constant 0 : i32
    %dma_start3A_1241 = arith.constant 0 : i32
    %dma_start3A_1242 = tpu.memref_slice %arg8[%dma_start3A_1238, %dma_start3A_1240, %dma_start3A_1241] : memref<5x1024x16xf32, #tpu.memory_space<vmem>> -> memref<1x1024x16xf32, #tpu.memory_space<vmem>>
    %dma_start3A_1243 = tpu.memref_squeeze %dma_start3A_1242 : memref<1x1024x16xf32, #tpu.memory_space<vmem>> -> memref<1024x16xf32, #tpu.memory_space<vmem>>
    %dma_start3A_1244 = arith.constant 0 : i32
    %dma_start3A_1245 = tpu.memref_slice %arg7[%dma_start3A_1239, %dma_start3A_1244] : memref<10x1024xi32, #tpu.memory_space<vmem>> -> memref<1x1024xi32, #tpu.memory_space<vmem>>
    %dma_start3A_1246 = tpu.memref_squeeze %dma_start3A_1245 : memref<1x1024xi32, #tpu.memory_space<vmem>> -> memref<1024xi32, #tpu.memory_space<vmem>>
    %dma_start3A_1247 = arith.constant 0 : i32
    %dma_start3A_1248 = arith.constant 0 : i32
    %dma_start3A_1249 = tpu.memref_slice %arg10[%dma_start3A_1247, %dma_start3A_1248] : memref<10240x16xf32, #tpu.memory_space<vmem_shared>> -> memref<10240x16xf32, #tpu.memory_space<vmem_shared>>
    tpu.enqueue_indirect_dma source(%dma_start3A_1243 : memref<1024x16xf32, #tpu.memory_space<vmem>>) target(%dma_start3A_1249 : memref<10240x16xf32, #tpu.memory_space<vmem_shared>>) offsets(%dma_start3A_1246 : memref<1024xi32, #tpu.memory_space<vmem>>) semaphore(%arg12 : memref<!tpu.dma_semaphore, #tpu.memory_space<semaphore_mem>>) {add = true}
    %dma_wait3A_1250 = arith.constant 3 : i32
    %dma_wait3A_1251 = arith.constant 3 : i32
    %dma_wait3A_1252 = arith.constant 0 : i32
    %dma_wait3A_1253 = arith.constant 0 : i32
    %dma_wait3A_1254 = tpu.memref_slice %arg8[%dma_wait3A_1250, %dma_wait3A_1252, %dma_wait3A_1253] : memref<5x1024x16xf32, #tpu.memory_space<vmem>> -> memref<1x1024x16xf32, #tpu.memory_space<vmem>>
    %dma_wait3A_1255 = tpu.memref_squeeze %dma_wait3A_1254 : memref<1x1024x16xf32, #tpu.memory_space<vmem>> -> memref<1024x16xf32, #tpu.memory_space<vmem>>
    %dma_wait3A_1256 = arith.constant 0 : i32
    %dma_wait3A_1257 = tpu.memref_slice %arg7[%dma_wait3A_1251, %dma_wait3A_1256] : memref<10x1024xi32, #tpu.memory_space<vmem>> -> memref<1x1024xi32, #tpu.memory_space<vmem>>
    %dma_wait3A_1258 = tpu.memref_squeeze %dma_wait3A_1257 : memref<1x1024xi32, #tpu.memory_space<vmem>> -> memref<1024xi32, #tpu.memory_space<vmem>>
    %dma_wait3A_1259 = arith.constant 0 : i32
    %dma_wait3A_1260 = arith.constant 0 : i32
    %dma_wait3A_1261 = tpu.memref_slice %arg10[%dma_wait3A_1259, %dma_wait3A_1260] : memref<10240x16xf32, #tpu.memory_space<vmem_shared>> -> memref<10240x16xf32, #tpu.memory_space<vmem_shared>>
    tpu.wait_indirect_dma semaphore(%arg12 : memref<!tpu.dma_semaphore, #tpu.memory_space<semaphore_mem>>) src(%dma_wait3A_1255 : memref<1024x16xf32, #tpu.memory_space<vmem>>) dst(%dma_wait3A_1261 : memref<10240x16xf32, #tpu.memory_space<vmem_shared>>)
    %dma_start3A_1262 = arith.constant 8 : i32
    %dma_start3A_1263 = arith.constant 3 : i32
    %dma_start3A_1264 = arith.constant 0 : i32
    %dma_start3A_1265 = arith.constant 0 : i32
    %dma_start3A_1266 = tpu.memref_slice %arg8[%dma_start3A_1263, %dma_start3A_1264, %dma_start3A_1265] : memref<5x1024x16xf32, #tpu.memory_space<vmem>> -> memref<1x1024x16xf32, #tpu.memory_space<vmem>>
    %dma_start3A_1267 = tpu.memref_squeeze %dma_start3A_1266 : memref<1x1024x16xf32, #tpu.memory_space<vmem>> -> memref<1024x16xf32, #tpu.memory_space<vmem>>
    %dma_start3A_1268 = arith.constant 0 : i32
    %dma_start3A_1269 = tpu.memref_slice %arg6[%dma_start3A_1262, %dma_start3A_1268] : memref<10x1024xi32, #tpu.memory_space<vmem>> -> memref<1x1024xi32, #tpu.memory_space<vmem>>
    %dma_start3A_1270 = tpu.memref_squeeze %dma_start3A_1269 : memref<1x1024xi32, #tpu.memory_space<vmem>> -> memref<1024xi32, #tpu.memory_space<vmem>>
    %dma_start3A_1271 = arith.constant 0 : i32
    %dma_start3A_1272 = arith.constant 0 : i32
    %dma_start3A_1273 = tpu.memref_slice %arg2[%dma_start3A_1271, %dma_start3A_1272] : memref<10240x16xf32, #tpu.memory_space<hbm>> -> memref<10240x16xf32, #tpu.memory_space<hbm>>
    tpu.enqueue_indirect_dma source(%dma_start3A_1273 : memref<10240x16xf32, #tpu.memory_space<hbm>>) target(%dma_start3A_1267 : memref<1024x16xf32, #tpu.memory_space<vmem>>) offsets(%dma_start3A_1270 : memref<1024xi32, #tpu.memory_space<vmem>>) semaphore(%arg11 : memref<!tpu.dma_semaphore, #tpu.memory_space<semaphore_mem>>)
    %dma_wait3A_1274 = arith.constant 6 : i32
    %dma_wait3A_1275 = arith.constant 1 : i32
    %dma_wait3A_1276 = arith.constant 0 : i32
    %dma_wait3A_1277 = arith.constant 0 : i32
    %dma_wait3A_1278 = tpu.memref_slice %arg8[%dma_wait3A_1275, %dma_wait3A_1276, %dma_wait3A_1277] : memref<5x1024x16xf32, #tpu.memory_space<vmem>> -> memref<1x1024x16xf32, #tpu.memory_space<vmem>>
    %dma_wait3A_1279 = tpu.memref_squeeze %dma_wait3A_1278 : memref<1x1024x16xf32, #tpu.memory_space<vmem>> -> memref<1024x16xf32, #tpu.memory_space<vmem>>
    %dma_wait3A_1280 = arith.constant 0 : i32
    %dma_wait3A_1281 = tpu.memref_slice %arg6[%dma_wait3A_1274, %dma_wait3A_1280] : memref<10x1024xi32, #tpu.memory_space<vmem>> -> memref<1x1024xi32, #tpu.memory_space<vmem>>
    %dma_wait3A_1282 = tpu.memref_squeeze %dma_wait3A_1281 : memref<1x1024xi32, #tpu.memory_space<vmem>> -> memref<1024xi32, #tpu.memory_space<vmem>>
    %dma_wait3A_1283 = arith.constant 0 : i32
    %dma_wait3A_1284 = arith.constant 0 : i32
    %dma_wait3A_1285 = tpu.memref_slice %arg2[%dma_wait3A_1283, %dma_wait3A_1284] : memref<10240x16xf32, #tpu.memory_space<hbm>> -> memref<10240x16xf32, #tpu.memory_space<hbm>>
    tpu.wait_indirect_dma semaphore(%arg11 : memref<!tpu.dma_semaphore, #tpu.memory_space<semaphore_mem>>) src(%dma_wait3A_1285 : memref<10240x16xf32, #tpu.memory_space<hbm>>) dst(%dma_wait3A_1279 : memref<1024x16xf32, #tpu.memory_space<vmem>>)
    %dma_start3A_1286 = arith.constant 1 : i32
    %dma_start3A_1287 = arith.constant 6 : i32
    %dma_start3A_1288 = arith.constant 0 : i32
    %dma_start3A_1289 = arith.constant 0 : i32
    %dma_start3A_1290 = tpu.memref_slice %arg8[%dma_start3A_1286, %dma_start3A_1288, %dma_start3A_1289] : memref<5x1024x16xf32, #tpu.memory_space<vmem>> -> memref<1x1024x16xf32, #tpu.memory_space<vmem>>
    %dma_start3A_1291 = tpu.memref_squeeze %dma_start3A_1290 : memref<1x1024x16xf32, #tpu.memory_space<vmem>> -> memref<1024x16xf32, #tpu.memory_space<vmem>>
    %dma_start3A_1292 = arith.constant 0 : i32
    %dma_start3A_1293 = tpu.memref_slice %arg7[%dma_start3A_1287, %dma_start3A_1292] : memref<10x1024xi32, #tpu.memory_space<vmem>> -> memref<1x1024xi32, #tpu.memory_space<vmem>>
    %dma_start3A_1294 = tpu.memref_squeeze %dma_start3A_1293 : memref<1x1024xi32, #tpu.memory_space<vmem>> -> memref<1024xi32, #tpu.memory_space<vmem>>
    %dma_start3A_1295 = arith.constant 0 : i32
    %dma_start3A_1296 = arith.constant 0 : i32
    %dma_start3A_1297 = tpu.memref_slice %arg10[%dma_start3A_1295, %dma_start3A_1296] : memref<10240x16xf32, #tpu.memory_space<vmem_shared>> -> memref<10240x16xf32, #tpu.memory_space<vmem_shared>>
    tpu.enqueue_indirect_dma source(%dma_start3A_1291 : memref<1024x16xf32, #tpu.memory_space<vmem>>) target(%dma_start3A_1297 : memref<10240x16xf32, #tpu.memory_space<vmem_shared>>) offsets(%dma_start3A_1294 : memref<1024xi32, #tpu.memory_space<vmem>>) semaphore(%arg12 : memref<!tpu.dma_semaphore, #tpu.memory_space<semaphore_mem>>) {add = true}
    %dma_wait3A_1298 = arith.constant 4 : i32
    %dma_wait3A_1299 = arith.constant 4 : i32
    %dma_wait3A_1300 = arith.constant 0 : i32
    %dma_wait3A_1301 = arith.constant 0 : i32
    %dma_wait3A_1302 = tpu.memref_slice %arg8[%dma_wait3A_1298, %dma_wait3A_1300, %dma_wait3A_1301] : memref<5x1024x16xf32, #tpu.memory_space<vmem>> -> memref<1x1024x16xf32, #tpu.memory_space<vmem>>
    %dma_wait3A_1303 = tpu.memref_squeeze %dma_wait3A_1302 : memref<1x1024x16xf32, #tpu.memory_space<vmem>> -> memref<1024x16xf32, #tpu.memory_space<vmem>>
    %dma_wait3A_1304 = arith.constant 0 : i32
    %dma_wait3A_1305 = tpu.memref_slice %arg7[%dma_wait3A_1299, %dma_wait3A_1304] : memref<10x1024xi32, #tpu.memory_space<vmem>> -> memref<1x1024xi32, #tpu.memory_space<vmem>>
    %dma_wait3A_1306 = tpu.memref_squeeze %dma_wait3A_1305 : memref<1x1024xi32, #tpu.memory_space<vmem>> -> memref<1024xi32, #tpu.memory_space<vmem>>
    %dma_wait3A_1307 = arith.constant 0 : i32
    %dma_wait3A_1308 = arith.constant 0 : i32
    %dma_wait3A_1309 = tpu.memref_slice %arg10[%dma_wait3A_1307, %dma_wait3A_1308] : memref<10240x16xf32, #tpu.memory_space<vmem_shared>> -> memref<10240x16xf32, #tpu.memory_space<vmem_shared>>
    tpu.wait_indirect_dma semaphore(%arg12 : memref<!tpu.dma_semaphore, #tpu.memory_space<semaphore_mem>>) src(%dma_wait3A_1303 : memref<1024x16xf32, #tpu.memory_space<vmem>>) dst(%dma_wait3A_1309 : memref<10240x16xf32, #tpu.memory_space<vmem_shared>>)
    %dma_start3A_1310 = arith.constant 9 : i32
    %dma_start3A_1311 = arith.constant 4 : i32
    %dma_start3A_1312 = arith.constant 0 : i32
    %dma_start3A_1313 = arith.constant 0 : i32
    %dma_start3A_1314 = tpu.memref_slice %arg8[%dma_start3A_1311, %dma_start3A_1312, %dma_start3A_1313] : memref<5x1024x16xf32, #tpu.memory_space<vmem>> -> memref<1x1024x16xf32, #tpu.memory_space<vmem>>
    %dma_start3A_1315 = tpu.memref_squeeze %dma_start3A_1314 : memref<1x1024x16xf32, #tpu.memory_space<vmem>> -> memref<1024x16xf32, #tpu.memory_space<vmem>>
    %dma_start3A_1316 = arith.constant 0 : i32
    %dma_start3A_1317 = tpu.memref_slice %arg6[%dma_start3A_1310, %dma_start3A_1316] : memref<10x1024xi32, #tpu.memory_space<vmem>> -> memref<1x1024xi32, #tpu.memory_space<vmem>>
    %dma_start3A_1318 = tpu.memref_squeeze %dma_start3A_1317 : memref<1x1024xi32, #tpu.memory_space<vmem>> -> memref<1024xi32, #tpu.memory_space<vmem>>
    %dma_start3A_1319 = arith.constant 0 : i32
    %dma_start3A_1320 = arith.constant 0 : i32
    %dma_start3A_1321 = tpu.memref_slice %arg2[%dma_start3A_1319, %dma_start3A_1320] : memref<10240x16xf32, #tpu.memory_space<hbm>> -> memref<10240x16xf32, #tpu.memory_space<hbm>>
    tpu.enqueue_indirect_dma source(%dma_start3A_1321 : memref<10240x16xf32, #tpu.memory_space<hbm>>) target(%dma_start3A_1315 : memref<1024x16xf32, #tpu.memory_space<vmem>>) offsets(%dma_start3A_1318 : memref<1024xi32, #tpu.memory_space<vmem>>) semaphore(%arg11 : memref<!tpu.dma_semaphore, #tpu.memory_space<semaphore_mem>>)
    %dma_wait3A_1322 = arith.constant 7 : i32
    %dma_wait3A_1323 = arith.constant 2 : i32
    %dma_wait3A_1324 = arith.constant 0 : i32
    %dma_wait3A_1325 = arith.constant 0 : i32
    %dma_wait3A_1326 = tpu.memref_slice %arg8[%dma_wait3A_1323, %dma_wait3A_1324, %dma_wait3A_1325] : memref<5x1024x16xf32, #tpu.memory_space<vmem>> -> memref<1x1024x16xf32, #tpu.memory_space<vmem>>
    %dma_wait3A_1327 = tpu.memref_squeeze %dma_wait3A_1326 : memref<1x1024x16xf32, #tpu.memory_space<vmem>> -> memref<1024x16xf32, #tpu.memory_space<vmem>>
    %dma_wait3A_1328 = arith.constant 0 : i32
    %dma_wait3A_1329 = tpu.memref_slice %arg6[%dma_wait3A_1322, %dma_wait3A_1328] : memref<10x1024xi32, #tpu.memory_space<vmem>> -> memref<1x1024xi32, #tpu.memory_space<vmem>>
    %dma_wait3A_1330 = tpu.memref_squeeze %dma_wait3A_1329 : memref<1x1024xi32, #tpu.memory_space<vmem>> -> memref<1024xi32, #tpu.memory_space<vmem>>
    %dma_wait3A_1331 = arith.constant 0 : i32
    %dma_wait3A_1332 = arith.constant 0 : i32
    %dma_wait3A_1333 = tpu.memref_slice %arg2[%dma_wait3A_1331, %dma_wait3A_1332] : memref<10240x16xf32, #tpu.memory_space<hbm>> -> memref<10240x16xf32, #tpu.memory_space<hbm>>
    tpu.wait_indirect_dma semaphore(%arg11 : memref<!tpu.dma_semaphore, #tpu.memory_space<semaphore_mem>>) src(%dma_wait3A_1333 : memref<10240x16xf32, #tpu.memory_space<hbm>>) dst(%dma_wait3A_1327 : memref<1024x16xf32, #tpu.memory_space<vmem>>)
    %dma_start3A_1334 = arith.constant 2 : i32
    %dma_start3A_1335 = arith.constant 7 : i32
    %dma_start3A_1336 = arith.constant 0 : i32
    %dma_start3A_1337 = arith.constant 0 : i32
    %dma_start3A_1338 = tpu.memref_slice %arg8[%dma_start3A_1334, %dma_start3A_1336, %dma_start3A_1337] : memref<5x1024x16xf32, #tpu.memory_space<vmem>> -> memref<1x1024x16xf32, #tpu.memory_space<vmem>>
    %dma_start3A_1339 = tpu.memref_squeeze %dma_start3A_1338 : memref<1x1024x16xf32, #tpu.memory_space<vmem>> -> memref<1024x16xf32, #tpu.memory_space<vmem>>
    %dma_start3A_1340 = arith.constant 0 : i32
    %dma_start3A_1341 = tpu.memref_slice %arg7[%dma_start3A_1335, %dma_start3A_1340] : memref<10x1024xi32, #tpu.memory_space<vmem>> -> memref<1x1024xi32, #tpu.memory_space<vmem>>
    %dma_start3A_1342 = tpu.memref_squeeze %dma_start3A_1341 : memref<1x1024xi32, #tpu.memory_space<vmem>> -> memref<1024xi32, #tpu.memory_space<vmem>>
    %dma_start3A_1343 = arith.constant 0 : i32
    %dma_start3A_1344 = arith.constant 0 : i32
    %dma_start3A_1345 = tpu.memref_slice %arg10[%dma_start3A_1343, %dma_start3A_1344] : memref<10240x16xf32, #tpu.memory_space<vmem_shared>> -> memref<10240x16xf32, #tpu.memory_space<vmem_shared>>
    tpu.enqueue_indirect_dma source(%dma_start3A_1339 : memref<1024x16xf32, #tpu.memory_space<vmem>>) target(%dma_start3A_1345 : memref<10240x16xf32, #tpu.memory_space<vmem_shared>>) offsets(%dma_start3A_1342 : memref<1024xi32, #tpu.memory_space<vmem>>) semaphore(%arg12 : memref<!tpu.dma_semaphore, #tpu.memory_space<semaphore_mem>>) {add = true}
    %dma_wait3A_1346 = arith.constant 8 : i32
    %dma_wait3A_1347 = arith.constant 3 : i32
    %dma_wait3A_1348 = arith.constant 0 : i32
    %dma_wait3A_1349 = arith.constant 0 : i32
    %dma_wait3A_1350 = tpu.memref_slice %arg8[%dma_wait3A_1347, %dma_wait3A_1348, %dma_wait3A_1349] : memref<5x1024x16xf32, #tpu.memory_space<vmem>> -> memref<1x1024x16xf32, #tpu.memory_space<vmem>>
    %dma_wait3A_1351 = tpu.memref_squeeze %dma_wait3A_1350 : memref<1x1024x16xf32, #tpu.memory_space<vmem>> -> memref<1024x16xf32, #tpu.memory_space<vmem>>
    %dma_wait3A_1352 = arith.constant 0 : i32
    %dma_wait3A_1353 = tpu.memref_slice %arg6[%dma_wait3A_1346, %dma_wait3A_1352] : memref<10x1024xi32, #tpu.memory_space<vmem>> -> memref<1x1024xi32, #tpu.memory_space<vmem>>
    %dma_wait3A_1354 = tpu.memref_squeeze %dma_wait3A_1353 : memref<1x1024xi32, #tpu.memory_space<vmem>> -> memref<1024xi32, #tpu.memory_space<vmem>>
    %dma_wait3A_1355 = arith.constant 0 : i32
    %dma_wait3A_1356 = arith.constant 0 : i32
    %dma_wait3A_1357 = tpu.memref_slice %arg2[%dma_wait3A_1355, %dma_wait3A_1356] : memref<10240x16xf32, #tpu.memory_space<hbm>> -> memref<10240x16xf32, #tpu.memory_space<hbm>>
    tpu.wait_indirect_dma semaphore(%arg11 : memref<!tpu.dma_semaphore, #tpu.memory_space<semaphore_mem>>) src(%dma_wait3A_1357 : memref<10240x16xf32, #tpu.memory_space<hbm>>) dst(%dma_wait3A_1351 : memref<1024x16xf32, #tpu.memory_space<vmem>>)
    %dma_start3A_1358 = arith.constant 3 : i32
    %dma_start3A_1359 = arith.constant 8 : i32
    %dma_start3A_1360 = arith.constant 0 : i32
    %dma_start3A_1361 = arith.constant 0 : i32
    %dma_start3A_1362 = tpu.memref_slice %arg8[%dma_start3A_1358, %dma_start3A_1360, %dma_start3A_1361] : memref<5x1024x16xf32, #tpu.memory_space<vmem>> -> memref<1x1024x16xf32, #tpu.memory_space<vmem>>
    %dma_start3A_1363 = tpu.memref_squeeze %dma_start3A_1362 : memref<1x1024x16xf32, #tpu.memory_space<vmem>> -> memref<1024x16xf32, #tpu.memory_space<vmem>>
    %dma_start3A_1364 = arith.constant 0 : i32
    %dma_start3A_1365 = tpu.memref_slice %arg7[%dma_start3A_1359, %dma_start3A_1364] : memref<10x1024xi32, #tpu.memory_space<vmem>> -> memref<1x1024xi32, #tpu.memory_space<vmem>>
    %dma_start3A_1366 = tpu.memref_squeeze %dma_start3A_1365 : memref<1x1024xi32, #tpu.memory_space<vmem>> -> memref<1024xi32, #tpu.memory_space<vmem>>
    %dma_start3A_1367 = arith.constant 0 : i32
    %dma_start3A_1368 = arith.constant 0 : i32
    %dma_start3A_1369 = tpu.memref_slice %arg10[%dma_start3A_1367, %dma_start3A_1368] : memref<10240x16xf32, #tpu.memory_space<vmem_shared>> -> memref<10240x16xf32, #tpu.memory_space<vmem_shared>>
    tpu.enqueue_indirect_dma source(%dma_start3A_1363 : memref<1024x16xf32, #tpu.memory_space<vmem>>) target(%dma_start3A_1369 : memref<10240x16xf32, #tpu.memory_space<vmem_shared>>) offsets(%dma_start3A_1366 : memref<1024xi32, #tpu.memory_space<vmem>>) semaphore(%arg12 : memref<!tpu.dma_semaphore, #tpu.memory_space<semaphore_mem>>) {add = true}
    %dma_wait3A_1370 = arith.constant 9 : i32
    %dma_wait3A_1371 = arith.constant 4 : i32
    %dma_wait3A_1372 = arith.constant 0 : i32
    %dma_wait3A_1373 = arith.constant 0 : i32
    %dma_wait3A_1374 = tpu.memref_slice %arg8[%dma_wait3A_1371, %dma_wait3A_1372, %dma_wait3A_1373] : memref<5x1024x16xf32, #tpu.memory_space<vmem>> -> memref<1x1024x16xf32, #tpu.memory_space<vmem>>
    %dma_wait3A_1375 = tpu.memref_squeeze %dma_wait3A_1374 : memref<1x1024x16xf32, #tpu.memory_space<vmem>> -> memref<1024x16xf32, #tpu.memory_space<vmem>>
    %dma_wait3A_1376 = arith.constant 0 : i32
    %dma_wait3A_1377 = tpu.memref_slice %arg6[%dma_wait3A_1370, %dma_wait3A_1376] : memref<10x1024xi32, #tpu.memory_space<vmem>> -> memref<1x1024xi32, #tpu.memory_space<vmem>>
    %dma_wait3A_1378 = tpu.memref_squeeze %dma_wait3A_1377 : memref<1x1024xi32, #tpu.memory_space<vmem>> -> memref<1024xi32, #tpu.memory_space<vmem>>
    %dma_wait3A_1379 = arith.constant 0 : i32
    %dma_wait3A_1380 = arith.constant 0 : i32
    %dma_wait3A_1381 = tpu.memref_slice %arg2[%dma_wait3A_1379, %dma_wait3A_1380] : memref<10240x16xf32, #tpu.memory_space<hbm>> -> memref<10240x16xf32, #tpu.memory_space<hbm>>
    tpu.wait_indirect_dma semaphore(%arg11 : memref<!tpu.dma_semaphore, #tpu.memory_space<semaphore_mem>>) src(%dma_wait3A_1381 : memref<10240x16xf32, #tpu.memory_space<hbm>>) dst(%dma_wait3A_1375 : memref<1024x16xf32, #tpu.memory_space<vmem>>)
    %dma_start3A_1382 = arith.constant 4 : i32
    %dma_start3A_1383 = arith.constant 9 : i32
    %dma_start3A_1384 = arith.constant 0 : i32
    %dma_start3A_1385 = arith.constant 0 : i32
    %dma_start3A_1386 = tpu.memref_slice %arg8[%dma_start3A_1382, %dma_start3A_1384, %dma_start3A_1385] : memref<5x1024x16xf32, #tpu.memory_space<vmem>> -> memref<1x1024x16xf32, #tpu.memory_space<vmem>>
    %dma_start3A_1387 = tpu.memref_squeeze %dma_start3A_1386 : memref<1x1024x16xf32, #tpu.memory_space<vmem>> -> memref<1024x16xf32, #tpu.memory_space<vmem>>
    %dma_start3A_1388 = arith.constant 0 : i32
    %dma_start3A_1389 = tpu.memref_slice %arg7[%dma_start3A_1383, %dma_start3A_1388] : memref<10x1024xi32, #tpu.memory_space<vmem>> -> memref<1x1024xi32, #tpu.memory_space<vmem>>
    %dma_start3A_1390 = tpu.memref_squeeze %dma_start3A_1389 : memref<1x1024xi32, #tpu.memory_space<vmem>> -> memref<1024xi32, #tpu.memory_space<vmem>>
    %dma_start3A_1391 = arith.constant 0 : i32
    %dma_start3A_1392 = arith.constant 0 : i32
    %dma_start3A_1393 = tpu.memref_slice %arg10[%dma_start3A_1391, %dma_start3A_1392] : memref<10240x16xf32, #tpu.memory_space<vmem_shared>> -> memref<10240x16xf32, #tpu.memory_space<vmem_shared>>
    tpu.enqueue_indirect_dma source(%dma_start3A_1387 : memref<1024x16xf32, #tpu.memory_space<vmem>>) target(%dma_start3A_1393 : memref<10240x16xf32, #tpu.memory_space<vmem_shared>>) offsets(%dma_start3A_1390 : memref<1024xi32, #tpu.memory_space<vmem>>) semaphore(%arg12 : memref<!tpu.dma_semaphore, #tpu.memory_space<semaphore_mem>>) {add = true}
    %dma_wait3A_1394 = arith.constant 0 : i32
    %dma_wait3A_1395 = arith.constant 5 : i32
    %dma_wait3A_1396 = arith.constant 0 : i32
    %dma_wait3A_1397 = arith.constant 0 : i32
    %dma_wait3A_1398 = tpu.memref_slice %arg8[%dma_wait3A_1394, %dma_wait3A_1396, %dma_wait3A_1397] : memref<5x1024x16xf32, #tpu.memory_space<vmem>> -> memref<1x1024x16xf32, #tpu.memory_space<vmem>>
    %dma_wait3A_1399 = tpu.memref_squeeze %dma_wait3A_1398 : memref<1x1024x16xf32, #tpu.memory_space<vmem>> -> memref<1024x16xf32, #tpu.memory_space<vmem>>
    %dma_wait3A_1400 = arith.constant 0 : i32
    %dma_wait3A_1401 = tpu.memref_slice %arg7[%dma_wait3A_1395, %dma_wait3A_1400] : memref<10x1024xi32, #tpu.memory_space<vmem>> -> memref<1x1024xi32, #tpu.memory_space<vmem>>
    %dma_wait3A_1402 = tpu.memref_squeeze %dma_wait3A_1401 : memref<1x1024xi32, #tpu.memory_space<vmem>> -> memref<1024xi32, #tpu.memory_space<vmem>>
    %dma_wait3A_1403 = arith.constant 0 : i32
    %dma_wait3A_1404 = arith.constant 0 : i32
    %dma_wait3A_1405 = tpu.memref_slice %arg10[%dma_wait3A_1403, %dma_wait3A_1404] : memref<10240x16xf32, #tpu.memory_space<vmem_shared>> -> memref<10240x16xf32, #tpu.memory_space<vmem_shared>>
    tpu.wait_indirect_dma semaphore(%arg12 : memref<!tpu.dma_semaphore, #tpu.memory_space<semaphore_mem>>) src(%dma_wait3A_1399 : memref<1024x16xf32, #tpu.memory_space<vmem>>) dst(%dma_wait3A_1405 : memref<10240x16xf32, #tpu.memory_space<vmem_shared>>)
    %dma_wait3A_1406 = arith.constant 1 : i32
    %dma_wait3A_1407 = arith.constant 6 : i32
    %dma_wait3A_1408 = arith.constant 0 : i32
    %dma_wait3A_1409 = arith.constant 0 : i32
    %dma_wait3A_1410 = tpu.memref_slice %arg8[%dma_wait3A_1406, %dma_wait3A_1408, %dma_wait3A_1409] : memref<5x1024x16xf32, #tpu.memory_space<vmem>> -> memref<1x1024x16xf32, #tpu.memory_space<vmem>>
    %dma_wait3A_1411 = tpu.memref_squeeze %dma_wait3A_1410 : memref<1x1024x16xf32, #tpu.memory_space<vmem>> -> memref<1024x16xf32, #tpu.memory_space<vmem>>
    %dma_wait3A_1412 = arith.constant 0 : i32
    %dma_wait3A_1413 = tpu.memref_slice %arg7[%dma_wait3A_1407, %dma_wait3A_1412] : memref<10x1024xi32, #tpu.memory_space<vmem>> -> memref<1x1024xi32, #tpu.memory_space<vmem>>
    %dma_wait3A_1414 = tpu.memref_squeeze %dma_wait3A_1413 : memref<1x1024xi32, #tpu.memory_space<vmem>> -> memref<1024xi32, #tpu.memory_space<vmem>>
    %dma_wait3A_1415 = arith.constant 0 : i32
    %dma_wait3A_1416 = arith.constant 0 : i32
    %dma_wait3A_1417 = tpu.memref_slice %arg10[%dma_wait3A_1415, %dma_wait3A_1416] : memref<10240x16xf32, #tpu.memory_space<vmem_shared>> -> memref<10240x16xf32, #tpu.memory_space<vmem_shared>>
    tpu.wait_indirect_dma semaphore(%arg12 : memref<!tpu.dma_semaphore, #tpu.memory_space<semaphore_mem>>) src(%dma_wait3A_1411 : memref<1024x16xf32, #tpu.memory_space<vmem>>) dst(%dma_wait3A_1417 : memref<10240x16xf32, #tpu.memory_space<vmem_shared>>)
    %dma_wait3A_1418 = arith.constant 2 : i32
    %dma_wait3A_1419 = arith.constant 7 : i32
    %dma_wait3A_1420 = arith.constant 0 : i32
    %dma_wait3A_1421 = arith.constant 0 : i32
    %dma_wait3A_1422 = tpu.memref_slice %arg8[%dma_wait3A_1418, %dma_wait3A_1420, %dma_wait3A_1421] : memref<5x1024x16xf32, #tpu.memory_space<vmem>> -> memref<1x1024x16xf32, #tpu.memory_space<vmem>>
    %dma_wait3A_1423 = tpu.memref_squeeze %dma_wait3A_1422 : memref<1x1024x16xf32, #tpu.memory_space<vmem>> -> memref<1024x16xf32, #tpu.memory_space<vmem>>
    %dma_wait3A_1424 = arith.constant 0 : i32
    %dma_wait3A_1425 = tpu.memref_slice %arg7[%dma_wait3A_1419, %dma_wait3A_1424] : memref<10x1024xi32, #tpu.memory_space<vmem>> -> memref<1x1024xi32, #tpu.memory_space<vmem>>
    %dma_wait3A_1426 = tpu.memref_squeeze %dma_wait3A_1425 : memref<1x1024xi32, #tpu.memory_space<vmem>> -> memref<1024xi32, #tpu.memory_space<vmem>>
    %dma_wait3A_1427 = arith.constant 0 : i32
    %dma_wait3A_1428 = arith.constant 0 : i32
    %dma_wait3A_1429 = tpu.memref_slice %arg10[%dma_wait3A_1427, %dma_wait3A_1428] : memref<10240x16xf32, #tpu.memory_space<vmem_shared>> -> memref<10240x16xf32, #tpu.memory_space<vmem_shared>>
    tpu.wait_indirect_dma semaphore(%arg12 : memref<!tpu.dma_semaphore, #tpu.memory_space<semaphore_mem>>) src(%dma_wait3A_1423 : memref<1024x16xf32, #tpu.memory_space<vmem>>) dst(%dma_wait3A_1429 : memref<10240x16xf32, #tpu.memory_space<vmem_shared>>)
    %dma_wait3A_1430 = arith.constant 3 : i32
    %dma_wait3A_1431 = arith.constant 8 : i32
    %dma_wait3A_1432 = arith.constant 0 : i32
    %dma_wait3A_1433 = arith.constant 0 : i32
    %dma_wait3A_1434 = tpu.memref_slice %arg8[%dma_wait3A_1430, %dma_wait3A_1432, %dma_wait3A_1433] : memref<5x1024x16xf32, #tpu.memory_space<vmem>> -> memref<1x1024x16xf32, #tpu.memory_space<vmem>>
    %dma_wait3A_1435 = tpu.memref_squeeze %dma_wait3A_1434 : memref<1x1024x16xf32, #tpu.memory_space<vmem>> -> memref<1024x16xf32, #tpu.memory_space<vmem>>
    %dma_wait3A_1436 = arith.constant 0 : i32
    %dma_wait3A_1437 = tpu.memref_slice %arg7[%dma_wait3A_1431, %dma_wait3A_1436] : memref<10x1024xi32, #tpu.memory_space<vmem>> -> memref<1x1024xi32, #tpu.memory_space<vmem>>
    %dma_wait3A_1438 = tpu.memref_squeeze %dma_wait3A_1437 : memref<1x1024xi32, #tpu.memory_space<vmem>> -> memref<1024xi32, #tpu.memory_space<vmem>>
    %dma_wait3A_1439 = arith.constant 0 : i32
    %dma_wait3A_1440 = arith.constant 0 : i32
    %dma_wait3A_1441 = tpu.memref_slice %arg10[%dma_wait3A_1439, %dma_wait3A_1440] : memref<10240x16xf32, #tpu.memory_space<vmem_shared>> -> memref<10240x16xf32, #tpu.memory_space<vmem_shared>>
    tpu.wait_indirect_dma semaphore(%arg12 : memref<!tpu.dma_semaphore, #tpu.memory_space<semaphore_mem>>) src(%dma_wait3A_1435 : memref<1024x16xf32, #tpu.memory_space<vmem>>) dst(%dma_wait3A_1441 : memref<10240x16xf32, #tpu.memory_space<vmem_shared>>)
    %dma_wait3A_1442 = arith.constant 4 : i32
    %dma_wait3A_1443 = arith.constant 9 : i32
    %dma_wait3A_1444 = arith.constant 0 : i32
    %dma_wait3A_1445 = arith.constant 0 : i32
    %dma_wait3A_1446 = tpu.memref_slice %arg8[%dma_wait3A_1442, %dma_wait3A_1444, %dma_wait3A_1445] : memref<5x1024x16xf32, #tpu.memory_space<vmem>> -> memref<1x1024x16xf32, #tpu.memory_space<vmem>>
    %dma_wait3A_1447 = tpu.memref_squeeze %dma_wait3A_1446 : memref<1x1024x16xf32, #tpu.memory_space<vmem>> -> memref<1024x16xf32, #tpu.memory_space<vmem>>
    %dma_wait3A_1448 = arith.constant 0 : i32
    %dma_wait3A_1449 = tpu.memref_slice %arg7[%dma_wait3A_1443, %dma_wait3A_1448] : memref<10x1024xi32, #tpu.memory_space<vmem>> -> memref<1x1024xi32, #tpu.memory_space<vmem>>
    %dma_wait3A_1450 = tpu.memref_squeeze %dma_wait3A_1449 : memref<1x1024xi32, #tpu.memory_space<vmem>> -> memref<1024xi32, #tpu.memory_space<vmem>>
    %dma_wait3A_1451 = arith.constant 0 : i32
    %dma_wait3A_1452 = arith.constant 0 : i32
    %dma_wait3A_1453 = tpu.memref_slice %arg10[%dma_wait3A_1451, %dma_wait3A_1452] : memref<10240x16xf32, #tpu.memory_space<vmem_shared>> -> memref<10240x16xf32, #tpu.memory_space<vmem_shared>>
    tpu.wait_indirect_dma semaphore(%arg12 : memref<!tpu.dma_semaphore, #tpu.memory_space<semaphore_mem>>) src(%dma_wait3A_1447 : memref<1024x16xf32, #tpu.memory_space<vmem>>) dst(%dma_wait3A_1453 : memref<10240x16xf32, #tpu.memory_space<vmem_shared>>)
    %barrier3A_1454 = arith.constant 0 : index
    tpu.barrier barrier_id(%barrier3A_1454)
    "tpu.region"() ({
      %run_scoped3A = tpu.sem_alloc : memref<!tpu.dma_semaphore, #tpu.memory_space<semaphore_mem>>
      %dma_start3A_1455 = arith.constant 0 : i32
      %dma_start3A_1456 = tpu.memref_slice %arg5[%arg0, %mul3A_2, %dma_start3A_1455] : memref<2x10240x16xf32, #tpu.memory_space<hbm>> -> memref<1x640x16xf32, #tpu.memory_space<hbm>>
      %dma_start3A_1457 = tpu.memref_squeeze %dma_start3A_1456 : memref<1x640x16xf32, #tpu.memory_space<hbm>> -> memref<640x16xf32, #tpu.memory_space<hbm>>
      %dma_start3A_1458 = arith.constant 0 : i32
      %dma_start3A_1459 = tpu.memref_slice %arg10[%mul3A_2, %dma_start3A_1458] : memref<10240x16xf32, #tpu.memory_space<vmem_shared>> -> memref<640x16xf32, #tpu.memory_space<vmem_shared>>
      tpu.enqueue_dma source(%dma_start3A_1459 : memref<640x16xf32, #tpu.memory_space<vmem_shared>>) target(%dma_start3A_1457 : memref<640x16xf32, #tpu.memory_space<hbm>>) target_semaphore(%run_scoped3A : memref<!tpu.dma_semaphore, #tpu.memory_space<semaphore_mem>>)
      %dma_wait3A_1460 = arith.constant 0 : i32
      %dma_wait3A_1461 = tpu.memref_slice %arg5[%arg0, %mul3A_2, %dma_wait3A_1460] : memref<2x10240x16xf32, #tpu.memory_space<hbm>> -> memref<1x640x16xf32, #tpu.memory_space<hbm>>
      %dma_wait3A_1462 = tpu.memref_squeeze %dma_wait3A_1461 : memref<1x640x16xf32, #tpu.memory_space<hbm>> -> memref<640x16xf32, #tpu.memory_space<hbm>>
      %dma_wait3A_1463 = arith.constant 0 : i32
      %dma_wait3A_1464 = tpu.memref_slice %arg10[%mul3A_2, %dma_wait3A_1463] : memref<10240x16xf32, #tpu.memory_space<vmem_shared>> -> memref<640x16xf32, #tpu.memory_space<vmem_shared>>
      tpu.wait_dma2 semaphore(%run_scoped3A : memref<!tpu.dma_semaphore, #tpu.memory_space<semaphore_mem>>) src(%dma_wait3A_1464 : memref<640x16xf32, #tpu.memory_space<vmem_shared>>) dst(%dma_wait3A_1462 : memref<640x16xf32, #tpu.memory_space<hbm>>)
      tpu.yield
    }) : () -> ()
    return
  }
}

#map = affine_map<(d0, d1) -> (0, 0)>
module attributes {stable_mosaic.version = 14 : i64} {
  func.func @deg_k(%arg0: i32, %arg1: i32, %arg2: memref<2x320000xi32, #tpu.memory_space<hbm>>, %arg3: memref<2x10240xf32, #tpu.memory_space<hbm>>, %arg4: memref<10x1024xi32, #tpu.memory_space<vmem>>, %arg5: memref<1024xf32, #tpu.memory_space<vmem>>, %arg6: memref<640xf32, #tpu.memory_space<vmem>>, %arg7: memref<10240xf32, #tpu.memory_space<vmem_shared>>, %arg8: memref<!tpu.dma_semaphore, #tpu.memory_space<semaphore_mem>>, %arg9: memref<!tpu.dma_semaphore, #tpu.memory_space<semaphore_mem>>) attributes {dimension_semantics = [#tpu.dimension_semantics<core_parallel>, #tpu.dimension_semantics<subcore_parallel>], iteration_bounds = array<i64: 2, 16>, scalar_prefetch = 0 : i64, scratch_operands = 6 : i64, tpu.core_type = #tpu.core_type<sc_vector_subcore>, window_params = [{transform_indices = #map}, {transform_indices = #map}]} {
    %mul3A = arith.constant 16 : i32
    %mul3A_0 = arith.muli %arg0, %mul3A : i32
    %add3A = arith.addi %mul3A_0, %arg1 : i32
    %mul3A_1 = arith.constant 640 : i32
    %mul3A_2 = arith.muli %arg1, %mul3A_1 : i32
    %broadcast_in_dim3A = arith.constant 1.000000e+00 : f32
    %broadcast_in_dim3A_3 = vector.broadcast %broadcast_in_dim3A : f32 to vector<16xf32>
    %broadcast_in_dim3A_4 = arith.constant 0.000000e+00 : f32
    %broadcast_in_dim3A_5 = vector.broadcast %broadcast_in_dim3A_4 : f32 to vector<16xf32>
    %mul3A_6 = arith.constant 10000 : i32
    %mul3A_7 = arith.muli %add3A, %mul3A_6 : i32
    %add3A_8 = arith.constant 0 : i32
    %add3A_9 = arith.addi %mul3A_7, %add3A_8 : i32
    %dma_start3A = arith.constant 1 : i32
    %dma_start3A_10 = arith.constant 0 : i32
    %dma_start3A_11 = arith.constant 0 : i32
    %dma_start3A_12 = tpu.memref_slice %arg4[%dma_start3A_10, %dma_start3A_11] : memref<10x1024xi32, #tpu.memory_space<vmem>> -> memref<1x1024xi32, #tpu.memory_space<vmem>>
    %dma_start3A_13 = tpu.memref_squeeze %dma_start3A_12 : memref<1x1024xi32, #tpu.memory_space<vmem>> -> memref<1024xi32, #tpu.memory_space<vmem>>
    %dma_start3A_14 = tpu.memref_slice %arg2[%dma_start3A, %add3A_9] : memref<2x320000xi32, #tpu.memory_space<hbm>> -> memref<1x1024xi32, #tpu.memory_space<hbm>>
    %dma_start3A_15 = tpu.memref_squeeze %dma_start3A_14 : memref<1x1024xi32, #tpu.memory_space<hbm>> -> memref<1024xi32, #tpu.memory_space<hbm>>
    %dma_start3A_16 = arith.constant 0 : i32
    %dma_start3A_17 = tpu.memref_slice %arg4[%dma_start3A_10, %dma_start3A_16] : memref<10x1024xi32, #tpu.memory_space<vmem>> -> memref<1x1024xi32, #tpu.memory_space<vmem>>
    %dma_start3A_18 = tpu.memref_squeeze %dma_start3A_17 : memref<1x1024xi32, #tpu.memory_space<vmem>> -> memref<1024xi32, #tpu.memory_space<vmem>>
    %dma_start3A_19 = tpu.memref_slice %arg2[%dma_start3A, %add3A_9] : memref<2x320000xi32, #tpu.memory_space<hbm>> -> memref<1x1024xi32, #tpu.memory_space<hbm>>
    %dma_start3A_20 = tpu.memref_squeeze %dma_start3A_19 : memref<1x1024xi32, #tpu.memory_space<hbm>> -> memref<1024xi32, #tpu.memory_space<hbm>>
    tpu.enqueue_dma source(%dma_start3A_20 : memref<1024xi32, #tpu.memory_space<hbm>>) target(%dma_start3A_18 : memref<1024xi32, #tpu.memory_space<vmem>>) target_semaphore(%arg9 : memref<!tpu.dma_semaphore, #tpu.memory_space<semaphore_mem>>)
    %add3A_21 = arith.constant 1024 : i32
    %add3A_22 = arith.addi %mul3A_7, %add3A_21 : i32
    %dma_start3A_23 = arith.constant 1 : i32
    %dma_start3A_24 = arith.constant 1 : i32
    %dma_start3A_25 = arith.constant 0 : i32
    %dma_start3A_26 = tpu.memref_slice %arg4[%dma_start3A_24, %dma_start3A_25] : memref<10x1024xi32, #tpu.memory_space<vmem>> -> memref<1x1024xi32, #tpu.memory_space<vmem>>
    %dma_start3A_27 = tpu.memref_squeeze %dma_start3A_26 : memref<1x1024xi32, #tpu.memory_space<vmem>> -> memref<1024xi32, #tpu.memory_space<vmem>>
    %dma_start3A_28 = tpu.memref_slice %arg2[%dma_start3A_23, %add3A_22] : memref<2x320000xi32, #tpu.memory_space<hbm>> -> memref<1x1024xi32, #tpu.memory_space<hbm>>
    %dma_start3A_29 = tpu.memref_squeeze %dma_start3A_28 : memref<1x1024xi32, #tpu.memory_space<hbm>> -> memref<1024xi32, #tpu.memory_space<hbm>>
    %dma_start3A_30 = arith.constant 0 : i32
    %dma_start3A_31 = tpu.memref_slice %arg4[%dma_start3A_24, %dma_start3A_30] : memref<10x1024xi32, #tpu.memory_space<vmem>> -> memref<1x1024xi32, #tpu.memory_space<vmem>>
    %dma_start3A_32 = tpu.memref_squeeze %dma_start3A_31 : memref<1x1024xi32, #tpu.memory_space<vmem>> -> memref<1024xi32, #tpu.memory_space<vmem>>
    %dma_start3A_33 = tpu.memref_slice %arg2[%dma_start3A_23, %add3A_22] : memref<2x320000xi32, #tpu.memory_space<hbm>> -> memref<1x1024xi32, #tpu.memory_space<hbm>>
    %dma_start3A_34 = tpu.memref_squeeze %dma_start3A_33 : memref<1x1024xi32, #tpu.memory_space<hbm>> -> memref<1024xi32, #tpu.memory_space<hbm>>
    tpu.enqueue_dma source(%dma_start3A_34 : memref<1024xi32, #tpu.memory_space<hbm>>) target(%dma_start3A_32 : memref<1024xi32, #tpu.memory_space<vmem>>) target_semaphore(%arg9 : memref<!tpu.dma_semaphore, #tpu.memory_space<semaphore_mem>>)
    %add3A_35 = arith.constant 2048 : i32
    %add3A_36 = arith.addi %mul3A_7, %add3A_35 : i32
    %dma_start3A_37 = arith.constant 1 : i32
    %dma_start3A_38 = arith.constant 2 : i32
    %dma_start3A_39 = arith.constant 0 : i32
    %dma_start3A_40 = tpu.memref_slice %arg4[%dma_start3A_38, %dma_start3A_39] : memref<10x1024xi32, #tpu.memory_space<vmem>> -> memref<1x1024xi32, #tpu.memory_space<vmem>>
    %dma_start3A_41 = tpu.memref_squeeze %dma_start3A_40 : memref<1x1024xi32, #tpu.memory_space<vmem>> -> memref<1024xi32, #tpu.memory_space<vmem>>
    %dma_start3A_42 = tpu.memref_slice %arg2[%dma_start3A_37, %add3A_36] : memref<2x320000xi32, #tpu.memory_space<hbm>> -> memref<1x1024xi32, #tpu.memory_space<hbm>>
    %dma_start3A_43 = tpu.memref_squeeze %dma_start3A_42 : memref<1x1024xi32, #tpu.memory_space<hbm>> -> memref<1024xi32, #tpu.memory_space<hbm>>
    %dma_start3A_44 = arith.constant 0 : i32
    %dma_start3A_45 = tpu.memref_slice %arg4[%dma_start3A_38, %dma_start3A_44] : memref<10x1024xi32, #tpu.memory_space<vmem>> -> memref<1x1024xi32, #tpu.memory_space<vmem>>
    %dma_start3A_46 = tpu.memref_squeeze %dma_start3A_45 : memref<1x1024xi32, #tpu.memory_space<vmem>> -> memref<1024xi32, #tpu.memory_space<vmem>>
    %dma_start3A_47 = tpu.memref_slice %arg2[%dma_start3A_37, %add3A_36] : memref<2x320000xi32, #tpu.memory_space<hbm>> -> memref<1x1024xi32, #tpu.memory_space<hbm>>
    %dma_start3A_48 = tpu.memref_squeeze %dma_start3A_47 : memref<1x1024xi32, #tpu.memory_space<hbm>> -> memref<1024xi32, #tpu.memory_space<hbm>>
    tpu.enqueue_dma source(%dma_start3A_48 : memref<1024xi32, #tpu.memory_space<hbm>>) target(%dma_start3A_46 : memref<1024xi32, #tpu.memory_space<vmem>>) target_semaphore(%arg9 : memref<!tpu.dma_semaphore, #tpu.memory_space<semaphore_mem>>)
    %add3A_49 = arith.constant 3072 : i32
    %add3A_50 = arith.addi %mul3A_7, %add3A_49 : i32
    %dma_start3A_51 = arith.constant 1 : i32
    %dma_start3A_52 = arith.constant 3 : i32
    %dma_start3A_53 = arith.constant 0 : i32
    %dma_start3A_54 = tpu.memref_slice %arg4[%dma_start3A_52, %dma_start3A_53] : memref<10x1024xi32, #tpu.memory_space<vmem>> -> memref<1x1024xi32, #tpu.memory_space<vmem>>
    %dma_start3A_55 = tpu.memref_squeeze %dma_start3A_54 : memref<1x1024xi32, #tpu.memory_space<vmem>> -> memref<1024xi32, #tpu.memory_space<vmem>>
    %dma_start3A_56 = tpu.memref_slice %arg2[%dma_start3A_51, %add3A_50] : memref<2x320000xi32, #tpu.memory_space<hbm>> -> memref<1x1024xi32, #tpu.memory_space<hbm>>
    %dma_start3A_57 = tpu.memref_squeeze %dma_start3A_56 : memref<1x1024xi32, #tpu.memory_space<hbm>> -> memref<1024xi32, #tpu.memory_space<hbm>>
    %dma_start3A_58 = arith.constant 0 : i32
    %dma_start3A_59 = tpu.memref_slice %arg4[%dma_start3A_52, %dma_start3A_58] : memref<10x1024xi32, #tpu.memory_space<vmem>> -> memref<1x1024xi32, #tpu.memory_space<vmem>>
    %dma_start3A_60 = tpu.memref_squeeze %dma_start3A_59 : memref<1x1024xi32, #tpu.memory_space<vmem>> -> memref<1024xi32, #tpu.memory_space<vmem>>
    %dma_start3A_61 = tpu.memref_slice %arg2[%dma_start3A_51, %add3A_50] : memref<2x320000xi32, #tpu.memory_space<hbm>> -> memref<1x1024xi32, #tpu.memory_space<hbm>>
    %dma_start3A_62 = tpu.memref_squeeze %dma_start3A_61 : memref<1x1024xi32, #tpu.memory_space<hbm>> -> memref<1024xi32, #tpu.memory_space<hbm>>
    tpu.enqueue_dma source(%dma_start3A_62 : memref<1024xi32, #tpu.memory_space<hbm>>) target(%dma_start3A_60 : memref<1024xi32, #tpu.memory_space<vmem>>) target_semaphore(%arg9 : memref<!tpu.dma_semaphore, #tpu.memory_space<semaphore_mem>>)
    %add3A_63 = arith.constant 4096 : i32
    %add3A_64 = arith.addi %mul3A_7, %add3A_63 : i32
    %dma_start3A_65 = arith.constant 1 : i32
    %dma_start3A_66 = arith.constant 4 : i32
    %dma_start3A_67 = arith.constant 0 : i32
    %dma_start3A_68 = tpu.memref_slice %arg4[%dma_start3A_66, %dma_start3A_67] : memref<10x1024xi32, #tpu.memory_space<vmem>> -> memref<1x1024xi32, #tpu.memory_space<vmem>>
    %dma_start3A_69 = tpu.memref_squeeze %dma_start3A_68 : memref<1x1024xi32, #tpu.memory_space<vmem>> -> memref<1024xi32, #tpu.memory_space<vmem>>
    %dma_start3A_70 = tpu.memref_slice %arg2[%dma_start3A_65, %add3A_64] : memref<2x320000xi32, #tpu.memory_space<hbm>> -> memref<1x1024xi32, #tpu.memory_space<hbm>>
    %dma_start3A_71 = tpu.memref_squeeze %dma_start3A_70 : memref<1x1024xi32, #tpu.memory_space<hbm>> -> memref<1024xi32, #tpu.memory_space<hbm>>
    %dma_start3A_72 = arith.constant 0 : i32
    %dma_start3A_73 = tpu.memref_slice %arg4[%dma_start3A_66, %dma_start3A_72] : memref<10x1024xi32, #tpu.memory_space<vmem>> -> memref<1x1024xi32, #tpu.memory_space<vmem>>
    %dma_start3A_74 = tpu.memref_squeeze %dma_start3A_73 : memref<1x1024xi32, #tpu.memory_space<vmem>> -> memref<1024xi32, #tpu.memory_space<vmem>>
    %dma_start3A_75 = tpu.memref_slice %arg2[%dma_start3A_65, %add3A_64] : memref<2x320000xi32, #tpu.memory_space<hbm>> -> memref<1x1024xi32, #tpu.memory_space<hbm>>
    %dma_start3A_76 = tpu.memref_squeeze %dma_start3A_75 : memref<1x1024xi32, #tpu.memory_space<hbm>> -> memref<1024xi32, #tpu.memory_space<hbm>>
    tpu.enqueue_dma source(%dma_start3A_76 : memref<1024xi32, #tpu.memory_space<hbm>>) target(%dma_start3A_74 : memref<1024xi32, #tpu.memory_space<vmem>>) target_semaphore(%arg9 : memref<!tpu.dma_semaphore, #tpu.memory_space<semaphore_mem>>)
    %add3A_77 = arith.constant 5120 : i32
    %add3A_78 = arith.addi %mul3A_7, %add3A_77 : i32
    %dma_start3A_79 = arith.constant 1 : i32
    %dma_start3A_80 = arith.constant 5 : i32
    %dma_start3A_81 = arith.constant 0 : i32
    %dma_start3A_82 = tpu.memref_slice %arg4[%dma_start3A_80, %dma_start3A_81] : memref<10x1024xi32, #tpu.memory_space<vmem>> -> memref<1x1024xi32, #tpu.memory_space<vmem>>
    %dma_start3A_83 = tpu.memref_squeeze %dma_start3A_82 : memref<1x1024xi32, #tpu.memory_space<vmem>> -> memref<1024xi32, #tpu.memory_space<vmem>>
    %dma_start3A_84 = tpu.memref_slice %arg2[%dma_start3A_79, %add3A_78] : memref<2x320000xi32, #tpu.memory_space<hbm>> -> memref<1x1024xi32, #tpu.memory_space<hbm>>
    %dma_start3A_85 = tpu.memref_squeeze %dma_start3A_84 : memref<1x1024xi32, #tpu.memory_space<hbm>> -> memref<1024xi32, #tpu.memory_space<hbm>>
    %dma_start3A_86 = arith.constant 0 : i32
    %dma_start3A_87 = tpu.memref_slice %arg4[%dma_start3A_80, %dma_start3A_86] : memref<10x1024xi32, #tpu.memory_space<vmem>> -> memref<1x1024xi32, #tpu.memory_space<vmem>>
    %dma_start3A_88 = tpu.memref_squeeze %dma_start3A_87 : memref<1x1024xi32, #tpu.memory_space<vmem>> -> memref<1024xi32, #tpu.memory_space<vmem>>
    %dma_start3A_89 = tpu.memref_slice %arg2[%dma_start3A_79, %add3A_78] : memref<2x320000xi32, #tpu.memory_space<hbm>> -> memref<1x1024xi32, #tpu.memory_space<hbm>>
    %dma_start3A_90 = tpu.memref_squeeze %dma_start3A_89 : memref<1x1024xi32, #tpu.memory_space<hbm>> -> memref<1024xi32, #tpu.memory_space<hbm>>
    tpu.enqueue_dma source(%dma_start3A_90 : memref<1024xi32, #tpu.memory_space<hbm>>) target(%dma_start3A_88 : memref<1024xi32, #tpu.memory_space<vmem>>) target_semaphore(%arg9 : memref<!tpu.dma_semaphore, #tpu.memory_space<semaphore_mem>>)
    %add3A_91 = arith.constant 6144 : i32
    %add3A_92 = arith.addi %mul3A_7, %add3A_91 : i32
    %dma_start3A_93 = arith.constant 1 : i32
    %dma_start3A_94 = arith.constant 6 : i32
    %dma_start3A_95 = arith.constant 0 : i32
    %dma_start3A_96 = tpu.memref_slice %arg4[%dma_start3A_94, %dma_start3A_95] : memref<10x1024xi32, #tpu.memory_space<vmem>> -> memref<1x1024xi32, #tpu.memory_space<vmem>>
    %dma_start3A_97 = tpu.memref_squeeze %dma_start3A_96 : memref<1x1024xi32, #tpu.memory_space<vmem>> -> memref<1024xi32, #tpu.memory_space<vmem>>
    %dma_start3A_98 = tpu.memref_slice %arg2[%dma_start3A_93, %add3A_92] : memref<2x320000xi32, #tpu.memory_space<hbm>> -> memref<1x1024xi32, #tpu.memory_space<hbm>>
    %dma_start3A_99 = tpu.memref_squeeze %dma_start3A_98 : memref<1x1024xi32, #tpu.memory_space<hbm>> -> memref<1024xi32, #tpu.memory_space<hbm>>
    %dma_start3A_100 = arith.constant 0 : i32
    %dma_start3A_101 = tpu.memref_slice %arg4[%dma_start3A_94, %dma_start3A_100] : memref<10x1024xi32, #tpu.memory_space<vmem>> -> memref<1x1024xi32, #tpu.memory_space<vmem>>
    %dma_start3A_102 = tpu.memref_squeeze %dma_start3A_101 : memref<1x1024xi32, #tpu.memory_space<vmem>> -> memref<1024xi32, #tpu.memory_space<vmem>>
    %dma_start3A_103 = tpu.memref_slice %arg2[%dma_start3A_93, %add3A_92] : memref<2x320000xi32, #tpu.memory_space<hbm>> -> memref<1x1024xi32, #tpu.memory_space<hbm>>
    %dma_start3A_104 = tpu.memref_squeeze %dma_start3A_103 : memref<1x1024xi32, #tpu.memory_space<hbm>> -> memref<1024xi32, #tpu.memory_space<hbm>>
    tpu.enqueue_dma source(%dma_start3A_104 : memref<1024xi32, #tpu.memory_space<hbm>>) target(%dma_start3A_102 : memref<1024xi32, #tpu.memory_space<vmem>>) target_semaphore(%arg9 : memref<!tpu.dma_semaphore, #tpu.memory_space<semaphore_mem>>)
    %add3A_105 = arith.constant 7168 : i32
    %add3A_106 = arith.addi %mul3A_7, %add3A_105 : i32
    %dma_start3A_107 = arith.constant 1 : i32
    %dma_start3A_108 = arith.constant 7 : i32
    %dma_start3A_109 = arith.constant 0 : i32
    %dma_start3A_110 = tpu.memref_slice %arg4[%dma_start3A_108, %dma_start3A_109] : memref<10x1024xi32, #tpu.memory_space<vmem>> -> memref<1x1024xi32, #tpu.memory_space<vmem>>
    %dma_start3A_111 = tpu.memref_squeeze %dma_start3A_110 : memref<1x1024xi32, #tpu.memory_space<vmem>> -> memref<1024xi32, #tpu.memory_space<vmem>>
    %dma_start3A_112 = tpu.memref_slice %arg2[%dma_start3A_107, %add3A_106] : memref<2x320000xi32, #tpu.memory_space<hbm>> -> memref<1x1024xi32, #tpu.memory_space<hbm>>
    %dma_start3A_113 = tpu.memref_squeeze %dma_start3A_112 : memref<1x1024xi32, #tpu.memory_space<hbm>> -> memref<1024xi32, #tpu.memory_space<hbm>>
    %dma_start3A_114 = arith.constant 0 : i32
    %dma_start3A_115 = tpu.memref_slice %arg4[%dma_start3A_108, %dma_start3A_114] : memref<10x1024xi32, #tpu.memory_space<vmem>> -> memref<1x1024xi32, #tpu.memory_space<vmem>>
    %dma_start3A_116 = tpu.memref_squeeze %dma_start3A_115 : memref<1x1024xi32, #tpu.memory_space<vmem>> -> memref<1024xi32, #tpu.memory_space<vmem>>
    %dma_start3A_117 = tpu.memref_slice %arg2[%dma_start3A_107, %add3A_106] : memref<2x320000xi32, #tpu.memory_space<hbm>> -> memref<1x1024xi32, #tpu.memory_space<hbm>>
    %dma_start3A_118 = tpu.memref_squeeze %dma_start3A_117 : memref<1x1024xi32, #tpu.memory_space<hbm>> -> memref<1024xi32, #tpu.memory_space<hbm>>
    tpu.enqueue_dma source(%dma_start3A_118 : memref<1024xi32, #tpu.memory_space<hbm>>) target(%dma_start3A_116 : memref<1024xi32, #tpu.memory_space<vmem>>) target_semaphore(%arg9 : memref<!tpu.dma_semaphore, #tpu.memory_space<semaphore_mem>>)
    %add3A_119 = arith.constant 8192 : i32
    %add3A_120 = arith.addi %mul3A_7, %add3A_119 : i32
    %dma_start3A_121 = arith.constant 1 : i32
    %dma_start3A_122 = arith.constant 8 : i32
    %dma_start3A_123 = arith.constant 0 : i32
    %dma_start3A_124 = tpu.memref_slice %arg4[%dma_start3A_122, %dma_start3A_123] : memref<10x1024xi32, #tpu.memory_space<vmem>> -> memref<1x1024xi32, #tpu.memory_space<vmem>>
    %dma_start3A_125 = tpu.memref_squeeze %dma_start3A_124 : memref<1x1024xi32, #tpu.memory_space<vmem>> -> memref<1024xi32, #tpu.memory_space<vmem>>
    %dma_start3A_126 = tpu.memref_slice %arg2[%dma_start3A_121, %add3A_120] : memref<2x320000xi32, #tpu.memory_space<hbm>> -> memref<1x1024xi32, #tpu.memory_space<hbm>>
    %dma_start3A_127 = tpu.memref_squeeze %dma_start3A_126 : memref<1x1024xi32, #tpu.memory_space<hbm>> -> memref<1024xi32, #tpu.memory_space<hbm>>
    %dma_start3A_128 = arith.constant 0 : i32
    %dma_start3A_129 = tpu.memref_slice %arg4[%dma_start3A_122, %dma_start3A_128] : memref<10x1024xi32, #tpu.memory_space<vmem>> -> memref<1x1024xi32, #tpu.memory_space<vmem>>
    %dma_start3A_130 = tpu.memref_squeeze %dma_start3A_129 : memref<1x1024xi32, #tpu.memory_space<vmem>> -> memref<1024xi32, #tpu.memory_space<vmem>>
    %dma_start3A_131 = tpu.memref_slice %arg2[%dma_start3A_121, %add3A_120] : memref<2x320000xi32, #tpu.memory_space<hbm>> -> memref<1x1024xi32, #tpu.memory_space<hbm>>
    %dma_start3A_132 = tpu.memref_squeeze %dma_start3A_131 : memref<1x1024xi32, #tpu.memory_space<hbm>> -> memref<1024xi32, #tpu.memory_space<hbm>>
    tpu.enqueue_dma source(%dma_start3A_132 : memref<1024xi32, #tpu.memory_space<hbm>>) target(%dma_start3A_130 : memref<1024xi32, #tpu.memory_space<vmem>>) target_semaphore(%arg9 : memref<!tpu.dma_semaphore, #tpu.memory_space<semaphore_mem>>)
    %iota3A = tpu.iota {dimensions = array<i32: 0>} : vector<16xi32>
    %add3A_133 = arith.constant 0 : i32
    %add3A_134 = vector.broadcast %add3A_133 : i32 to vector<16xi32>
    %add3A_135 = arith.addi %iota3A, %add3A_134 : vector<16xi32>
    %and3A = arith.constant 127 : i32
    %and3A_136 = vector.broadcast %and3A : i32 to vector<16xi32>
    %and3A_137 = arith.andi %add3A_135, %and3A_136 : vector<16xi32>
    %add3A_138 = arith.constant 10000 : i32
    %add3A_139 = vector.broadcast %add3A_138 : i32 to vector<16xi32>
    %add3A_140 = arith.addi %add3A_139, %and3A_137 : vector<16xi32>
    %swap3A = arith.constant 9 : i32
    %swap3A_141 = arith.index_cast %swap3A : i32 to index
    %swap3A_142 = arith.constant 784 : index
    %swap3A_143 = tpu.vector_load %arg4[%swap3A_141, %swap3A_142] {strides = array<i32>} : memref<10x1024xi32, #tpu.memory_space<vmem>>, vector<1x16xi32>,
    %swap3A_144 = vector.shape_cast %swap3A_143 : vector<1x16xi32> to vector<16xi32>
    %swap3A_145 = vector.shape_cast %add3A_140 : vector<16xi32> to vector<1x16xi32>
    tpu.vector_store %arg4[%swap3A_141, %swap3A_142], %swap3A_145 {strides = array<i32>} : memref<10x1024xi32, #tpu.memory_space<vmem>>, vector<1x16xi32>,
    %add3A_146 = arith.constant 16 : i32
    %add3A_147 = vector.broadcast %add3A_146 : i32 to vector<16xi32>
    %add3A_148 = arith.addi %iota3A, %add3A_147 : vector<16xi32>
    %and3A_149 = arith.constant 127 : i32
    %and3A_150 = vector.broadcast %and3A_149 : i32 to vector<16xi32>
    %and3A_151 = arith.andi %add3A_148, %and3A_150 : vector<16xi32>
    %add3A_152 = arith.constant 10000 : i32
    %add3A_153 = vector.broadcast %add3A_152 : i32 to vector<16xi32>
    %add3A_154 = arith.addi %add3A_153, %and3A_151 : vector<16xi32>
    %swap3A_155 = arith.constant 9 : i32
    %swap3A_156 = arith.index_cast %swap3A_155 : i32 to index
    %swap3A_157 = arith.constant 800 : index
    %swap3A_158 = tpu.vector_load %arg4[%swap3A_156, %swap3A_157] {strides = array<i32>} : memref<10x1024xi32, #tpu.memory_space<vmem>>, vector<1x16xi32>,
    %swap3A_159 = vector.shape_cast %swap3A_158 : vector<1x16xi32> to vector<16xi32>
    %swap3A_160 = vector.shape_cast %add3A_154 : vector<16xi32> to vector<1x16xi32>
    tpu.vector_store %arg4[%swap3A_156, %swap3A_157], %swap3A_160 {strides = array<i32>} : memref<10x1024xi32, #tpu.memory_space<vmem>>, vector<1x16xi32>,
    %add3A_161 = arith.constant 32 : i32
    %add3A_162 = vector.broadcast %add3A_161 : i32 to vector<16xi32>
    %add3A_163 = arith.addi %iota3A, %add3A_162 : vector<16xi32>
    %and3A_164 = arith.constant 127 : i32
    %and3A_165 = vector.broadcast %and3A_164 : i32 to vector<16xi32>
    %and3A_166 = arith.andi %add3A_163, %and3A_165 : vector<16xi32>
    %add3A_167 = arith.constant 10000 : i32
    %add3A_168 = vector.broadcast %add3A_167 : i32 to vector<16xi32>
    %add3A_169 = arith.addi %add3A_168, %and3A_166 : vector<16xi32>
    %swap3A_170 = arith.constant 9 : i32
    %swap3A_171 = arith.index_cast %swap3A_170 : i32 to index
    %swap3A_172 = arith.constant 816 : index
    %swap3A_173 = tpu.vector_load %arg4[%swap3A_171, %swap3A_172] {strides = array<i32>} : memref<10x1024xi32, #tpu.memory_space<vmem>>, vector<1x16xi32>,
    %swap3A_174 = vector.shape_cast %swap3A_173 : vector<1x16xi32> to vector<16xi32>
    %swap3A_175 = vector.shape_cast %add3A_169 : vector<16xi32> to vector<1x16xi32>
    tpu.vector_store %arg4[%swap3A_171, %swap3A_172], %swap3A_175 {strides = array<i32>} : memref<10x1024xi32, #tpu.memory_space<vmem>>, vector<1x16xi32>,
    %add3A_176 = arith.constant 48 : i32
    %add3A_177 = vector.broadcast %add3A_176 : i32 to vector<16xi32>
    %add3A_178 = arith.addi %iota3A, %add3A_177 : vector<16xi32>
    %and3A_179 = arith.constant 127 : i32
    %and3A_180 = vector.broadcast %and3A_179 : i32 to vector<16xi32>
    %and3A_181 = arith.andi %add3A_178, %and3A_180 : vector<16xi32>
    %add3A_182 = arith.constant 10000 : i32
    %add3A_183 = vector.broadcast %add3A_182 : i32 to vector<16xi32>
    %add3A_184 = arith.addi %add3A_183, %and3A_181 : vector<16xi32>
    %swap3A_185 = arith.constant 9 : i32
    %swap3A_186 = arith.index_cast %swap3A_185 : i32 to index
    %swap3A_187 = arith.constant 832 : index
    %swap3A_188 = tpu.vector_load %arg4[%swap3A_186, %swap3A_187] {strides = array<i32>} : memref<10x1024xi32, #tpu.memory_space<vmem>>, vector<1x16xi32>,
    %swap3A_189 = vector.shape_cast %swap3A_188 : vector<1x16xi32> to vector<16xi32>
    %swap3A_190 = vector.shape_cast %add3A_184 : vector<16xi32> to vector<1x16xi32>
    tpu.vector_store %arg4[%swap3A_186, %swap3A_187], %swap3A_190 {strides = array<i32>} : memref<10x1024xi32, #tpu.memory_space<vmem>>, vector<1x16xi32>,
    %add3A_191 = arith.constant 64 : i32
    %add3A_192 = vector.broadcast %add3A_191 : i32 to vector<16xi32>
    %add3A_193 = arith.addi %iota3A, %add3A_192 : vector<16xi32>
    %and3A_194 = arith.constant 127 : i32
    %and3A_195 = vector.broadcast %and3A_194 : i32 to vector<16xi32>
    %and3A_196 = arith.andi %add3A_193, %and3A_195 : vector<16xi32>
    %add3A_197 = arith.constant 10000 : i32
    %add3A_198 = vector.broadcast %add3A_197 : i32 to vector<16xi32>
    %add3A_199 = arith.addi %add3A_198, %and3A_196 : vector<16xi32>
    %swap3A_200 = arith.constant 9 : i32
    %swap3A_201 = arith.index_cast %swap3A_200 : i32 to index
    %swap3A_202 = arith.constant 848 : index
    %swap3A_203 = tpu.vector_load %arg4[%swap3A_201, %swap3A_202] {strides = array<i32>} : memref<10x1024xi32, #tpu.memory_space<vmem>>, vector<1x16xi32>,
    %swap3A_204 = vector.shape_cast %swap3A_203 : vector<1x16xi32> to vector<16xi32>
    %swap3A_205 = vector.shape_cast %add3A_199 : vector<16xi32> to vector<1x16xi32>
    tpu.vector_store %arg4[%swap3A_201, %swap3A_202], %swap3A_205 {strides = array<i32>} : memref<10x1024xi32, #tpu.memory_space<vmem>>, vector<1x16xi32>,
    %add3A_206 = arith.constant 80 : i32
    %add3A_207 = vector.broadcast %add3A_206 : i32 to vector<16xi32>
    %add3A_208 = arith.addi %iota3A, %add3A_207 : vector<16xi32>
    %and3A_209 = arith.constant 127 : i32
    %and3A_210 = vector.broadcast %and3A_209 : i32 to vector<16xi32>
    %and3A_211 = arith.andi %add3A_208, %and3A_210 : vector<16xi32>
    %add3A_212 = arith.constant 10000 : i32
    %add3A_213 = vector.broadcast %add3A_212 : i32 to vector<16xi32>
    %add3A_214 = arith.addi %add3A_213, %and3A_211 : vector<16xi32>
    %swap3A_215 = arith.constant 9 : i32
    %swap3A_216 = arith.index_cast %swap3A_215 : i32 to index
    %swap3A_217 = arith.constant 864 : index
    %swap3A_218 = tpu.vector_load %arg4[%swap3A_216, %swap3A_217] {strides = array<i32>} : memref<10x1024xi32, #tpu.memory_space<vmem>>, vector<1x16xi32>,
    %swap3A_219 = vector.shape_cast %swap3A_218 : vector<1x16xi32> to vector<16xi32>
    %swap3A_220 = vector.shape_cast %add3A_214 : vector<16xi32> to vector<1x16xi32>
    tpu.vector_store %arg4[%swap3A_216, %swap3A_217], %swap3A_220 {strides = array<i32>} : memref<10x1024xi32, #tpu.memory_space<vmem>>, vector<1x16xi32>,
    %add3A_221 = arith.constant 96 : i32
    %add3A_222 = vector.broadcast %add3A_221 : i32 to vector<16xi32>
    %add3A_223 = arith.addi %iota3A, %add3A_222 : vector<16xi32>
    %and3A_224 = arith.constant 127 : i32
    %and3A_225 = vector.broadcast %and3A_224 : i32 to vector<16xi32>
    %and3A_226 = arith.andi %add3A_223, %and3A_225 : vector<16xi32>
    %add3A_227 = arith.constant 10000 : i32
    %add3A_228 = vector.broadcast %add3A_227 : i32 to vector<16xi32>
    %add3A_229 = arith.addi %add3A_228, %and3A_226 : vector<16xi32>
    %swap3A_230 = arith.constant 9 : i32
    %swap3A_231 = arith.index_cast %swap3A_230 : i32 to index
    %swap3A_232 = arith.constant 880 : index
    %swap3A_233 = tpu.vector_load %arg4[%swap3A_231, %swap3A_232] {strides = array<i32>} : memref<10x1024xi32, #tpu.memory_space<vmem>>, vector<1x16xi32>,
    %swap3A_234 = vector.shape_cast %swap3A_233 : vector<1x16xi32> to vector<16xi32>
    %swap3A_235 = vector.shape_cast %add3A_229 : vector<16xi32> to vector<1x16xi32>
    tpu.vector_store %arg4[%swap3A_231, %swap3A_232], %swap3A_235 {strides = array<i32>} : memref<10x1024xi32, #tpu.memory_space<vmem>>, vector<1x16xi32>,
    %add3A_236 = arith.constant 112 : i32
    %add3A_237 = vector.broadcast %add3A_236 : i32 to vector<16xi32>
    %add3A_238 = arith.addi %iota3A, %add3A_237 : vector<16xi32>
    %and3A_239 = arith.constant 127 : i32
    %and3A_240 = vector.broadcast %and3A_239 : i32 to vector<16xi32>
    %and3A_241 = arith.andi %add3A_238, %and3A_240 : vector<16xi32>
    %add3A_242 = arith.constant 10000 : i32
    %add3A_243 = vector.broadcast %add3A_242 : i32 to vector<16xi32>
    %add3A_244 = arith.addi %add3A_243, %and3A_241 : vector<16xi32>
    %swap3A_245 = arith.constant 9 : i32
    %swap3A_246 = arith.index_cast %swap3A_245 : i32 to index
    %swap3A_247 = arith.constant 896 : index
    %swap3A_248 = tpu.vector_load %arg4[%swap3A_246, %swap3A_247] {strides = array<i32>} : memref<10x1024xi32, #tpu.memory_space<vmem>>, vector<1x16xi32>,
    %swap3A_249 = vector.shape_cast %swap3A_248 : vector<1x16xi32> to vector<16xi32>
    %swap3A_250 = vector.shape_cast %add3A_244 : vector<16xi32> to vector<1x16xi32>
    tpu.vector_store %arg4[%swap3A_246, %swap3A_247], %swap3A_250 {strides = array<i32>} : memref<10x1024xi32, #tpu.memory_space<vmem>>, vector<1x16xi32>,
    %add3A_251 = arith.constant 128 : i32
    %add3A_252 = vector.broadcast %add3A_251 : i32 to vector<16xi32>
    %add3A_253 = arith.addi %iota3A, %add3A_252 : vector<16xi32>
    %and3A_254 = arith.constant 127 : i32
    %and3A_255 = vector.broadcast %and3A_254 : i32 to vector<16xi32>
    %and3A_256 = arith.andi %add3A_253, %and3A_255 : vector<16xi32>
    %add3A_257 = arith.constant 10000 : i32
    %add3A_258 = vector.broadcast %add3A_257 : i32 to vector<16xi32>
    %add3A_259 = arith.addi %add3A_258, %and3A_256 : vector<16xi32>
    %swap3A_260 = arith.constant 9 : i32
    %swap3A_261 = arith.index_cast %swap3A_260 : i32 to index
    %swap3A_262 = arith.constant 912 : index
    %swap3A_263 = tpu.vector_load %arg4[%swap3A_261, %swap3A_262] {strides = array<i32>} : memref<10x1024xi32, #tpu.memory_space<vmem>>, vector<1x16xi32>,
    %swap3A_264 = vector.shape_cast %swap3A_263 : vector<1x16xi32> to vector<16xi32>
    %swap3A_265 = vector.shape_cast %add3A_259 : vector<16xi32> to vector<1x16xi32>
    tpu.vector_store %arg4[%swap3A_261, %swap3A_262], %swap3A_265 {strides = array<i32>} : memref<10x1024xi32, #tpu.memory_space<vmem>>, vector<1x16xi32>,
    %add3A_266 = arith.constant 144 : i32
    %add3A_267 = vector.broadcast %add3A_266 : i32 to vector<16xi32>
    %add3A_268 = arith.addi %iota3A, %add3A_267 : vector<16xi32>
    %and3A_269 = arith.constant 127 : i32
    %and3A_270 = vector.broadcast %and3A_269 : i32 to vector<16xi32>
    %and3A_271 = arith.andi %add3A_268, %and3A_270 : vector<16xi32>
    %add3A_272 = arith.constant 10000 : i32
    %add3A_273 = vector.broadcast %add3A_272 : i32 to vector<16xi32>
    %add3A_274 = arith.addi %add3A_273, %and3A_271 : vector<16xi32>
    %swap3A_275 = arith.constant 9 : i32
    %swap3A_276 = arith.index_cast %swap3A_275 : i32 to index
    %swap3A_277 = arith.constant 928 : index
    %swap3A_278 = tpu.vector_load %arg4[%swap3A_276, %swap3A_277] {strides = array<i32>} : memref<10x1024xi32, #tpu.memory_space<vmem>>, vector<1x16xi32>,
    %swap3A_279 = vector.shape_cast %swap3A_278 : vector<1x16xi32> to vector<16xi32>
    %swap3A_280 = vector.shape_cast %add3A_274 : vector<16xi32> to vector<1x16xi32>
    tpu.vector_store %arg4[%swap3A_276, %swap3A_277], %swap3A_280 {strides = array<i32>} : memref<10x1024xi32, #tpu.memory_space<vmem>>, vector<1x16xi32>,
    %add3A_281 = arith.constant 160 : i32
    %add3A_282 = vector.broadcast %add3A_281 : i32 to vector<16xi32>
    %add3A_283 = arith.addi %iota3A, %add3A_282 : vector<16xi32>
    %and3A_284 = arith.constant 127 : i32
    %and3A_285 = vector.broadcast %and3A_284 : i32 to vector<16xi32>
    %and3A_286 = arith.andi %add3A_283, %and3A_285 : vector<16xi32>
    %add3A_287 = arith.constant 10000 : i32
    %add3A_288 = vector.broadcast %add3A_287 : i32 to vector<16xi32>
    %add3A_289 = arith.addi %add3A_288, %and3A_286 : vector<16xi32>
    %swap3A_290 = arith.constant 9 : i32
    %swap3A_291 = arith.index_cast %swap3A_290 : i32 to index
    %swap3A_292 = arith.constant 944 : index
    %swap3A_293 = tpu.vector_load %arg4[%swap3A_291, %swap3A_292] {strides = array<i32>} : memref<10x1024xi32, #tpu.memory_space<vmem>>, vector<1x16xi32>,
    %swap3A_294 = vector.shape_cast %swap3A_293 : vector<1x16xi32> to vector<16xi32>
    %swap3A_295 = vector.shape_cast %add3A_289 : vector<16xi32> to vector<1x16xi32>
    tpu.vector_store %arg4[%swap3A_291, %swap3A_292], %swap3A_295 {strides = array<i32>} : memref<10x1024xi32, #tpu.memory_space<vmem>>, vector<1x16xi32>,
    %add3A_296 = arith.constant 176 : i32
    %add3A_297 = vector.broadcast %add3A_296 : i32 to vector<16xi32>
    %add3A_298 = arith.addi %iota3A, %add3A_297 : vector<16xi32>
    %and3A_299 = arith.constant 127 : i32
    %and3A_300 = vector.broadcast %and3A_299 : i32 to vector<16xi32>
    %and3A_301 = arith.andi %add3A_298, %and3A_300 : vector<16xi32>
    %add3A_302 = arith.constant 10000 : i32
    %add3A_303 = vector.broadcast %add3A_302 : i32 to vector<16xi32>
    %add3A_304 = arith.addi %add3A_303, %and3A_301 : vector<16xi32>
    %swap3A_305 = arith.constant 9 : i32
    %swap3A_306 = arith.index_cast %swap3A_305 : i32 to index
    %swap3A_307 = arith.constant 960 : index
    %swap3A_308 = tpu.vector_load %arg4[%swap3A_306, %swap3A_307] {strides = array<i32>} : memref<10x1024xi32, #tpu.memory_space<vmem>>, vector<1x16xi32>,
    %swap3A_309 = vector.shape_cast %swap3A_308 : vector<1x16xi32> to vector<16xi32>
    %swap3A_310 = vector.shape_cast %add3A_304 : vector<16xi32> to vector<1x16xi32>
    tpu.vector_store %arg4[%swap3A_306, %swap3A_307], %swap3A_310 {strides = array<i32>} : memref<10x1024xi32, #tpu.memory_space<vmem>>, vector<1x16xi32>,
    %add3A_311 = arith.constant 192 : i32
    %add3A_312 = vector.broadcast %add3A_311 : i32 to vector<16xi32>
    %add3A_313 = arith.addi %iota3A, %add3A_312 : vector<16xi32>
    %and3A_314 = arith.constant 127 : i32
    %and3A_315 = vector.broadcast %and3A_314 : i32 to vector<16xi32>
    %and3A_316 = arith.andi %add3A_313, %and3A_315 : vector<16xi32>
    %add3A_317 = arith.constant 10000 : i32
    %add3A_318 = vector.broadcast %add3A_317 : i32 to vector<16xi32>
    %add3A_319 = arith.addi %add3A_318, %and3A_316 : vector<16xi32>
    %swap3A_320 = arith.constant 9 : i32
    %swap3A_321 = arith.index_cast %swap3A_320 : i32 to index
    %swap3A_322 = arith.constant 976 : index
    %swap3A_323 = tpu.vector_load %arg4[%swap3A_321, %swap3A_322] {strides = array<i32>} : memref<10x1024xi32, #tpu.memory_space<vmem>>, vector<1x16xi32>,
    %swap3A_324 = vector.shape_cast %swap3A_323 : vector<1x16xi32> to vector<16xi32>
    %swap3A_325 = vector.shape_cast %add3A_319 : vector<16xi32> to vector<1x16xi32>
    tpu.vector_store %arg4[%swap3A_321, %swap3A_322], %swap3A_325 {strides = array<i32>} : memref<10x1024xi32, #tpu.memory_space<vmem>>, vector<1x16xi32>,
    %add3A_326 = arith.constant 208 : i32
    %add3A_327 = vector.broadcast %add3A_326 : i32 to vector<16xi32>
    %add3A_328 = arith.addi %iota3A, %add3A_327 : vector<16xi32>
    %and3A_329 = arith.constant 127 : i32
    %and3A_330 = vector.broadcast %and3A_329 : i32 to vector<16xi32>
    %and3A_331 = arith.andi %add3A_328, %and3A_330 : vector<16xi32>
    %add3A_332 = arith.constant 10000 : i32
    %add3A_333 = vector.broadcast %add3A_332 : i32 to vector<16xi32>
    %add3A_334 = arith.addi %add3A_333, %and3A_331 : vector<16xi32>
    %swap3A_335 = arith.constant 9 : i32
    %swap3A_336 = arith.index_cast %swap3A_335 : i32 to index
    %swap3A_337 = arith.constant 992 : index
    %swap3A_338 = tpu.vector_load %arg4[%swap3A_336, %swap3A_337] {strides = array<i32>} : memref<10x1024xi32, #tpu.memory_space<vmem>>, vector<1x16xi32>,
    %swap3A_339 = vector.shape_cast %swap3A_338 : vector<1x16xi32> to vector<16xi32>
    %swap3A_340 = vector.shape_cast %add3A_334 : vector<16xi32> to vector<1x16xi32>
    tpu.vector_store %arg4[%swap3A_336, %swap3A_337], %swap3A_340 {strides = array<i32>} : memref<10x1024xi32, #tpu.memory_space<vmem>>, vector<1x16xi32>,
    %add3A_341 = arith.constant 224 : i32
    %add3A_342 = vector.broadcast %add3A_341 : i32 to vector<16xi32>
    %add3A_343 = arith.addi %iota3A, %add3A_342 : vector<16xi32>
    %and3A_344 = arith.constant 127 : i32
    %and3A_345 = vector.broadcast %and3A_344 : i32 to vector<16xi32>
    %and3A_346 = arith.andi %add3A_343, %and3A_345 : vector<16xi32>
    %add3A_347 = arith.constant 10000 : i32
    %add3A_348 = vector.broadcast %add3A_347 : i32 to vector<16xi32>
    %add3A_349 = arith.addi %add3A_348, %and3A_346 : vector<16xi32>
    %swap3A_350 = arith.constant 9 : i32
    %swap3A_351 = arith.index_cast %swap3A_350 : i32 to index
    %swap3A_352 = arith.constant 1008 : index
    %swap3A_353 = tpu.vector_load %arg4[%swap3A_351, %swap3A_352] {strides = array<i32>} : memref<10x1024xi32, #tpu.memory_space<vmem>>, vector<1x16xi32>,
    %swap3A_354 = vector.shape_cast %swap3A_353 : vector<1x16xi32> to vector<16xi32>
    %swap3A_355 = vector.shape_cast %add3A_349 : vector<16xi32> to vector<1x16xi32>
    tpu.vector_store %arg4[%swap3A_351, %swap3A_352], %swap3A_355 {strides = array<i32>} : memref<10x1024xi32, #tpu.memory_space<vmem>>, vector<1x16xi32>,
    %add3A_356 = arith.constant 9216 : i32
    %add3A_357 = arith.addi %mul3A_7, %add3A_356 : i32
    %dma_start3A_358 = arith.constant 1 : i32
    %dma_start3A_359 = arith.constant 9 : i32
    %dma_start3A_360 = arith.constant 0 : i32
    %dma_start3A_361 = tpu.memref_slice %arg4[%dma_start3A_359, %dma_start3A_360] : memref<10x1024xi32, #tpu.memory_space<vmem>> -> memref<1x784xi32, #tpu.memory_space<vmem>>
    %dma_start3A_362 = tpu.memref_squeeze %dma_start3A_361 : memref<1x784xi32, #tpu.memory_space<vmem>> -> memref<784xi32, #tpu.memory_space<vmem>>
    %dma_start3A_363 = tpu.memref_slice %arg2[%dma_start3A_358, %add3A_357] : memref<2x320000xi32, #tpu.memory_space<hbm>> -> memref<1x784xi32, #tpu.memory_space<hbm>>
    %dma_start3A_364 = tpu.memref_squeeze %dma_start3A_363 : memref<1x784xi32, #tpu.memory_space<hbm>> -> memref<784xi32, #tpu.memory_space<hbm>>
    %dma_start3A_365 = arith.constant 0 : i32
    %dma_start3A_366 = tpu.memref_slice %arg4[%dma_start3A_359, %dma_start3A_365] : memref<10x1024xi32, #tpu.memory_space<vmem>> -> memref<1x784xi32, #tpu.memory_space<vmem>>
    %dma_start3A_367 = tpu.memref_squeeze %dma_start3A_366 : memref<1x784xi32, #tpu.memory_space<vmem>> -> memref<784xi32, #tpu.memory_space<vmem>>
    %dma_start3A_368 = tpu.memref_slice %arg2[%dma_start3A_358, %add3A_357] : memref<2x320000xi32, #tpu.memory_space<hbm>> -> memref<1x784xi32, #tpu.memory_space<hbm>>
    %dma_start3A_369 = tpu.memref_squeeze %dma_start3A_368 : memref<1x784xi32, #tpu.memory_space<hbm>> -> memref<784xi32, #tpu.memory_space<hbm>>
    tpu.enqueue_dma source(%dma_start3A_369 : memref<784xi32, #tpu.memory_space<hbm>>) target(%dma_start3A_367 : memref<784xi32, #tpu.memory_space<vmem>>) target_semaphore(%arg9 : memref<!tpu.dma_semaphore, #tpu.memory_space<semaphore_mem>>)
    %swap3A_370 = arith.constant 0 : index
    %swap3A_371 = tpu.vector_load %arg5[%swap3A_370] {strides = array<i32>} : memref<1024xf32, #tpu.memory_space<vmem>>, vector<16xf32>,
    %swap3A_372 = vector.shape_cast %swap3A_371 : vector<16xf32> to vector<16xf32>
    %swap3A_373 = vector.shape_cast %broadcast_in_dim3A_3 : vector<16xf32> to vector<16xf32>
    tpu.vector_store %arg5[%swap3A_370], %swap3A_373 {strides = array<i32>} : memref<1024xf32, #tpu.memory_space<vmem>>, vector<16xf32>,
    %swap3A_374 = arith.constant 16 : index
    %swap3A_375 = tpu.vector_load %arg5[%swap3A_374] {strides = array<i32>} : memref<1024xf32, #tpu.memory_space<vmem>>, vector<16xf32>,
    %swap3A_376 = vector.shape_cast %swap3A_375 : vector<16xf32> to vector<16xf32>
    %swap3A_377 = vector.shape_cast %broadcast_in_dim3A_3 : vector<16xf32> to vector<16xf32>
    tpu.vector_store %arg5[%swap3A_374], %swap3A_377 {strides = array<i32>} : memref<1024xf32, #tpu.memory_space<vmem>>, vector<16xf32>,
    %swap3A_378 = arith.constant 32 : index
    %swap3A_379 = tpu.vector_load %arg5[%swap3A_378] {strides = array<i32>} : memref<1024xf32, #tpu.memory_space<vmem>>, vector<16xf32>,
    %swap3A_380 = vector.shape_cast %swap3A_379 : vector<16xf32> to vector<16xf32>
    %swap3A_381 = vector.shape_cast %broadcast_in_dim3A_3 : vector<16xf32> to vector<16xf32>
    tpu.vector_store %arg5[%swap3A_378], %swap3A_381 {strides = array<i32>} : memref<1024xf32, #tpu.memory_space<vmem>>, vector<16xf32>,
    %swap3A_382 = arith.constant 48 : index
    %swap3A_383 = tpu.vector_load %arg5[%swap3A_382] {strides = array<i32>} : memref<1024xf32, #tpu.memory_space<vmem>>, vector<16xf32>,
    %swap3A_384 = vector.shape_cast %swap3A_383 : vector<16xf32> to vector<16xf32>
    %swap3A_385 = vector.shape_cast %broadcast_in_dim3A_3 : vector<16xf32> to vector<16xf32>
    tpu.vector_store %arg5[%swap3A_382], %swap3A_385 {strides = array<i32>} : memref<1024xf32, #tpu.memory_space<vmem>>, vector<16xf32>,
    %swap3A_386 = arith.constant 64 : index
    %swap3A_387 = tpu.vector_load %arg5[%swap3A_386] {strides = array<i32>} : memref<1024xf32, #tpu.memory_space<vmem>>, vector<16xf32>,
    %swap3A_388 = vector.shape_cast %swap3A_387 : vector<16xf32> to vector<16xf32>
    %swap3A_389 = vector.shape_cast %broadcast_in_dim3A_3 : vector<16xf32> to vector<16xf32>
    tpu.vector_store %arg5[%swap3A_386], %swap3A_389 {strides = array<i32>} : memref<1024xf32, #tpu.memory_space<vmem>>, vector<16xf32>,
    %swap3A_390 = arith.constant 80 : index
    %swap3A_391 = tpu.vector_load %arg5[%swap3A_390] {strides = array<i32>} : memref<1024xf32, #tpu.memory_space<vmem>>, vector<16xf32>,
    %swap3A_392 = vector.shape_cast %swap3A_391 : vector<16xf32> to vector<16xf32>
    %swap3A_393 = vector.shape_cast %broadcast_in_dim3A_3 : vector<16xf32> to vector<16xf32>
    tpu.vector_store %arg5[%swap3A_390], %swap3A_393 {strides = array<i32>} : memref<1024xf32, #tpu.memory_space<vmem>>, vector<16xf32>,
    %swap3A_394 = arith.constant 96 : index
    %swap3A_395 = tpu.vector_load %arg5[%swap3A_394] {strides = array<i32>} : memref<1024xf32, #tpu.memory_space<vmem>>, vector<16xf32>,
    %swap3A_396 = vector.shape_cast %swap3A_395 : vector<16xf32> to vector<16xf32>
    %swap3A_397 = vector.shape_cast %broadcast_in_dim3A_3 : vector<16xf32> to vector<16xf32>
    tpu.vector_store %arg5[%swap3A_394], %swap3A_397 {strides = array<i32>} : memref<1024xf32, #tpu.memory_space<vmem>>, vector<16xf32>,
    %swap3A_398 = arith.constant 112 : index
    %swap3A_399 = tpu.vector_load %arg5[%swap3A_398] {strides = array<i32>} : memref<1024xf32, #tpu.memory_space<vmem>>, vector<16xf32>,
    %swap3A_400 = vector.shape_cast %swap3A_399 : vector<16xf32> to vector<16xf32>
    %swap3A_401 = vector.shape_cast %broadcast_in_dim3A_3 : vector<16xf32> to vector<16xf32>
    tpu.vector_store %arg5[%swap3A_398], %swap3A_401 {strides = array<i32>} : memref<1024xf32, #tpu.memory_space<vmem>>, vector<16xf32>,
    %swap3A_402 = arith.constant 128 : index
    %swap3A_403 = tpu.vector_load %arg5[%swap3A_402] {strides = array<i32>} : memref<1024xf32, #tpu.memory_space<vmem>>, vector<16xf32>,
    %swap3A_404 = vector.shape_cast %swap3A_403 : vector<16xf32> to vector<16xf32>
    %swap3A_405 = vector.shape_cast %broadcast_in_dim3A_3 : vector<16xf32> to vector<16xf32>
    tpu.vector_store %arg5[%swap3A_402], %swap3A_405 {strides = array<i32>} : memref<1024xf32, #tpu.memory_space<vmem>>, vector<16xf32>,
    %swap3A_406 = arith.constant 144 : index
    %swap3A_407 = tpu.vector_load %arg5[%swap3A_406] {strides = array<i32>} : memref<1024xf32, #tpu.memory_space<vmem>>, vector<16xf32>,
    %swap3A_408 = vector.shape_cast %swap3A_407 : vector<16xf32> to vector<16xf32>
    %swap3A_409 = vector.shape_cast %broadcast_in_dim3A_3 : vector<16xf32> to vector<16xf32>
    tpu.vector_store %arg5[%swap3A_406], %swap3A_409 {strides = array<i32>} : memref<1024xf32, #tpu.memory_space<vmem>>, vector<16xf32>,
    %swap3A_410 = arith.constant 160 : index
    %swap3A_411 = tpu.vector_load %arg5[%swap3A_410] {strides = array<i32>} : memref<1024xf32, #tpu.memory_space<vmem>>, vector<16xf32>,
    %swap3A_412 = vector.shape_cast %swap3A_411 : vector<16xf32> to vector<16xf32>
    %swap3A_413 = vector.shape_cast %broadcast_in_dim3A_3 : vector<16xf32> to vector<16xf32>
    tpu.vector_store %arg5[%swap3A_410], %swap3A_413 {strides = array<i32>} : memref<1024xf32, #tpu.memory_space<vmem>>, vector<16xf32>,
    %swap3A_414 = arith.constant 176 : index
    %swap3A_415 = tpu.vector_load %arg5[%swap3A_414] {strides = array<i32>} : memref<1024xf32, #tpu.memory_space<vmem>>, vector<16xf32>,
    %swap3A_416 = vector.shape_cast %swap3A_415 : vector<16xf32> to vector<16xf32>
    %swap3A_417 = vector.shape_cast %broadcast_in_dim3A_3 : vector<16xf32> to vector<16xf32>
    tpu.vector_store %arg5[%swap3A_414], %swap3A_417 {strides = array<i32>} : memref<1024xf32, #tpu.memory_space<vmem>>, vector<16xf32>,
    %swap3A_418 = arith.constant 192 : index
    %swap3A_419 = tpu.vector_load %arg5[%swap3A_418] {strides = array<i32>} : memref<1024xf32, #tpu.memory_space<vmem>>, vector<16xf32>,
    %swap3A_420 = vector.shape_cast %swap3A_419 : vector<16xf32> to vector<16xf32>
    %swap3A_421 = vector.shape_cast %broadcast_in_dim3A_3 : vector<16xf32> to vector<16xf32>
    tpu.vector_store %arg5[%swap3A_418], %swap3A_421 {strides = array<i32>} : memref<1024xf32, #tpu.memory_space<vmem>>, vector<16xf32>,
    %swap3A_422 = arith.constant 208 : index
    %swap3A_423 = tpu.vector_load %arg5[%swap3A_422] {strides = array<i32>} : memref<1024xf32, #tpu.memory_space<vmem>>, vector<16xf32>,
    %swap3A_424 = vector.shape_cast %swap3A_423 : vector<16xf32> to vector<16xf32>
    %swap3A_425 = vector.shape_cast %broadcast_in_dim3A_3 : vector<16xf32> to vector<16xf32>
    tpu.vector_store %arg5[%swap3A_422], %swap3A_425 {strides = array<i32>} : memref<1024xf32, #tpu.memory_space<vmem>>, vector<16xf32>,
    %swap3A_426 = arith.constant 224 : index
    %swap3A_427 = tpu.vector_load %arg5[%swap3A_426] {strides = array<i32>} : memref<1024xf32, #tpu.memory_space<vmem>>, vector<16xf32>,
    %swap3A_428 = vector.shape_cast %swap3A_427 : vector<16xf32> to vector<16xf32>
    %swap3A_429 = vector.shape_cast %broadcast_in_dim3A_3 : vector<16xf32> to vector<16xf32>
    tpu.vector_store %arg5[%swap3A_426], %swap3A_429 {strides = array<i32>} : memref<1024xf32, #tpu.memory_space<vmem>>, vector<16xf32>,
    %swap3A_430 = arith.constant 240 : index
    %swap3A_431 = tpu.vector_load %arg5[%swap3A_430] {strides = array<i32>} : memref<1024xf32, #tpu.memory_space<vmem>>, vector<16xf32>,
    %swap3A_432 = vector.shape_cast %swap3A_431 : vector<16xf32> to vector<16xf32>
    %swap3A_433 = vector.shape_cast %broadcast_in_dim3A_3 : vector<16xf32> to vector<16xf32>
    tpu.vector_store %arg5[%swap3A_430], %swap3A_433 {strides = array<i32>} : memref<1024xf32, #tpu.memory_space<vmem>>, vector<16xf32>,
    %swap3A_434 = arith.constant 256 : index
    %swap3A_435 = tpu.vector_load %arg5[%swap3A_434] {strides = array<i32>} : memref<1024xf32, #tpu.memory_space<vmem>>, vector<16xf32>,
    %swap3A_436 = vector.shape_cast %swap3A_435 : vector<16xf32> to vector<16xf32>
    %swap3A_437 = vector.shape_cast %broadcast_in_dim3A_3 : vector<16xf32> to vector<16xf32>
    tpu.vector_store %arg5[%swap3A_434], %swap3A_437 {strides = array<i32>} : memref<1024xf32, #tpu.memory_space<vmem>>, vector<16xf32>,
    %swap3A_438 = arith.constant 272 : index
    %swap3A_439 = tpu.vector_load %arg5[%swap3A_438] {strides = array<i32>} : memref<1024xf32, #tpu.memory_space<vmem>>, vector<16xf32>,
    %swap3A_440 = vector.shape_cast %swap3A_439 : vector<16xf32> to vector<16xf32>
    %swap3A_441 = vector.shape_cast %broadcast_in_dim3A_3 : vector<16xf32> to vector<16xf32>
    tpu.vector_store %arg5[%swap3A_438], %swap3A_441 {strides = array<i32>} : memref<1024xf32, #tpu.memory_space<vmem>>, vector<16xf32>,
    %swap3A_442 = arith.constant 288 : index
    %swap3A_443 = tpu.vector_load %arg5[%swap3A_442] {strides = array<i32>} : memref<1024xf32, #tpu.memory_space<vmem>>, vector<16xf32>,
    %swap3A_444 = vector.shape_cast %swap3A_443 : vector<16xf32> to vector<16xf32>
    %swap3A_445 = vector.shape_cast %broadcast_in_dim3A_3 : vector<16xf32> to vector<16xf32>
    tpu.vector_store %arg5[%swap3A_442], %swap3A_445 {strides = array<i32>} : memref<1024xf32, #tpu.memory_space<vmem>>, vector<16xf32>,
    %swap3A_446 = arith.constant 304 : index
    %swap3A_447 = tpu.vector_load %arg5[%swap3A_446] {strides = array<i32>} : memref<1024xf32, #tpu.memory_space<vmem>>, vector<16xf32>,
    %swap3A_448 = vector.shape_cast %swap3A_447 : vector<16xf32> to vector<16xf32>
    %swap3A_449 = vector.shape_cast %broadcast_in_dim3A_3 : vector<16xf32> to vector<16xf32>
    tpu.vector_store %arg5[%swap3A_446], %swap3A_449 {strides = array<i32>} : memref<1024xf32, #tpu.memory_space<vmem>>, vector<16xf32>,
    %swap3A_450 = arith.constant 320 : index
    %swap3A_451 = tpu.vector_load %arg5[%swap3A_450] {strides = array<i32>} : memref<1024xf32, #tpu.memory_space<vmem>>, vector<16xf32>,
    %swap3A_452 = vector.shape_cast %swap3A_451 : vector<16xf32> to vector<16xf32>
    %swap3A_453 = vector.shape_cast %broadcast_in_dim3A_3 : vector<16xf32> to vector<16xf32>
    tpu.vector_store %arg5[%swap3A_450], %swap3A_453 {strides = array<i32>} : memref<1024xf32, #tpu.memory_space<vmem>>, vector<16xf32>,
    %swap3A_454 = arith.constant 336 : index
    %swap3A_455 = tpu.vector_load %arg5[%swap3A_454] {strides = array<i32>} : memref<1024xf32, #tpu.memory_space<vmem>>, vector<16xf32>,
    %swap3A_456 = vector.shape_cast %swap3A_455 : vector<16xf32> to vector<16xf32>
    %swap3A_457 = vector.shape_cast %broadcast_in_dim3A_3 : vector<16xf32> to vector<16xf32>
    tpu.vector_store %arg5[%swap3A_454], %swap3A_457 {strides = array<i32>} : memref<1024xf32, #tpu.memory_space<vmem>>, vector<16xf32>,
    %swap3A_458 = arith.constant 352 : index
    %swap3A_459 = tpu.vector_load %arg5[%swap3A_458] {strides = array<i32>} : memref<1024xf32, #tpu.memory_space<vmem>>, vector<16xf32>,
    %swap3A_460 = vector.shape_cast %swap3A_459 : vector<16xf32> to vector<16xf32>
    %swap3A_461 = vector.shape_cast %broadcast_in_dim3A_3 : vector<16xf32> to vector<16xf32>
    tpu.vector_store %arg5[%swap3A_458], %swap3A_461 {strides = array<i32>} : memref<1024xf32, #tpu.memory_space<vmem>>, vector<16xf32>,
    %swap3A_462 = arith.constant 368 : index
    %swap3A_463 = tpu.vector_load %arg5[%swap3A_462] {strides = array<i32>} : memref<1024xf32, #tpu.memory_space<vmem>>, vector<16xf32>,
    %swap3A_464 = vector.shape_cast %swap3A_463 : vector<16xf32> to vector<16xf32>
    %swap3A_465 = vector.shape_cast %broadcast_in_dim3A_3 : vector<16xf32> to vector<16xf32>
    tpu.vector_store %arg5[%swap3A_462], %swap3A_465 {strides = array<i32>} : memref<1024xf32, #tpu.memory_space<vmem>>, vector<16xf32>,
    %swap3A_466 = arith.constant 384 : index
    %swap3A_467 = tpu.vector_load %arg5[%swap3A_466] {strides = array<i32>} : memref<1024xf32, #tpu.memory_space<vmem>>, vector<16xf32>,
    %swap3A_468 = vector.shape_cast %swap3A_467 : vector<16xf32> to vector<16xf32>
    %swap3A_469 = vector.shape_cast %broadcast_in_dim3A_3 : vector<16xf32> to vector<16xf32>
    tpu.vector_store %arg5[%swap3A_466], %swap3A_469 {strides = array<i32>} : memref<1024xf32, #tpu.memory_space<vmem>>, vector<16xf32>,
    %swap3A_470 = arith.constant 400 : index
    %swap3A_471 = tpu.vector_load %arg5[%swap3A_470] {strides = array<i32>} : memref<1024xf32, #tpu.memory_space<vmem>>, vector<16xf32>,
    %swap3A_472 = vector.shape_cast %swap3A_471 : vector<16xf32> to vector<16xf32>
    %swap3A_473 = vector.shape_cast %broadcast_in_dim3A_3 : vector<16xf32> to vector<16xf32>
    tpu.vector_store %arg5[%swap3A_470], %swap3A_473 {strides = array<i32>} : memref<1024xf32, #tpu.memory_space<vmem>>, vector<16xf32>,
    %swap3A_474 = arith.constant 416 : index
    %swap3A_475 = tpu.vector_load %arg5[%swap3A_474] {strides = array<i32>} : memref<1024xf32, #tpu.memory_space<vmem>>, vector<16xf32>,
    %swap3A_476 = vector.shape_cast %swap3A_475 : vector<16xf32> to vector<16xf32>
    %swap3A_477 = vector.shape_cast %broadcast_in_dim3A_3 : vector<16xf32> to vector<16xf32>
    tpu.vector_store %arg5[%swap3A_474], %swap3A_477 {strides = array<i32>} : memref<1024xf32, #tpu.memory_space<vmem>>, vector<16xf32>,
    %swap3A_478 = arith.constant 432 : index
    %swap3A_479 = tpu.vector_load %arg5[%swap3A_478] {strides = array<i32>} : memref<1024xf32, #tpu.memory_space<vmem>>, vector<16xf32>,
    %swap3A_480 = vector.shape_cast %swap3A_479 : vector<16xf32> to vector<16xf32>
    %swap3A_481 = vector.shape_cast %broadcast_in_dim3A_3 : vector<16xf32> to vector<16xf32>
    tpu.vector_store %arg5[%swap3A_478], %swap3A_481 {strides = array<i32>} : memref<1024xf32, #tpu.memory_space<vmem>>, vector<16xf32>,
    %swap3A_482 = arith.constant 448 : index
    %swap3A_483 = tpu.vector_load %arg5[%swap3A_482] {strides = array<i32>} : memref<1024xf32, #tpu.memory_space<vmem>>, vector<16xf32>,
    %swap3A_484 = vector.shape_cast %swap3A_483 : vector<16xf32> to vector<16xf32>
    %swap3A_485 = vector.shape_cast %broadcast_in_dim3A_3 : vector<16xf32> to vector<16xf32>
    tpu.vector_store %arg5[%swap3A_482], %swap3A_485 {strides = array<i32>} : memref<1024xf32, #tpu.memory_space<vmem>>, vector<16xf32>,
    %swap3A_486 = arith.constant 464 : index
    %swap3A_487 = tpu.vector_load %arg5[%swap3A_486] {strides = array<i32>} : memref<1024xf32, #tpu.memory_space<vmem>>, vector<16xf32>,
    %swap3A_488 = vector.shape_cast %swap3A_487 : vector<16xf32> to vector<16xf32>
    %swap3A_489 = vector.shape_cast %broadcast_in_dim3A_3 : vector<16xf32> to vector<16xf32>
    tpu.vector_store %arg5[%swap3A_486], %swap3A_489 {strides = array<i32>} : memref<1024xf32, #tpu.memory_space<vmem>>, vector<16xf32>,
    %swap3A_490 = arith.constant 480 : index
    %swap3A_491 = tpu.vector_load %arg5[%swap3A_490] {strides = array<i32>} : memref<1024xf32, #tpu.memory_space<vmem>>, vector<16xf32>,
    %swap3A_492 = vector.shape_cast %swap3A_491 : vector<16xf32> to vector<16xf32>
    %swap3A_493 = vector.shape_cast %broadcast_in_dim3A_3 : vector<16xf32> to vector<16xf32>
    tpu.vector_store %arg5[%swap3A_490], %swap3A_493 {strides = array<i32>} : memref<1024xf32, #tpu.memory_space<vmem>>, vector<16xf32>,
    %swap3A_494 = arith.constant 496 : index
    %swap3A_495 = tpu.vector_load %arg5[%swap3A_494] {strides = array<i32>} : memref<1024xf32, #tpu.memory_space<vmem>>, vector<16xf32>,
    %swap3A_496 = vector.shape_cast %swap3A_495 : vector<16xf32> to vector<16xf32>
    %swap3A_497 = vector.shape_cast %broadcast_in_dim3A_3 : vector<16xf32> to vector<16xf32>
    tpu.vector_store %arg5[%swap3A_494], %swap3A_497 {strides = array<i32>} : memref<1024xf32, #tpu.memory_space<vmem>>, vector<16xf32>,
    %swap3A_498 = arith.constant 512 : index
    %swap3A_499 = tpu.vector_load %arg5[%swap3A_498] {strides = array<i32>} : memref<1024xf32, #tpu.memory_space<vmem>>, vector<16xf32>,
    %swap3A_500 = vector.shape_cast %swap3A_499 : vector<16xf32> to vector<16xf32>
    %swap3A_501 = vector.shape_cast %broadcast_in_dim3A_3 : vector<16xf32> to vector<16xf32>
    tpu.vector_store %arg5[%swap3A_498], %swap3A_501 {strides = array<i32>} : memref<1024xf32, #tpu.memory_space<vmem>>, vector<16xf32>,
    %swap3A_502 = arith.constant 528 : index
    %swap3A_503 = tpu.vector_load %arg5[%swap3A_502] {strides = array<i32>} : memref<1024xf32, #tpu.memory_space<vmem>>, vector<16xf32>,
    %swap3A_504 = vector.shape_cast %swap3A_503 : vector<16xf32> to vector<16xf32>
    %swap3A_505 = vector.shape_cast %broadcast_in_dim3A_3 : vector<16xf32> to vector<16xf32>
    tpu.vector_store %arg5[%swap3A_502], %swap3A_505 {strides = array<i32>} : memref<1024xf32, #tpu.memory_space<vmem>>, vector<16xf32>,
    %swap3A_506 = arith.constant 544 : index
    %swap3A_507 = tpu.vector_load %arg5[%swap3A_506] {strides = array<i32>} : memref<1024xf32, #tpu.memory_space<vmem>>, vector<16xf32>,
    %swap3A_508 = vector.shape_cast %swap3A_507 : vector<16xf32> to vector<16xf32>
    %swap3A_509 = vector.shape_cast %broadcast_in_dim3A_3 : vector<16xf32> to vector<16xf32>
    tpu.vector_store %arg5[%swap3A_506], %swap3A_509 {strides = array<i32>} : memref<1024xf32, #tpu.memory_space<vmem>>, vector<16xf32>,
    %swap3A_510 = arith.constant 560 : index
    %swap3A_511 = tpu.vector_load %arg5[%swap3A_510] {strides = array<i32>} : memref<1024xf32, #tpu.memory_space<vmem>>, vector<16xf32>,
    %swap3A_512 = vector.shape_cast %swap3A_511 : vector<16xf32> to vector<16xf32>
    %swap3A_513 = vector.shape_cast %broadcast_in_dim3A_3 : vector<16xf32> to vector<16xf32>
    tpu.vector_store %arg5[%swap3A_510], %swap3A_513 {strides = array<i32>} : memref<1024xf32, #tpu.memory_space<vmem>>, vector<16xf32>,
    %swap3A_514 = arith.constant 576 : index
    %swap3A_515 = tpu.vector_load %arg5[%swap3A_514] {strides = array<i32>} : memref<1024xf32, #tpu.memory_space<vmem>>, vector<16xf32>,
    %swap3A_516 = vector.shape_cast %swap3A_515 : vector<16xf32> to vector<16xf32>
    %swap3A_517 = vector.shape_cast %broadcast_in_dim3A_3 : vector<16xf32> to vector<16xf32>
    tpu.vector_store %arg5[%swap3A_514], %swap3A_517 {strides = array<i32>} : memref<1024xf32, #tpu.memory_space<vmem>>, vector<16xf32>,
    %swap3A_518 = arith.constant 592 : index
    %swap3A_519 = tpu.vector_load %arg5[%swap3A_518] {strides = array<i32>} : memref<1024xf32, #tpu.memory_space<vmem>>, vector<16xf32>,
    %swap3A_520 = vector.shape_cast %swap3A_519 : vector<16xf32> to vector<16xf32>
    %swap3A_521 = vector.shape_cast %broadcast_in_dim3A_3 : vector<16xf32> to vector<16xf32>
    tpu.vector_store %arg5[%swap3A_518], %swap3A_521 {strides = array<i32>} : memref<1024xf32, #tpu.memory_space<vmem>>, vector<16xf32>,
    %swap3A_522 = arith.constant 608 : index
    %swap3A_523 = tpu.vector_load %arg5[%swap3A_522] {strides = array<i32>} : memref<1024xf32, #tpu.memory_space<vmem>>, vector<16xf32>,
    %swap3A_524 = vector.shape_cast %swap3A_523 : vector<16xf32> to vector<16xf32>
    %swap3A_525 = vector.shape_cast %broadcast_in_dim3A_3 : vector<16xf32> to vector<16xf32>
    tpu.vector_store %arg5[%swap3A_522], %swap3A_525 {strides = array<i32>} : memref<1024xf32, #tpu.memory_space<vmem>>, vector<16xf32>,
    %swap3A_526 = arith.constant 624 : index
    %swap3A_527 = tpu.vector_load %arg5[%swap3A_526] {strides = array<i32>} : memref<1024xf32, #tpu.memory_space<vmem>>, vector<16xf32>,
    %swap3A_528 = vector.shape_cast %swap3A_527 : vector<16xf32> to vector<16xf32>
    %swap3A_529 = vector.shape_cast %broadcast_in_dim3A_3 : vector<16xf32> to vector<16xf32>
    tpu.vector_store %arg5[%swap3A_526], %swap3A_529 {strides = array<i32>} : memref<1024xf32, #tpu.memory_space<vmem>>, vector<16xf32>,
    %swap3A_530 = arith.constant 640 : index
    %swap3A_531 = tpu.vector_load %arg5[%swap3A_530] {strides = array<i32>} : memref<1024xf32, #tpu.memory_space<vmem>>, vector<16xf32>,
    %swap3A_532 = vector.shape_cast %swap3A_531 : vector<16xf32> to vector<16xf32>
    %swap3A_533 = vector.shape_cast %broadcast_in_dim3A_3 : vector<16xf32> to vector<16xf32>
    tpu.vector_store %arg5[%swap3A_530], %swap3A_533 {strides = array<i32>} : memref<1024xf32, #tpu.memory_space<vmem>>, vector<16xf32>,
    %swap3A_534 = arith.constant 656 : index
    %swap3A_535 = tpu.vector_load %arg5[%swap3A_534] {strides = array<i32>} : memref<1024xf32, #tpu.memory_space<vmem>>, vector<16xf32>,
    %swap3A_536 = vector.shape_cast %swap3A_535 : vector<16xf32> to vector<16xf32>
    %swap3A_537 = vector.shape_cast %broadcast_in_dim3A_3 : vector<16xf32> to vector<16xf32>
    tpu.vector_store %arg5[%swap3A_534], %swap3A_537 {strides = array<i32>} : memref<1024xf32, #tpu.memory_space<vmem>>, vector<16xf32>,
    %swap3A_538 = arith.constant 672 : index
    %swap3A_539 = tpu.vector_load %arg5[%swap3A_538] {strides = array<i32>} : memref<1024xf32, #tpu.memory_space<vmem>>, vector<16xf32>,
    %swap3A_540 = vector.shape_cast %swap3A_539 : vector<16xf32> to vector<16xf32>
    %swap3A_541 = vector.shape_cast %broadcast_in_dim3A_3 : vector<16xf32> to vector<16xf32>
    tpu.vector_store %arg5[%swap3A_538], %swap3A_541 {strides = array<i32>} : memref<1024xf32, #tpu.memory_space<vmem>>, vector<16xf32>,
    %swap3A_542 = arith.constant 688 : index
    %swap3A_543 = tpu.vector_load %arg5[%swap3A_542] {strides = array<i32>} : memref<1024xf32, #tpu.memory_space<vmem>>, vector<16xf32>,
    %swap3A_544 = vector.shape_cast %swap3A_543 : vector<16xf32> to vector<16xf32>
    %swap3A_545 = vector.shape_cast %broadcast_in_dim3A_3 : vector<16xf32> to vector<16xf32>
    tpu.vector_store %arg5[%swap3A_542], %swap3A_545 {strides = array<i32>} : memref<1024xf32, #tpu.memory_space<vmem>>, vector<16xf32>,
    %swap3A_546 = arith.constant 704 : index
    %swap3A_547 = tpu.vector_load %arg5[%swap3A_546] {strides = array<i32>} : memref<1024xf32, #tpu.memory_space<vmem>>, vector<16xf32>,
    %swap3A_548 = vector.shape_cast %swap3A_547 : vector<16xf32> to vector<16xf32>
    %swap3A_549 = vector.shape_cast %broadcast_in_dim3A_3 : vector<16xf32> to vector<16xf32>
    tpu.vector_store %arg5[%swap3A_546], %swap3A_549 {strides = array<i32>} : memref<1024xf32, #tpu.memory_space<vmem>>, vector<16xf32>,
    %swap3A_550 = arith.constant 720 : index
    %swap3A_551 = tpu.vector_load %arg5[%swap3A_550] {strides = array<i32>} : memref<1024xf32, #tpu.memory_space<vmem>>, vector<16xf32>,
    %swap3A_552 = vector.shape_cast %swap3A_551 : vector<16xf32> to vector<16xf32>
    %swap3A_553 = vector.shape_cast %broadcast_in_dim3A_3 : vector<16xf32> to vector<16xf32>
    tpu.vector_store %arg5[%swap3A_550], %swap3A_553 {strides = array<i32>} : memref<1024xf32, #tpu.memory_space<vmem>>, vector<16xf32>,
    %swap3A_554 = arith.constant 736 : index
    %swap3A_555 = tpu.vector_load %arg5[%swap3A_554] {strides = array<i32>} : memref<1024xf32, #tpu.memory_space<vmem>>, vector<16xf32>,
    %swap3A_556 = vector.shape_cast %swap3A_555 : vector<16xf32> to vector<16xf32>
    %swap3A_557 = vector.shape_cast %broadcast_in_dim3A_3 : vector<16xf32> to vector<16xf32>
    tpu.vector_store %arg5[%swap3A_554], %swap3A_557 {strides = array<i32>} : memref<1024xf32, #tpu.memory_space<vmem>>, vector<16xf32>,
    %swap3A_558 = arith.constant 752 : index
    %swap3A_559 = tpu.vector_load %arg5[%swap3A_558] {strides = array<i32>} : memref<1024xf32, #tpu.memory_space<vmem>>, vector<16xf32>,
    %swap3A_560 = vector.shape_cast %swap3A_559 : vector<16xf32> to vector<16xf32>
    %swap3A_561 = vector.shape_cast %broadcast_in_dim3A_3 : vector<16xf32> to vector<16xf32>
    tpu.vector_store %arg5[%swap3A_558], %swap3A_561 {strides = array<i32>} : memref<1024xf32, #tpu.memory_space<vmem>>, vector<16xf32>,
    %swap3A_562 = arith.constant 768 : index
    %swap3A_563 = tpu.vector_load %arg5[%swap3A_562] {strides = array<i32>} : memref<1024xf32, #tpu.memory_space<vmem>>, vector<16xf32>,
    %swap3A_564 = vector.shape_cast %swap3A_563 : vector<16xf32> to vector<16xf32>
    %swap3A_565 = vector.shape_cast %broadcast_in_dim3A_3 : vector<16xf32> to vector<16xf32>
    tpu.vector_store %arg5[%swap3A_562], %swap3A_565 {strides = array<i32>} : memref<1024xf32, #tpu.memory_space<vmem>>, vector<16xf32>,
    %swap3A_566 = arith.constant 784 : index
    %swap3A_567 = tpu.vector_load %arg5[%swap3A_566] {strides = array<i32>} : memref<1024xf32, #tpu.memory_space<vmem>>, vector<16xf32>,
    %swap3A_568 = vector.shape_cast %swap3A_567 : vector<16xf32> to vector<16xf32>
    %swap3A_569 = vector.shape_cast %broadcast_in_dim3A_3 : vector<16xf32> to vector<16xf32>
    tpu.vector_store %arg5[%swap3A_566], %swap3A_569 {strides = array<i32>} : memref<1024xf32, #tpu.memory_space<vmem>>, vector<16xf32>,
    %swap3A_570 = arith.constant 800 : index
    %swap3A_571 = tpu.vector_load %arg5[%swap3A_570] {strides = array<i32>} : memref<1024xf32, #tpu.memory_space<vmem>>, vector<16xf32>,
    %swap3A_572 = vector.shape_cast %swap3A_571 : vector<16xf32> to vector<16xf32>
    %swap3A_573 = vector.shape_cast %broadcast_in_dim3A_3 : vector<16xf32> to vector<16xf32>
    tpu.vector_store %arg5[%swap3A_570], %swap3A_573 {strides = array<i32>} : memref<1024xf32, #tpu.memory_space<vmem>>, vector<16xf32>,
    %swap3A_574 = arith.constant 816 : index
    %swap3A_575 = tpu.vector_load %arg5[%swap3A_574] {strides = array<i32>} : memref<1024xf32, #tpu.memory_space<vmem>>, vector<16xf32>,
    %swap3A_576 = vector.shape_cast %swap3A_575 : vector<16xf32> to vector<16xf32>
    %swap3A_577 = vector.shape_cast %broadcast_in_dim3A_3 : vector<16xf32> to vector<16xf32>
    tpu.vector_store %arg5[%swap3A_574], %swap3A_577 {strides = array<i32>} : memref<1024xf32, #tpu.memory_space<vmem>>, vector<16xf32>,
    %swap3A_578 = arith.constant 832 : index
    %swap3A_579 = tpu.vector_load %arg5[%swap3A_578] {strides = array<i32>} : memref<1024xf32, #tpu.memory_space<vmem>>, vector<16xf32>,
    %swap3A_580 = vector.shape_cast %swap3A_579 : vector<16xf32> to vector<16xf32>
    %swap3A_581 = vector.shape_cast %broadcast_in_dim3A_3 : vector<16xf32> to vector<16xf32>
    tpu.vector_store %arg5[%swap3A_578], %swap3A_581 {strides = array<i32>} : memref<1024xf32, #tpu.memory_space<vmem>>, vector<16xf32>,
    %swap3A_582 = arith.constant 848 : index
    %swap3A_583 = tpu.vector_load %arg5[%swap3A_582] {strides = array<i32>} : memref<1024xf32, #tpu.memory_space<vmem>>, vector<16xf32>,
    %swap3A_584 = vector.shape_cast %swap3A_583 : vector<16xf32> to vector<16xf32>
    %swap3A_585 = vector.shape_cast %broadcast_in_dim3A_3 : vector<16xf32> to vector<16xf32>
    tpu.vector_store %arg5[%swap3A_582], %swap3A_585 {strides = array<i32>} : memref<1024xf32, #tpu.memory_space<vmem>>, vector<16xf32>,
    %swap3A_586 = arith.constant 864 : index
    %swap3A_587 = tpu.vector_load %arg5[%swap3A_586] {strides = array<i32>} : memref<1024xf32, #tpu.memory_space<vmem>>, vector<16xf32>,
    %swap3A_588 = vector.shape_cast %swap3A_587 : vector<16xf32> to vector<16xf32>
    %swap3A_589 = vector.shape_cast %broadcast_in_dim3A_3 : vector<16xf32> to vector<16xf32>
    tpu.vector_store %arg5[%swap3A_586], %swap3A_589 {strides = array<i32>} : memref<1024xf32, #tpu.memory_space<vmem>>, vector<16xf32>,
    %swap3A_590 = arith.constant 880 : index
    %swap3A_591 = tpu.vector_load %arg5[%swap3A_590] {strides = array<i32>} : memref<1024xf32, #tpu.memory_space<vmem>>, vector<16xf32>,
    %swap3A_592 = vector.shape_cast %swap3A_591 : vector<16xf32> to vector<16xf32>
    %swap3A_593 = vector.shape_cast %broadcast_in_dim3A_3 : vector<16xf32> to vector<16xf32>
    tpu.vector_store %arg5[%swap3A_590], %swap3A_593 {strides = array<i32>} : memref<1024xf32, #tpu.memory_space<vmem>>, vector<16xf32>,
    %swap3A_594 = arith.constant 896 : index
    %swap3A_595 = tpu.vector_load %arg5[%swap3A_594] {strides = array<i32>} : memref<1024xf32, #tpu.memory_space<vmem>>, vector<16xf32>,
    %swap3A_596 = vector.shape_cast %swap3A_595 : vector<16xf32> to vector<16xf32>
    %swap3A_597 = vector.shape_cast %broadcast_in_dim3A_3 : vector<16xf32> to vector<16xf32>
    tpu.vector_store %arg5[%swap3A_594], %swap3A_597 {strides = array<i32>} : memref<1024xf32, #tpu.memory_space<vmem>>, vector<16xf32>,
    %swap3A_598 = arith.constant 912 : index
    %swap3A_599 = tpu.vector_load %arg5[%swap3A_598] {strides = array<i32>} : memref<1024xf32, #tpu.memory_space<vmem>>, vector<16xf32>,
    %swap3A_600 = vector.shape_cast %swap3A_599 : vector<16xf32> to vector<16xf32>
    %swap3A_601 = vector.shape_cast %broadcast_in_dim3A_3 : vector<16xf32> to vector<16xf32>
    tpu.vector_store %arg5[%swap3A_598], %swap3A_601 {strides = array<i32>} : memref<1024xf32, #tpu.memory_space<vmem>>, vector<16xf32>,
    %swap3A_602 = arith.constant 928 : index
    %swap3A_603 = tpu.vector_load %arg5[%swap3A_602] {strides = array<i32>} : memref<1024xf32, #tpu.memory_space<vmem>>, vector<16xf32>,
    %swap3A_604 = vector.shape_cast %swap3A_603 : vector<16xf32> to vector<16xf32>
    %swap3A_605 = vector.shape_cast %broadcast_in_dim3A_3 : vector<16xf32> to vector<16xf32>
    tpu.vector_store %arg5[%swap3A_602], %swap3A_605 {strides = array<i32>} : memref<1024xf32, #tpu.memory_space<vmem>>, vector<16xf32>,
    %swap3A_606 = arith.constant 944 : index
    %swap3A_607 = tpu.vector_load %arg5[%swap3A_606] {strides = array<i32>} : memref<1024xf32, #tpu.memory_space<vmem>>, vector<16xf32>,
    %swap3A_608 = vector.shape_cast %swap3A_607 : vector<16xf32> to vector<16xf32>
    %swap3A_609 = vector.shape_cast %broadcast_in_dim3A_3 : vector<16xf32> to vector<16xf32>
    tpu.vector_store %arg5[%swap3A_606], %swap3A_609 {strides = array<i32>} : memref<1024xf32, #tpu.memory_space<vmem>>, vector<16xf32>,
    %swap3A_610 = arith.constant 960 : index
    %swap3A_611 = tpu.vector_load %arg5[%swap3A_610] {strides = array<i32>} : memref<1024xf32, #tpu.memory_space<vmem>>, vector<16xf32>,
    %swap3A_612 = vector.shape_cast %swap3A_611 : vector<16xf32> to vector<16xf32>
    %swap3A_613 = vector.shape_cast %broadcast_in_dim3A_3 : vector<16xf32> to vector<16xf32>
    tpu.vector_store %arg5[%swap3A_610], %swap3A_613 {strides = array<i32>} : memref<1024xf32, #tpu.memory_space<vmem>>, vector<16xf32>,
    %swap3A_614 = arith.constant 976 : index
    %swap3A_615 = tpu.vector_load %arg5[%swap3A_614] {strides = array<i32>} : memref<1024xf32, #tpu.memory_space<vmem>>, vector<16xf32>,
    %swap3A_616 = vector.shape_cast %swap3A_615 : vector<16xf32> to vector<16xf32>
    %swap3A_617 = vector.shape_cast %broadcast_in_dim3A_3 : vector<16xf32> to vector<16xf32>
    tpu.vector_store %arg5[%swap3A_614], %swap3A_617 {strides = array<i32>} : memref<1024xf32, #tpu.memory_space<vmem>>, vector<16xf32>,
    %swap3A_618 = arith.constant 992 : index
    %swap3A_619 = tpu.vector_load %arg5[%swap3A_618] {strides = array<i32>} : memref<1024xf32, #tpu.memory_space<vmem>>, vector<16xf32>,
    %swap3A_620 = vector.shape_cast %swap3A_619 : vector<16xf32> to vector<16xf32>
    %swap3A_621 = vector.shape_cast %broadcast_in_dim3A_3 : vector<16xf32> to vector<16xf32>
    tpu.vector_store %arg5[%swap3A_618], %swap3A_621 {strides = array<i32>} : memref<1024xf32, #tpu.memory_space<vmem>>, vector<16xf32>,
    %swap3A_622 = arith.constant 1008 : index
    %swap3A_623 = tpu.vector_load %arg5[%swap3A_622] {strides = array<i32>} : memref<1024xf32, #tpu.memory_space<vmem>>, vector<16xf32>,
    %swap3A_624 = vector.shape_cast %swap3A_623 : vector<16xf32> to vector<16xf32>
    %swap3A_625 = vector.shape_cast %broadcast_in_dim3A_3 : vector<16xf32> to vector<16xf32>
    tpu.vector_store %arg5[%swap3A_622], %swap3A_625 {strides = array<i32>} : memref<1024xf32, #tpu.memory_space<vmem>>, vector<16xf32>,
    %swap3A_626 = arith.constant 0 : index
    %swap3A_627 = tpu.vector_load %arg6[%swap3A_626] {strides = array<i32>} : memref<640xf32, #tpu.memory_space<vmem>>, vector<16xf32>,
    %swap3A_628 = vector.shape_cast %swap3A_627 : vector<16xf32> to vector<16xf32>
    %swap3A_629 = vector.shape_cast %broadcast_in_dim3A_5 : vector<16xf32> to vector<16xf32>
    tpu.vector_store %arg6[%swap3A_626], %swap3A_629 {strides = array<i32>} : memref<640xf32, #tpu.memory_space<vmem>>, vector<16xf32>,
    %swap3A_630 = arith.constant 16 : index
    %swap3A_631 = tpu.vector_load %arg6[%swap3A_630] {strides = array<i32>} : memref<640xf32, #tpu.memory_space<vmem>>, vector<16xf32>,
    %swap3A_632 = vector.shape_cast %swap3A_631 : vector<16xf32> to vector<16xf32>
    %swap3A_633 = vector.shape_cast %broadcast_in_dim3A_5 : vector<16xf32> to vector<16xf32>
    tpu.vector_store %arg6[%swap3A_630], %swap3A_633 {strides = array<i32>} : memref<640xf32, #tpu.memory_space<vmem>>, vector<16xf32>,
    %swap3A_634 = arith.constant 32 : index
    %swap3A_635 = tpu.vector_load %arg6[%swap3A_634] {strides = array<i32>} : memref<640xf32, #tpu.memory_space<vmem>>, vector<16xf32>,
    %swap3A_636 = vector.shape_cast %swap3A_635 : vector<16xf32> to vector<16xf32>
    %swap3A_637 = vector.shape_cast %broadcast_in_dim3A_5 : vector<16xf32> to vector<16xf32>
    tpu.vector_store %arg6[%swap3A_634], %swap3A_637 {strides = array<i32>} : memref<640xf32, #tpu.memory_space<vmem>>, vector<16xf32>,
    %swap3A_638 = arith.constant 48 : index
    %swap3A_639 = tpu.vector_load %arg6[%swap3A_638] {strides = array<i32>} : memref<640xf32, #tpu.memory_space<vmem>>, vector<16xf32>,
    %swap3A_640 = vector.shape_cast %swap3A_639 : vector<16xf32> to vector<16xf32>
    %swap3A_641 = vector.shape_cast %broadcast_in_dim3A_5 : vector<16xf32> to vector<16xf32>
    tpu.vector_store %arg6[%swap3A_638], %swap3A_641 {strides = array<i32>} : memref<640xf32, #tpu.memory_space<vmem>>, vector<16xf32>,
    %swap3A_642 = arith.constant 64 : index
    %swap3A_643 = tpu.vector_load %arg6[%swap3A_642] {strides = array<i32>} : memref<640xf32, #tpu.memory_space<vmem>>, vector<16xf32>,
    %swap3A_644 = vector.shape_cast %swap3A_643 : vector<16xf32> to vector<16xf32>
    %swap3A_645 = vector.shape_cast %broadcast_in_dim3A_5 : vector<16xf32> to vector<16xf32>
    tpu.vector_store %arg6[%swap3A_642], %swap3A_645 {strides = array<i32>} : memref<640xf32, #tpu.memory_space<vmem>>, vector<16xf32>,
    %swap3A_646 = arith.constant 80 : index
    %swap3A_647 = tpu.vector_load %arg6[%swap3A_646] {strides = array<i32>} : memref<640xf32, #tpu.memory_space<vmem>>, vector<16xf32>,
    %swap3A_648 = vector.shape_cast %swap3A_647 : vector<16xf32> to vector<16xf32>
    %swap3A_649 = vector.shape_cast %broadcast_in_dim3A_5 : vector<16xf32> to vector<16xf32>
    tpu.vector_store %arg6[%swap3A_646], %swap3A_649 {strides = array<i32>} : memref<640xf32, #tpu.memory_space<vmem>>, vector<16xf32>,
    %swap3A_650 = arith.constant 96 : index
    %swap3A_651 = tpu.vector_load %arg6[%swap3A_650] {strides = array<i32>} : memref<640xf32, #tpu.memory_space<vmem>>, vector<16xf32>,
    %swap3A_652 = vector.shape_cast %swap3A_651 : vector<16xf32> to vector<16xf32>
    %swap3A_653 = vector.shape_cast %broadcast_in_dim3A_5 : vector<16xf32> to vector<16xf32>
    tpu.vector_store %arg6[%swap3A_650], %swap3A_653 {strides = array<i32>} : memref<640xf32, #tpu.memory_space<vmem>>, vector<16xf32>,
    %swap3A_654 = arith.constant 112 : index
    %swap3A_655 = tpu.vector_load %arg6[%swap3A_654] {strides = array<i32>} : memref<640xf32, #tpu.memory_space<vmem>>, vector<16xf32>,
    %swap3A_656 = vector.shape_cast %swap3A_655 : vector<16xf32> to vector<16xf32>
    %swap3A_657 = vector.shape_cast %broadcast_in_dim3A_5 : vector<16xf32> to vector<16xf32>
    tpu.vector_store %arg6[%swap3A_654], %swap3A_657 {strides = array<i32>} : memref<640xf32, #tpu.memory_space<vmem>>, vector<16xf32>,
    %swap3A_658 = arith.constant 128 : index
    %swap3A_659 = tpu.vector_load %arg6[%swap3A_658] {strides = array<i32>} : memref<640xf32, #tpu.memory_space<vmem>>, vector<16xf32>,
    %swap3A_660 = vector.shape_cast %swap3A_659 : vector<16xf32> to vector<16xf32>
    %swap3A_661 = vector.shape_cast %broadcast_in_dim3A_5 : vector<16xf32> to vector<16xf32>
    tpu.vector_store %arg6[%swap3A_658], %swap3A_661 {strides = array<i32>} : memref<640xf32, #tpu.memory_space<vmem>>, vector<16xf32>,
    %swap3A_662 = arith.constant 144 : index
    %swap3A_663 = tpu.vector_load %arg6[%swap3A_662] {strides = array<i32>} : memref<640xf32, #tpu.memory_space<vmem>>, vector<16xf32>,
    %swap3A_664 = vector.shape_cast %swap3A_663 : vector<16xf32> to vector<16xf32>
    %swap3A_665 = vector.shape_cast %broadcast_in_dim3A_5 : vector<16xf32> to vector<16xf32>
    tpu.vector_store %arg6[%swap3A_662], %swap3A_665 {strides = array<i32>} : memref<640xf32, #tpu.memory_space<vmem>>, vector<16xf32>,
    %swap3A_666 = arith.constant 160 : index
    %swap3A_667 = tpu.vector_load %arg6[%swap3A_666] {strides = array<i32>} : memref<640xf32, #tpu.memory_space<vmem>>, vector<16xf32>,
    %swap3A_668 = vector.shape_cast %swap3A_667 : vector<16xf32> to vector<16xf32>
    %swap3A_669 = vector.shape_cast %broadcast_in_dim3A_5 : vector<16xf32> to vector<16xf32>
    tpu.vector_store %arg6[%swap3A_666], %swap3A_669 {strides = array<i32>} : memref<640xf32, #tpu.memory_space<vmem>>, vector<16xf32>,
    %swap3A_670 = arith.constant 176 : index
    %swap3A_671 = tpu.vector_load %arg6[%swap3A_670] {strides = array<i32>} : memref<640xf32, #tpu.memory_space<vmem>>, vector<16xf32>,
    %swap3A_672 = vector.shape_cast %swap3A_671 : vector<16xf32> to vector<16xf32>
    %swap3A_673 = vector.shape_cast %broadcast_in_dim3A_5 : vector<16xf32> to vector<16xf32>
    tpu.vector_store %arg6[%swap3A_670], %swap3A_673 {strides = array<i32>} : memref<640xf32, #tpu.memory_space<vmem>>, vector<16xf32>,
    %swap3A_674 = arith.constant 192 : index
    %swap3A_675 = tpu.vector_load %arg6[%swap3A_674] {strides = array<i32>} : memref<640xf32, #tpu.memory_space<vmem>>, vector<16xf32>,
    %swap3A_676 = vector.shape_cast %swap3A_675 : vector<16xf32> to vector<16xf32>
    %swap3A_677 = vector.shape_cast %broadcast_in_dim3A_5 : vector<16xf32> to vector<16xf32>
    tpu.vector_store %arg6[%swap3A_674], %swap3A_677 {strides = array<i32>} : memref<640xf32, #tpu.memory_space<vmem>>, vector<16xf32>,
    %swap3A_678 = arith.constant 208 : index
    %swap3A_679 = tpu.vector_load %arg6[%swap3A_678] {strides = array<i32>} : memref<640xf32, #tpu.memory_space<vmem>>, vector<16xf32>,
    %swap3A_680 = vector.shape_cast %swap3A_679 : vector<16xf32> to vector<16xf32>
    %swap3A_681 = vector.shape_cast %broadcast_in_dim3A_5 : vector<16xf32> to vector<16xf32>
    tpu.vector_store %arg6[%swap3A_678], %swap3A_681 {strides = array<i32>} : memref<640xf32, #tpu.memory_space<vmem>>, vector<16xf32>,
    %swap3A_682 = arith.constant 224 : index
    %swap3A_683 = tpu.vector_load %arg6[%swap3A_682] {strides = array<i32>} : memref<640xf32, #tpu.memory_space<vmem>>, vector<16xf32>,
    %swap3A_684 = vector.shape_cast %swap3A_683 : vector<16xf32> to vector<16xf32>
    %swap3A_685 = vector.shape_cast %broadcast_in_dim3A_5 : vector<16xf32> to vector<16xf32>
    tpu.vector_store %arg6[%swap3A_682], %swap3A_685 {strides = array<i32>} : memref<640xf32, #tpu.memory_space<vmem>>, vector<16xf32>,
    %swap3A_686 = arith.constant 240 : index
    %swap3A_687 = tpu.vector_load %arg6[%swap3A_686] {strides = array<i32>} : memref<640xf32, #tpu.memory_space<vmem>>, vector<16xf32>,
    %swap3A_688 = vector.shape_cast %swap3A_687 : vector<16xf32> to vector<16xf32>
    %swap3A_689 = vector.shape_cast %broadcast_in_dim3A_5 : vector<16xf32> to vector<16xf32>
    tpu.vector_store %arg6[%swap3A_686], %swap3A_689 {strides = array<i32>} : memref<640xf32, #tpu.memory_space<vmem>>, vector<16xf32>,
    %swap3A_690 = arith.constant 256 : index
    %swap3A_691 = tpu.vector_load %arg6[%swap3A_690] {strides = array<i32>} : memref<640xf32, #tpu.memory_space<vmem>>, vector<16xf32>,
    %swap3A_692 = vector.shape_cast %swap3A_691 : vector<16xf32> to vector<16xf32>
    %swap3A_693 = vector.shape_cast %broadcast_in_dim3A_5 : vector<16xf32> to vector<16xf32>
    tpu.vector_store %arg6[%swap3A_690], %swap3A_693 {strides = array<i32>} : memref<640xf32, #tpu.memory_space<vmem>>, vector<16xf32>,
    %swap3A_694 = arith.constant 272 : index
    %swap3A_695 = tpu.vector_load %arg6[%swap3A_694] {strides = array<i32>} : memref<640xf32, #tpu.memory_space<vmem>>, vector<16xf32>,
    %swap3A_696 = vector.shape_cast %swap3A_695 : vector<16xf32> to vector<16xf32>
    %swap3A_697 = vector.shape_cast %broadcast_in_dim3A_5 : vector<16xf32> to vector<16xf32>
    tpu.vector_store %arg6[%swap3A_694], %swap3A_697 {strides = array<i32>} : memref<640xf32, #tpu.memory_space<vmem>>, vector<16xf32>,
    %swap3A_698 = arith.constant 288 : index
    %swap3A_699 = tpu.vector_load %arg6[%swap3A_698] {strides = array<i32>} : memref<640xf32, #tpu.memory_space<vmem>>, vector<16xf32>,
    %swap3A_700 = vector.shape_cast %swap3A_699 : vector<16xf32> to vector<16xf32>
    %swap3A_701 = vector.shape_cast %broadcast_in_dim3A_5 : vector<16xf32> to vector<16xf32>
    tpu.vector_store %arg6[%swap3A_698], %swap3A_701 {strides = array<i32>} : memref<640xf32, #tpu.memory_space<vmem>>, vector<16xf32>,
    %swap3A_702 = arith.constant 304 : index
    %swap3A_703 = tpu.vector_load %arg6[%swap3A_702] {strides = array<i32>} : memref<640xf32, #tpu.memory_space<vmem>>, vector<16xf32>,
    %swap3A_704 = vector.shape_cast %swap3A_703 : vector<16xf32> to vector<16xf32>
    %swap3A_705 = vector.shape_cast %broadcast_in_dim3A_5 : vector<16xf32> to vector<16xf32>
    tpu.vector_store %arg6[%swap3A_702], %swap3A_705 {strides = array<i32>} : memref<640xf32, #tpu.memory_space<vmem>>, vector<16xf32>,
    %swap3A_706 = arith.constant 320 : index
    %swap3A_707 = tpu.vector_load %arg6[%swap3A_706] {strides = array<i32>} : memref<640xf32, #tpu.memory_space<vmem>>, vector<16xf32>,
    %swap3A_708 = vector.shape_cast %swap3A_707 : vector<16xf32> to vector<16xf32>
    %swap3A_709 = vector.shape_cast %broadcast_in_dim3A_5 : vector<16xf32> to vector<16xf32>
    tpu.vector_store %arg6[%swap3A_706], %swap3A_709 {strides = array<i32>} : memref<640xf32, #tpu.memory_space<vmem>>, vector<16xf32>,
    %swap3A_710 = arith.constant 336 : index
    %swap3A_711 = tpu.vector_load %arg6[%swap3A_710] {strides = array<i32>} : memref<640xf32, #tpu.memory_space<vmem>>, vector<16xf32>,
    %swap3A_712 = vector.shape_cast %swap3A_711 : vector<16xf32> to vector<16xf32>
    %swap3A_713 = vector.shape_cast %broadcast_in_dim3A_5 : vector<16xf32> to vector<16xf32>
    tpu.vector_store %arg6[%swap3A_710], %swap3A_713 {strides = array<i32>} : memref<640xf32, #tpu.memory_space<vmem>>, vector<16xf32>,
    %swap3A_714 = arith.constant 352 : index
    %swap3A_715 = tpu.vector_load %arg6[%swap3A_714] {strides = array<i32>} : memref<640xf32, #tpu.memory_space<vmem>>, vector<16xf32>,
    %swap3A_716 = vector.shape_cast %swap3A_715 : vector<16xf32> to vector<16xf32>
    %swap3A_717 = vector.shape_cast %broadcast_in_dim3A_5 : vector<16xf32> to vector<16xf32>
    tpu.vector_store %arg6[%swap3A_714], %swap3A_717 {strides = array<i32>} : memref<640xf32, #tpu.memory_space<vmem>>, vector<16xf32>,
    %swap3A_718 = arith.constant 368 : index
    %swap3A_719 = tpu.vector_load %arg6[%swap3A_718] {strides = array<i32>} : memref<640xf32, #tpu.memory_space<vmem>>, vector<16xf32>,
    %swap3A_720 = vector.shape_cast %swap3A_719 : vector<16xf32> to vector<16xf32>
    %swap3A_721 = vector.shape_cast %broadcast_in_dim3A_5 : vector<16xf32> to vector<16xf32>
    tpu.vector_store %arg6[%swap3A_718], %swap3A_721 {strides = array<i32>} : memref<640xf32, #tpu.memory_space<vmem>>, vector<16xf32>,
    %swap3A_722 = arith.constant 384 : index
    %swap3A_723 = tpu.vector_load %arg6[%swap3A_722] {strides = array<i32>} : memref<640xf32, #tpu.memory_space<vmem>>, vector<16xf32>,
    %swap3A_724 = vector.shape_cast %swap3A_723 : vector<16xf32> to vector<16xf32>
    %swap3A_725 = vector.shape_cast %broadcast_in_dim3A_5 : vector<16xf32> to vector<16xf32>
    tpu.vector_store %arg6[%swap3A_722], %swap3A_725 {strides = array<i32>} : memref<640xf32, #tpu.memory_space<vmem>>, vector<16xf32>,
    %swap3A_726 = arith.constant 400 : index
    %swap3A_727 = tpu.vector_load %arg6[%swap3A_726] {strides = array<i32>} : memref<640xf32, #tpu.memory_space<vmem>>, vector<16xf32>,
    %swap3A_728 = vector.shape_cast %swap3A_727 : vector<16xf32> to vector<16xf32>
    %swap3A_729 = vector.shape_cast %broadcast_in_dim3A_5 : vector<16xf32> to vector<16xf32>
    tpu.vector_store %arg6[%swap3A_726], %swap3A_729 {strides = array<i32>} : memref<640xf32, #tpu.memory_space<vmem>>, vector<16xf32>,
    %swap3A_730 = arith.constant 416 : index
    %swap3A_731 = tpu.vector_load %arg6[%swap3A_730] {strides = array<i32>} : memref<640xf32, #tpu.memory_space<vmem>>, vector<16xf32>,
    %swap3A_732 = vector.shape_cast %swap3A_731 : vector<16xf32> to vector<16xf32>
    %swap3A_733 = vector.shape_cast %broadcast_in_dim3A_5 : vector<16xf32> to vector<16xf32>
    tpu.vector_store %arg6[%swap3A_730], %swap3A_733 {strides = array<i32>} : memref<640xf32, #tpu.memory_space<vmem>>, vector<16xf32>,
    %swap3A_734 = arith.constant 432 : index
    %swap3A_735 = tpu.vector_load %arg6[%swap3A_734] {strides = array<i32>} : memref<640xf32, #tpu.memory_space<vmem>>, vector<16xf32>,
    %swap3A_736 = vector.shape_cast %swap3A_735 : vector<16xf32> to vector<16xf32>
    %swap3A_737 = vector.shape_cast %broadcast_in_dim3A_5 : vector<16xf32> to vector<16xf32>
    tpu.vector_store %arg6[%swap3A_734], %swap3A_737 {strides = array<i32>} : memref<640xf32, #tpu.memory_space<vmem>>, vector<16xf32>,
    %swap3A_738 = arith.constant 448 : index
    %swap3A_739 = tpu.vector_load %arg6[%swap3A_738] {strides = array<i32>} : memref<640xf32, #tpu.memory_space<vmem>>, vector<16xf32>,
    %swap3A_740 = vector.shape_cast %swap3A_739 : vector<16xf32> to vector<16xf32>
    %swap3A_741 = vector.shape_cast %broadcast_in_dim3A_5 : vector<16xf32> to vector<16xf32>
    tpu.vector_store %arg6[%swap3A_738], %swap3A_741 {strides = array<i32>} : memref<640xf32, #tpu.memory_space<vmem>>, vector<16xf32>,
    %swap3A_742 = arith.constant 464 : index
    %swap3A_743 = tpu.vector_load %arg6[%swap3A_742] {strides = array<i32>} : memref<640xf32, #tpu.memory_space<vmem>>, vector<16xf32>,
    %swap3A_744 = vector.shape_cast %swap3A_743 : vector<16xf32> to vector<16xf32>
    %swap3A_745 = vector.shape_cast %broadcast_in_dim3A_5 : vector<16xf32> to vector<16xf32>
    tpu.vector_store %arg6[%swap3A_742], %swap3A_745 {strides = array<i32>} : memref<640xf32, #tpu.memory_space<vmem>>, vector<16xf32>,
    %swap3A_746 = arith.constant 480 : index
    %swap3A_747 = tpu.vector_load %arg6[%swap3A_746] {strides = array<i32>} : memref<640xf32, #tpu.memory_space<vmem>>, vector<16xf32>,
    %swap3A_748 = vector.shape_cast %swap3A_747 : vector<16xf32> to vector<16xf32>
    %swap3A_749 = vector.shape_cast %broadcast_in_dim3A_5 : vector<16xf32> to vector<16xf32>
    tpu.vector_store %arg6[%swap3A_746], %swap3A_749 {strides = array<i32>} : memref<640xf32, #tpu.memory_space<vmem>>, vector<16xf32>,
    %swap3A_750 = arith.constant 496 : index
    %swap3A_751 = tpu.vector_load %arg6[%swap3A_750] {strides = array<i32>} : memref<640xf32, #tpu.memory_space<vmem>>, vector<16xf32>,
    %swap3A_752 = vector.shape_cast %swap3A_751 : vector<16xf32> to vector<16xf32>
    %swap3A_753 = vector.shape_cast %broadcast_in_dim3A_5 : vector<16xf32> to vector<16xf32>
    tpu.vector_store %arg6[%swap3A_750], %swap3A_753 {strides = array<i32>} : memref<640xf32, #tpu.memory_space<vmem>>, vector<16xf32>,
    %swap3A_754 = arith.constant 512 : index
    %swap3A_755 = tpu.vector_load %arg6[%swap3A_754] {strides = array<i32>} : memref<640xf32, #tpu.memory_space<vmem>>, vector<16xf32>,
    %swap3A_756 = vector.shape_cast %swap3A_755 : vector<16xf32> to vector<16xf32>
    %swap3A_757 = vector.shape_cast %broadcast_in_dim3A_5 : vector<16xf32> to vector<16xf32>
    tpu.vector_store %arg6[%swap3A_754], %swap3A_757 {strides = array<i32>} : memref<640xf32, #tpu.memory_space<vmem>>, vector<16xf32>,
    %swap3A_758 = arith.constant 528 : index
    %swap3A_759 = tpu.vector_load %arg6[%swap3A_758] {strides = array<i32>} : memref<640xf32, #tpu.memory_space<vmem>>, vector<16xf32>,
    %swap3A_760 = vector.shape_cast %swap3A_759 : vector<16xf32> to vector<16xf32>
    %swap3A_761 = vector.shape_cast %broadcast_in_dim3A_5 : vector<16xf32> to vector<16xf32>
    tpu.vector_store %arg6[%swap3A_758], %swap3A_761 {strides = array<i32>} : memref<640xf32, #tpu.memory_space<vmem>>, vector<16xf32>,
    %swap3A_762 = arith.constant 544 : index
    %swap3A_763 = tpu.vector_load %arg6[%swap3A_762] {strides = array<i32>} : memref<640xf32, #tpu.memory_space<vmem>>, vector<16xf32>,
    %swap3A_764 = vector.shape_cast %swap3A_763 : vector<16xf32> to vector<16xf32>
    %swap3A_765 = vector.shape_cast %broadcast_in_dim3A_5 : vector<16xf32> to vector<16xf32>
    tpu.vector_store %arg6[%swap3A_762], %swap3A_765 {strides = array<i32>} : memref<640xf32, #tpu.memory_space<vmem>>, vector<16xf32>,
    %swap3A_766 = arith.constant 560 : index
    %swap3A_767 = tpu.vector_load %arg6[%swap3A_766] {strides = array<i32>} : memref<640xf32, #tpu.memory_space<vmem>>, vector<16xf32>,
    %swap3A_768 = vector.shape_cast %swap3A_767 : vector<16xf32> to vector<16xf32>
    %swap3A_769 = vector.shape_cast %broadcast_in_dim3A_5 : vector<16xf32> to vector<16xf32>
    tpu.vector_store %arg6[%swap3A_766], %swap3A_769 {strides = array<i32>} : memref<640xf32, #tpu.memory_space<vmem>>, vector<16xf32>,
    %swap3A_770 = arith.constant 576 : index
    %swap3A_771 = tpu.vector_load %arg6[%swap3A_770] {strides = array<i32>} : memref<640xf32, #tpu.memory_space<vmem>>, vector<16xf32>,
    %swap3A_772 = vector.shape_cast %swap3A_771 : vector<16xf32> to vector<16xf32>
    %swap3A_773 = vector.shape_cast %broadcast_in_dim3A_5 : vector<16xf32> to vector<16xf32>
    tpu.vector_store %arg6[%swap3A_770], %swap3A_773 {strides = array<i32>} : memref<640xf32, #tpu.memory_space<vmem>>, vector<16xf32>,
    %swap3A_774 = arith.constant 592 : index
    %swap3A_775 = tpu.vector_load %arg6[%swap3A_774] {strides = array<i32>} : memref<640xf32, #tpu.memory_space<vmem>>, vector<16xf32>,
    %swap3A_776 = vector.shape_cast %swap3A_775 : vector<16xf32> to vector<16xf32>
    %swap3A_777 = vector.shape_cast %broadcast_in_dim3A_5 : vector<16xf32> to vector<16xf32>
    tpu.vector_store %arg6[%swap3A_774], %swap3A_777 {strides = array<i32>} : memref<640xf32, #tpu.memory_space<vmem>>, vector<16xf32>,
    %swap3A_778 = arith.constant 608 : index
    %swap3A_779 = tpu.vector_load %arg6[%swap3A_778] {strides = array<i32>} : memref<640xf32, #tpu.memory_space<vmem>>, vector<16xf32>,
    %swap3A_780 = vector.shape_cast %swap3A_779 : vector<16xf32> to vector<16xf32>
    %swap3A_781 = vector.shape_cast %broadcast_in_dim3A_5 : vector<16xf32> to vector<16xf32>
    tpu.vector_store %arg6[%swap3A_778], %swap3A_781 {strides = array<i32>} : memref<640xf32, #tpu.memory_space<vmem>>, vector<16xf32>,
    %swap3A_782 = arith.constant 624 : index
    %swap3A_783 = tpu.vector_load %arg6[%swap3A_782] {strides = array<i32>} : memref<640xf32, #tpu.memory_space<vmem>>, vector<16xf32>,
    %swap3A_784 = vector.shape_cast %swap3A_783 : vector<16xf32> to vector<16xf32>
    %swap3A_785 = vector.shape_cast %broadcast_in_dim3A_5 : vector<16xf32> to vector<16xf32>
    tpu.vector_store %arg6[%swap3A_782], %swap3A_785 {strides = array<i32>} : memref<640xf32, #tpu.memory_space<vmem>>, vector<16xf32>,
    "tpu.region"() ({
      %run_scoped3A = tpu.sem_alloc : memref<!tpu.dma_semaphore, #tpu.memory_space<semaphore_mem>>
      %dma_start3A_1026 = tpu.memref_slice %arg7[%mul3A_2] : memref<10240xf32, #tpu.memory_space<vmem_shared>> -> memref<640xf32, #tpu.memory_space<vmem_shared>>
      %dma_start3A_1027 = tpu.memref_slice %arg7[%mul3A_2] : memref<10240xf32, #tpu.memory_space<vmem_shared>> -> memref<640xf32, #tpu.memory_space<vmem_shared>>
      tpu.enqueue_dma source(%arg6 : memref<640xf32, #tpu.memory_space<vmem>>) target(%dma_start3A_1027 : memref<640xf32, #tpu.memory_space<vmem_shared>>) target_semaphore(%run_scoped3A : memref<!tpu.dma_semaphore, #tpu.memory_space<semaphore_mem>>)
      %dma_wait3A_1028 = tpu.memref_slice %arg7[%mul3A_2] : memref<10240xf32, #tpu.memory_space<vmem_shared>> -> memref<640xf32, #tpu.memory_space<vmem_shared>>
      %dma_wait3A_1029 = tpu.memref_slice %arg7[%mul3A_2] : memref<10240xf32, #tpu.memory_space<vmem_shared>> -> memref<640xf32, #tpu.memory_space<vmem_shared>>
      tpu.wait_dma2 semaphore(%run_scoped3A : memref<!tpu.dma_semaphore, #tpu.memory_space<semaphore_mem>>) src(%arg6 : memref<640xf32, #tpu.memory_space<vmem>>) dst(%dma_wait3A_1029 : memref<640xf32, #tpu.memory_space<vmem_shared>>)
      tpu.yield
    }) : () -> ()
    %dma_wait3A = arith.constant 1 : i32
    %dma_wait3A_786 = arith.constant 0 : i32
    %dma_wait3A_787 = arith.constant 0 : i32
    %dma_wait3A_788 = tpu.memref_slice %arg4[%dma_wait3A_786, %dma_wait3A_787] : memref<10x1024xi32, #tpu.memory_space<vmem>> -> memref<1x1024xi32, #tpu.memory_space<vmem>>
    %dma_wait3A_789 = tpu.memref_squeeze %dma_wait3A_788 : memref<1x1024xi32, #tpu.memory_space<vmem>> -> memref<1024xi32, #tpu.memory_space<vmem>>
    %dma_wait3A_790 = tpu.memref_slice %arg2[%dma_wait3A, %add3A_9] : memref<2x320000xi32, #tpu.memory_space<hbm>> -> memref<1x1024xi32, #tpu.memory_space<hbm>>
    %dma_wait3A_791 = tpu.memref_squeeze %dma_wait3A_790 : memref<1x1024xi32, #tpu.memory_space<hbm>> -> memref<1024xi32, #tpu.memory_space<hbm>>
    %dma_wait3A_792 = arith.constant 0 : i32
    %dma_wait3A_793 = tpu.memref_slice %arg4[%dma_wait3A_786, %dma_wait3A_792] : memref<10x1024xi32, #tpu.memory_space<vmem>> -> memref<1x1024xi32, #tpu.memory_space<vmem>>
    %dma_wait3A_794 = tpu.memref_squeeze %dma_wait3A_793 : memref<1x1024xi32, #tpu.memory_space<vmem>> -> memref<1024xi32, #tpu.memory_space<vmem>>
    %dma_wait3A_795 = tpu.memref_slice %arg2[%dma_wait3A, %add3A_9] : memref<2x320000xi32, #tpu.memory_space<hbm>> -> memref<1x1024xi32, #tpu.memory_space<hbm>>
    %dma_wait3A_796 = tpu.memref_squeeze %dma_wait3A_795 : memref<1x1024xi32, #tpu.memory_space<hbm>> -> memref<1024xi32, #tpu.memory_space<hbm>>
    tpu.wait_dma2 semaphore(%arg9 : memref<!tpu.dma_semaphore, #tpu.memory_space<semaphore_mem>>) src(%dma_wait3A_796 : memref<1024xi32, #tpu.memory_space<hbm>>) dst(%dma_wait3A_794 : memref<1024xi32, #tpu.memory_space<vmem>>)
    %dma_wait3A_797 = arith.constant 1 : i32
    %dma_wait3A_798 = arith.constant 1 : i32
    %dma_wait3A_799 = arith.constant 0 : i32
    %dma_wait3A_800 = tpu.memref_slice %arg4[%dma_wait3A_798, %dma_wait3A_799] : memref<10x1024xi32, #tpu.memory_space<vmem>> -> memref<1x1024xi32, #tpu.memory_space<vmem>>
    %dma_wait3A_801 = tpu.memref_squeeze %dma_wait3A_800 : memref<1x1024xi32, #tpu.memory_space<vmem>> -> memref<1024xi32, #tpu.memory_space<vmem>>
    %dma_wait3A_802 = tpu.memref_slice %arg2[%dma_wait3A_797, %add3A_22] : memref<2x320000xi32, #tpu.memory_space<hbm>> -> memref<1x1024xi32, #tpu.memory_space<hbm>>
    %dma_wait3A_803 = tpu.memref_squeeze %dma_wait3A_802 : memref<1x1024xi32, #tpu.memory_space<hbm>> -> memref<1024xi32, #tpu.memory_space<hbm>>
    %dma_wait3A_804 = arith.constant 0 : i32
    %dma_wait3A_805 = tpu.memref_slice %arg4[%dma_wait3A_798, %dma_wait3A_804] : memref<10x1024xi32, #tpu.memory_space<vmem>> -> memref<1x1024xi32, #tpu.memory_space<vmem>>
    %dma_wait3A_806 = tpu.memref_squeeze %dma_wait3A_805 : memref<1x1024xi32, #tpu.memory_space<vmem>> -> memref<1024xi32, #tpu.memory_space<vmem>>
    %dma_wait3A_807 = tpu.memref_slice %arg2[%dma_wait3A_797, %add3A_22] : memref<2x320000xi32, #tpu.memory_space<hbm>> -> memref<1x1024xi32, #tpu.memory_space<hbm>>
    %dma_wait3A_808 = tpu.memref_squeeze %dma_wait3A_807 : memref<1x1024xi32, #tpu.memory_space<hbm>> -> memref<1024xi32, #tpu.memory_space<hbm>>
    tpu.wait_dma2 semaphore(%arg9 : memref<!tpu.dma_semaphore, #tpu.memory_space<semaphore_mem>>) src(%dma_wait3A_808 : memref<1024xi32, #tpu.memory_space<hbm>>) dst(%dma_wait3A_806 : memref<1024xi32, #tpu.memory_space<vmem>>)
    %dma_wait3A_809 = arith.constant 1 : i32
    %dma_wait3A_810 = arith.constant 2 : i32
    %dma_wait3A_811 = arith.constant 0 : i32
    %dma_wait3A_812 = tpu.memref_slice %arg4[%dma_wait3A_810, %dma_wait3A_811] : memref<10x1024xi32, #tpu.memory_space<vmem>> -> memref<1x1024xi32, #tpu.memory_space<vmem>>
    %dma_wait3A_813 = tpu.memref_squeeze %dma_wait3A_812 : memref<1x1024xi32, #tpu.memory_space<vmem>> -> memref<1024xi32, #tpu.memory_space<vmem>>
    %dma_wait3A_814 = tpu.memref_slice %arg2[%dma_wait3A_809, %add3A_36] : memref<2x320000xi32, #tpu.memory_space<hbm>> -> memref<1x1024xi32, #tpu.memory_space<hbm>>
    %dma_wait3A_815 = tpu.memref_squeeze %dma_wait3A_814 : memref<1x1024xi32, #tpu.memory_space<hbm>> -> memref<1024xi32, #tpu.memory_space<hbm>>
    %dma_wait3A_816 = arith.constant 0 : i32
    %dma_wait3A_817 = tpu.memref_slice %arg4[%dma_wait3A_810, %dma_wait3A_816] : memref<10x1024xi32, #tpu.memory_space<vmem>> -> memref<1x1024xi32, #tpu.memory_space<vmem>>
    %dma_wait3A_818 = tpu.memref_squeeze %dma_wait3A_817 : memref<1x1024xi32, #tpu.memory_space<vmem>> -> memref<1024xi32, #tpu.memory_space<vmem>>
    %dma_wait3A_819 = tpu.memref_slice %arg2[%dma_wait3A_809, %add3A_36] : memref<2x320000xi32, #tpu.memory_space<hbm>> -> memref<1x1024xi32, #tpu.memory_space<hbm>>
    %dma_wait3A_820 = tpu.memref_squeeze %dma_wait3A_819 : memref<1x1024xi32, #tpu.memory_space<hbm>> -> memref<1024xi32, #tpu.memory_space<hbm>>
    tpu.wait_dma2 semaphore(%arg9 : memref<!tpu.dma_semaphore, #tpu.memory_space<semaphore_mem>>) src(%dma_wait3A_820 : memref<1024xi32, #tpu.memory_space<hbm>>) dst(%dma_wait3A_818 : memref<1024xi32, #tpu.memory_space<vmem>>)
    %dma_wait3A_821 = arith.constant 1 : i32
    %dma_wait3A_822 = arith.constant 3 : i32
    %dma_wait3A_823 = arith.constant 0 : i32
    %dma_wait3A_824 = tpu.memref_slice %arg4[%dma_wait3A_822, %dma_wait3A_823] : memref<10x1024xi32, #tpu.memory_space<vmem>> -> memref<1x1024xi32, #tpu.memory_space<vmem>>
    %dma_wait3A_825 = tpu.memref_squeeze %dma_wait3A_824 : memref<1x1024xi32, #tpu.memory_space<vmem>> -> memref<1024xi32, #tpu.memory_space<vmem>>
    %dma_wait3A_826 = tpu.memref_slice %arg2[%dma_wait3A_821, %add3A_50] : memref<2x320000xi32, #tpu.memory_space<hbm>> -> memref<1x1024xi32, #tpu.memory_space<hbm>>
    %dma_wait3A_827 = tpu.memref_squeeze %dma_wait3A_826 : memref<1x1024xi32, #tpu.memory_space<hbm>> -> memref<1024xi32, #tpu.memory_space<hbm>>
    %dma_wait3A_828 = arith.constant 0 : i32
    %dma_wait3A_829 = tpu.memref_slice %arg4[%dma_wait3A_822, %dma_wait3A_828] : memref<10x1024xi32, #tpu.memory_space<vmem>> -> memref<1x1024xi32, #tpu.memory_space<vmem>>
    %dma_wait3A_830 = tpu.memref_squeeze %dma_wait3A_829 : memref<1x1024xi32, #tpu.memory_space<vmem>> -> memref<1024xi32, #tpu.memory_space<vmem>>
    %dma_wait3A_831 = tpu.memref_slice %arg2[%dma_wait3A_821, %add3A_50] : memref<2x320000xi32, #tpu.memory_space<hbm>> -> memref<1x1024xi32, #tpu.memory_space<hbm>>
    %dma_wait3A_832 = tpu.memref_squeeze %dma_wait3A_831 : memref<1x1024xi32, #tpu.memory_space<hbm>> -> memref<1024xi32, #tpu.memory_space<hbm>>
    tpu.wait_dma2 semaphore(%arg9 : memref<!tpu.dma_semaphore, #tpu.memory_space<semaphore_mem>>) src(%dma_wait3A_832 : memref<1024xi32, #tpu.memory_space<hbm>>) dst(%dma_wait3A_830 : memref<1024xi32, #tpu.memory_space<vmem>>)
    %dma_wait3A_833 = arith.constant 1 : i32
    %dma_wait3A_834 = arith.constant 4 : i32
    %dma_wait3A_835 = arith.constant 0 : i32
    %dma_wait3A_836 = tpu.memref_slice %arg4[%dma_wait3A_834, %dma_wait3A_835] : memref<10x1024xi32, #tpu.memory_space<vmem>> -> memref<1x1024xi32, #tpu.memory_space<vmem>>
    %dma_wait3A_837 = tpu.memref_squeeze %dma_wait3A_836 : memref<1x1024xi32, #tpu.memory_space<vmem>> -> memref<1024xi32, #tpu.memory_space<vmem>>
    %dma_wait3A_838 = tpu.memref_slice %arg2[%dma_wait3A_833, %add3A_64] : memref<2x320000xi32, #tpu.memory_space<hbm>> -> memref<1x1024xi32, #tpu.memory_space<hbm>>
    %dma_wait3A_839 = tpu.memref_squeeze %dma_wait3A_838 : memref<1x1024xi32, #tpu.memory_space<hbm>> -> memref<1024xi32, #tpu.memory_space<hbm>>
    %dma_wait3A_840 = arith.constant 0 : i32
    %dma_wait3A_841 = tpu.memref_slice %arg4[%dma_wait3A_834, %dma_wait3A_840] : memref<10x1024xi32, #tpu.memory_space<vmem>> -> memref<1x1024xi32, #tpu.memory_space<vmem>>
    %dma_wait3A_842 = tpu.memref_squeeze %dma_wait3A_841 : memref<1x1024xi32, #tpu.memory_space<vmem>> -> memref<1024xi32, #tpu.memory_space<vmem>>
    %dma_wait3A_843 = tpu.memref_slice %arg2[%dma_wait3A_833, %add3A_64] : memref<2x320000xi32, #tpu.memory_space<hbm>> -> memref<1x1024xi32, #tpu.memory_space<hbm>>
    %dma_wait3A_844 = tpu.memref_squeeze %dma_wait3A_843 : memref<1x1024xi32, #tpu.memory_space<hbm>> -> memref<1024xi32, #tpu.memory_space<hbm>>
    tpu.wait_dma2 semaphore(%arg9 : memref<!tpu.dma_semaphore, #tpu.memory_space<semaphore_mem>>) src(%dma_wait3A_844 : memref<1024xi32, #tpu.memory_space<hbm>>) dst(%dma_wait3A_842 : memref<1024xi32, #tpu.memory_space<vmem>>)
    %dma_wait3A_845 = arith.constant 1 : i32
    %dma_wait3A_846 = arith.constant 5 : i32
    %dma_wait3A_847 = arith.constant 0 : i32
    %dma_wait3A_848 = tpu.memref_slice %arg4[%dma_wait3A_846, %dma_wait3A_847] : memref<10x1024xi32, #tpu.memory_space<vmem>> -> memref<1x1024xi32, #tpu.memory_space<vmem>>
    %dma_wait3A_849 = tpu.memref_squeeze %dma_wait3A_848 : memref<1x1024xi32, #tpu.memory_space<vmem>> -> memref<1024xi32, #tpu.memory_space<vmem>>
    %dma_wait3A_850 = tpu.memref_slice %arg2[%dma_wait3A_845, %add3A_78] : memref<2x320000xi32, #tpu.memory_space<hbm>> -> memref<1x1024xi32, #tpu.memory_space<hbm>>
    %dma_wait3A_851 = tpu.memref_squeeze %dma_wait3A_850 : memref<1x1024xi32, #tpu.memory_space<hbm>> -> memref<1024xi32, #tpu.memory_space<hbm>>
    %dma_wait3A_852 = arith.constant 0 : i32
    %dma_wait3A_853 = tpu.memref_slice %arg4[%dma_wait3A_846, %dma_wait3A_852] : memref<10x1024xi32, #tpu.memory_space<vmem>> -> memref<1x1024xi32, #tpu.memory_space<vmem>>
    %dma_wait3A_854 = tpu.memref_squeeze %dma_wait3A_853 : memref<1x1024xi32, #tpu.memory_space<vmem>> -> memref<1024xi32, #tpu.memory_space<vmem>>
    %dma_wait3A_855 = tpu.memref_slice %arg2[%dma_wait3A_845, %add3A_78] : memref<2x320000xi32, #tpu.memory_space<hbm>> -> memref<1x1024xi32, #tpu.memory_space<hbm>>
    %dma_wait3A_856 = tpu.memref_squeeze %dma_wait3A_855 : memref<1x1024xi32, #tpu.memory_space<hbm>> -> memref<1024xi32, #tpu.memory_space<hbm>>
    tpu.wait_dma2 semaphore(%arg9 : memref<!tpu.dma_semaphore, #tpu.memory_space<semaphore_mem>>) src(%dma_wait3A_856 : memref<1024xi32, #tpu.memory_space<hbm>>) dst(%dma_wait3A_854 : memref<1024xi32, #tpu.memory_space<vmem>>)
    %dma_wait3A_857 = arith.constant 1 : i32
    %dma_wait3A_858 = arith.constant 6 : i32
    %dma_wait3A_859 = arith.constant 0 : i32
    %dma_wait3A_860 = tpu.memref_slice %arg4[%dma_wait3A_858, %dma_wait3A_859] : memref<10x1024xi32, #tpu.memory_space<vmem>> -> memref<1x1024xi32, #tpu.memory_space<vmem>>
    %dma_wait3A_861 = tpu.memref_squeeze %dma_wait3A_860 : memref<1x1024xi32, #tpu.memory_space<vmem>> -> memref<1024xi32, #tpu.memory_space<vmem>>
    %dma_wait3A_862 = tpu.memref_slice %arg2[%dma_wait3A_857, %add3A_92] : memref<2x320000xi32, #tpu.memory_space<hbm>> -> memref<1x1024xi32, #tpu.memory_space<hbm>>
    %dma_wait3A_863 = tpu.memref_squeeze %dma_wait3A_862 : memref<1x1024xi32, #tpu.memory_space<hbm>> -> memref<1024xi32, #tpu.memory_space<hbm>>
    %dma_wait3A_864 = arith.constant 0 : i32
    %dma_wait3A_865 = tpu.memref_slice %arg4[%dma_wait3A_858, %dma_wait3A_864] : memref<10x1024xi32, #tpu.memory_space<vmem>> -> memref<1x1024xi32, #tpu.memory_space<vmem>>
    %dma_wait3A_866 = tpu.memref_squeeze %dma_wait3A_865 : memref<1x1024xi32, #tpu.memory_space<vmem>> -> memref<1024xi32, #tpu.memory_space<vmem>>
    %dma_wait3A_867 = tpu.memref_slice %arg2[%dma_wait3A_857, %add3A_92] : memref<2x320000xi32, #tpu.memory_space<hbm>> -> memref<1x1024xi32, #tpu.memory_space<hbm>>
    %dma_wait3A_868 = tpu.memref_squeeze %dma_wait3A_867 : memref<1x1024xi32, #tpu.memory_space<hbm>> -> memref<1024xi32, #tpu.memory_space<hbm>>
    tpu.wait_dma2 semaphore(%arg9 : memref<!tpu.dma_semaphore, #tpu.memory_space<semaphore_mem>>) src(%dma_wait3A_868 : memref<1024xi32, #tpu.memory_space<hbm>>) dst(%dma_wait3A_866 : memref<1024xi32, #tpu.memory_space<vmem>>)
    %dma_wait3A_869 = arith.constant 1 : i32
    %dma_wait3A_870 = arith.constant 7 : i32
    %dma_wait3A_871 = arith.constant 0 : i32
    %dma_wait3A_872 = tpu.memref_slice %arg4[%dma_wait3A_870, %dma_wait3A_871] : memref<10x1024xi32, #tpu.memory_space<vmem>> -> memref<1x1024xi32, #tpu.memory_space<vmem>>
    %dma_wait3A_873 = tpu.memref_squeeze %dma_wait3A_872 : memref<1x1024xi32, #tpu.memory_space<vmem>> -> memref<1024xi32, #tpu.memory_space<vmem>>
    %dma_wait3A_874 = tpu.memref_slice %arg2[%dma_wait3A_869, %add3A_106] : memref<2x320000xi32, #tpu.memory_space<hbm>> -> memref<1x1024xi32, #tpu.memory_space<hbm>>
    %dma_wait3A_875 = tpu.memref_squeeze %dma_wait3A_874 : memref<1x1024xi32, #tpu.memory_space<hbm>> -> memref<1024xi32, #tpu.memory_space<hbm>>
    %dma_wait3A_876 = arith.constant 0 : i32
    %dma_wait3A_877 = tpu.memref_slice %arg4[%dma_wait3A_870, %dma_wait3A_876] : memref<10x1024xi32, #tpu.memory_space<vmem>> -> memref<1x1024xi32, #tpu.memory_space<vmem>>
    %dma_wait3A_878 = tpu.memref_squeeze %dma_wait3A_877 : memref<1x1024xi32, #tpu.memory_space<vmem>> -> memref<1024xi32, #tpu.memory_space<vmem>>
    %dma_wait3A_879 = tpu.memref_slice %arg2[%dma_wait3A_869, %add3A_106] : memref<2x320000xi32, #tpu.memory_space<hbm>> -> memref<1x1024xi32, #tpu.memory_space<hbm>>
    %dma_wait3A_880 = tpu.memref_squeeze %dma_wait3A_879 : memref<1x1024xi32, #tpu.memory_space<hbm>> -> memref<1024xi32, #tpu.memory_space<hbm>>
    tpu.wait_dma2 semaphore(%arg9 : memref<!tpu.dma_semaphore, #tpu.memory_space<semaphore_mem>>) src(%dma_wait3A_880 : memref<1024xi32, #tpu.memory_space<hbm>>) dst(%dma_wait3A_878 : memref<1024xi32, #tpu.memory_space<vmem>>)
    %dma_wait3A_881 = arith.constant 1 : i32
    %dma_wait3A_882 = arith.constant 8 : i32
    %dma_wait3A_883 = arith.constant 0 : i32
    %dma_wait3A_884 = tpu.memref_slice %arg4[%dma_wait3A_882, %dma_wait3A_883] : memref<10x1024xi32, #tpu.memory_space<vmem>> -> memref<1x1024xi32, #tpu.memory_space<vmem>>
    %dma_wait3A_885 = tpu.memref_squeeze %dma_wait3A_884 : memref<1x1024xi32, #tpu.memory_space<vmem>> -> memref<1024xi32, #tpu.memory_space<vmem>>
    %dma_wait3A_886 = tpu.memref_slice %arg2[%dma_wait3A_881, %add3A_120] : memref<2x320000xi32, #tpu.memory_space<hbm>> -> memref<1x1024xi32, #tpu.memory_space<hbm>>
    %dma_wait3A_887 = tpu.memref_squeeze %dma_wait3A_886 : memref<1x1024xi32, #tpu.memory_space<hbm>> -> memref<1024xi32, #tpu.memory_space<hbm>>
    %dma_wait3A_888 = arith.constant 0 : i32
    %dma_wait3A_889 = tpu.memref_slice %arg4[%dma_wait3A_882, %dma_wait3A_888] : memref<10x1024xi32, #tpu.memory_space<vmem>> -> memref<1x1024xi32, #tpu.memory_space<vmem>>
    %dma_wait3A_890 = tpu.memref_squeeze %dma_wait3A_889 : memref<1x1024xi32, #tpu.memory_space<vmem>> -> memref<1024xi32, #tpu.memory_space<vmem>>
    %dma_wait3A_891 = tpu.memref_slice %arg2[%dma_wait3A_881, %add3A_120] : memref<2x320000xi32, #tpu.memory_space<hbm>> -> memref<1x1024xi32, #tpu.memory_space<hbm>>
    %dma_wait3A_892 = tpu.memref_squeeze %dma_wait3A_891 : memref<1x1024xi32, #tpu.memory_space<hbm>> -> memref<1024xi32, #tpu.memory_space<hbm>>
    tpu.wait_dma2 semaphore(%arg9 : memref<!tpu.dma_semaphore, #tpu.memory_space<semaphore_mem>>) src(%dma_wait3A_892 : memref<1024xi32, #tpu.memory_space<hbm>>) dst(%dma_wait3A_890 : memref<1024xi32, #tpu.memory_space<vmem>>)
    %dma_wait3A_893 = arith.constant 1 : i32
    %dma_wait3A_894 = arith.constant 9 : i32
    %dma_wait3A_895 = arith.constant 0 : i32
    %dma_wait3A_896 = tpu.memref_slice %arg4[%dma_wait3A_894, %dma_wait3A_895] : memref<10x1024xi32, #tpu.memory_space<vmem>> -> memref<1x784xi32, #tpu.memory_space<vmem>>
    %dma_wait3A_897 = tpu.memref_squeeze %dma_wait3A_896 : memref<1x784xi32, #tpu.memory_space<vmem>> -> memref<784xi32, #tpu.memory_space<vmem>>
    %dma_wait3A_898 = tpu.memref_slice %arg2[%dma_wait3A_893, %add3A_357] : memref<2x320000xi32, #tpu.memory_space<hbm>> -> memref<1x784xi32, #tpu.memory_space<hbm>>
    %dma_wait3A_899 = tpu.memref_squeeze %dma_wait3A_898 : memref<1x784xi32, #tpu.memory_space<hbm>> -> memref<784xi32, #tpu.memory_space<hbm>>
    %dma_wait3A_900 = arith.constant 0 : i32
    %dma_wait3A_901 = tpu.memref_slice %arg4[%dma_wait3A_894, %dma_wait3A_900] : memref<10x1024xi32, #tpu.memory_space<vmem>> -> memref<1x784xi32, #tpu.memory_space<vmem>>
    %dma_wait3A_902 = tpu.memref_squeeze %dma_wait3A_901 : memref<1x784xi32, #tpu.memory_space<vmem>> -> memref<784xi32, #tpu.memory_space<vmem>>
    %dma_wait3A_903 = tpu.memref_slice %arg2[%dma_wait3A_893, %add3A_357] : memref<2x320000xi32, #tpu.memory_space<hbm>> -> memref<1x784xi32, #tpu.memory_space<hbm>>
    %dma_wait3A_904 = tpu.memref_squeeze %dma_wait3A_903 : memref<1x784xi32, #tpu.memory_space<hbm>> -> memref<784xi32, #tpu.memory_space<hbm>>
    tpu.wait_dma2 semaphore(%arg9 : memref<!tpu.dma_semaphore, #tpu.memory_space<semaphore_mem>>) src(%dma_wait3A_904 : memref<784xi32, #tpu.memory_space<hbm>>) dst(%dma_wait3A_902 : memref<784xi32, #tpu.memory_space<vmem>>)
    %barrier3A = arith.constant 0 : index
    tpu.barrier barrier_id(%barrier3A)
    %dma_start3A_905 = arith.constant 0 : i32
    %dma_start3A_906 = arith.constant 0 : i32
    %dma_start3A_907 = tpu.memref_slice %arg4[%dma_start3A_905, %dma_start3A_906] : memref<10x1024xi32, #tpu.memory_space<vmem>> -> memref<1x1024xi32, #tpu.memory_space<vmem>>
    %dma_start3A_908 = tpu.memref_squeeze %dma_start3A_907 : memref<1x1024xi32, #tpu.memory_space<vmem>> -> memref<1024xi32, #tpu.memory_space<vmem>>
    %dma_start3A_909 = arith.constant 0 : i32
    %dma_start3A_910 = tpu.memref_slice %arg7[%dma_start3A_909] : memref<10240xf32, #tpu.memory_space<vmem_shared>> -> memref<10240xf32, #tpu.memory_space<vmem_shared>>
    tpu.enqueue_indirect_dma source(%arg5 : memref<1024xf32, #tpu.memory_space<vmem>>) target(%dma_start3A_910 : memref<10240xf32, #tpu.memory_space<vmem_shared>>) offsets(%dma_start3A_908 : memref<1024xi32, #tpu.memory_space<vmem>>) semaphore(%arg8 : memref<!tpu.dma_semaphore, #tpu.memory_space<semaphore_mem>>) {add = true}
    %dma_start3A_911 = arith.constant 1 : i32
    %dma_start3A_912 = arith.constant 0 : i32
    %dma_start3A_913 = tpu.memref_slice %arg4[%dma_start3A_911, %dma_start3A_912] : memref<10x1024xi32, #tpu.memory_space<vmem>> -> memref<1x1024xi32, #tpu.memory_space<vmem>>
    %dma_start3A_914 = tpu.memref_squeeze %dma_start3A_913 : memref<1x1024xi32, #tpu.memory_space<vmem>> -> memref<1024xi32, #tpu.memory_space<vmem>>
    %dma_start3A_915 = arith.constant 0 : i32
    %dma_start3A_916 = tpu.memref_slice %arg7[%dma_start3A_915] : memref<10240xf32, #tpu.memory_space<vmem_shared>> -> memref<10240xf32, #tpu.memory_space<vmem_shared>>
    tpu.enqueue_indirect_dma source(%arg5 : memref<1024xf32, #tpu.memory_space<vmem>>) target(%dma_start3A_916 : memref<10240xf32, #tpu.memory_space<vmem_shared>>) offsets(%dma_start3A_914 : memref<1024xi32, #tpu.memory_space<vmem>>) semaphore(%arg8 : memref<!tpu.dma_semaphore, #tpu.memory_space<semaphore_mem>>) {add = true}
    %dma_start3A_917 = arith.constant 2 : i32
    %dma_start3A_918 = arith.constant 0 : i32
    %dma_start3A_919 = tpu.memref_slice %arg4[%dma_start3A_917, %dma_start3A_918] : memref<10x1024xi32, #tpu.memory_space<vmem>> -> memref<1x1024xi32, #tpu.memory_space<vmem>>
    %dma_start3A_920 = tpu.memref_squeeze %dma_start3A_919 : memref<1x1024xi32, #tpu.memory_space<vmem>> -> memref<1024xi32, #tpu.memory_space<vmem>>
    %dma_start3A_921 = arith.constant 0 : i32
    %dma_start3A_922 = tpu.memref_slice %arg7[%dma_start3A_921] : memref<10240xf32, #tpu.memory_space<vmem_shared>> -> memref<10240xf32, #tpu.memory_space<vmem_shared>>
    tpu.enqueue_indirect_dma source(%arg5 : memref<1024xf32, #tpu.memory_space<vmem>>) target(%dma_start3A_922 : memref<10240xf32, #tpu.memory_space<vmem_shared>>) offsets(%dma_start3A_920 : memref<1024xi32, #tpu.memory_space<vmem>>) semaphore(%arg8 : memref<!tpu.dma_semaphore, #tpu.memory_space<semaphore_mem>>) {add = true}
    %dma_start3A_923 = arith.constant 3 : i32
    %dma_start3A_924 = arith.constant 0 : i32
    %dma_start3A_925 = tpu.memref_slice %arg4[%dma_start3A_923, %dma_start3A_924] : memref<10x1024xi32, #tpu.memory_space<vmem>> -> memref<1x1024xi32, #tpu.memory_space<vmem>>
    %dma_start3A_926 = tpu.memref_squeeze %dma_start3A_925 : memref<1x1024xi32, #tpu.memory_space<vmem>> -> memref<1024xi32, #tpu.memory_space<vmem>>
    %dma_start3A_927 = arith.constant 0 : i32
    %dma_start3A_928 = tpu.memref_slice %arg7[%dma_start3A_927] : memref<10240xf32, #tpu.memory_space<vmem_shared>> -> memref<10240xf32, #tpu.memory_space<vmem_shared>>
    tpu.enqueue_indirect_dma source(%arg5 : memref<1024xf32, #tpu.memory_space<vmem>>) target(%dma_start3A_928 : memref<10240xf32, #tpu.memory_space<vmem_shared>>) offsets(%dma_start3A_926 : memref<1024xi32, #tpu.memory_space<vmem>>) semaphore(%arg8 : memref<!tpu.dma_semaphore, #tpu.memory_space<semaphore_mem>>) {add = true}
    %dma_start3A_929 = arith.constant 4 : i32
    %dma_start3A_930 = arith.constant 0 : i32
    %dma_start3A_931 = tpu.memref_slice %arg4[%dma_start3A_929, %dma_start3A_930] : memref<10x1024xi32, #tpu.memory_space<vmem>> -> memref<1x1024xi32, #tpu.memory_space<vmem>>
    %dma_start3A_932 = tpu.memref_squeeze %dma_start3A_931 : memref<1x1024xi32, #tpu.memory_space<vmem>> -> memref<1024xi32, #tpu.memory_space<vmem>>
    %dma_start3A_933 = arith.constant 0 : i32
    %dma_start3A_934 = tpu.memref_slice %arg7[%dma_start3A_933] : memref<10240xf32, #tpu.memory_space<vmem_shared>> -> memref<10240xf32, #tpu.memory_space<vmem_shared>>
    tpu.enqueue_indirect_dma source(%arg5 : memref<1024xf32, #tpu.memory_space<vmem>>) target(%dma_start3A_934 : memref<10240xf32, #tpu.memory_space<vmem_shared>>) offsets(%dma_start3A_932 : memref<1024xi32, #tpu.memory_space<vmem>>) semaphore(%arg8 : memref<!tpu.dma_semaphore, #tpu.memory_space<semaphore_mem>>) {add = true}
    %dma_wait3A_935 = arith.constant 0 : i32
    %dma_wait3A_936 = arith.constant 0 : i32
    %dma_wait3A_937 = tpu.memref_slice %arg4[%dma_wait3A_935, %dma_wait3A_936] : memref<10x1024xi32, #tpu.memory_space<vmem>> -> memref<1x1024xi32, #tpu.memory_space<vmem>>
    %dma_wait3A_938 = tpu.memref_squeeze %dma_wait3A_937 : memref<1x1024xi32, #tpu.memory_space<vmem>> -> memref<1024xi32, #tpu.memory_space<vmem>>
    %dma_wait3A_939 = arith.constant 0 : i32
    %dma_wait3A_940 = tpu.memref_slice %arg7[%dma_wait3A_939] : memref<10240xf32, #tpu.memory_space<vmem_shared>> -> memref<10240xf32, #tpu.memory_space<vmem_shared>>
    tpu.wait_indirect_dma semaphore(%arg8 : memref<!tpu.dma_semaphore, #tpu.memory_space<semaphore_mem>>) src(%arg5 : memref<1024xf32, #tpu.memory_space<vmem>>) dst(%dma_wait3A_940 : memref<10240xf32, #tpu.memory_space<vmem_shared>>)
    %dma_start3A_941 = arith.constant 5 : i32
    %dma_start3A_942 = arith.constant 0 : i32
    %dma_start3A_943 = tpu.memref_slice %arg4[%dma_start3A_941, %dma_start3A_942] : memref<10x1024xi32, #tpu.memory_space<vmem>> -> memref<1x1024xi32, #tpu.memory_space<vmem>>
    %dma_start3A_944 = tpu.memref_squeeze %dma_start3A_943 : memref<1x1024xi32, #tpu.memory_space<vmem>> -> memref<1024xi32, #tpu.memory_space<vmem>>
    %dma_start3A_945 = arith.constant 0 : i32
    %dma_start3A_946 = tpu.memref_slice %arg7[%dma_start3A_945] : memref<10240xf32, #tpu.memory_space<vmem_shared>> -> memref<10240xf32, #tpu.memory_space<vmem_shared>>
    tpu.enqueue_indirect_dma source(%arg5 : memref<1024xf32, #tpu.memory_space<vmem>>) target(%dma_start3A_946 : memref<10240xf32, #tpu.memory_space<vmem_shared>>) offsets(%dma_start3A_944 : memref<1024xi32, #tpu.memory_space<vmem>>) semaphore(%arg8 : memref<!tpu.dma_semaphore, #tpu.memory_space<semaphore_mem>>) {add = true}
    %dma_wait3A_947 = arith.constant 1 : i32
    %dma_wait3A_948 = arith.constant 0 : i32
    %dma_wait3A_949 = tpu.memref_slice %arg4[%dma_wait3A_947, %dma_wait3A_948] : memref<10x1024xi32, #tpu.memory_space<vmem>> -> memref<1x1024xi32, #tpu.memory_space<vmem>>
    %dma_wait3A_950 = tpu.memref_squeeze %dma_wait3A_949 : memref<1x1024xi32, #tpu.memory_space<vmem>> -> memref<1024xi32, #tpu.memory_space<vmem>>
    %dma_wait3A_951 = arith.constant 0 : i32
    %dma_wait3A_952 = tpu.memref_slice %arg7[%dma_wait3A_951] : memref<10240xf32, #tpu.memory_space<vmem_shared>> -> memref<10240xf32, #tpu.memory_space<vmem_shared>>
    tpu.wait_indirect_dma semaphore(%arg8 : memref<!tpu.dma_semaphore, #tpu.memory_space<semaphore_mem>>) src(%arg5 : memref<1024xf32, #tpu.memory_space<vmem>>) dst(%dma_wait3A_952 : memref<10240xf32, #tpu.memory_space<vmem_shared>>)
    %dma_start3A_953 = arith.constant 6 : i32
    %dma_start3A_954 = arith.constant 0 : i32
    %dma_start3A_955 = tpu.memref_slice %arg4[%dma_start3A_953, %dma_start3A_954] : memref<10x1024xi32, #tpu.memory_space<vmem>> -> memref<1x1024xi32, #tpu.memory_space<vmem>>
    %dma_start3A_956 = tpu.memref_squeeze %dma_start3A_955 : memref<1x1024xi32, #tpu.memory_space<vmem>> -> memref<1024xi32, #tpu.memory_space<vmem>>
    %dma_start3A_957 = arith.constant 0 : i32
    %dma_start3A_958 = tpu.memref_slice %arg7[%dma_start3A_957] : memref<10240xf32, #tpu.memory_space<vmem_shared>> -> memref<10240xf32, #tpu.memory_space<vmem_shared>>
    tpu.enqueue_indirect_dma source(%arg5 : memref<1024xf32, #tpu.memory_space<vmem>>) target(%dma_start3A_958 : memref<10240xf32, #tpu.memory_space<vmem_shared>>) offsets(%dma_start3A_956 : memref<1024xi32, #tpu.memory_space<vmem>>) semaphore(%arg8 : memref<!tpu.dma_semaphore, #tpu.memory_space<semaphore_mem>>) {add = true}
    %dma_wait3A_959 = arith.constant 2 : i32
    %dma_wait3A_960 = arith.constant 0 : i32
    %dma_wait3A_961 = tpu.memref_slice %arg4[%dma_wait3A_959, %dma_wait3A_960] : memref<10x1024xi32, #tpu.memory_space<vmem>> -> memref<1x1024xi32, #tpu.memory_space<vmem>>
    %dma_wait3A_962 = tpu.memref_squeeze %dma_wait3A_961 : memref<1x1024xi32, #tpu.memory_space<vmem>> -> memref<1024xi32, #tpu.memory_space<vmem>>
    %dma_wait3A_963 = arith.constant 0 : i32
    %dma_wait3A_964 = tpu.memref_slice %arg7[%dma_wait3A_963] : memref<10240xf32, #tpu.memory_space<vmem_shared>> -> memref<10240xf32, #tpu.memory_space<vmem_shared>>
    tpu.wait_indirect_dma semaphore(%arg8 : memref<!tpu.dma_semaphore, #tpu.memory_space<semaphore_mem>>) src(%arg5 : memref<1024xf32, #tpu.memory_space<vmem>>) dst(%dma_wait3A_964 : memref<10240xf32, #tpu.memory_space<vmem_shared>>)
    %dma_start3A_965 = arith.constant 7 : i32
    %dma_start3A_966 = arith.constant 0 : i32
    %dma_start3A_967 = tpu.memref_slice %arg4[%dma_start3A_965, %dma_start3A_966] : memref<10x1024xi32, #tpu.memory_space<vmem>> -> memref<1x1024xi32, #tpu.memory_space<vmem>>
    %dma_start3A_968 = tpu.memref_squeeze %dma_start3A_967 : memref<1x1024xi32, #tpu.memory_space<vmem>> -> memref<1024xi32, #tpu.memory_space<vmem>>
    %dma_start3A_969 = arith.constant 0 : i32
    %dma_start3A_970 = tpu.memref_slice %arg7[%dma_start3A_969] : memref<10240xf32, #tpu.memory_space<vmem_shared>> -> memref<10240xf32, #tpu.memory_space<vmem_shared>>
    tpu.enqueue_indirect_dma source(%arg5 : memref<1024xf32, #tpu.memory_space<vmem>>) target(%dma_start3A_970 : memref<10240xf32, #tpu.memory_space<vmem_shared>>) offsets(%dma_start3A_968 : memref<1024xi32, #tpu.memory_space<vmem>>) semaphore(%arg8 : memref<!tpu.dma_semaphore, #tpu.memory_space<semaphore_mem>>) {add = true}
    %dma_wait3A_971 = arith.constant 3 : i32
    %dma_wait3A_972 = arith.constant 0 : i32
    %dma_wait3A_973 = tpu.memref_slice %arg4[%dma_wait3A_971, %dma_wait3A_972] : memref<10x1024xi32, #tpu.memory_space<vmem>> -> memref<1x1024xi32, #tpu.memory_space<vmem>>
    %dma_wait3A_974 = tpu.memref_squeeze %dma_wait3A_973 : memref<1x1024xi32, #tpu.memory_space<vmem>> -> memref<1024xi32, #tpu.memory_space<vmem>>
    %dma_wait3A_975 = arith.constant 0 : i32
    %dma_wait3A_976 = tpu.memref_slice %arg7[%dma_wait3A_975] : memref<10240xf32, #tpu.memory_space<vmem_shared>> -> memref<10240xf32, #tpu.memory_space<vmem_shared>>
    tpu.wait_indirect_dma semaphore(%arg8 : memref<!tpu.dma_semaphore, #tpu.memory_space<semaphore_mem>>) src(%arg5 : memref<1024xf32, #tpu.memory_space<vmem>>) dst(%dma_wait3A_976 : memref<10240xf32, #tpu.memory_space<vmem_shared>>)
    %dma_start3A_977 = arith.constant 8 : i32
    %dma_start3A_978 = arith.constant 0 : i32
    %dma_start3A_979 = tpu.memref_slice %arg4[%dma_start3A_977, %dma_start3A_978] : memref<10x1024xi32, #tpu.memory_space<vmem>> -> memref<1x1024xi32, #tpu.memory_space<vmem>>
    %dma_start3A_980 = tpu.memref_squeeze %dma_start3A_979 : memref<1x1024xi32, #tpu.memory_space<vmem>> -> memref<1024xi32, #tpu.memory_space<vmem>>
    %dma_start3A_981 = arith.constant 0 : i32
    %dma_start3A_982 = tpu.memref_slice %arg7[%dma_start3A_981] : memref<10240xf32, #tpu.memory_space<vmem_shared>> -> memref<10240xf32, #tpu.memory_space<vmem_shared>>
    tpu.enqueue_indirect_dma source(%arg5 : memref<1024xf32, #tpu.memory_space<vmem>>) target(%dma_start3A_982 : memref<10240xf32, #tpu.memory_space<vmem_shared>>) offsets(%dma_start3A_980 : memref<1024xi32, #tpu.memory_space<vmem>>) semaphore(%arg8 : memref<!tpu.dma_semaphore, #tpu.memory_space<semaphore_mem>>) {add = true}
    %dma_wait3A_983 = arith.constant 4 : i32
    %dma_wait3A_984 = arith.constant 0 : i32
    %dma_wait3A_985 = tpu.memref_slice %arg4[%dma_wait3A_983, %dma_wait3A_984] : memref<10x1024xi32, #tpu.memory_space<vmem>> -> memref<1x1024xi32, #tpu.memory_space<vmem>>
    %dma_wait3A_986 = tpu.memref_squeeze %dma_wait3A_985 : memref<1x1024xi32, #tpu.memory_space<vmem>> -> memref<1024xi32, #tpu.memory_space<vmem>>
    %dma_wait3A_987 = arith.constant 0 : i32
    %dma_wait3A_988 = tpu.memref_slice %arg7[%dma_wait3A_987] : memref<10240xf32, #tpu.memory_space<vmem_shared>> -> memref<10240xf32, #tpu.memory_space<vmem_shared>>
    tpu.wait_indirect_dma semaphore(%arg8 : memref<!tpu.dma_semaphore, #tpu.memory_space<semaphore_mem>>) src(%arg5 : memref<1024xf32, #tpu.memory_space<vmem>>) dst(%dma_wait3A_988 : memref<10240xf32, #tpu.memory_space<vmem_shared>>)
    %dma_start3A_989 = arith.constant 9 : i32
    %dma_start3A_990 = arith.constant 0 : i32
    %dma_start3A_991 = tpu.memref_slice %arg4[%dma_start3A_989, %dma_start3A_990] : memref<10x1024xi32, #tpu.memory_space<vmem>> -> memref<1x1024xi32, #tpu.memory_space<vmem>>
    %dma_start3A_992 = tpu.memref_squeeze %dma_start3A_991 : memref<1x1024xi32, #tpu.memory_space<vmem>> -> memref<1024xi32, #tpu.memory_space<vmem>>
    %dma_start3A_993 = arith.constant 0 : i32
    %dma_start3A_994 = tpu.memref_slice %arg7[%dma_start3A_993] : memref<10240xf32, #tpu.memory_space<vmem_shared>> -> memref<10240xf32, #tpu.memory_space<vmem_shared>>
    tpu.enqueue_indirect_dma source(%arg5 : memref<1024xf32, #tpu.memory_space<vmem>>) target(%dma_start3A_994 : memref<10240xf32, #tpu.memory_space<vmem_shared>>) offsets(%dma_start3A_992 : memref<1024xi32, #tpu.memory_space<vmem>>) semaphore(%arg8 : memref<!tpu.dma_semaphore, #tpu.memory_space<semaphore_mem>>) {add = true}
    %dma_wait3A_995 = arith.constant 5 : i32
    %dma_wait3A_996 = arith.constant 0 : i32
    %dma_wait3A_997 = tpu.memref_slice %arg4[%dma_wait3A_995, %dma_wait3A_996] : memref<10x1024xi32, #tpu.memory_space<vmem>> -> memref<1x1024xi32, #tpu.memory_space<vmem>>
    %dma_wait3A_998 = tpu.memref_squeeze %dma_wait3A_997 : memref<1x1024xi32, #tpu.memory_space<vmem>> -> memref<1024xi32, #tpu.memory_space<vmem>>
    %dma_wait3A_999 = arith.constant 0 : i32
    %dma_wait3A_1000 = tpu.memref_slice %arg7[%dma_wait3A_999] : memref<10240xf32, #tpu.memory_space<vmem_shared>> -> memref<10240xf32, #tpu.memory_space<vmem_shared>>
    tpu.wait_indirect_dma semaphore(%arg8 : memref<!tpu.dma_semaphore, #tpu.memory_space<semaphore_mem>>) src(%arg5 : memref<1024xf32, #tpu.memory_space<vmem>>) dst(%dma_wait3A_1000 : memref<10240xf32, #tpu.memory_space<vmem_shared>>)
    %dma_wait3A_1001 = arith.constant 6 : i32
    %dma_wait3A_1002 = arith.constant 0 : i32
    %dma_wait3A_1003 = tpu.memref_slice %arg4[%dma_wait3A_1001, %dma_wait3A_1002] : memref<10x1024xi32, #tpu.memory_space<vmem>> -> memref<1x1024xi32, #tpu.memory_space<vmem>>
    %dma_wait3A_1004 = tpu.memref_squeeze %dma_wait3A_1003 : memref<1x1024xi32, #tpu.memory_space<vmem>> -> memref<1024xi32, #tpu.memory_space<vmem>>
    %dma_wait3A_1005 = arith.constant 0 : i32
    %dma_wait3A_1006 = tpu.memref_slice %arg7[%dma_wait3A_1005] : memref<10240xf32, #tpu.memory_space<vmem_shared>> -> memref<10240xf32, #tpu.memory_space<vmem_shared>>
    tpu.wait_indirect_dma semaphore(%arg8 : memref<!tpu.dma_semaphore, #tpu.memory_space<semaphore_mem>>) src(%arg5 : memref<1024xf32, #tpu.memory_space<vmem>>) dst(%dma_wait3A_1006 : memref<10240xf32, #tpu.memory_space<vmem_shared>>)
    %dma_wait3A_1007 = arith.constant 7 : i32
    %dma_wait3A_1008 = arith.constant 0 : i32
    %dma_wait3A_1009 = tpu.memref_slice %arg4[%dma_wait3A_1007, %dma_wait3A_1008] : memref<10x1024xi32, #tpu.memory_space<vmem>> -> memref<1x1024xi32, #tpu.memory_space<vmem>>
    %dma_wait3A_1010 = tpu.memref_squeeze %dma_wait3A_1009 : memref<1x1024xi32, #tpu.memory_space<vmem>> -> memref<1024xi32, #tpu.memory_space<vmem>>
    %dma_wait3A_1011 = arith.constant 0 : i32
    %dma_wait3A_1012 = tpu.memref_slice %arg7[%dma_wait3A_1011] : memref<10240xf32, #tpu.memory_space<vmem_shared>> -> memref<10240xf32, #tpu.memory_space<vmem_shared>>
    tpu.wait_indirect_dma semaphore(%arg8 : memref<!tpu.dma_semaphore, #tpu.memory_space<semaphore_mem>>) src(%arg5 : memref<1024xf32, #tpu.memory_space<vmem>>) dst(%dma_wait3A_1012 : memref<10240xf32, #tpu.memory_space<vmem_shared>>)
    %dma_wait3A_1013 = arith.constant 8 : i32
    %dma_wait3A_1014 = arith.constant 0 : i32
    %dma_wait3A_1015 = tpu.memref_slice %arg4[%dma_wait3A_1013, %dma_wait3A_1014] : memref<10x1024xi32, #tpu.memory_space<vmem>> -> memref<1x1024xi32, #tpu.memory_space<vmem>>
    %dma_wait3A_1016 = tpu.memref_squeeze %dma_wait3A_1015 : memref<1x1024xi32, #tpu.memory_space<vmem>> -> memref<1024xi32, #tpu.memory_space<vmem>>
    %dma_wait3A_1017 = arith.constant 0 : i32
    %dma_wait3A_1018 = tpu.memref_slice %arg7[%dma_wait3A_1017] : memref<10240xf32, #tpu.memory_space<vmem_shared>> -> memref<10240xf32, #tpu.memory_space<vmem_shared>>
    tpu.wait_indirect_dma semaphore(%arg8 : memref<!tpu.dma_semaphore, #tpu.memory_space<semaphore_mem>>) src(%arg5 : memref<1024xf32, #tpu.memory_space<vmem>>) dst(%dma_wait3A_1018 : memref<10240xf32, #tpu.memory_space<vmem_shared>>)
    %dma_wait3A_1019 = arith.constant 9 : i32
    %dma_wait3A_1020 = arith.constant 0 : i32
    %dma_wait3A_1021 = tpu.memref_slice %arg4[%dma_wait3A_1019, %dma_wait3A_1020] : memref<10x1024xi32, #tpu.memory_space<vmem>> -> memref<1x1024xi32, #tpu.memory_space<vmem>>
    %dma_wait3A_1022 = tpu.memref_squeeze %dma_wait3A_1021 : memref<1x1024xi32, #tpu.memory_space<vmem>> -> memref<1024xi32, #tpu.memory_space<vmem>>
    %dma_wait3A_1023 = arith.constant 0 : i32
    %dma_wait3A_1024 = tpu.memref_slice %arg7[%dma_wait3A_1023] : memref<10240xf32, #tpu.memory_space<vmem_shared>> -> memref<10240xf32, #tpu.memory_space<vmem_shared>>
    tpu.wait_indirect_dma semaphore(%arg8 : memref<!tpu.dma_semaphore, #tpu.memory_space<semaphore_mem>>) src(%arg5 : memref<1024xf32, #tpu.memory_space<vmem>>) dst(%dma_wait3A_1024 : memref<10240xf32, #tpu.memory_space<vmem_shared>>)
    %barrier3A_1025 = arith.constant 0 : index
    tpu.barrier barrier_id(%barrier3A_1025)
    "tpu.region"() ({
      %run_scoped3A = tpu.sem_alloc : memref<!tpu.dma_semaphore, #tpu.memory_space<semaphore_mem>>
      %dma_start3A_1026 = tpu.memref_slice %arg3[%arg0, %mul3A_2] : memref<2x10240xf32, #tpu.memory_space<hbm>> -> memref<1x640xf32, #tpu.memory_space<hbm>>
      %dma_start3A_1027 = tpu.memref_squeeze %dma_start3A_1026 : memref<1x640xf32, #tpu.memory_space<hbm>> -> memref<640xf32, #tpu.memory_space<hbm>>
      %dma_start3A_1028 = tpu.memref_slice %arg7[%mul3A_2] : memref<10240xf32, #tpu.memory_space<vmem_shared>> -> memref<640xf32, #tpu.memory_space<vmem_shared>>
      tpu.enqueue_dma source(%dma_start3A_1028 : memref<640xf32, #tpu.memory_space<vmem_shared>>) target(%dma_start3A_1027 : memref<640xf32, #tpu.memory_space<hbm>>) target_semaphore(%run_scoped3A : memref<!tpu.dma_semaphore, #tpu.memory_space<semaphore_mem>>)
      %dma_wait3A_1029 = tpu.memref_slice %arg3[%arg0, %mul3A_2] : memref<2x10240xf32, #tpu.memory_space<hbm>> -> memref<1x640xf32, #tpu.memory_space<hbm>>
      %dma_wait3A_1030 = tpu.memref_squeeze %dma_wait3A_1029 : memref<1x640xf32, #tpu.memory_space<hbm>> -> memref<640xf32, #tpu.memory_space<hbm>>
      %dma_wait3A_1031 = tpu.memref_slice %arg7[%mul3A_2] : memref<10240xf32, #tpu.memory_space<vmem_shared>> -> memref<640xf32, #tpu.memory_space<vmem_shared>>
      tpu.wait_dma2 semaphore(%run_scoped3A : memref<!tpu.dma_semaphore, #tpu.memory_space<semaphore_mem>>) src(%dma_wait3A_1031 : memref<640xf32, #tpu.memory_space<vmem_shared>>) dst(%dma_wait3A_1030 : memref<640xf32, #tpu.memory_space<hbm>>)
      tpu.yield
    }) : () -> ()
    return
  }
}

#map = affine_map<(d0, d1) -> (0, 0, 0)>
#map1 = affine_map<(d0, d1) -> (0, 0)>
#map2 = affine_map<(d0, d1) -> (0)>
module attributes {stable_mosaic.version = 14 : i64} {
  func.func @z_k(%arg0: i32, %arg1: i32, %arg2: memref<2x10240x16xf32, #tpu.memory_space<hbm>>, %arg3: memref<10240x16xf32, #tpu.memory_space<hbm>>, %arg4: memref<1x10240xf32, #tpu.memory_space<hbm>>, %arg5: memref<16xf32, #tpu.memory_space<hbm>>, %arg6: memref<10240x16xf32, #tpu.memory_space<hbm>>, %arg7: memref<320x16xf32, #tpu.memory_space<vmem>>, %arg8: memref<320x16xf32, #tpu.memory_space<vmem>>, %arg9: memref<320x16xf32, #tpu.memory_space<vmem>>, %arg10: memref<320xf32, #tpu.memory_space<vmem>>, %arg11: memref<16xf32, #tpu.memory_space<vmem>>, %arg12: memref<320x16xf32, #tpu.memory_space<vmem>>, %arg13: memref<!tpu.dma_semaphore, #tpu.memory_space<semaphore_mem>>) attributes {dimension_semantics = [#tpu.dimension_semantics<core_parallel>, #tpu.dimension_semantics<subcore_parallel>], iteration_bounds = array<i64: 2, 16>, scalar_prefetch = 0 : i64, scratch_operands = 7 : i64, tpu.core_type = #tpu.core_type<sc_vector_subcore>, window_params = [{transform_indices = #map}, {transform_indices = #map1}, {transform_indices = #map1}, {transform_indices = #map2}, {transform_indices = #map1}]} {
    %mul3A = arith.constant 16 : i32
    %mul3A_0 = arith.muli %arg0, %mul3A : i32
    %add3A = arith.addi %mul3A_0, %arg1 : i32
    %mul3A_1 = arith.constant 320 : i32
    %mul3A_2 = arith.muli %add3A, %mul3A_1 : i32
    %dma_start3A = arith.constant 0 : i32
    %dma_start3A_3 = arith.constant 0 : i32
    %dma_start3A_4 = tpu.memref_slice %arg2[%dma_start3A, %mul3A_2, %dma_start3A_3] : memref<2x10240x16xf32, #tpu.memory_space<hbm>> -> memref<1x320x16xf32, #tpu.memory_space<hbm>>
    %dma_start3A_5 = tpu.memref_squeeze %dma_start3A_4 : memref<1x320x16xf32, #tpu.memory_space<hbm>> -> memref<320x16xf32, #tpu.memory_space<hbm>>
    %dma_start3A_6 = arith.constant 0 : i32
    %dma_start3A_7 = tpu.memref_slice %arg2[%dma_start3A, %mul3A_2, %dma_start3A_6] : memref<2x10240x16xf32, #tpu.memory_space<hbm>> -> memref<1x320x16xf32, #tpu.memory_space<hbm>>
    %dma_start3A_8 = tpu.memref_squeeze %dma_start3A_7 : memref<1x320x16xf32, #tpu.memory_space<hbm>> -> memref<320x16xf32, #tpu.memory_space<hbm>>
    tpu.enqueue_dma source(%dma_start3A_8 : memref<320x16xf32, #tpu.memory_space<hbm>>) target(%arg7 : memref<320x16xf32, #tpu.memory_space<vmem>>) target_semaphore(%arg13 : memref<!tpu.dma_semaphore, #tpu.memory_space<semaphore_mem>>)
    %dma_start3A_9 = arith.constant 1 : i32
    %dma_start3A_10 = arith.constant 0 : i32
    %dma_start3A_11 = tpu.memref_slice %arg2[%dma_start3A_9, %mul3A_2, %dma_start3A_10] : memref<2x10240x16xf32, #tpu.memory_space<hbm>> -> memref<1x320x16xf32, #tpu.memory_space<hbm>>
    %dma_start3A_12 = tpu.memref_squeeze %dma_start3A_11 : memref<1x320x16xf32, #tpu.memory_space<hbm>> -> memref<320x16xf32, #tpu.memory_space<hbm>>
    %dma_start3A_13 = arith.constant 0 : i32
    %dma_start3A_14 = tpu.memref_slice %arg2[%dma_start3A_9, %mul3A_2, %dma_start3A_13] : memref<2x10240x16xf32, #tpu.memory_space<hbm>> -> memref<1x320x16xf32, #tpu.memory_space<hbm>>
    %dma_start3A_15 = tpu.memref_squeeze %dma_start3A_14 : memref<1x320x16xf32, #tpu.memory_space<hbm>> -> memref<320x16xf32, #tpu.memory_space<hbm>>
    tpu.enqueue_dma source(%dma_start3A_15 : memref<320x16xf32, #tpu.memory_space<hbm>>) target(%arg8 : memref<320x16xf32, #tpu.memory_space<vmem>>) target_semaphore(%arg13 : memref<!tpu.dma_semaphore, #tpu.memory_space<semaphore_mem>>)
    %dma_start3A_16 = arith.constant 0 : i32
    %dma_start3A_17 = tpu.memref_slice %arg3[%mul3A_2, %dma_start3A_16] : memref<10240x16xf32, #tpu.memory_space<hbm>> -> memref<320x16xf32, #tpu.memory_space<hbm>>
    %dma_start3A_18 = arith.constant 0 : i32
    %dma_start3A_19 = tpu.memref_slice %arg3[%mul3A_2, %dma_start3A_18] : memref<10240x16xf32, #tpu.memory_space<hbm>> -> memref<320x16xf32, #tpu.memory_space<hbm>>
    tpu.enqueue_dma source(%dma_start3A_19 : memref<320x16xf32, #tpu.memory_space<hbm>>) target(%arg9 : memref<320x16xf32, #tpu.memory_space<vmem>>) target_semaphore(%arg13 : memref<!tpu.dma_semaphore, #tpu.memory_space<semaphore_mem>>)
    %dma_start3A_20 = arith.constant 0 : i32
    %dma_start3A_21 = tpu.memref_slice %arg4[%dma_start3A_20, %mul3A_2] : memref<1x10240xf32, #tpu.memory_space<hbm>> -> memref<1x320xf32, #tpu.memory_space<hbm>>
    %dma_start3A_22 = tpu.memref_squeeze %dma_start3A_21 : memref<1x320xf32, #tpu.memory_space<hbm>> -> memref<320xf32, #tpu.memory_space<hbm>>
    %dma_start3A_23 = tpu.memref_slice %arg4[%dma_start3A_20, %mul3A_2] : memref<1x10240xf32, #tpu.memory_space<hbm>> -> memref<1x320xf32, #tpu.memory_space<hbm>>
    %dma_start3A_24 = tpu.memref_squeeze %dma_start3A_23 : memref<1x320xf32, #tpu.memory_space<hbm>> -> memref<320xf32, #tpu.memory_space<hbm>>
    tpu.enqueue_dma source(%dma_start3A_24 : memref<320xf32, #tpu.memory_space<hbm>>) target(%arg10 : memref<320xf32, #tpu.memory_space<vmem>>) target_semaphore(%arg13 : memref<!tpu.dma_semaphore, #tpu.memory_space<semaphore_mem>>)
    tpu.enqueue_dma source(%arg5 : memref<16xf32, #tpu.memory_space<hbm>>) target(%arg11 : memref<16xf32, #tpu.memory_space<vmem>>) target_semaphore(%arg13 : memref<!tpu.dma_semaphore, #tpu.memory_space<semaphore_mem>>)
    %dma_wait3A = arith.constant 0 : i32
    %dma_wait3A_25 = arith.constant 0 : i32
    %dma_wait3A_26 = tpu.memref_slice %arg2[%dma_wait3A, %mul3A_2, %dma_wait3A_25] : memref<2x10240x16xf32, #tpu.memory_space<hbm>> -> memref<1x320x16xf32, #tpu.memory_space<hbm>>
    %dma_wait3A_27 = tpu.memref_squeeze %dma_wait3A_26 : memref<1x320x16xf32, #tpu.memory_space<hbm>> -> memref<320x16xf32, #tpu.memory_space<hbm>>
    %dma_wait3A_28 = arith.constant 0 : i32
    %dma_wait3A_29 = tpu.memref_slice %arg2[%dma_wait3A, %mul3A_2, %dma_wait3A_28] : memref<2x10240x16xf32, #tpu.memory_space<hbm>> -> memref<1x320x16xf32, #tpu.memory_space<hbm>>
    %dma_wait3A_30 = tpu.memref_squeeze %dma_wait3A_29 : memref<1x320x16xf32, #tpu.memory_space<hbm>> -> memref<320x16xf32, #tpu.memory_space<hbm>>
    tpu.wait_dma2 semaphore(%arg13 : memref<!tpu.dma_semaphore, #tpu.memory_space<semaphore_mem>>) src(%dma_wait3A_30 : memref<320x16xf32, #tpu.memory_space<hbm>>) dst(%arg7 : memref<320x16xf32, #tpu.memory_space<vmem>>)
    %dma_wait3A_31 = arith.constant 1 : i32
    %dma_wait3A_32 = arith.constant 0 : i32
    %dma_wait3A_33 = tpu.memref_slice %arg2[%dma_wait3A_31, %mul3A_2, %dma_wait3A_32] : memref<2x10240x16xf32, #tpu.memory_space<hbm>> -> memref<1x320x16xf32, #tpu.memory_space<hbm>>
    %dma_wait3A_34 = tpu.memref_squeeze %dma_wait3A_33 : memref<1x320x16xf32, #tpu.memory_space<hbm>> -> memref<320x16xf32, #tpu.memory_space<hbm>>
    %dma_wait3A_35 = arith.constant 0 : i32
    %dma_wait3A_36 = tpu.memref_slice %arg2[%dma_wait3A_31, %mul3A_2, %dma_wait3A_35] : memref<2x10240x16xf32, #tpu.memory_space<hbm>> -> memref<1x320x16xf32, #tpu.memory_space<hbm>>
    %dma_wait3A_37 = tpu.memref_squeeze %dma_wait3A_36 : memref<1x320x16xf32, #tpu.memory_space<hbm>> -> memref<320x16xf32, #tpu.memory_space<hbm>>
    tpu.wait_dma2 semaphore(%arg13 : memref<!tpu.dma_semaphore, #tpu.memory_space<semaphore_mem>>) src(%dma_wait3A_37 : memref<320x16xf32, #tpu.memory_space<hbm>>) dst(%arg8 : memref<320x16xf32, #tpu.memory_space<vmem>>)
    %dma_wait3A_38 = arith.constant 0 : i32
    %dma_wait3A_39 = tpu.memref_slice %arg3[%mul3A_2, %dma_wait3A_38] : memref<10240x16xf32, #tpu.memory_space<hbm>> -> memref<320x16xf32, #tpu.memory_space<hbm>>
    %dma_wait3A_40 = arith.constant 0 : i32
    %dma_wait3A_41 = tpu.memref_slice %arg3[%mul3A_2, %dma_wait3A_40] : memref<10240x16xf32, #tpu.memory_space<hbm>> -> memref<320x16xf32, #tpu.memory_space<hbm>>
    tpu.wait_dma2 semaphore(%arg13 : memref<!tpu.dma_semaphore, #tpu.memory_space<semaphore_mem>>) src(%dma_wait3A_41 : memref<320x16xf32, #tpu.memory_space<hbm>>) dst(%arg9 : memref<320x16xf32, #tpu.memory_space<vmem>>)
    %dma_wait3A_42 = arith.constant 0 : i32
    %dma_wait3A_43 = tpu.memref_slice %arg4[%dma_wait3A_42, %mul3A_2] : memref<1x10240xf32, #tpu.memory_space<hbm>> -> memref<1x320xf32, #tpu.memory_space<hbm>>
    %dma_wait3A_44 = tpu.memref_squeeze %dma_wait3A_43 : memref<1x320xf32, #tpu.memory_space<hbm>> -> memref<320xf32, #tpu.memory_space<hbm>>
    %dma_wait3A_45 = tpu.memref_slice %arg4[%dma_wait3A_42, %mul3A_2] : memref<1x10240xf32, #tpu.memory_space<hbm>> -> memref<1x320xf32, #tpu.memory_space<hbm>>
    %dma_wait3A_46 = tpu.memref_squeeze %dma_wait3A_45 : memref<1x320xf32, #tpu.memory_space<hbm>> -> memref<320xf32, #tpu.memory_space<hbm>>
    tpu.wait_dma2 semaphore(%arg13 : memref<!tpu.dma_semaphore, #tpu.memory_space<semaphore_mem>>) src(%dma_wait3A_46 : memref<320xf32, #tpu.memory_space<hbm>>) dst(%arg10 : memref<320xf32, #tpu.memory_space<vmem>>)
    tpu.wait_dma2 semaphore(%arg13 : memref<!tpu.dma_semaphore, #tpu.memory_space<semaphore_mem>>) src(%arg5 : memref<16xf32, #tpu.memory_space<hbm>>) dst(%arg11 : memref<16xf32, #tpu.memory_space<vmem>>)
    %get3A = arith.constant 0 : index
    %get3A_47 = tpu.vector_load %arg11[%get3A] {strides = array<i32>} : memref<16xf32, #tpu.memory_space<vmem>>, vector<16xf32>,
    %get3A_48 = vector.shape_cast %get3A_47 : vector<16xf32> to vector<16xf32>
    %broadcast_in_dim3A = arith.constant 0 : i32
    %broadcast_in_dim3A_49 = vector.broadcast %broadcast_in_dim3A : i32 to vector<16xi32>
    %broadcast_in_dim3A_50 = arith.constant 1 : i32
    %broadcast_in_dim3A_51 = vector.broadcast %broadcast_in_dim3A_50 : i32 to vector<16xi32>
    %broadcast_in_dim3A_52 = arith.constant 2 : i32
    %broadcast_in_dim3A_53 = vector.broadcast %broadcast_in_dim3A_52 : i32 to vector<16xi32>
    %broadcast_in_dim3A_54 = arith.constant 3 : i32
    %broadcast_in_dim3A_55 = vector.broadcast %broadcast_in_dim3A_54 : i32 to vector<16xi32>
    %broadcast_in_dim3A_56 = arith.constant 4 : i32
    %broadcast_in_dim3A_57 = vector.broadcast %broadcast_in_dim3A_56 : i32 to vector<16xi32>
    %broadcast_in_dim3A_58 = arith.constant 5 : i32
    %broadcast_in_dim3A_59 = vector.broadcast %broadcast_in_dim3A_58 : i32 to vector<16xi32>
    %broadcast_in_dim3A_60 = arith.constant 6 : i32
    %broadcast_in_dim3A_61 = vector.broadcast %broadcast_in_dim3A_60 : i32 to vector<16xi32>
    %broadcast_in_dim3A_62 = arith.constant 7 : i32
    %broadcast_in_dim3A_63 = vector.broadcast %broadcast_in_dim3A_62 : i32 to vector<16xi32>
    %broadcast_in_dim3A_64 = arith.constant 8 : i32
    %broadcast_in_dim3A_65 = vector.broadcast %broadcast_in_dim3A_64 : i32 to vector<16xi32>
    %broadcast_in_dim3A_66 = arith.constant 9 : i32
    %broadcast_in_dim3A_67 = vector.broadcast %broadcast_in_dim3A_66 : i32 to vector<16xi32>
    %broadcast_in_dim3A_68 = arith.constant 10 : i32
    %broadcast_in_dim3A_69 = vector.broadcast %broadcast_in_dim3A_68 : i32 to vector<16xi32>
    %broadcast_in_dim3A_70 = arith.constant 11 : i32
    %broadcast_in_dim3A_71 = vector.broadcast %broadcast_in_dim3A_70 : i32 to vector<16xi32>
    %broadcast_in_dim3A_72 = arith.constant 12 : i32
    %broadcast_in_dim3A_73 = vector.broadcast %broadcast_in_dim3A_72 : i32 to vector<16xi32>
    %broadcast_in_dim3A_74 = arith.constant 13 : i32
    %broadcast_in_dim3A_75 = vector.broadcast %broadcast_in_dim3A_74 : i32 to vector<16xi32>
    %broadcast_in_dim3A_76 = arith.constant 14 : i32
    %broadcast_in_dim3A_77 = vector.broadcast %broadcast_in_dim3A_76 : i32 to vector<16xi32>
    %broadcast_in_dim3A_78 = arith.constant 15 : i32
    %broadcast_in_dim3A_79 = vector.broadcast %broadcast_in_dim3A_78 : i32 to vector<16xi32>
    %scan3A = arith.constant 0 : i32
    %scan3A_80 = arith.constant 0 : i32
    %scan3A_81 = arith.constant 20 : i32
    %scan3A_82 = arith.addi %scan3A_80, %scan3A_81 : i32
    %scan3A_83 = arith.constant 1 : i32
    scf.for %scan3A_85 = %scan3A_80 to %scan3A_82 step %scan3A_83  : i32 {
      %mul3A_86 = arith.constant 16 : i32
      %mul3A_87 = arith.muli %scan3A_85, %mul3A_86 : i32
      %get3A_88 = arith.index_cast %mul3A_87 : i32 to index
      %get3A_89 = tpu.vector_load %arg10[%get3A_88] {strides = array<i32>} : memref<320xf32, #tpu.memory_space<vmem>>, vector<16xf32>,
      %get3A_90 = vector.shape_cast %get3A_89 : vector<16xf32> to vector<16xf32>
      %mul3A_91 = arith.constant 16 : i32
      %mul3A_92 = arith.muli %scan3A_85, %mul3A_91 : i32
      %add3A_93 = arith.constant 0 : i32
      %add3A_94 = arith.addi %mul3A_92, %add3A_93 : i32
      %get3A_95 = arith.index_cast %add3A_94 : i32 to index
      %get3A_96 = arith.constant 0 : index
      %get3A_97 = tpu.vector_load %arg7[%get3A_95, %get3A_96] {strides = array<i32>} : memref<320x16xf32, #tpu.memory_space<vmem>>, vector<1x16xf32>,
      %get3A_98 = vector.shape_cast %get3A_97 : vector<1x16xf32> to vector<16xf32>
      %get3A_99 = arith.index_cast %add3A_94 : i32 to index
      %get3A_100 = arith.constant 0 : index
      %get3A_101 = tpu.vector_load %arg8[%get3A_99, %get3A_100] {strides = array<i32>} : memref<320x16xf32, #tpu.memory_space<vmem>>, vector<1x16xf32>,
      %get3A_102 = vector.shape_cast %get3A_101 : vector<1x16xf32> to vector<16xf32>
      %add3A_103 = arith.addf %get3A_98, %get3A_102 : vector<16xf32>
      %get3A_104 = arith.index_cast %add3A_94 : i32 to index
      %get3A_105 = arith.constant 0 : index
      %get3A_106 = tpu.vector_load %arg9[%get3A_104, %get3A_105] {strides = array<i32>} : memref<320x16xf32, #tpu.memory_space<vmem>>, vector<1x16xf32>,
      %get3A_107 = vector.shape_cast %get3A_106 : vector<1x16xf32> to vector<16xf32>
      %add3A_108 = arith.addf %add3A_103, %get3A_107 : vector<16xf32>
      %lt3A = arith.constant 0 : i32
      %lt3A_109 = vector.broadcast %lt3A : i32 to vector<16xi32>
      %lt3A_110 = arith.cmpi slt, %broadcast_in_dim3A_49, %lt3A_109 : vector<16xi32>
      %add3A_111 = arith.constant 16 : i32
      %add3A_112 = vector.broadcast %add3A_111 : i32 to vector<16xi32>
      %add3A_113 = arith.addi %broadcast_in_dim3A_49, %add3A_112 : vector<16xi32>
      %select_n3A = arith.select %lt3A_110, %add3A_113, %broadcast_in_dim3A_49 : vector<16xi1>, vector<16xi32>
      %broadcast_in_dim3A_114 = vector.shape_cast %select_n3A : vector<16xi32> to vector<16x1xi32>
      %gather3A = vector.shape_cast %broadcast_in_dim3A_114 : vector<16x1xi32> to vector<16xi32>
      %gather3A_115 = tpu.dynamic_gather %get3A_90[%gather3A] in [0] : vector<16xf32>, vector<16xi32> -> vector<16xf32>
      %mul3A_116 = arith.mulf %add3A_108, %gather3A_115 : vector<16xf32>
      %add3A_117 = arith.addf %mul3A_116, %get3A_48 : vector<16xf32>
      %max3A = arith.constant 0.000000e+00 : f32
      %max3A_118 = vector.broadcast %max3A : f32 to vector<16xf32>
      %max3A_119 = arith.maximumf %add3A_117, %max3A_118 : vector<16xf32>
      %swap3A = arith.index_cast %add3A_94 : i32 to index
      %swap3A_120 = arith.constant 0 : index
      %swap3A_121 = tpu.vector_load %arg12[%swap3A, %swap3A_120] {strides = array<i32>} : memref<320x16xf32, #tpu.memory_space<vmem>>, vector<1x16xf32>,
      %swap3A_122 = vector.shape_cast %swap3A_121 : vector<1x16xf32> to vector<16xf32>
      %swap3A_123 = vector.shape_cast %max3A_119 : vector<16xf32> to vector<1x16xf32>
      tpu.vector_store %arg12[%swap3A, %swap3A_120], %swap3A_123 {strides = array<i32>} : memref<320x16xf32, #tpu.memory_space<vmem>>, vector<1x16xf32>,
      %mul3A_124 = arith.constant 16 : i32
      %mul3A_125 = arith.muli %scan3A_85, %mul3A_124 : i32
      %add3A_126 = arith.constant 1 : i32
      %add3A_127 = arith.addi %mul3A_125, %add3A_126 : i32
      %get3A_128 = arith.index_cast %add3A_127 : i32 to index
      %get3A_129 = arith.constant 0 : index
      %get3A_130 = tpu.vector_load %arg7[%get3A_128, %get3A_129] {strides = array<i32>} : memref<320x16xf32, #tpu.memory_space<vmem>>, vector<1x16xf32>,
      %get3A_131 = vector.shape_cast %get3A_130 : vector<1x16xf32> to vector<16xf32>
      %get3A_132 = arith.index_cast %add3A_127 : i32 to index
      %get3A_133 = arith.constant 0 : index
      %get3A_134 = tpu.vector_load %arg8[%get3A_132, %get3A_133] {strides = array<i32>} : memref<320x16xf32, #tpu.memory_space<vmem>>, vector<1x16xf32>,
      %get3A_135 = vector.shape_cast %get3A_134 : vector<1x16xf32> to vector<16xf32>
      %add3A_136 = arith.addf %get3A_131, %get3A_135 : vector<16xf32>
      %get3A_137 = arith.index_cast %add3A_127 : i32 to index
      %get3A_138 = arith.constant 0 : index
      %get3A_139 = tpu.vector_load %arg9[%get3A_137, %get3A_138] {strides = array<i32>} : memref<320x16xf32, #tpu.memory_space<vmem>>, vector<1x16xf32>,
      %get3A_140 = vector.shape_cast %get3A_139 : vector<1x16xf32> to vector<16xf32>
      %add3A_141 = arith.addf %add3A_136, %get3A_140 : vector<16xf32>
      %lt3A_142 = arith.constant 0 : i32
      %lt3A_143 = vector.broadcast %lt3A_142 : i32 to vector<16xi32>
      %lt3A_144 = arith.cmpi slt, %broadcast_in_dim3A_51, %lt3A_143 : vector<16xi32>
      %add3A_145 = arith.constant 16 : i32
      %add3A_146 = vector.broadcast %add3A_145 : i32 to vector<16xi32>
      %add3A_147 = arith.addi %broadcast_in_dim3A_51, %add3A_146 : vector<16xi32>
      %select_n3A_148 = arith.select %lt3A_144, %add3A_147, %broadcast_in_dim3A_51 : vector<16xi1>, vector<16xi32>
      %broadcast_in_dim3A_149 = vector.shape_cast %select_n3A_148 : vector<16xi32> to vector<16x1xi32>
      %gather3A_150 = vector.shape_cast %broadcast_in_dim3A_149 : vector<16x1xi32> to vector<16xi32>
      %gather3A_151 = tpu.dynamic_gather %get3A_90[%gather3A_150] in [0] : vector<16xf32>, vector<16xi32> -> vector<16xf32>
      %mul3A_152 = arith.mulf %add3A_141, %gather3A_151 : vector<16xf32>
      %add3A_153 = arith.addf %mul3A_152, %get3A_48 : vector<16xf32>
      %max3A_154 = arith.constant 0.000000e+00 : f32
      %max3A_155 = vector.broadcast %max3A_154 : f32 to vector<16xf32>
      %max3A_156 = arith.maximumf %add3A_153, %max3A_155 : vector<16xf32>
      %swap3A_157 = arith.index_cast %add3A_127 : i32 to index
      %swap3A_158 = arith.constant 0 : index
      %swap3A_159 = tpu.vector_load %arg12[%swap3A_157, %swap3A_158] {strides = array<i32>} : memref<320x16xf32, #tpu.memory_space<vmem>>, vector<1x16xf32>,
      %swap3A_160 = vector.shape_cast %swap3A_159 : vector<1x16xf32> to vector<16xf32>
      %swap3A_161 = vector.shape_cast %max3A_156 : vector<16xf32> to vector<1x16xf32>
      tpu.vector_store %arg12[%swap3A_157, %swap3A_158], %swap3A_161 {strides = array<i32>} : memref<320x16xf32, #tpu.memory_space<vmem>>, vector<1x16xf32>,
      %mul3A_162 = arith.constant 16 : i32
      %mul3A_163 = arith.muli %scan3A_85, %mul3A_162 : i32
      %add3A_164 = arith.constant 2 : i32
      %add3A_165 = arith.addi %mul3A_163, %add3A_164 : i32
      %get3A_166 = arith.index_cast %add3A_165 : i32 to index
      %get3A_167 = arith.constant 0 : index
      %get3A_168 = tpu.vector_load %arg7[%get3A_166, %get3A_167] {strides = array<i32>} : memref<320x16xf32, #tpu.memory_space<vmem>>, vector<1x16xf32>,
      %get3A_169 = vector.shape_cast %get3A_168 : vector<1x16xf32> to vector<16xf32>
      %get3A_170 = arith.index_cast %add3A_165 : i32 to index
      %get3A_171 = arith.constant 0 : index
      %get3A_172 = tpu.vector_load %arg8[%get3A_170, %get3A_171] {strides = array<i32>} : memref<320x16xf32, #tpu.memory_space<vmem>>, vector<1x16xf32>,
      %get3A_173 = vector.shape_cast %get3A_172 : vector<1x16xf32> to vector<16xf32>
      %add3A_174 = arith.addf %get3A_169, %get3A_173 : vector<16xf32>
      %get3A_175 = arith.index_cast %add3A_165 : i32 to index
      %get3A_176 = arith.constant 0 : index
      %get3A_177 = tpu.vector_load %arg9[%get3A_175, %get3A_176] {strides = array<i32>} : memref<320x16xf32, #tpu.memory_space<vmem>>, vector<1x16xf32>,
      %get3A_178 = vector.shape_cast %get3A_177 : vector<1x16xf32> to vector<16xf32>
      %add3A_179 = arith.addf %add3A_174, %get3A_178 : vector<16xf32>
      %lt3A_180 = arith.constant 0 : i32
      %lt3A_181 = vector.broadcast %lt3A_180 : i32 to vector<16xi32>
      %lt3A_182 = arith.cmpi slt, %broadcast_in_dim3A_53, %lt3A_181 : vector<16xi32>
      %add3A_183 = arith.constant 16 : i32
      %add3A_184 = vector.broadcast %add3A_183 : i32 to vector<16xi32>
      %add3A_185 = arith.addi %broadcast_in_dim3A_53, %add3A_184 : vector<16xi32>
      %select_n3A_186 = arith.select %lt3A_182, %add3A_185, %broadcast_in_dim3A_53 : vector<16xi1>, vector<16xi32>
      %broadcast_in_dim3A_187 = vector.shape_cast %select_n3A_186 : vector<16xi32> to vector<16x1xi32>
      %gather3A_188 = vector.shape_cast %broadcast_in_dim3A_187 : vector<16x1xi32> to vector<16xi32>
      %gather3A_189 = tpu.dynamic_gather %get3A_90[%gather3A_188] in [0] : vector<16xf32>, vector<16xi32> -> vector<16xf32>
      %mul3A_190 = arith.mulf %add3A_179, %gather3A_189 : vector<16xf32>
      %add3A_191 = arith.addf %mul3A_190, %get3A_48 : vector<16xf32>
      %max3A_192 = arith.constant 0.000000e+00 : f32
      %max3A_193 = vector.broadcast %max3A_192 : f32 to vector<16xf32>
      %max3A_194 = arith.maximumf %add3A_191, %max3A_193 : vector<16xf32>
      %swap3A_195 = arith.index_cast %add3A_165 : i32 to index
      %swap3A_196 = arith.constant 0 : index
      %swap3A_197 = tpu.vector_load %arg12[%swap3A_195, %swap3A_196] {strides = array<i32>} : memref<320x16xf32, #tpu.memory_space<vmem>>, vector<1x16xf32>,
      %swap3A_198 = vector.shape_cast %swap3A_197 : vector<1x16xf32> to vector<16xf32>
      %swap3A_199 = vector.shape_cast %max3A_194 : vector<16xf32> to vector<1x16xf32>
      tpu.vector_store %arg12[%swap3A_195, %swap3A_196], %swap3A_199 {strides = array<i32>} : memref<320x16xf32, #tpu.memory_space<vmem>>, vector<1x16xf32>,
      %mul3A_200 = arith.constant 16 : i32
      %mul3A_201 = arith.muli %scan3A_85, %mul3A_200 : i32
      %add3A_202 = arith.constant 3 : i32
      %add3A_203 = arith.addi %mul3A_201, %add3A_202 : i32
      %get3A_204 = arith.index_cast %add3A_203 : i32 to index
      %get3A_205 = arith.constant 0 : index
      %get3A_206 = tpu.vector_load %arg7[%get3A_204, %get3A_205] {strides = array<i32>} : memref<320x16xf32, #tpu.memory_space<vmem>>, vector<1x16xf32>,
      %get3A_207 = vector.shape_cast %get3A_206 : vector<1x16xf32> to vector<16xf32>
      %get3A_208 = arith.index_cast %add3A_203 : i32 to index
      %get3A_209 = arith.constant 0 : index
      %get3A_210 = tpu.vector_load %arg8[%get3A_208, %get3A_209] {strides = array<i32>} : memref<320x16xf32, #tpu.memory_space<vmem>>, vector<1x16xf32>,
      %get3A_211 = vector.shape_cast %get3A_210 : vector<1x16xf32> to vector<16xf32>
      %add3A_212 = arith.addf %get3A_207, %get3A_211 : vector<16xf32>
      %get3A_213 = arith.index_cast %add3A_203 : i32 to index
      %get3A_214 = arith.constant 0 : index
      %get3A_215 = tpu.vector_load %arg9[%get3A_213, %get3A_214] {strides = array<i32>} : memref<320x16xf32, #tpu.memory_space<vmem>>, vector<1x16xf32>,
      %get3A_216 = vector.shape_cast %get3A_215 : vector<1x16xf32> to vector<16xf32>
      %add3A_217 = arith.addf %add3A_212, %get3A_216 : vector<16xf32>
      %lt3A_218 = arith.constant 0 : i32
      %lt3A_219 = vector.broadcast %lt3A_218 : i32 to vector<16xi32>
      %lt3A_220 = arith.cmpi slt, %broadcast_in_dim3A_55, %lt3A_219 : vector<16xi32>
      %add3A_221 = arith.constant 16 : i32
      %add3A_222 = vector.broadcast %add3A_221 : i32 to vector<16xi32>
      %add3A_223 = arith.addi %broadcast_in_dim3A_55, %add3A_222 : vector<16xi32>
      %select_n3A_224 = arith.select %lt3A_220, %add3A_223, %broadcast_in_dim3A_55 : vector<16xi1>, vector<16xi32>
      %broadcast_in_dim3A_225 = vector.shape_cast %select_n3A_224 : vector<16xi32> to vector<16x1xi32>
      %gather3A_226 = vector.shape_cast %broadcast_in_dim3A_225 : vector<16x1xi32> to vector<16xi32>
      %gather3A_227 = tpu.dynamic_gather %get3A_90[%gather3A_226] in [0] : vector<16xf32>, vector<16xi32> -> vector<16xf32>
      %mul3A_228 = arith.mulf %add3A_217, %gather3A_227 : vector<16xf32>
      %add3A_229 = arith.addf %mul3A_228, %get3A_48 : vector<16xf32>
      %max3A_230 = arith.constant 0.000000e+00 : f32
      %max3A_231 = vector.broadcast %max3A_230 : f32 to vector<16xf32>
      %max3A_232 = arith.maximumf %add3A_229, %max3A_231 : vector<16xf32>
      %swap3A_233 = arith.index_cast %add3A_203 : i32 to index
      %swap3A_234 = arith.constant 0 : index
      %swap3A_235 = tpu.vector_load %arg12[%swap3A_233, %swap3A_234] {strides = array<i32>} : memref<320x16xf32, #tpu.memory_space<vmem>>, vector<1x16xf32>,
      %swap3A_236 = vector.shape_cast %swap3A_235 : vector<1x16xf32> to vector<16xf32>
      %swap3A_237 = vector.shape_cast %max3A_232 : vector<16xf32> to vector<1x16xf32>
      tpu.vector_store %arg12[%swap3A_233, %swap3A_234], %swap3A_237 {strides = array<i32>} : memref<320x16xf32, #tpu.memory_space<vmem>>, vector<1x16xf32>,
      %mul3A_238 = arith.constant 16 : i32
      %mul3A_239 = arith.muli %scan3A_85, %mul3A_238 : i32
      %add3A_240 = arith.constant 4 : i32
      %add3A_241 = arith.addi %mul3A_239, %add3A_240 : i32
      %get3A_242 = arith.index_cast %add3A_241 : i32 to index
      %get3A_243 = arith.constant 0 : index
      %get3A_244 = tpu.vector_load %arg7[%get3A_242, %get3A_243] {strides = array<i32>} : memref<320x16xf32, #tpu.memory_space<vmem>>, vector<1x16xf32>,
      %get3A_245 = vector.shape_cast %get3A_244 : vector<1x16xf32> to vector<16xf32>
      %get3A_246 = arith.index_cast %add3A_241 : i32 to index
      %get3A_247 = arith.constant 0 : index
      %get3A_248 = tpu.vector_load %arg8[%get3A_246, %get3A_247] {strides = array<i32>} : memref<320x16xf32, #tpu.memory_space<vmem>>, vector<1x16xf32>,
      %get3A_249 = vector.shape_cast %get3A_248 : vector<1x16xf32> to vector<16xf32>
      %add3A_250 = arith.addf %get3A_245, %get3A_249 : vector<16xf32>
      %get3A_251 = arith.index_cast %add3A_241 : i32 to index
      %get3A_252 = arith.constant 0 : index
      %get3A_253 = tpu.vector_load %arg9[%get3A_251, %get3A_252] {strides = array<i32>} : memref<320x16xf32, #tpu.memory_space<vmem>>, vector<1x16xf32>,
      %get3A_254 = vector.shape_cast %get3A_253 : vector<1x16xf32> to vector<16xf32>
      %add3A_255 = arith.addf %add3A_250, %get3A_254 : vector<16xf32>
      %lt3A_256 = arith.constant 0 : i32
      %lt3A_257 = vector.broadcast %lt3A_256 : i32 to vector<16xi32>
      %lt3A_258 = arith.cmpi slt, %broadcast_in_dim3A_57, %lt3A_257 : vector<16xi32>
      %add3A_259 = arith.constant 16 : i32
      %add3A_260 = vector.broadcast %add3A_259 : i32 to vector<16xi32>
      %add3A_261 = arith.addi %broadcast_in_dim3A_57, %add3A_260 : vector<16xi32>
      %select_n3A_262 = arith.select %lt3A_258, %add3A_261, %broadcast_in_dim3A_57 : vector<16xi1>, vector<16xi32>
      %broadcast_in_dim3A_263 = vector.shape_cast %select_n3A_262 : vector<16xi32> to vector<16x1xi32>
      %gather3A_264 = vector.shape_cast %broadcast_in_dim3A_263 : vector<16x1xi32> to vector<16xi32>
      %gather3A_265 = tpu.dynamic_gather %get3A_90[%gather3A_264] in [0] : vector<16xf32>, vector<16xi32> -> vector<16xf32>
      %mul3A_266 = arith.mulf %add3A_255, %gather3A_265 : vector<16xf32>
      %add3A_267 = arith.addf %mul3A_266, %get3A_48 : vector<16xf32>
      %max3A_268 = arith.constant 0.000000e+00 : f32
      %max3A_269 = vector.broadcast %max3A_268 : f32 to vector<16xf32>
      %max3A_270 = arith.maximumf %add3A_267, %max3A_269 : vector<16xf32>
      %swap3A_271 = arith.index_cast %add3A_241 : i32 to index
      %swap3A_272 = arith.constant 0 : index
      %swap3A_273 = tpu.vector_load %arg12[%swap3A_271, %swap3A_272] {strides = array<i32>} : memref<320x16xf32, #tpu.memory_space<vmem>>, vector<1x16xf32>,
      %swap3A_274 = vector.shape_cast %swap3A_273 : vector<1x16xf32> to vector<16xf32>
      %swap3A_275 = vector.shape_cast %max3A_270 : vector<16xf32> to vector<1x16xf32>
      tpu.vector_store %arg12[%swap3A_271, %swap3A_272], %swap3A_275 {strides = array<i32>} : memref<320x16xf32, #tpu.memory_space<vmem>>, vector<1x16xf32>,
      %mul3A_276 = arith.constant 16 : i32
      %mul3A_277 = arith.muli %scan3A_85, %mul3A_276 : i32
      %add3A_278 = arith.constant 5 : i32
      %add3A_279 = arith.addi %mul3A_277, %add3A_278 : i32
      %get3A_280 = arith.index_cast %add3A_279 : i32 to index
      %get3A_281 = arith.constant 0 : index
      %get3A_282 = tpu.vector_load %arg7[%get3A_280, %get3A_281] {strides = array<i32>} : memref<320x16xf32, #tpu.memory_space<vmem>>, vector<1x16xf32>,
      %get3A_283 = vector.shape_cast %get3A_282 : vector<1x16xf32> to vector<16xf32>
      %get3A_284 = arith.index_cast %add3A_279 : i32 to index
      %get3A_285 = arith.constant 0 : index
      %get3A_286 = tpu.vector_load %arg8[%get3A_284, %get3A_285] {strides = array<i32>} : memref<320x16xf32, #tpu.memory_space<vmem>>, vector<1x16xf32>,
      %get3A_287 = vector.shape_cast %get3A_286 : vector<1x16xf32> to vector<16xf32>
      %add3A_288 = arith.addf %get3A_283, %get3A_287 : vector<16xf32>
      %get3A_289 = arith.index_cast %add3A_279 : i32 to index
      %get3A_290 = arith.constant 0 : index
      %get3A_291 = tpu.vector_load %arg9[%get3A_289, %get3A_290] {strides = array<i32>} : memref<320x16xf32, #tpu.memory_space<vmem>>, vector<1x16xf32>,
      %get3A_292 = vector.shape_cast %get3A_291 : vector<1x16xf32> to vector<16xf32>
      %add3A_293 = arith.addf %add3A_288, %get3A_292 : vector<16xf32>
      %lt3A_294 = arith.constant 0 : i32
      %lt3A_295 = vector.broadcast %lt3A_294 : i32 to vector<16xi32>
      %lt3A_296 = arith.cmpi slt, %broadcast_in_dim3A_59, %lt3A_295 : vector<16xi32>
      %add3A_297 = arith.constant 16 : i32
      %add3A_298 = vector.broadcast %add3A_297 : i32 to vector<16xi32>
      %add3A_299 = arith.addi %broadcast_in_dim3A_59, %add3A_298 : vector<16xi32>
      %select_n3A_300 = arith.select %lt3A_296, %add3A_299, %broadcast_in_dim3A_59 : vector<16xi1>, vector<16xi32>
      %broadcast_in_dim3A_301 = vector.shape_cast %select_n3A_300 : vector<16xi32> to vector<16x1xi32>
      %gather3A_302 = vector.shape_cast %broadcast_in_dim3A_301 : vector<16x1xi32> to vector<16xi32>
      %gather3A_303 = tpu.dynamic_gather %get3A_90[%gather3A_302] in [0] : vector<16xf32>, vector<16xi32> -> vector<16xf32>
      %mul3A_304 = arith.mulf %add3A_293, %gather3A_303 : vector<16xf32>
      %add3A_305 = arith.addf %mul3A_304, %get3A_48 : vector<16xf32>
      %max3A_306 = arith.constant 0.000000e+00 : f32
      %max3A_307 = vector.broadcast %max3A_306 : f32 to vector<16xf32>
      %max3A_308 = arith.maximumf %add3A_305, %max3A_307 : vector<16xf32>
      %swap3A_309 = arith.index_cast %add3A_279 : i32 to index
      %swap3A_310 = arith.constant 0 : index
      %swap3A_311 = tpu.vector_load %arg12[%swap3A_309, %swap3A_310] {strides = array<i32>} : memref<320x16xf32, #tpu.memory_space<vmem>>, vector<1x16xf32>,
      %swap3A_312 = vector.shape_cast %swap3A_311 : vector<1x16xf32> to vector<16xf32>
      %swap3A_313 = vector.shape_cast %max3A_308 : vector<16xf32> to vector<1x16xf32>
      tpu.vector_store %arg12[%swap3A_309, %swap3A_310], %swap3A_313 {strides = array<i32>} : memref<320x16xf32, #tpu.memory_space<vmem>>, vector<1x16xf32>,
      %mul3A_314 = arith.constant 16 : i32
      %mul3A_315 = arith.muli %scan3A_85, %mul3A_314 : i32
      %add3A_316 = arith.constant 6 : i32
      %add3A_317 = arith.addi %mul3A_315, %add3A_316 : i32
      %get3A_318 = arith.index_cast %add3A_317 : i32 to index
      %get3A_319 = arith.constant 0 : index
      %get3A_320 = tpu.vector_load %arg7[%get3A_318, %get3A_319] {strides = array<i32>} : memref<320x16xf32, #tpu.memory_space<vmem>>, vector<1x16xf32>,
      %get3A_321 = vector.shape_cast %get3A_320 : vector<1x16xf32> to vector<16xf32>
      %get3A_322 = arith.index_cast %add3A_317 : i32 to index
      %get3A_323 = arith.constant 0 : index
      %get3A_324 = tpu.vector_load %arg8[%get3A_322, %get3A_323] {strides = array<i32>} : memref<320x16xf32, #tpu.memory_space<vmem>>, vector<1x16xf32>,
      %get3A_325 = vector.shape_cast %get3A_324 : vector<1x16xf32> to vector<16xf32>
      %add3A_326 = arith.addf %get3A_321, %get3A_325 : vector<16xf32>
      %get3A_327 = arith.index_cast %add3A_317 : i32 to index
      %get3A_328 = arith.constant 0 : index
      %get3A_329 = tpu.vector_load %arg9[%get3A_327, %get3A_328] {strides = array<i32>} : memref<320x16xf32, #tpu.memory_space<vmem>>, vector<1x16xf32>,
      %get3A_330 = vector.shape_cast %get3A_329 : vector<1x16xf32> to vector<16xf32>
      %add3A_331 = arith.addf %add3A_326, %get3A_330 : vector<16xf32>
      %lt3A_332 = arith.constant 0 : i32
      %lt3A_333 = vector.broadcast %lt3A_332 : i32 to vector<16xi32>
      %lt3A_334 = arith.cmpi slt, %broadcast_in_dim3A_61, %lt3A_333 : vector<16xi32>
      %add3A_335 = arith.constant 16 : i32
      %add3A_336 = vector.broadcast %add3A_335 : i32 to vector<16xi32>
      %add3A_337 = arith.addi %broadcast_in_dim3A_61, %add3A_336 : vector<16xi32>
      %select_n3A_338 = arith.select %lt3A_334, %add3A_337, %broadcast_in_dim3A_61 : vector<16xi1>, vector<16xi32>
      %broadcast_in_dim3A_339 = vector.shape_cast %select_n3A_338 : vector<16xi32> to vector<16x1xi32>
      %gather3A_340 = vector.shape_cast %broadcast_in_dim3A_339 : vector<16x1xi32> to vector<16xi32>
      %gather3A_341 = tpu.dynamic_gather %get3A_90[%gather3A_340] in [0] : vector<16xf32>, vector<16xi32> -> vector<16xf32>
      %mul3A_342 = arith.mulf %add3A_331, %gather3A_341 : vector<16xf32>
      %add3A_343 = arith.addf %mul3A_342, %get3A_48 : vector<16xf32>
      %max3A_344 = arith.constant 0.000000e+00 : f32
      %max3A_345 = vector.broadcast %max3A_344 : f32 to vector<16xf32>
      %max3A_346 = arith.maximumf %add3A_343, %max3A_345 : vector<16xf32>
      %swap3A_347 = arith.index_cast %add3A_317 : i32 to index
      %swap3A_348 = arith.constant 0 : index
      %swap3A_349 = tpu.vector_load %arg12[%swap3A_347, %swap3A_348] {strides = array<i32>} : memref<320x16xf32, #tpu.memory_space<vmem>>, vector<1x16xf32>,
      %swap3A_350 = vector.shape_cast %swap3A_349 : vector<1x16xf32> to vector<16xf32>
      %swap3A_351 = vector.shape_cast %max3A_346 : vector<16xf32> to vector<1x16xf32>
      tpu.vector_store %arg12[%swap3A_347, %swap3A_348], %swap3A_351 {strides = array<i32>} : memref<320x16xf32, #tpu.memory_space<vmem>>, vector<1x16xf32>,
      %mul3A_352 = arith.constant 16 : i32
      %mul3A_353 = arith.muli %scan3A_85, %mul3A_352 : i32
      %add3A_354 = arith.constant 7 : i32
      %add3A_355 = arith.addi %mul3A_353, %add3A_354 : i32
      %get3A_356 = arith.index_cast %add3A_355 : i32 to index
      %get3A_357 = arith.constant 0 : index
      %get3A_358 = tpu.vector_load %arg7[%get3A_356, %get3A_357] {strides = array<i32>} : memref<320x16xf32, #tpu.memory_space<vmem>>, vector<1x16xf32>,
      %get3A_359 = vector.shape_cast %get3A_358 : vector<1x16xf32> to vector<16xf32>
      %get3A_360 = arith.index_cast %add3A_355 : i32 to index
      %get3A_361 = arith.constant 0 : index
      %get3A_362 = tpu.vector_load %arg8[%get3A_360, %get3A_361] {strides = array<i32>} : memref<320x16xf32, #tpu.memory_space<vmem>>, vector<1x16xf32>,
      %get3A_363 = vector.shape_cast %get3A_362 : vector<1x16xf32> to vector<16xf32>
      %add3A_364 = arith.addf %get3A_359, %get3A_363 : vector<16xf32>
      %get3A_365 = arith.index_cast %add3A_355 : i32 to index
      %get3A_366 = arith.constant 0 : index
      %get3A_367 = tpu.vector_load %arg9[%get3A_365, %get3A_366] {strides = array<i32>} : memref<320x16xf32, #tpu.memory_space<vmem>>, vector<1x16xf32>,
      %get3A_368 = vector.shape_cast %get3A_367 : vector<1x16xf32> to vector<16xf32>
      %add3A_369 = arith.addf %add3A_364, %get3A_368 : vector<16xf32>
      %lt3A_370 = arith.constant 0 : i32
      %lt3A_371 = vector.broadcast %lt3A_370 : i32 to vector<16xi32>
      %lt3A_372 = arith.cmpi slt, %broadcast_in_dim3A_63, %lt3A_371 : vector<16xi32>
      %add3A_373 = arith.constant 16 : i32
      %add3A_374 = vector.broadcast %add3A_373 : i32 to vector<16xi32>
      %add3A_375 = arith.addi %broadcast_in_dim3A_63, %add3A_374 : vector<16xi32>
      %select_n3A_376 = arith.select %lt3A_372, %add3A_375, %broadcast_in_dim3A_63 : vector<16xi1>, vector<16xi32>
      %broadcast_in_dim3A_377 = vector.shape_cast %select_n3A_376 : vector<16xi32> to vector<16x1xi32>
      %gather3A_378 = vector.shape_cast %broadcast_in_dim3A_377 : vector<16x1xi32> to vector<16xi32>
      %gather3A_379 = tpu.dynamic_gather %get3A_90[%gather3A_378] in [0] : vector<16xf32>, vector<16xi32> -> vector<16xf32>
      %mul3A_380 = arith.mulf %add3A_369, %gather3A_379 : vector<16xf32>
      %add3A_381 = arith.addf %mul3A_380, %get3A_48 : vector<16xf32>
      %max3A_382 = arith.constant 0.000000e+00 : f32
      %max3A_383 = vector.broadcast %max3A_382 : f32 to vector<16xf32>
      %max3A_384 = arith.maximumf %add3A_381, %max3A_383 : vector<16xf32>
      %swap3A_385 = arith.index_cast %add3A_355 : i32 to index
      %swap3A_386 = arith.constant 0 : index
      %swap3A_387 = tpu.vector_load %arg12[%swap3A_385, %swap3A_386] {strides = array<i32>} : memref<320x16xf32, #tpu.memory_space<vmem>>, vector<1x16xf32>,
      %swap3A_388 = vector.shape_cast %swap3A_387 : vector<1x16xf32> to vector<16xf32>
      %swap3A_389 = vector.shape_cast %max3A_384 : vector<16xf32> to vector<1x16xf32>
      tpu.vector_store %arg12[%swap3A_385, %swap3A_386], %swap3A_389 {strides = array<i32>} : memref<320x16xf32, #tpu.memory_space<vmem>>, vector<1x16xf32>,
      %mul3A_390 = arith.constant 16 : i32
      %mul3A_391 = arith.muli %scan3A_85, %mul3A_390 : i32
      %add3A_392 = arith.constant 8 : i32
      %add3A_393 = arith.addi %mul3A_391, %add3A_392 : i32
      %get3A_394 = arith.index_cast %add3A_393 : i32 to index
      %get3A_395 = arith.constant 0 : index
      %get3A_396 = tpu.vector_load %arg7[%get3A_394, %get3A_395] {strides = array<i32>} : memref<320x16xf32, #tpu.memory_space<vmem>>, vector<1x16xf32>,
      %get3A_397 = vector.shape_cast %get3A_396 : vector<1x16xf32> to vector<16xf32>
      %get3A_398 = arith.index_cast %add3A_393 : i32 to index
      %get3A_399 = arith.constant 0 : index
      %get3A_400 = tpu.vector_load %arg8[%get3A_398, %get3A_399] {strides = array<i32>} : memref<320x16xf32, #tpu.memory_space<vmem>>, vector<1x16xf32>,
      %get3A_401 = vector.shape_cast %get3A_400 : vector<1x16xf32> to vector<16xf32>
      %add3A_402 = arith.addf %get3A_397, %get3A_401 : vector<16xf32>
      %get3A_403 = arith.index_cast %add3A_393 : i32 to index
      %get3A_404 = arith.constant 0 : index
      %get3A_405 = tpu.vector_load %arg9[%get3A_403, %get3A_404] {strides = array<i32>} : memref<320x16xf32, #tpu.memory_space<vmem>>, vector<1x16xf32>,
      %get3A_406 = vector.shape_cast %get3A_405 : vector<1x16xf32> to vector<16xf32>
      %add3A_407 = arith.addf %add3A_402, %get3A_406 : vector<16xf32>
      %lt3A_408 = arith.constant 0 : i32
      %lt3A_409 = vector.broadcast %lt3A_408 : i32 to vector<16xi32>
      %lt3A_410 = arith.cmpi slt, %broadcast_in_dim3A_65, %lt3A_409 : vector<16xi32>
      %add3A_411 = arith.constant 16 : i32
      %add3A_412 = vector.broadcast %add3A_411 : i32 to vector<16xi32>
      %add3A_413 = arith.addi %broadcast_in_dim3A_65, %add3A_412 : vector<16xi32>
      %select_n3A_414 = arith.select %lt3A_410, %add3A_413, %broadcast_in_dim3A_65 : vector<16xi1>, vector<16xi32>
      %broadcast_in_dim3A_415 = vector.shape_cast %select_n3A_414 : vector<16xi32> to vector<16x1xi32>
      %gather3A_416 = vector.shape_cast %broadcast_in_dim3A_415 : vector<16x1xi32> to vector<16xi32>
      %gather3A_417 = tpu.dynamic_gather %get3A_90[%gather3A_416] in [0] : vector<16xf32>, vector<16xi32> -> vector<16xf32>
      %mul3A_418 = arith.mulf %add3A_407, %gather3A_417 : vector<16xf32>
      %add3A_419 = arith.addf %mul3A_418, %get3A_48 : vector<16xf32>
      %max3A_420 = arith.constant 0.000000e+00 : f32
      %max3A_421 = vector.broadcast %max3A_420 : f32 to vector<16xf32>
      %max3A_422 = arith.maximumf %add3A_419, %max3A_421 : vector<16xf32>
      %swap3A_423 = arith.index_cast %add3A_393 : i32 to index
      %swap3A_424 = arith.constant 0 : index
      %swap3A_425 = tpu.vector_load %arg12[%swap3A_423, %swap3A_424] {strides = array<i32>} : memref<320x16xf32, #tpu.memory_space<vmem>>, vector<1x16xf32>,
      %swap3A_426 = vector.shape_cast %swap3A_425 : vector<1x16xf32> to vector<16xf32>
      %swap3A_427 = vector.shape_cast %max3A_422 : vector<16xf32> to vector<1x16xf32>
      tpu.vector_store %arg12[%swap3A_423, %swap3A_424], %swap3A_427 {strides = array<i32>} : memref<320x16xf32, #tpu.memory_space<vmem>>, vector<1x16xf32>,
      %mul3A_428 = arith.constant 16 : i32
      %mul3A_429 = arith.muli %scan3A_85, %mul3A_428 : i32
      %add3A_430 = arith.constant 9 : i32
      %add3A_431 = arith.addi %mul3A_429, %add3A_430 : i32
      %get3A_432 = arith.index_cast %add3A_431 : i32 to index
      %get3A_433 = arith.constant 0 : index
      %get3A_434 = tpu.vector_load %arg7[%get3A_432, %get3A_433] {strides = array<i32>} : memref<320x16xf32, #tpu.memory_space<vmem>>, vector<1x16xf32>,
      %get3A_435 = vector.shape_cast %get3A_434 : vector<1x16xf32> to vector<16xf32>
      %get3A_436 = arith.index_cast %add3A_431 : i32 to index
      %get3A_437 = arith.constant 0 : index
      %get3A_438 = tpu.vector_load %arg8[%get3A_436, %get3A_437] {strides = array<i32>} : memref<320x16xf32, #tpu.memory_space<vmem>>, vector<1x16xf32>,
      %get3A_439 = vector.shape_cast %get3A_438 : vector<1x16xf32> to vector<16xf32>
      %add3A_440 = arith.addf %get3A_435, %get3A_439 : vector<16xf32>
      %get3A_441 = arith.index_cast %add3A_431 : i32 to index
      %get3A_442 = arith.constant 0 : index
      %get3A_443 = tpu.vector_load %arg9[%get3A_441, %get3A_442] {strides = array<i32>} : memref<320x16xf32, #tpu.memory_space<vmem>>, vector<1x16xf32>,
      %get3A_444 = vector.shape_cast %get3A_443 : vector<1x16xf32> to vector<16xf32>
      %add3A_445 = arith.addf %add3A_440, %get3A_444 : vector<16xf32>
      %lt3A_446 = arith.constant 0 : i32
      %lt3A_447 = vector.broadcast %lt3A_446 : i32 to vector<16xi32>
      %lt3A_448 = arith.cmpi slt, %broadcast_in_dim3A_67, %lt3A_447 : vector<16xi32>
      %add3A_449 = arith.constant 16 : i32
      %add3A_450 = vector.broadcast %add3A_449 : i32 to vector<16xi32>
      %add3A_451 = arith.addi %broadcast_in_dim3A_67, %add3A_450 : vector<16xi32>
      %select_n3A_452 = arith.select %lt3A_448, %add3A_451, %broadcast_in_dim3A_67 : vector<16xi1>, vector<16xi32>
      %broadcast_in_dim3A_453 = vector.shape_cast %select_n3A_452 : vector<16xi32> to vector<16x1xi32>
      %gather3A_454 = vector.shape_cast %broadcast_in_dim3A_453 : vector<16x1xi32> to vector<16xi32>
      %gather3A_455 = tpu.dynamic_gather %get3A_90[%gather3A_454] in [0] : vector<16xf32>, vector<16xi32> -> vector<16xf32>
      %mul3A_456 = arith.mulf %add3A_445, %gather3A_455 : vector<16xf32>
      %add3A_457 = arith.addf %mul3A_456, %get3A_48 : vector<16xf32>
      %max3A_458 = arith.constant 0.000000e+00 : f32
      %max3A_459 = vector.broadcast %max3A_458 : f32 to vector<16xf32>
      %max3A_460 = arith.maximumf %add3A_457, %max3A_459 : vector<16xf32>
      %swap3A_461 = arith.index_cast %add3A_431 : i32 to index
      %swap3A_462 = arith.constant 0 : index
      %swap3A_463 = tpu.vector_load %arg12[%swap3A_461, %swap3A_462] {strides = array<i32>} : memref<320x16xf32, #tpu.memory_space<vmem>>, vector<1x16xf32>,
      %swap3A_464 = vector.shape_cast %swap3A_463 : vector<1x16xf32> to vector<16xf32>
      %swap3A_465 = vector.shape_cast %max3A_460 : vector<16xf32> to vector<1x16xf32>
      tpu.vector_store %arg12[%swap3A_461, %swap3A_462], %swap3A_465 {strides = array<i32>} : memref<320x16xf32, #tpu.memory_space<vmem>>, vector<1x16xf32>,
      %mul3A_466 = arith.constant 16 : i32
      %mul3A_467 = arith.muli %scan3A_85, %mul3A_466 : i32
      %add3A_468 = arith.constant 10 : i32
      %add3A_469 = arith.addi %mul3A_467, %add3A_468 : i32
      %get3A_470 = arith.index_cast %add3A_469 : i32 to index
      %get3A_471 = arith.constant 0 : index
      %get3A_472 = tpu.vector_load %arg7[%get3A_470, %get3A_471] {strides = array<i32>} : memref<320x16xf32, #tpu.memory_space<vmem>>, vector<1x16xf32>,
      %get3A_473 = vector.shape_cast %get3A_472 : vector<1x16xf32> to vector<16xf32>
      %get3A_474 = arith.index_cast %add3A_469 : i32 to index
      %get3A_475 = arith.constant 0 : index
      %get3A_476 = tpu.vector_load %arg8[%get3A_474, %get3A_475] {strides = array<i32>} : memref<320x16xf32, #tpu.memory_space<vmem>>, vector<1x16xf32>,
      %get3A_477 = vector.shape_cast %get3A_476 : vector<1x16xf32> to vector<16xf32>
      %add3A_478 = arith.addf %get3A_473, %get3A_477 : vector<16xf32>
      %get3A_479 = arith.index_cast %add3A_469 : i32 to index
      %get3A_480 = arith.constant 0 : index
      %get3A_481 = tpu.vector_load %arg9[%get3A_479, %get3A_480] {strides = array<i32>} : memref<320x16xf32, #tpu.memory_space<vmem>>, vector<1x16xf32>,
      %get3A_482 = vector.shape_cast %get3A_481 : vector<1x16xf32> to vector<16xf32>
      %add3A_483 = arith.addf %add3A_478, %get3A_482 : vector<16xf32>
      %lt3A_484 = arith.constant 0 : i32
      %lt3A_485 = vector.broadcast %lt3A_484 : i32 to vector<16xi32>
      %lt3A_486 = arith.cmpi slt, %broadcast_in_dim3A_69, %lt3A_485 : vector<16xi32>
      %add3A_487 = arith.constant 16 : i32
      %add3A_488 = vector.broadcast %add3A_487 : i32 to vector<16xi32>
      %add3A_489 = arith.addi %broadcast_in_dim3A_69, %add3A_488 : vector<16xi32>
      %select_n3A_490 = arith.select %lt3A_486, %add3A_489, %broadcast_in_dim3A_69 : vector<16xi1>, vector<16xi32>
      %broadcast_in_dim3A_491 = vector.shape_cast %select_n3A_490 : vector<16xi32> to vector<16x1xi32>
      %gather3A_492 = vector.shape_cast %broadcast_in_dim3A_491 : vector<16x1xi32> to vector<16xi32>
      %gather3A_493 = tpu.dynamic_gather %get3A_90[%gather3A_492] in [0] : vector<16xf32>, vector<16xi32> -> vector<16xf32>
      %mul3A_494 = arith.mulf %add3A_483, %gather3A_493 : vector<16xf32>
      %add3A_495 = arith.addf %mul3A_494, %get3A_48 : vector<16xf32>
      %max3A_496 = arith.constant 0.000000e+00 : f32
      %max3A_497 = vector.broadcast %max3A_496 : f32 to vector<16xf32>
      %max3A_498 = arith.maximumf %add3A_495, %max3A_497 : vector<16xf32>
      %swap3A_499 = arith.index_cast %add3A_469 : i32 to index
      %swap3A_500 = arith.constant 0 : index
      %swap3A_501 = tpu.vector_load %arg12[%swap3A_499, %swap3A_500] {strides = array<i32>} : memref<320x16xf32, #tpu.memory_space<vmem>>, vector<1x16xf32>,
      %swap3A_502 = vector.shape_cast %swap3A_501 : vector<1x16xf32> to vector<16xf32>
      %swap3A_503 = vector.shape_cast %max3A_498 : vector<16xf32> to vector<1x16xf32>
      tpu.vector_store %arg12[%swap3A_499, %swap3A_500], %swap3A_503 {strides = array<i32>} : memref<320x16xf32, #tpu.memory_space<vmem>>, vector<1x16xf32>,
      %mul3A_504 = arith.constant 16 : i32
      %mul3A_505 = arith.muli %scan3A_85, %mul3A_504 : i32
      %add3A_506 = arith.constant 11 : i32
      %add3A_507 = arith.addi %mul3A_505, %add3A_506 : i32
      %get3A_508 = arith.index_cast %add3A_507 : i32 to index
      %get3A_509 = arith.constant 0 : index
      %get3A_510 = tpu.vector_load %arg7[%get3A_508, %get3A_509] {strides = array<i32>} : memref<320x16xf32, #tpu.memory_space<vmem>>, vector<1x16xf32>,
      %get3A_511 = vector.shape_cast %get3A_510 : vector<1x16xf32> to vector<16xf32>
      %get3A_512 = arith.index_cast %add3A_507 : i32 to index
      %get3A_513 = arith.constant 0 : index
      %get3A_514 = tpu.vector_load %arg8[%get3A_512, %get3A_513] {strides = array<i32>} : memref<320x16xf32, #tpu.memory_space<vmem>>, vector<1x16xf32>,
      %get3A_515 = vector.shape_cast %get3A_514 : vector<1x16xf32> to vector<16xf32>
      %add3A_516 = arith.addf %get3A_511, %get3A_515 : vector<16xf32>
      %get3A_517 = arith.index_cast %add3A_507 : i32 to index
      %get3A_518 = arith.constant 0 : index
      %get3A_519 = tpu.vector_load %arg9[%get3A_517, %get3A_518] {strides = array<i32>} : memref<320x16xf32, #tpu.memory_space<vmem>>, vector<1x16xf32>,
      %get3A_520 = vector.shape_cast %get3A_519 : vector<1x16xf32> to vector<16xf32>
      %add3A_521 = arith.addf %add3A_516, %get3A_520 : vector<16xf32>
      %lt3A_522 = arith.constant 0 : i32
      %lt3A_523 = vector.broadcast %lt3A_522 : i32 to vector<16xi32>
      %lt3A_524 = arith.cmpi slt, %broadcast_in_dim3A_71, %lt3A_523 : vector<16xi32>
      %add3A_525 = arith.constant 16 : i32
      %add3A_526 = vector.broadcast %add3A_525 : i32 to vector<16xi32>
      %add3A_527 = arith.addi %broadcast_in_dim3A_71, %add3A_526 : vector<16xi32>
      %select_n3A_528 = arith.select %lt3A_524, %add3A_527, %broadcast_in_dim3A_71 : vector<16xi1>, vector<16xi32>
      %broadcast_in_dim3A_529 = vector.shape_cast %select_n3A_528 : vector<16xi32> to vector<16x1xi32>
      %gather3A_530 = vector.shape_cast %broadcast_in_dim3A_529 : vector<16x1xi32> to vector<16xi32>
      %gather3A_531 = tpu.dynamic_gather %get3A_90[%gather3A_530] in [0] : vector<16xf32>, vector<16xi32> -> vector<16xf32>
      %mul3A_532 = arith.mulf %add3A_521, %gather3A_531 : vector<16xf32>
      %add3A_533 = arith.addf %mul3A_532, %get3A_48 : vector<16xf32>
      %max3A_534 = arith.constant 0.000000e+00 : f32
      %max3A_535 = vector.broadcast %max3A_534 : f32 to vector<16xf32>
      %max3A_536 = arith.maximumf %add3A_533, %max3A_535 : vector<16xf32>
      %swap3A_537 = arith.index_cast %add3A_507 : i32 to index
      %swap3A_538 = arith.constant 0 : index
      %swap3A_539 = tpu.vector_load %arg12[%swap3A_537, %swap3A_538] {strides = array<i32>} : memref<320x16xf32, #tpu.memory_space<vmem>>, vector<1x16xf32>,
      %swap3A_540 = vector.shape_cast %swap3A_539 : vector<1x16xf32> to vector<16xf32>
      %swap3A_541 = vector.shape_cast %max3A_536 : vector<16xf32> to vector<1x16xf32>
      tpu.vector_store %arg12[%swap3A_537, %swap3A_538], %swap3A_541 {strides = array<i32>} : memref<320x16xf32, #tpu.memory_space<vmem>>, vector<1x16xf32>,
      %mul3A_542 = arith.constant 16 : i32
      %mul3A_543 = arith.muli %scan3A_85, %mul3A_542 : i32
      %add3A_544 = arith.constant 12 : i32
      %add3A_545 = arith.addi %mul3A_543, %add3A_544 : i32
      %get3A_546 = arith.index_cast %add3A_545 : i32 to index
      %get3A_547 = arith.constant 0 : index
      %get3A_548 = tpu.vector_load %arg7[%get3A_546, %get3A_547] {strides = array<i32>} : memref<320x16xf32, #tpu.memory_space<vmem>>, vector<1x16xf32>,
      %get3A_549 = vector.shape_cast %get3A_548 : vector<1x16xf32> to vector<16xf32>
      %get3A_550 = arith.index_cast %add3A_545 : i32 to index
      %get3A_551 = arith.constant 0 : index
      %get3A_552 = tpu.vector_load %arg8[%get3A_550, %get3A_551] {strides = array<i32>} : memref<320x16xf32, #tpu.memory_space<vmem>>, vector<1x16xf32>,
      %get3A_553 = vector.shape_cast %get3A_552 : vector<1x16xf32> to vector<16xf32>
      %add3A_554 = arith.addf %get3A_549, %get3A_553 : vector<16xf32>
      %get3A_555 = arith.index_cast %add3A_545 : i32 to index
      %get3A_556 = arith.constant 0 : index
      %get3A_557 = tpu.vector_load %arg9[%get3A_555, %get3A_556] {strides = array<i32>} : memref<320x16xf32, #tpu.memory_space<vmem>>, vector<1x16xf32>,
      %get3A_558 = vector.shape_cast %get3A_557 : vector<1x16xf32> to vector<16xf32>
      %add3A_559 = arith.addf %add3A_554, %get3A_558 : vector<16xf32>
      %lt3A_560 = arith.constant 0 : i32
      %lt3A_561 = vector.broadcast %lt3A_560 : i32 to vector<16xi32>
      %lt3A_562 = arith.cmpi slt, %broadcast_in_dim3A_73, %lt3A_561 : vector<16xi32>
      %add3A_563 = arith.constant 16 : i32
      %add3A_564 = vector.broadcast %add3A_563 : i32 to vector<16xi32>
      %add3A_565 = arith.addi %broadcast_in_dim3A_73, %add3A_564 : vector<16xi32>
      %select_n3A_566 = arith.select %lt3A_562, %add3A_565, %broadcast_in_dim3A_73 : vector<16xi1>, vector<16xi32>
      %broadcast_in_dim3A_567 = vector.shape_cast %select_n3A_566 : vector<16xi32> to vector<16x1xi32>
      %gather3A_568 = vector.shape_cast %broadcast_in_dim3A_567 : vector<16x1xi32> to vector<16xi32>
      %gather3A_569 = tpu.dynamic_gather %get3A_90[%gather3A_568] in [0] : vector<16xf32>, vector<16xi32> -> vector<16xf32>
      %mul3A_570 = arith.mulf %add3A_559, %gather3A_569 : vector<16xf32>
      %add3A_571 = arith.addf %mul3A_570, %get3A_48 : vector<16xf32>
      %max3A_572 = arith.constant 0.000000e+00 : f32
      %max3A_573 = vector.broadcast %max3A_572 : f32 to vector<16xf32>
      %max3A_574 = arith.maximumf %add3A_571, %max3A_573 : vector<16xf32>
      %swap3A_575 = arith.index_cast %add3A_545 : i32 to index
      %swap3A_576 = arith.constant 0 : index
      %swap3A_577 = tpu.vector_load %arg12[%swap3A_575, %swap3A_576] {strides = array<i32>} : memref<320x16xf32, #tpu.memory_space<vmem>>, vector<1x16xf32>,
      %swap3A_578 = vector.shape_cast %swap3A_577 : vector<1x16xf32> to vector<16xf32>
      %swap3A_579 = vector.shape_cast %max3A_574 : vector<16xf32> to vector<1x16xf32>
      tpu.vector_store %arg12[%swap3A_575, %swap3A_576], %swap3A_579 {strides = array<i32>} : memref<320x16xf32, #tpu.memory_space<vmem>>, vector<1x16xf32>,
      %mul3A_580 = arith.constant 16 : i32
      %mul3A_581 = arith.muli %scan3A_85, %mul3A_580 : i32
      %add3A_582 = arith.constant 13 : i32
      %add3A_583 = arith.addi %mul3A_581, %add3A_582 : i32
      %get3A_584 = arith.index_cast %add3A_583 : i32 to index
      %get3A_585 = arith.constant 0 : index
      %get3A_586 = tpu.vector_load %arg7[%get3A_584, %get3A_585] {strides = array<i32>} : memref<320x16xf32, #tpu.memory_space<vmem>>, vector<1x16xf32>,
      %get3A_587 = vector.shape_cast %get3A_586 : vector<1x16xf32> to vector<16xf32>
      %get3A_588 = arith.index_cast %add3A_583 : i32 to index
      %get3A_589 = arith.constant 0 : index
      %get3A_590 = tpu.vector_load %arg8[%get3A_588, %get3A_589] {strides = array<i32>} : memref<320x16xf32, #tpu.memory_space<vmem>>, vector<1x16xf32>,
      %get3A_591 = vector.shape_cast %get3A_590 : vector<1x16xf32> to vector<16xf32>
      %add3A_592 = arith.addf %get3A_587, %get3A_591 : vector<16xf32>
      %get3A_593 = arith.index_cast %add3A_583 : i32 to index
      %get3A_594 = arith.constant 0 : index
      %get3A_595 = tpu.vector_load %arg9[%get3A_593, %get3A_594] {strides = array<i32>} : memref<320x16xf32, #tpu.memory_space<vmem>>, vector<1x16xf32>,
      %get3A_596 = vector.shape_cast %get3A_595 : vector<1x16xf32> to vector<16xf32>
      %add3A_597 = arith.addf %add3A_592, %get3A_596 : vector<16xf32>
      %lt3A_598 = arith.constant 0 : i32
      %lt3A_599 = vector.broadcast %lt3A_598 : i32 to vector<16xi32>
      %lt3A_600 = arith.cmpi slt, %broadcast_in_dim3A_75, %lt3A_599 : vector<16xi32>
      %add3A_601 = arith.constant 16 : i32
      %add3A_602 = vector.broadcast %add3A_601 : i32 to vector<16xi32>
      %add3A_603 = arith.addi %broadcast_in_dim3A_75, %add3A_602 : vector<16xi32>
      %select_n3A_604 = arith.select %lt3A_600, %add3A_603, %broadcast_in_dim3A_75 : vector<16xi1>, vector<16xi32>
      %broadcast_in_dim3A_605 = vector.shape_cast %select_n3A_604 : vector<16xi32> to vector<16x1xi32>
      %gather3A_606 = vector.shape_cast %broadcast_in_dim3A_605 : vector<16x1xi32> to vector<16xi32>
      %gather3A_607 = tpu.dynamic_gather %get3A_90[%gather3A_606] in [0] : vector<16xf32>, vector<16xi32> -> vector<16xf32>
      %mul3A_608 = arith.mulf %add3A_597, %gather3A_607 : vector<16xf32>
      %add3A_609 = arith.addf %mul3A_608, %get3A_48 : vector<16xf32>
      %max3A_610 = arith.constant 0.000000e+00 : f32
      %max3A_611 = vector.broadcast %max3A_610 : f32 to vector<16xf32>
      %max3A_612 = arith.maximumf %add3A_609, %max3A_611 : vector<16xf32>
      %swap3A_613 = arith.index_cast %add3A_583 : i32 to index
      %swap3A_614 = arith.constant 0 : index
      %swap3A_615 = tpu.vector_load %arg12[%swap3A_613, %swap3A_614] {strides = array<i32>} : memref<320x16xf32, #tpu.memory_space<vmem>>, vector<1x16xf32>,
      %swap3A_616 = vector.shape_cast %swap3A_615 : vector<1x16xf32> to vector<16xf32>
      %swap3A_617 = vector.shape_cast %max3A_612 : vector<16xf32> to vector<1x16xf32>
      tpu.vector_store %arg12[%swap3A_613, %swap3A_614], %swap3A_617 {strides = array<i32>} : memref<320x16xf32, #tpu.memory_space<vmem>>, vector<1x16xf32>,
      %mul3A_618 = arith.constant 16 : i32
      %mul3A_619 = arith.muli %scan3A_85, %mul3A_618 : i32
      %add3A_620 = arith.constant 14 : i32
      %add3A_621 = arith.addi %mul3A_619, %add3A_620 : i32
      %get3A_622 = arith.index_cast %add3A_621 : i32 to index
      %get3A_623 = arith.constant 0 : index
      %get3A_624 = tpu.vector_load %arg7[%get3A_622, %get3A_623] {strides = array<i32>} : memref<320x16xf32, #tpu.memory_space<vmem>>, vector<1x16xf32>,
      %get3A_625 = vector.shape_cast %get3A_624 : vector<1x16xf32> to vector<16xf32>
      %get3A_626 = arith.index_cast %add3A_621 : i32 to index
      %get3A_627 = arith.constant 0 : index
      %get3A_628 = tpu.vector_load %arg8[%get3A_626, %get3A_627] {strides = array<i32>} : memref<320x16xf32, #tpu.memory_space<vmem>>, vector<1x16xf32>,
      %get3A_629 = vector.shape_cast %get3A_628 : vector<1x16xf32> to vector<16xf32>
      %add3A_630 = arith.addf %get3A_625, %get3A_629 : vector<16xf32>
      %get3A_631 = arith.index_cast %add3A_621 : i32 to index
      %get3A_632 = arith.constant 0 : index
      %get3A_633 = tpu.vector_load %arg9[%get3A_631, %get3A_632] {strides = array<i32>} : memref<320x16xf32, #tpu.memory_space<vmem>>, vector<1x16xf32>,
      %get3A_634 = vector.shape_cast %get3A_633 : vector<1x16xf32> to vector<16xf32>
      %add3A_635 = arith.addf %add3A_630, %get3A_634 : vector<16xf32>
      %lt3A_636 = arith.constant 0 : i32
      %lt3A_637 = vector.broadcast %lt3A_636 : i32 to vector<16xi32>
      %lt3A_638 = arith.cmpi slt, %broadcast_in_dim3A_77, %lt3A_637 : vector<16xi32>
      %add3A_639 = arith.constant 16 : i32
      %add3A_640 = vector.broadcast %add3A_639 : i32 to vector<16xi32>
      %add3A_641 = arith.addi %broadcast_in_dim3A_77, %add3A_640 : vector<16xi32>
      %select_n3A_642 = arith.select %lt3A_638, %add3A_641, %broadcast_in_dim3A_77 : vector<16xi1>, vector<16xi32>
      %broadcast_in_dim3A_643 = vector.shape_cast %select_n3A_642 : vector<16xi32> to vector<16x1xi32>
      %gather3A_644 = vector.shape_cast %broadcast_in_dim3A_643 : vector<16x1xi32> to vector<16xi32>
      %gather3A_645 = tpu.dynamic_gather %get3A_90[%gather3A_644] in [0] : vector<16xf32>, vector<16xi32> -> vector<16xf32>
      %mul3A_646 = arith.mulf %add3A_635, %gather3A_645 : vector<16xf32>
      %add3A_647 = arith.addf %mul3A_646, %get3A_48 : vector<16xf32>
      %max3A_648 = arith.constant 0.000000e+00 : f32
      %max3A_649 = vector.broadcast %max3A_648 : f32 to vector<16xf32>
      %max3A_650 = arith.maximumf %add3A_647, %max3A_649 : vector<16xf32>
      %swap3A_651 = arith.index_cast %add3A_621 : i32 to index
      %swap3A_652 = arith.constant 0 : index
      %swap3A_653 = tpu.vector_load %arg12[%swap3A_651, %swap3A_652] {strides = array<i32>} : memref<320x16xf32, #tpu.memory_space<vmem>>, vector<1x16xf32>,
      %swap3A_654 = vector.shape_cast %swap3A_653 : vector<1x16xf32> to vector<16xf32>
      %swap3A_655 = vector.shape_cast %max3A_650 : vector<16xf32> to vector<1x16xf32>
      tpu.vector_store %arg12[%swap3A_651, %swap3A_652], %swap3A_655 {strides = array<i32>} : memref<320x16xf32, #tpu.memory_space<vmem>>, vector<1x16xf32>,
      %mul3A_656 = arith.constant 16 : i32
      %mul3A_657 = arith.muli %scan3A_85, %mul3A_656 : i32
      %add3A_658 = arith.constant 15 : i32
      %add3A_659 = arith.addi %mul3A_657, %add3A_658 : i32
      %get3A_660 = arith.index_cast %add3A_659 : i32 to index
      %get3A_661 = arith.constant 0 : index
      %get3A_662 = tpu.vector_load %arg7[%get3A_660, %get3A_661] {strides = array<i32>} : memref<320x16xf32, #tpu.memory_space<vmem>>, vector<1x16xf32>,
      %get3A_663 = vector.shape_cast %get3A_662 : vector<1x16xf32> to vector<16xf32>
      %get3A_664 = arith.index_cast %add3A_659 : i32 to index
      %get3A_665 = arith.constant 0 : index
      %get3A_666 = tpu.vector_load %arg8[%get3A_664, %get3A_665] {strides = array<i32>} : memref<320x16xf32, #tpu.memory_space<vmem>>, vector<1x16xf32>,
      %get3A_667 = vector.shape_cast %get3A_666 : vector<1x16xf32> to vector<16xf32>
      %add3A_668 = arith.addf %get3A_663, %get3A_667 : vector<16xf32>
      %get3A_669 = arith.index_cast %add3A_659 : i32 to index
      %get3A_670 = arith.constant 0 : index
      %get3A_671 = tpu.vector_load %arg9[%get3A_669, %get3A_670] {strides = array<i32>} : memref<320x16xf32, #tpu.memory_space<vmem>>, vector<1x16xf32>,
      %get3A_672 = vector.shape_cast %get3A_671 : vector<1x16xf32> to vector<16xf32>
      %add3A_673 = arith.addf %add3A_668, %get3A_672 : vector<16xf32>
      %lt3A_674 = arith.constant 0 : i32
      %lt3A_675 = vector.broadcast %lt3A_674 : i32 to vector<16xi32>
      %lt3A_676 = arith.cmpi slt, %broadcast_in_dim3A_79, %lt3A_675 : vector<16xi32>
      %add3A_677 = arith.constant 16 : i32
      %add3A_678 = vector.broadcast %add3A_677 : i32 to vector<16xi32>
      %add3A_679 = arith.addi %broadcast_in_dim3A_79, %add3A_678 : vector<16xi32>
      %select_n3A_680 = arith.select %lt3A_676, %add3A_679, %broadcast_in_dim3A_79 : vector<16xi1>, vector<16xi32>
      %broadcast_in_dim3A_681 = vector.shape_cast %select_n3A_680 : vector<16xi32> to vector<16x1xi32>
      %gather3A_682 = vector.shape_cast %broadcast_in_dim3A_681 : vector<16x1xi32> to vector<16xi32>
      %gather3A_683 = tpu.dynamic_gather %get3A_90[%gather3A_682] in [0] : vector<16xf32>, vector<16xi32> -> vector<16xf32>
      %mul3A_684 = arith.mulf %add3A_673, %gather3A_683 : vector<16xf32>
      %add3A_685 = arith.addf %mul3A_684, %get3A_48 : vector<16xf32>
      %max3A_686 = arith.constant 0.000000e+00 : f32
      %max3A_687 = vector.broadcast %max3A_686 : f32 to vector<16xf32>
      %max3A_688 = arith.maximumf %add3A_685, %max3A_687 : vector<16xf32>
      %swap3A_689 = arith.index_cast %add3A_659 : i32 to index
      %swap3A_690 = arith.constant 0 : index
      %swap3A_691 = tpu.vector_load %arg12[%swap3A_689, %swap3A_690] {strides = array<i32>} : memref<320x16xf32, #tpu.memory_space<vmem>>, vector<1x16xf32>,
      %swap3A_692 = vector.shape_cast %swap3A_691 : vector<1x16xf32> to vector<16xf32>
      %swap3A_693 = vector.shape_cast %max3A_688 : vector<16xf32> to vector<1x16xf32>
      tpu.vector_store %arg12[%swap3A_689, %swap3A_690], %swap3A_693 {strides = array<i32>} : memref<320x16xf32, #tpu.memory_space<vmem>>, vector<1x16xf32>,
    }
    %scan3A_84 = arith.constant 20 : i32
    "tpu.region"() ({
      %run_scoped3A = tpu.sem_alloc : memref<!tpu.dma_semaphore, #tpu.memory_space<semaphore_mem>>
      %dma_start3A_85 = arith.constant 0 : i32
      %dma_start3A_86 = tpu.memref_slice %arg6[%mul3A_2, %dma_start3A_85] : memref<10240x16xf32, #tpu.memory_space<hbm>> -> memref<320x16xf32, #tpu.memory_space<hbm>>
      %dma_start3A_87 = arith.constant 0 : i32
      %dma_start3A_88 = tpu.memref_slice %arg6[%mul3A_2, %dma_start3A_87] : memref<10240x16xf32, #tpu.memory_space<hbm>> -> memref<320x16xf32, #tpu.memory_space<hbm>>
      tpu.enqueue_dma source(%arg12 : memref<320x16xf32, #tpu.memory_space<vmem>>) target(%dma_start3A_88 : memref<320x16xf32, #tpu.memory_space<hbm>>) target_semaphore(%run_scoped3A : memref<!tpu.dma_semaphore, #tpu.memory_space<semaphore_mem>>)
      %dma_wait3A_89 = arith.constant 0 : i32
      %dma_wait3A_90 = tpu.memref_slice %arg6[%mul3A_2, %dma_wait3A_89] : memref<10240x16xf32, #tpu.memory_space<hbm>> -> memref<320x16xf32, #tpu.memory_space<hbm>>
      %dma_wait3A_91 = arith.constant 0 : i32
      %dma_wait3A_92 = tpu.memref_slice %arg6[%mul3A_2, %dma_wait3A_91] : memref<10240x16xf32, #tpu.memory_space<hbm>> -> memref<320x16xf32, #tpu.memory_space<hbm>>
      tpu.wait_dma2 semaphore(%run_scoped3A : memref<!tpu.dma_semaphore, #tpu.memory_space<semaphore_mem>>) src(%arg12 : memref<320x16xf32, #tpu.memory_space<vmem>>) dst(%dma_wait3A_92 : memref<320x16xf32, #tpu.memory_space<hbm>>)
      tpu.yield
    }) : () -> ()
    return
  }
}

module attributes {stable_mosaic.version = 14 : i64} {
  func.func @_encode_body(%arg0: i32, %arg1: memref<10240x128xf32, #tpu.memory_space<vmem>>, %arg2: memref<128x16xf32, #tpu.memory_space<vmem>>, %arg3: memref<2x10240xf32, #tpu.memory_space<vmem>>, %arg4: memref<10240x16xf32, #tpu.memory_space<vmem>>, %arg5: memref<1x10240xf32, #tpu.memory_space<vmem>>) attributes {dimension_semantics = [#tpu.dimension_semantics<arbitrary>], iteration_bounds = array<i64: 1>, scalar_prefetch = 0 : i64, scratch_operands = 0 : i64, tpu.core_type = #tpu.core_type<tc>, window_params = [{transform_indices = @transform_0, window_bounds = array<i64: 10240, 128>}, {pipeline_mode = #tpu.pipeline_mode<synchronous>, transform_indices = @transform_1, window_bounds = array<i64: 128, 16>}, {transform_indices = @transform_2, window_bounds = array<i64: 2, 10240>}, {transform_indices = @transform_3, window_bounds = array<i64: 10240, 16>}, {transform_indices = @transform_4, window_bounds = array<i64: 1, 10240>}]} {
    %get3A = arith.constant 0 : index
    %get3A_0 = arith.constant 0 : index
    %get3A_1 = vector.load %arg3[%get3A, %get3A_0] : memref<2x10240xf32, #tpu.memory_space<vmem>>, vector<1x10240xf32>
    %get3A_2 = arith.constant 1 : index
    %get3A_3 = arith.constant 0 : index
    %get3A_4 = vector.load %arg3[%get3A_2, %get3A_3] : memref<2x10240xf32, #tpu.memory_space<vmem>>, vector<1x10240xf32>
    %add3A = arith.addf %get3A_1, %get3A_4 : vector<1x10240xf32>
    %add3A_5 = arith.constant 1.000000e+00 : f32
    %add3A_6 = vector.broadcast %add3A_5 : f32 to vector<1x10240xf32>
    %add3A_7 = arith.addf %add3A, %add3A_6 : vector<1x10240xf32>
    %rsqrt3A = math.rsqrt %add3A_7 : vector<1x10240xf32>
    %transpose3A = tpu.transpose %rsqrt3A, [1, 0] : vector<1x10240xf32> -> vector<10240x1xf32>
    %get3A_8 = arith.constant 0 : index
    %get3A_9 = arith.constant 0 : index
    %get3A_10 = vector.load %arg1[%get3A_8, %get3A_9] : memref<10240x128xf32, #tpu.memory_space<vmem>>, vector<10240x128xf32>
    %get3A_11 = arith.constant 0 : index
    %get3A_12 = arith.constant 0 : index
    %get3A_13 = vector.load %arg2[%get3A_11, %get3A_12] : memref<128x16xf32, #tpu.memory_space<vmem>>, vector<128x16xf32>
    %dot_general3A = arith.constant dense<0.000000e+00> : vector<10240x16xf32>
    %dot_general3A_14 = tpu.matmul %get3A_10, %get3A_13, %dot_general3A {dimension_numbers = #tpu.dot_dimension_numbers<[1], [0], [0], [1], [0, 0, 1, 1], [], []>, precision = #tpu.contract_precision<fp32>, transpose_lhs_hint = false} : vector<10240x128xf32>, vector<128x16xf32>, vector<10240x16xf32> -> vector<10240x16xf32>
    %mul3A = vector.broadcast %transpose3A : vector<10240x1xf32> to vector<10240x16xf32>
    %mul3A_15 = arith.mulf %dot_general3A_14, %mul3A : vector<10240x16xf32>
    %swap3A = arith.constant 0 : index
    %swap3A_16 = arith.constant 0 : index
    %swap3A_17 = vector.load %arg4[%swap3A, %swap3A_16] : memref<10240x16xf32, #tpu.memory_space<vmem>>, vector<10240x16xf32>
    tpu.vector_store %arg4[%swap3A, %swap3A_16], %mul3A_15 {strides = array<i32>} : memref<10240x16xf32, #tpu.memory_space<vmem>>, vector<10240x16xf32>,
    %swap3A_18 = arith.constant 0 : index
    %swap3A_19 = arith.constant 0 : index
    %swap3A_20 = vector.load %arg5[%swap3A_18, %swap3A_19] : memref<1x10240xf32, #tpu.memory_space<vmem>>, vector<1x10240xf32>
    tpu.vector_store %arg5[%swap3A_18, %swap3A_19], %rsqrt3A {strides = array<i32>} : memref<1x10240xf32, #tpu.memory_space<vmem>>, vector<1x10240xf32>,
    return
  }
  func.func @transform_0(%arg0: i32) -> (i32, i32) {
    %c0_i32 = arith.constant 0 : i32
    %c0_i32_0 = arith.constant 0 : i32
    return %arg0, %c0_i32 : i32, i32
  }
  func.func @transform_1(%arg0: i32) -> (i32, i32) {
    %c0_i32 = arith.constant 0 : i32
    %c0_i32_0 = arith.constant 0 : i32
    %c0_i32_1 = arith.constant 0 : i32
    return %c0_i32, %c0_i32_0 : i32, i32
  }
  func.func @transform_2(%arg0: i32) -> (i32, i32) {
    %c0_i32 = arith.constant 0 : i32
    %c0_i32_0 = arith.constant 0 : i32
    return %c0_i32, %arg0 : i32, i32
  }
  func.func @transform_3(%arg0: i32) -> (i32, i32) {
    %c0_i32 = arith.constant 0 : i32
    %c0_i32_0 = arith.constant 0 : i32
    return %arg0, %c0_i32 : i32, i32
  }
  func.func @transform_4(%arg0: i32) -> (i32, i32) {
    %c0_i32 = arith.constant 0 : i32
    %c0_i32_0 = arith.constant 0 : i32
    return %c0_i32, %arg0 : i32, i32
  }
}

module attributes {stable_mosaic.version = 14 : i64} {
  func.func @_decode_body(%arg0: i32, %arg1: i32, %arg2: memref<10240x16xf32, #tpu.memory_space<vmem>>, %arg3: memref<2048x2048xf32, #tpu.memory_space<vmem>>) attributes {dimension_semantics = [#tpu.dimension_semantics<arbitrary>, #tpu.dimension_semantics<arbitrary>], iteration_bounds = array<i64: 5, 5>, scalar_prefetch = 0 : i64, scratch_operands = 0 : i64, tpu.core_type = #tpu.core_type<tc>, window_params = [{pipeline_mode = #tpu.pipeline_mode<synchronous>, transform_indices = @transform_0, window_bounds = array<i64: 10240, 16>}, {transform_indices = @transform_1, window_bounds = array<i64: 2048, 2048>}]} {
    %mul3A = arith.constant 2048 : i32
    %mul3A_0 = arith.muli %arg0, %mul3A : i32
    %get3A = arith.index_cast %mul3A_0 : i32 to index
    %get3A_1 = arith.constant 0 : index
    %get3A_2 = vector.load %arg2[%get3A, %get3A_1] : memref<10240x16xf32, #tpu.memory_space<vmem>>, vector<2048x16xf32>
    %mul3A_3 = arith.constant 2048 : i32
    %mul3A_4 = arith.muli %arg1, %mul3A_3 : i32
    %get3A_5 = arith.index_cast %mul3A_4 : i32 to index
    %get3A_6 = arith.constant 0 : index
    %get3A_7 = vector.load %arg2[%get3A_5, %get3A_6] : memref<10240x16xf32, #tpu.memory_space<vmem>>, vector<2048x16xf32>
    %dot_general3A = arith.constant dense<0.000000e+00> : vector<2048x2048xf32>
    %dot_general3A_8 = tpu.matmul %get3A_2, %get3A_7, %dot_general3A {dimension_numbers = #tpu.dot_dimension_numbers<[1], [1], [0], [0], [0, 0, 1, 0], [], []>, transpose_lhs_hint = false} : vector<2048x16xf32>, vector<2048x16xf32>, vector<2048x2048xf32> -> vector<2048x2048xf32>
    %mul3A_9 = arith.constant 5.000000e-01 : f32
    %mul3A_10 = vector.broadcast %mul3A_9 : f32 to vector<2048x2048xf32>
    %mul3A_11 = arith.mulf %mul3A_10, %dot_general3A_8 : vector<2048x2048xf32>
    %tanh3A = math.tanh %mul3A_11 : vector<2048x2048xf32>
    %mul3A_12 = arith.constant 5.000000e-01 : f32
    %mul3A_13 = vector.broadcast %mul3A_12 : f32 to vector<2048x2048xf32>
    %mul3A_14 = arith.mulf %mul3A_13, %tanh3A : vector<2048x2048xf32>
    %add3A = arith.constant 5.000000e-01 : f32
    %add3A_15 = vector.broadcast %add3A : f32 to vector<2048x2048xf32>
    %add3A_16 = arith.addf %mul3A_14, %add3A_15 : vector<2048x2048xf32>
    %swap3A = arith.constant 0 : index
    %swap3A_17 = arith.constant 0 : index
    %swap3A_18 = vector.load %arg3[%swap3A, %swap3A_17] : memref<2048x2048xf32, #tpu.memory_space<vmem>>, vector<2048x2048xf32>
    tpu.vector_store %arg3[%swap3A, %swap3A_17], %add3A_16 {strides = array<i32>} : memref<2048x2048xf32, #tpu.memory_space<vmem>>, vector<2048x2048xf32>,
    return
  }
  func.func @transform_0(%arg0: i32, %arg1: i32) -> (i32, i32) {
    %c0_i32 = arith.constant 0 : i32
    %c0_i32_0 = arith.constant 0 : i32
    %c0_i32_1 = arith.constant 0 : i32
    return %c0_i32, %c0_i32_0 : i32, i32
  }
  func.func @transform_1(%arg0: i32, %arg1: i32) -> (i32, i32) {
    %c0_i32 = arith.constant 0 : i32
    return %arg0, %arg1 : i32, i32
  }
}

</mosaic_0001>

<sc_bundles>
// kernel: kernel.10.cloned.1.call-start
scs
__scs_entry_jumppad:
0x0: {  	(pc) =	sbr.rel $0x88, $3  }
0x1: {  	(tag) =	ssettag $0x0;
	lr =	simm.s32 $0x1  }
0x2: {  	[smem:$0x3F9D] =	sst lr;
	_ =	strace $0xD0000000  }
0x3: {  	_ = 	snop  }
0x4: {  	_ = 	snop  }
0x5: {  	_ = 	snop  }
0x6: {  	_ = 	snop  }
0x7: {  	_ = 	snop  }
__scs_overlays_trampoline_lowered:
0x8: {  	[smem:$0x3FAC] =	sst s0  }
0x9: {  	[smem:$0x3FAD] =	sst s1  }
0xa: {  	[smem:$0x3FAE] =	sst s2  }
0xb: {  	[smem:$0x3FAF] =	sst s3  }
0xc: {  	[smem:$0x3FB0] =	sst s4  }
0xd: {  	[smem:$0x3FB1] =	sst s5  }
0xe: {  	[smem:$0x3FB2] =	sst s6  }
0xf: {  	[smem:$0x3FB3] =	sst s7  }
0x10: {  	[smem:$0x3FB4] =	sst s8  }
0x11: {  	[smem:$0x3FB5] =	sst s9;
	s0 =	simm.s32 @!p0 $0x0  }
0x12: {  	s1 =	sld [smem:$0x3F9B];
	s0 =	simm.s32 @p0 $0x1  }
0x13: {  	[smem:$0x3FB6] =	sst s0;
	s0 =	simm.s32 @!p1 $0x0  }
0x14: {  	s2 =	sld [smem:$0x3F9A];
	s0 =	simm.s32 @p1 $0x1  }
0x15: {  	[smem:$0x3FB7] =	sst s0;
	s0 =	simm.s32 @!p2 $0x0  }
0x16: {  	s3 =	sld [smem:$0x3FDB];
	s0 =	simm.s32 @p2 $0x1  }
0x17: {  	s4 =	simm.s32 $0x1BF5;
	[smem:$0x3FB9] =	sst s0  }
0x18: {  	s0 =	sld [smem:$0x3F9C];
	_ =	swait.ge [sflag:s4], $0x0  }
0x19: {  	s7 =	sld [smem:$0x3F9D]  }
0x1a: {  	s8 =	sadd.s32 $0xFFFFE003, lr  }
0x1b: {  	s9 =	sadd.s32 $0xFFFFFEF7, lr;
	s5 =	simm.s32 $0xFFFFFFFF;
	p2 =	slt.u32 s8, $0xFFFFF086  }
0x1c: {  	p1 =	slt.u32 s9, $0xF7A;
	s5 =	simm.s32 @!p2 $0x0  }
0x1d: {  	s5 =	simm.s32 @p1 $0x1;
	p0 =	seq.s32 s7, s2  }
0x1e: {  	s7 =	smul.u32 @!p0 $0xF7A, s2;
	p2 =	seq.s32 @!p0 s5, $0x0  }
0x1f: {  	s9 =	smul.u32 $0xF7A, s1;
	s8 =	simm.s32 @!p0 $0x1BF5;
	p2 =	por !p2, p0  }
0x20: {  	[sflag:s8] =	ssyncset.s32 @!p0 $0xFFFFF086;
	s6 =	sadd.s32 @!p0 s3, s7;
	s7 =	simm.s32 @!p0 $0x108  }
0x21: {  	s3 =	sadd.s32 s3, s9;
	s6 =	sadd.s32 @!p0 $0x88, s6;
	s7 =	simm.s32 @p2 $0x1082  }
0x22: {  	[simem:s7], [sflag:s8] =	dma.local @!p0 [hbm:s6], $0xF7A  }
0x23: {  	s9 =	sor.u32 $0xD0000000, s2;
	s6 =	simm.s32 $0x108;
	_ =	swait.ge @!p0 [sflag:s8], $0x0  }
0x24: {  	s3 =	sadd.s32 $0x88, s3;
	s6 =	simm.s32 @!p1 $0x1082;
	[sflag:s4] =	ssyncset.s32 $0xFFFFF086  }
0x25: {  	[simem:s6], [sflag:s4] =	dma.local [hbm:s3], $0xF7A  }
0x26: {  	[smem:$0x3F9D] =	sst s1;
	(tag) =	ssettag s2;
	_ =	strace s9  }
0x27: {  	s1 =	sld [smem:$0x3FAD]  }
0x28: {  	s2 =	sld [smem:$0x3FAE]  }
0x29: {  	s4 =	sld [smem:$0x3FB0]  }
0x2a: {  	p0 =	seq.s32 s5, $0x0;
	s5 =	sld [smem:$0x3FB1]  }
0x2b: {  	s6 =	sld [smem:$0x3FB2]  }
0x2c: {  	s7 =	sld [smem:$0x3FB3]  }
0x2d: {  	s3 =	simm.s32 $0x108;
	s8 =	sld [smem:$0x3FB4]  }
0x2e: {  	s3 =	simm.s32 @!p0 $0x1082;
	s9 =	sld [smem:$0x3FB5]  }
0x2f: {  	lr =	sadd.s32 s0, s3;
	s0 =	sld [smem:$0x3FAC]  }
0x30: {  	s3 =	sld [smem:$0x3FAF]  }
0x31: {  	[smem:$0x3FB8] =	sst s10  }
0x32: {  	s10 =	sld [smem:$0x3FB6];
	_ =	sdelay $0x3  }
0x33: {  	p0 =	seq.s32 s10, $0x1;
	s10 =	sld [smem:$0x3FB8];
	_ =	sdelay $0x3  }
0x34: {  	[smem:$0x3FB8] =	sst s10  }
0x35: {  	s10 =	sld [smem:$0x3FB7];
	_ =	sdelay $0x3  }
0x36: {  	p1 =	seq.s32 s10, $0x1;
	s10 =	sld [smem:$0x3FB8];
	_ =	sdelay $0x3  }
0x37: {  	[smem:$0x3FB8] =	sst s10  }
0x38: {  	s10 =	sld [smem:$0x3FB9]  }
0x39: {  	_ = 	snop;
	(pc) =	sbr.ind lr, $3  }
0x3a: {  	_ = 	snop  }
0x3b: {  	_ = 	snop  }
0x3c: {  	p2 =	seq.s32 s10, $0x1;
	s10 =	sld [smem:$0x3FB8]  }
0x3d: {  	_ =	shalt  }
0x3e: {  	_ =	shalt  }
0x3f: {  	_ =	shalt  }
0x40: {  	_ =	shalt  }
0x41: {  	_ =	shalt  }
0x42: {  	_ =	shalt  }
0x43: {  	_ =	shalt  }
0x44: {  	_ =	shalt  }
0x45: {  	_ =	shalt  }
0x46: {  	_ =	shalt  }
0x47: {  	_ =	shalt  }
0x48: {  	_ =	shalt  }
0x49: {  	_ =	shalt  }
0x4a: {  	_ =	shalt  }
0x4b: {  	_ =	shalt  }
0x4c: {  	_ =	shalt  }
0x4d: {  	_ =	shalt  }
0x4e: {  	_ =	shalt  }
0x4f: {  	_ =	shalt  }
0x50: {  	_ =	shalt  }
0x51: {  	_ =	shalt  }
0x52: {  	_ =	shalt  }
0x53: {  	_ =	shalt  }
0x54: {  	_ =	shalt  }
0x55: {  	_ =	shalt  }
0x56: {  	_ =	shalt  }
0x57: {  	_ =	shalt  }
0x58: {  	_ =	shalt  }
0x59: {  	_ =	shalt  }
0x5a: {  	_ =	shalt  }
0x5b: {  	_ =	shalt  }
0x5c: {  	_ =	shalt  }
0x5d: {  	_ =	shalt  }
0x5e: {  	_ =	shalt  }
0x5f: {  	_ =	shalt  }
0x60: {  	_ =	shalt  }
0x61: {  	_ =	shalt  }
0x62: {  	_ =	shalt  }
0x63: {  	_ =	shalt  }
0x64: {  	_ =	shalt  }
0x65: {  	_ =	shalt  }
0x66: {  	_ =	shalt  }
0x67: {  	_ =	shalt  }
0x68: {  	_ =	shalt  }
0x69: {  	_ =	shalt  }
0x6a: {  	_ =	shalt  }
0x6b: {  	_ =	shalt  }
0x6c: {  	_ =	shalt  }
0x6d: {  	_ =	shalt  }
0x6e: {  	_ =	shalt  }
0x6f: {  	_ =	shalt  }
0x70: {  	_ =	shalt  }
0x71: {  	_ =	shalt  }
0x72: {  	_ =	shalt  }
0x73: {  	_ =	shalt  }
0x74: {  	_ =	shalt  }
0x75: {  	_ =	shalt  }
0x76: {  	_ =	shalt  }
0x77: {  	_ =	shalt  }
0x78: {  	_ =	shalt  }
0x79: {  	_ =	shalt  }
0x7a: {  	_ =	shalt  }
0x7b: {  	_ =	shalt  }
0x7c: {  	_ =	shalt  }
0x7d: {  	_ =	shalt  }
0x7e: {  	_ =	shalt  }
0x7f: {  	_ =	shalt  }
0x80: {  	_ =	shalt  }
0x81: {  	_ =	shalt  }
0x82: {  	_ =	shalt  }
0x83: {  	_ =	shalt  }
0x84: {  	_ =	shalt  }
0x85: {  	_ =	shalt  }
0x86: {  	_ =	shalt  }
0x87: {  	_ =	shalt  }
.Lfunc_end0:
.L_simem_size_0:
called_computation.1_lowered:
.L_overlay_start_0:
0x88: {  	s2 =	sld [smem:$0x3FD9]  }
0x89: {  	s3 =	sld [smem:$0x3FFE];
	_ =	sdelay $0x1  }
0x8a: {  	s1 =	srdreg.scid  }
0x8b: {  	s0 =	sand.u32 $0x1, s1  }
0x8c: {  	s17 =	sshll.u32 s0, $0xA;
	s2 =	sadd.s32 s3, s2  }
0x8d: {  	s2 =	sadd.s32 s2, s17  }
0x8e: {  	[smem:$0x3FC4] =	sst s2  }
0x8f: {  	_ = 	snop  }
0x90: {  	s2 =	sld [smem:$0x3FD0];
	(tm) =	ssettm $0x1  }
0x91: {  	s18 =	sld [smem:$0x3FFB];
	_ =	sdelay $0x3  }
0x92: {  	_ =	strace s18  }
0x93: {  	s3 =	sld [smem:$0x3FFC];
	_ =	sdelay $0x3  }
0x94: {  	_ =	strace s3  }
0x95: {  	s3 =	sld [smem:$0x3FFD];
	_ =	sdelay $0x3  }
0x96: {  	_ =	strace s3  }
0x97: {  	_ =	strace $0x8FFFFFFF  }
0x98: {  	s19 =	sld [smem:$0x3FDB];
	_ =	sdelay $0x1  }
0x99: {  	s4 =	simm.s32 $_scs_section_size  }
0x9a: {  	s5 =	simm.s32 $_size__tile_overlayer_lowered;
	s6 =	simm.s32 $_tile_overlayer_lowered  }
0x9b: {  	s22 =	simm.s32 $0x1BFF;
	s21 =	sshll.u32 s6, $0x1;
	s3 =	sadd.s32 s4, s19  }
0x9c: {  	s7 =	simm.s32 $0x0;
	s20 =	sshll.u32 s5, $0x1;
	s5 =	sadd.s32 s21, s3  }
0x9d: {  	[timem:s7], [sflag:s22] =	dma.local [hbm:s5], s20  }
0x9e: {  	_ =	swait.ge [sflag:s22], s20  }
0x9f: {  	s4 =	ssub.s32 $0x0, s20;
	[sflag:s22] =	ssyncset.done $0x0  }
0xa0: {  	[sflag:s22] =	ssyncadd.s32 s4;
	_ =	sdelay $0x1  }
0xa1: {  	s23 =	simm.s32 $0x1B8B  }
0xa2: {  	_ =	swait.ge [sflag:s23], $0x1  }
0xa3: {  	[sflag:s23] =	ssyncset.done $0x0  }
0xa4: {  	s25 =	simm.s32 $0x1B8E;
	s24 =	sld [smem:$0x3FFE];
	[sflag:s23] =	ssyncadd.s32 $0xFFFFFFFF  }
0xa5: {  	s26 =	simm.s32 $execute0_lowered;
	[smem:$0x3FD2] =	sst s25  }
0xa6: {  	s5 =	sshll.u32 s26, $0x1;
	_ =	strace $0x80000049;
	[dreg:$0x1] =	wrdreg $0xFFFFFFFF  }
0xa7: {  	s28 =	simm.s32 $_size_execute0_lowered;
	s3 =	sadd.s32 s3, s5;
	[dreg:$0x0] =	wrdreg $0x0  }
0xa8: {  	s5 =	sshll.u32 s28, $0x1;
	[dreg:$0x2] =	wrdreg s3  }
0xa9: {  	[dreg:$0x3] =	wrdreg s5  }
0xaa: {  	[dreg:$0x4] =	wrdreg $0xC0  }
0xab: {  	_ =	task [dreg:s7], $0x5FFFF  }
0xac: {  	[dreg:$0x1] =	wrdreg $0xFFFFFFFF  }
0xad: {  	[dreg:$0x0] =	wrdreg $0x60  }
0xae: {  	[dreg:$0x2] =	wrdreg s24  }
0xaf: {  	[dreg:$0x3] =	wrdreg s2  }
0xb0: {  	[dreg:$0x4] =	wrdreg $0x190000  }
0xb1: {  	[dreg:$0x5] =	wrdreg $0x9  }
0xb2: {  	_ =	task.clear_ibuf [dreg:s7], $0x6FFFF;
	_ =	strace $0x90000049  }
0xb3: {  	s29 =	simm.s32 $0x9;
	_ =	strace $0x8000004B  }
0xb4: {  	_ =	swait.ge [sflag:s29], $0x1  }
0xb5: {  	[sflag:s29] =	ssyncadd.s32 $0xFFFFFFFF  }
0xb6: {  	_ =	strace $0x9000004B  }
0xb7: {  	_ =	sfence  }
0xb8: {  	s30 =	sld [smem:$0x0];
	_ =	sdelay $0x2  }
0xb9: {  	s31 =	sshll.u32 s1, $0xD;
	s1 =	sshrl.u32 s1, $0x2  }
0xba: {  	s3 =	sand.u32 $0x4000, s31;
	s1 =	sadd.s32 s1, s30  }
0xbb: {  	s0 =	sor.u32 s3, s0;
	s1 =	sshll.u32 s1, $0x11  }
0xbc: {  	s0 =	sor.u32 s1, s0  }
0xbd: {  	s0 =	sadd.s32 $0x8F2B, s0  }
0xbe: {  	[sflag:s0] =	ssyncadd.remote.s32 $0x1  }
0xbf: {  	_ =	sfence.sel $0xFFFF  }
0xc0: {  	[dreg:$0x0] =	wrdreg $0xFFFFFFFF;
	(pc) =	sbr.abs _section_cstart, $3  }
0xc1: {  	[dreg:$0x1] =	wrdreg $0xFFFFFFFF  }
0xc2: {  	_ =	task.clear_ibuf [dreg:s7], $0x2FFFF;
	_ =	strace $0x9FFFFFFF  }
0xc3: {  	(tm) =	ssettm $0x7FFFFFFF  }
tec
execute0_lowered:
.L_overlay_start_1:
0x0: {  	(tag) =	ssettag $0x1  }
0x1: {  	s0 =	srdreg.scid  }
0x2: {  	s8 =	sand.u32 $0x1, s0  }
0x3: {  	s7 =	stileid.u32;
	s1 =	sshll.u32 s8, $0x4  }
0x4: {  	s1 =	sor.u32 s7, s1  }
0x5: {  	s1 =	smul.u32 $0x2710, s1  }
0x6: {  	s26 =	rddreg [dreg:$0x0]  }
0x7: {  	s4 =	rddreg [dreg:$0x1];
	s3 =	simm.s32 $0x0;
	s1 =	sshrl.u32 s1, $0x3  }
0x8: {  	[smem:$0x7FF] =	sst s3;
	s6 =	sadd.s32 s4, s1  }
0x9: {  	s2 =	rddreg [dreg:$0x2];
	_ =	strace $0x8000004A;
	s1 =	sadd.s32 $0x80, s6  }
0xa: {  	[tilespmem:s3], [sflag:$0x3] =	stream.linear.gather [hbm4b:s6+s3], $0x400, $0x38;
	[tilespmem:$0x1B800] =	vst v63  }
0xb: {  	s13 =	sadd.s32 $0x100, s6;
	[dreg:$0x4] =	wrdreg s1  }
0xc: {  	s14 =	sadd.s32 $0x180, s6;
	[dreg:$0x5] =	wrdreg s13  }
0xd: {  	s15 =	sadd.s32 $0x200, s6;
	[dreg:$0x6] =	wrdreg s14  }
0xe: {  	s16 =	sadd.s32 $0x280, s6;
	[dreg:$0x7] =	wrdreg s15  }
0xf: {  	s17 =	sadd.s32 $0x300, s6;
	[dreg:$0x8] =	wrdreg s16  }
0x10: {  	s18 =	sadd.s32 $0x380, s6;
	[dreg:$0x9] =	wrdreg s17  }
0x11: {  	s19 =	sadd.s32 $0x400, s6;
	[dreg:$0xa] =	wrdreg s18  }
0x12: {  	[dreg:$0xb] =	wrdreg s19  }
0x13: {  	s5 =	simm.s32 $0x400;
	s20 =	rddreg [dreg:$0x4]  }
0x14: {  	[tilespmem:s5], [sflag:$0x3] =	stream.linear.gather [hbm4b:s20+s3], $0x400, $0x38;
	[tilespmem:$0x1B800] =	vst v63  }
0x15: {  	s9 =	simm.s32 $0x800;
	s21 =	rddreg [dreg:$0x5]  }
0x16: {  	[tilespmem:s9], [sflag:$0x3] =	stream.linear.gather [hbm4b:s21+s3], $0x400, $0x38;
	[tilespmem:$0x1B800] =	vst v63  }
0x17: {  	s10 =	simm.s32 $0xC00;
	s22 =	rddreg [dreg:$0x6]  }
0x18: {  	[tilespmem:s10], [sflag:$0x3] =	stream.linear.gather [hbm4b:s22+s3], $0x400, $0x38;
	[tilespmem:$0x1B800] =	vst v63  }
0x19: {  	s12 =	simm.s32 $0x1000;
	s23 =	rddreg [dreg:$0x7]  }
0x1a: {  	[tilespmem:s12], [sflag:$0x3] =	stream.linear.gather [hbm4b:s23+s3], $0x400, $0x38;
	[tilespmem:$0x1B800] =	vst v63  }
0x1b: {  	s13 =	simm.s32 $0x1400;
	s24 =	rddreg [dreg:$0x8]  }
0x1c: {  	[tilespmem:s13], [sflag:$0x3] =	stream.linear.gather [hbm4b:s24+s3], $0x400, $0x38;
	[tilespmem:$0x1B800] =	vst v63  }
0x1d: {  	s14 =	simm.s32 $0x1800;
	s25 =	rddreg [dreg:$0x9]  }
0x1e: {  	[tilespmem:s14], [sflag:$0x3] =	stream.linear.gather [hbm4b:s25+s3], $0x400, $0x38;
	[tilespmem:$0x1B800] =	vst v63  }
0x1f: {  	s15 =	simm.s32 $0x1C00;
	s30 =	rddreg [dreg:$0xa]  }
0x20: {  	[tilespmem:s15], [sflag:$0x3] =	stream.linear.gather [hbm4b:s30+s3], $0x400, $0x38;
	[tilespmem:$0x1B800] =	vst v63  }
0x21: {  	v7 =	vlaneseq.u32;
	s16 =	simm.s32 $0x2000;
	s0 =	rddreg [dreg:$0xb]  }
0x22: {  	v0 =	vor.u32 $0x2770, v7;
	[tilespmem:s16], [sflag:$0x3] =	stream.linear.gather [hbm4b:s0+s3], $0x400, $0x38;
	[tilespmem:$0x1B800] =	vst v63  }
0x23: {  	v1 =	vor.u32 $0x2760, v7;
	[tilespmem:$0x27F0] =	vst v0  }
0x24: {  	v2 =	vor.u32 $0x2750, v7;
	[tilespmem:$0x27E0] =	vst v1  }
0x25: {  	v3 =	vor.u32 $0x2740, v7;
	[tilespmem:$0x27D0] =	vst v2  }
0x26: {  	v4 =	vor.u32 $0x2730, v7;
	s4 =	sadd.s32 $0x480, s6;
	[tilespmem:$0x27C0] =	vst v3  }
0x27: {  	v5 =	vor.u32 $0x2720, v7;
	s11 =	sadd.s32 $0x9C40, s6;
	[dreg:$0xc] =	wrdreg s4;
	[tilespmem:$0x27B0] =	vst v4  }
0x28: {  	v6 =	vor.u32 $0x2710, v7;
	[dreg:$0xd] =	wrdreg s11;
	s17 =	sadd.s32 $0x9CC0, s6;
	[tilespmem:$0x27A0] =	vst v5  }
0x29: {  	v7 =	vor.u32 $0x2780, v7;
	s18 =	sadd.s32 $0x9D40, s6;
	[dreg:$0xe] =	wrdreg s17;
	[tilespmem:$0x2790] =	vst v6  }
0x2a: {  	s19 =	sadd.s32 $0x9DC0, s6;
	[dreg:$0xf] =	wrdreg s18;
	[tilespmem:$0x2780] =	vst v7  }
0x2b: {  	[dreg:$0x10] =	wrdreg s19;
	[tilespmem:$0x2770] =	vst v0  }
0x2c: {  	s11 =	rddreg [dreg:$0xe];
	[tilespmem:$0x2760] =	vst v1  }
0x2d: {  	s18 =	rddreg [dreg:$0xf];
	[tilespmem:$0x2750] =	vst v2  }
0x2e: {  	s20 =	sadd.s32 $0x9E40, s6;
	s19 =	rddreg [dreg:$0x10];
	[tilespmem:$0x2740] =	vst v3  }
0x2f: {  	[dreg:$0x11] =	wrdreg s20;
	s24 =	sadd.s32 $0xA040, s6;
	[tilespmem:$0x2730] =	vst v4  }
0x30: {  	[dreg:$0x15] =	wrdreg s24;
	[tilespmem:$0x2710] =	vst v6  }
0x31: {  	s25 =	rddreg [dreg:$0xc];
	s30 =	simm.s32 $0x2400;
	[tilespmem:$0x2720] =	vst v5  }
0x32: {  	[tilespmem:s30], [sflag:$0x3] =	stream.linear.gather [hbm4b:s25+s3], $0x310, $0x38;
	[tilespmem:$0x1B800] =	vst v63  }
0x33: {  	s21 =	sadd.s32 $0x9EC0, s6;
	s24 =	simm.s32 $0x2800;
	s0 =	rddreg [dreg:$0xd]  }
0x34: {  	[tilespmem:s24], [sflag:$0x3] =	stream.linear.gather [hbm4b:s0+s3], $0x400, $0x38;
	[tilespmem:$0x1B800] =	vst v63  }
0x35: {  	s17 =	simm.s32 $0x2C00;
	[dreg:$0x12] =	wrdreg s21;
	s22 =	sadd.s32 $0x9F40, s6  }
0x36: {  	[tilespmem:s17], [sflag:$0x3] =	stream.linear.gather [hbm4b:s11+s3], $0x400, $0x38;
	[tilespmem:$0x1B800] =	vst v63  }
0x37: {  	s20 =	simm.s32 $0x3000;
	[dreg:$0x13] =	wrdreg s22  }
0x38: {  	[tilespmem:s20], [sflag:$0x3] =	stream.linear.gather [hbm4b:s18+s3], $0x400, $0x38;
	[tilespmem:$0x1B800] =	vst v63  }
0x39: {  	s21 =	simm.s32 $0x3400;
	s22 =	rddreg [dreg:$0x11];
	s23 =	sadd.s32 $0x9FC0, s6  }
0x3a: {  	[tilespmem:s21], [sflag:$0x3] =	stream.linear.gather [hbm4b:s19+s3], $0x400, $0x38;
	[tilespmem:$0x1B800] =	vst v63  }
0x3b: {  	[dreg:$0x14] =	wrdreg s23;
	s11 =	simm.s32 $0x3800  }
0x3c: {  	[tilespmem:s11], [sflag:$0x3] =	stream.linear.gather [hbm4b:s22+s3], $0x400, $0x38;
	[tilespmem:$0x1B800] =	vst v63  }
0x3d: {  	s23 =	rddreg [dreg:$0x12];
	s22 =	simm.s32 $0x3C00  }
0x3e: {  	[tilespmem:s22], [sflag:$0x3] =	stream.linear.gather [hbm4b:s23+s3], $0x400, $0x38;
	[tilespmem:$0x1B800] =	vst v63  }
0x3f: {  	s25 =	rddreg [dreg:$0x13];
	s23 =	simm.s32 $0x4000  }
0x40: {  	[tilespmem:s23], [sflag:$0x3] =	stream.linear.gather [hbm4b:s25+s3], $0x400, $0x38;
	[tilespmem:$0x1B800] =	vst v63  }
0x41: {  	s0 =	rddreg [dreg:$0x14];
	s25 =	simm.s32 $0x4400  }
0x42: {  	[tilespmem:s25], [sflag:$0x3] =	stream.linear.gather [hbm4b:s0+s3], $0x400, $0x38;
	[tilespmem:$0x1B800] =	vst v63  }
0x43: {  	s18 =	rddreg [dreg:$0x15];
	s19 =	simm.s32 $0x4800  }
0x44: {  	[tilespmem:s19], [sflag:$0x3] =	stream.linear.gather [hbm4b:s18+s3], $0x400, $0x38;
	[tilespmem:$0x1B800] =	vst v63  }
0x45: {  	[tilespmem:$0x4F10] =	vst v6  }
0x46: {  	[tilespmem:$0x4FF0] =	vst v0  }
0x47: {  	[tilespmem:$0x4F70] =	vst v0  }
0x48: {  	[tilespmem:$0x4FE0] =	vst v1  }
0x49: {  	[tilespmem:$0x4F50] =	vst v2  }
0x4a: {  	[tilespmem:$0x4F60] =	vst v1  }
0x4b: {  	[tilespmem:$0x4FD0] =	vst v2  }
0x4c: {  	[tilespmem:$0x4F40] =	vst v3  }
0x4d: {  	[tilespmem:$0x4FB0] =	vst v4  }
0x4e: {  	[tilespmem:$0x4F90] =	vst v6  }
0x4f: {  	[tilespmem:$0x4FC0] =	vst v3  }
0x50: {  	[tilespmem:$0x4F80] =	vst v7  }
0x51: {  	[dreg:$0x19] =	wrdreg s6;
	s18 =	sadd.s32 $0xA0C0, s6;
	[tilespmem:$0x4FA0] =	vst v5  }
0x52: {  	[dreg:$0x16] =	wrdreg s18;
	[tilespmem:$0x4F20] =	vst v5  }
0x53: {  	s19 =	simm.s32 $0x4C00;
	[tilespmem:$0x4F30] =	vst v4;
	s18 =	smul.u32 $0x2800, s7;
	s1 =	rddreg [dreg:$0x16]  }
0x54: {  	[tilespmem:s19], [sflag:$0x3] =	stream.linear.gather [hbm4b:s1+s3], $0x310, $0x38;
	[tilespmem:$0x1B800] =	vst v63  }
0x55: {  	s7 =	sshll.u32 s7, $0x6;
	s6 =	sshrl.u32 s18, $0x3;
	s19 =	smul.u32 $0x28000, s8  }
0x56: {  	s7 =	sor.u32 $0x1C04, s7;
	s1 =	sadd.s32 s6, s26  }
0x57: {  	[dreg:$0x1a] =	wrdreg s7;
	s6 =	sadd.s32 s18, s19;
	s1 =	sadd.s32 $0x7000, s1  }
0x58: {  	s18 =	sadd.s32 s18, s2;
	[dreg:$0x17] =	wrdreg s1;
	s6 =	sshrl.u32 s6, $0x3  }
0x59: {  	s19 =	sshrl.u32 s18, $0x3;
	s1 =	sadd.s32 s6, s26;
	s6 =	rddreg [dreg:$0x17]  }
0x5a: {  	[dreg:$0x1b] =	wrdreg s19;
	s1 =	sadd.s32 $0xC000, s1  }
0x5b: {  	[dreg:$0x18] =	wrdreg s1  }
0x5c: {  	[spmem:s19], [sflag:s7] =	dma.local [hbm:s6], $0x500  }
0x5d: {  	s19 =	simm.s32 $0x4  }
0x5e: {  	_ =	swait.ge [sflag:s19], $0x500  }
0x5f: {  	[sflag:s19] =	ssyncset.done $0x0  }
0x60: {  	s28 =	simm.s32 $0x3;
	[sflag:s19] =	ssyncadd.s32 $0xFFFFFB00  }
0x61: {  	_ =	swait.ge [sflag:s28], $0x400  }
0x62: {  	[sflag:s28] =	ssyncset.done $0x0  }
0x63: {  	[sflag:s28] =	ssyncadd.s32 $0xFFFFFC00  }
0x64: {  	_ =	swait.ge [sflag:s28], $0x400  }
0x65: {  	[sflag:s28] =	ssyncset.done $0x0  }
0x66: {  	[sflag:s28] =	ssyncadd.s32 $0xFFFFFC00  }
0x67: {  	_ =	swait.ge [sflag:s28], $0x400  }
0x68: {  	[sflag:s28] =	ssyncset.done $0x0  }
0x69: {  	[sflag:s28] =	ssyncadd.s32 $0xFFFFFC00  }
0x6a: {  	_ =	swait.ge [sflag:s28], $0x400  }
0x6b: {  	[sflag:s28] =	ssyncset.done $0x0  }
0x6c: {  	[sflag:s28] =	ssyncadd.s32 $0xFFFFFC00  }
0x6d: {  	_ =	swait.ge [sflag:s28], $0x400  }
0x6e: {  	[sflag:s28] =	ssyncset.done $0x0  }
0x6f: {  	[sflag:s28] =	ssyncadd.s32 $0xFFFFFC00  }
0x70: {  	_ =	swait.ge [sflag:s28], $0x400  }
0x71: {  	[sflag:s28] =	ssyncset.done $0x0  }
0x72: {  	[sflag:s28] =	ssyncadd.s32 $0xFFFFFC00  }
0x73: {  	_ =	swait.ge [sflag:s28], $0x400  }
0x74: {  	[sflag:s28] =	ssyncset.done $0x0  }
0x75: {  	[sflag:s28] =	ssyncadd.s32 $0xFFFFFC00  }
0x76: {  	_ =	swait.ge [sflag:s28], $0x400  }
0x77: {  	[sflag:s28] =	ssyncset.done $0x0  }
0x78: {  	[sflag:s28] =	ssyncadd.s32 $0xFFFFFC00  }
0x79: {  	_ =	swait.ge [sflag:s28], $0x400  }
0x7a: {  	[sflag:s28] =	ssyncset.done $0x0  }
0x7b: {  	[sflag:s28] =	ssyncadd.s32 $0xFFFFFC00  }
0x7c: {  	_ =	swait.ge [sflag:s28], $0x310  }
0x7d: {  	[sflag:s28] =	ssyncset.done $0x0  }
0x7e: {  	[sflag:s28] =	ssyncadd.s32 $0xFFFFFCF0  }
0x7f: {  	_ =	swait.ge [sflag:s28], $0x400  }
0x80: {  	[sflag:s28] =	ssyncset.done $0x0  }
0x81: {  	[sflag:s28] =	ssyncadd.s32 $0xFFFFFC00  }
0x82: {  	_ =	swait.ge [sflag:s28], $0x400  }
0x83: {  	[sflag:s28] =	ssyncset.done $0x0  }
0x84: {  	[sflag:s28] =	ssyncadd.s32 $0xFFFFFC00  }
0x85: {  	_ =	swait.ge [sflag:s28], $0x400  }
0x86: {  	[sflag:s28] =	ssyncset.done $0x0  }
0x87: {  	[sflag:s28] =	ssyncadd.s32 $0xFFFFFC00  }
0x88: {  	_ =	swait.ge [sflag:s28], $0x400  }
0x89: {  	[sflag:s28] =	ssyncset.done $0x0  }
0x8a: {  	[sflag:s28] =	ssyncadd.s32 $0xFFFFFC00  }
0x8b: {  	_ =	swait.ge [sflag:s28], $0x400  }
0x8c: {  	[sflag:s28] =	ssyncset.done $0x0  }
0x8d: {  	[sflag:s28] =	ssyncadd.s32 $0xFFFFFC00  }
0x8e: {  	_ =	swait.ge [sflag:s28], $0x400  }
0x8f: {  	[sflag:s28] =	ssyncset.done $0x0  }
0x90: {  	[sflag:s28] =	ssyncadd.s32 $0xFFFFFC00  }
0x91: {  	_ =	swait.ge [sflag:s28], $0x400  }
0x92: {  	[sflag:s28] =	ssyncset.done $0x0  }
0x93: {  	[sflag:s28] =	ssyncadd.s32 $0xFFFFFC00  }
0x94: {  	_ =	swait.ge [sflag:s28], $0x400  }
0x95: {  	[sflag:s28] =	ssyncset.done $0x0  }
0x96: {  	[sflag:s28] =	ssyncadd.s32 $0xFFFFFC00  }
0x97: {  	_ =	swait.ge [sflag:s28], $0x400  }
0x98: {  	[sflag:s28] =	ssyncset.done $0x0  }
0x99: {  	[sflag:s28] =	ssyncadd.s32 $0xFFFFFC00  }
0x9a: {  	_ =	swait.ge [sflag:s28], $0x310  }
0x9b: {  	[sflag:s28] =	ssyncset.done $0x0  }
0x9c: {  	[sflag:s28] =	ssyncadd.s32 $0xFFFFFCF0  }
0x9d: {  	s29 =	sadd.s32 $0x2000, s26;
	s6 =	simm.s32 $0x5000;
	[bflag:$0x0] =	sbarrier.arrive $0xFFFF  }
0x9e: {  	[tilespmem:s6], [sflag:$0x1] =	stream.indirect.gather [hbm4b:s29+s5], $0x10, s3, s5, $0xb8;
	[tilespmem:$0x1B800] =	vst v63  }
0x9f: {  	s7 =	simm.s32 $0x9000  }
0xa0: {  	[tilespmem:s7], [sflag:$0x1] =	stream.indirect.gather [hbm4b:s29+s5], $0x10, s5, s5, $0xb8;
	[tilespmem:$0x1B800] =	vst v63  }
0xa1: {  	s31 =	simm.s32 $0x1;
	s26 =	simm.s32 $0xD000  }
0xa2: {  	[tilespmem:s26], [sflag:$0x1] =	stream.indirect.gather [hbm4b:s29+s5], $0x10, s9, s5, $0xb8;
	[tilespmem:$0x1B800] =	vst v63  }
0xa3: {  	_ =	swait.ge [sflag:s31], $0x4000  }
0xa4: {  	[sflag:s31] =	ssyncset.done $0x0  }
0xa5: {  	[sflag:s31] =	ssyncadd.s32 $0xFFFFC000  }
0xa6: {  	[spmem:s2] =	stream.indirect.scatter.add.f32 [tilespmem:s6], [sflag:$0x2], $0x10, s24, s5, $0xb8;
	[tilespmem:$0x1B800] =	vst v63  }
0xa7: {  	s24 =	simm.s32 $0x11000  }
0xa8: {  	[tilespmem:s24], [sflag:$0x1] =	stream.indirect.gather [hbm4b:s29+s5], $0x10, s10, s5, $0xb8;
	[tilespmem:$0x1B800] =	vst v63  }
0xa9: {  	_ =	swait.ge [sflag:s31], $0x4000  }
0xaa: {  	[sflag:s31] =	ssyncset.done $0x0  }
0xab: {  	[sflag:s31] =	ssyncadd.s32 $0xFFFFC000  }
0xac: {  	[spmem:s2] =	stream.indirect.scatter.add.f32 [tilespmem:s7], [sflag:$0x2], $0x10, s17, s5, $0xb8;
	[tilespmem:$0x1B800] =	vst v63  }
0xad: {  	s18 =	simm.s32 $0x15000  }
0xae: {  	[tilespmem:s18], [sflag:$0x1] =	stream.indirect.gather [hbm4b:s29+s5], $0x10, s12, s5, $0xb8;
	[tilespmem:$0x1B800] =	vst v63  }
0xaf: {  	_ =	swait.ge [sflag:s31], $0x4000  }
0xb0: {  	[sflag:s31] =	ssyncset.done $0x0  }
0xb1: {  	s1 =	simm.s32 $0x2;
	[sflag:s31] =	ssyncadd.s32 $0xFFFFC000  }
0xb2: {  	[spmem:s2] =	stream.indirect.scatter.add.f32 [tilespmem:s26], [sflag:$0x2], $0x10, s20, s5, $0xb8;
	[tilespmem:$0x1B800] =	vst v63  }
0xb3: {  	_ =	swait.ge [sflag:s1], $0x4000  }
0xb4: {  	[sflag:s1] =	ssyncset.done $0x0  }
0xb5: {  	[sflag:s1] =	ssyncadd.s32 $0xFFFFC000  }
0xb6: {  	[tilespmem:s6], [sflag:$0x1] =	stream.indirect.gather [hbm4b:s29+s5], $0x10, s13, s5, $0xb8;
	[tilespmem:$0x1B800] =	vst v63  }
0xb7: {  	_ =	swait.ge [sflag:s31], $0x4000  }
0xb8: {  	[sflag:s31] =	ssyncset.done $0x0  }
0xb9: {  	[sflag:s31] =	ssyncadd.s32 $0xFFFFC000  }
0xba: {  	[spmem:s2] =	stream.indirect.scatter.add.f32 [tilespmem:s24], [sflag:$0x2], $0x10, s21, s5, $0xb8;
	[tilespmem:$0x1B800] =	vst v63  }
0xbb: {  	_ =	swait.ge [sflag:s1], $0x4000  }
0xbc: {  	[sflag:s1] =	ssyncset.done $0x0  }
0xbd: {  	[sflag:s1] =	ssyncadd.s32 $0xFFFFC000  }
0xbe: {  	[tilespmem:s7], [sflag:$0x1] =	stream.indirect.gather [hbm4b:s29+s5], $0x10, s14, s5, $0xb8;
	[tilespmem:$0x1B800] =	vst v63  }
0xbf: {  	_ =	swait.ge [sflag:s31], $0x4000  }
0xc0: {  	[sflag:s31] =	ssyncset.done $0x0  }
0xc1: {  	[sflag:s31] =	ssyncadd.s32 $0xFFFFC000  }
0xc2: {  	[spmem:s2] =	stream.indirect.scatter.add.f32 [tilespmem:s18], [sflag:$0x2], $0x10, s11, s5, $0xb8;
	[tilespmem:$0x1B800] =	vst v63  }
0xc3: {  	_ =	swait.ge [sflag:s1], $0x4000  }
0xc4: {  	[sflag:s1] =	ssyncset.done $0x0  }
0xc5: {  	[sflag:s1] =	ssyncadd.s32 $0xFFFFC000  }
0xc6: {  	[tilespmem:s26], [sflag:$0x1] =	stream.indirect.gather [hbm4b:s29+s5], $0x10, s15, s5, $0xb8;
	[tilespmem:$0x1B800] =	vst v63  }
0xc7: {  	_ =	swait.ge [sflag:s31], $0x4000  }
0xc8: {  	[sflag:s31] =	ssyncset.done $0x0  }
0xc9: {  	[sflag:s31] =	ssyncadd.s32 $0xFFFFC000  }
0xca: {  	[spmem:s2] =	stream.indirect.scatter.add.f32 [tilespmem:s6], [sflag:$0x2], $0x10, s22, s5, $0xb8;
	[tilespmem:$0x1B800] =	vst v63  }
0xcb: {  	_ =	swait.ge [sflag:s1], $0x4000  }
0xcc: {  	[sflag:s1] =	ssyncset.done $0x0  }
0xcd: {  	[sflag:s1] =	ssyncadd.s32 $0xFFFFC000  }
0xce: {  	[tilespmem:s24], [sflag:$0x1] =	stream.indirect.gather [hbm4b:s29+s5], $0x10, s16, s5, $0xb8;
	[tilespmem:$0x1B800] =	vst v63  }
0xcf: {  	_ =	swait.ge [sflag:s31], $0x4000  }
0xd0: {  	[sflag:s31] =	ssyncset.done $0x0  }
0xd1: {  	s24 =	ssub.s32 $0x2, s8;
	[sflag:s31] =	ssyncadd.s32 $0xFFFFC000  }
0xd2: {  	[spmem:s2] =	stream.indirect.scatter.add.f32 [tilespmem:s7], [sflag:$0x2], $0x10, s23, s5, $0xb8;
	[tilespmem:$0x1B800] =	vst v63  }
0xd3: {  	s8 =	sshrl.u32 s24, $0x1;
	_ =	swait.ge [sflag:s1], $0x4000  }
0xd4: {  	s8 =	ssub.s32 s24, s8;
	[sflag:s1] =	ssyncset.done $0x0  }
0xd5: {  	s8 =	smax.u32 s8, $0x1;
	[sflag:s1] =	ssyncadd.s32 $0xFFFFC000  }
0xd6: {  	[tilespmem:s18], [sflag:$0x1] =	stream.indirect.gather [hbm4b:s29+s5], $0x10, s30, s5, $0xb8;
	[tilespmem:$0x1B800] =	vst v63  }
0xd7: {  	p0 =	sne.s32 s8, $0x1;
	_ =	swait.ge [sflag:s31], $0x4000  }
.Ltmp0:
0xd8: {  	[sflag:s31] =	ssyncset.done $0x0;
	(pc) =	sbr.rel @!p0 .LBB2_3-.Ltmp0, $4  }
0xd9: {  	s4 =	simm.s32 $0x4C00;
	[sflag:s31] =	ssyncadd.s32 $0xFFFFC000  }
0xda: {  	[spmem:s2] =	stream.indirect.scatter.add.f32 [tilespmem:s26], [sflag:$0x2], $0x10, s25, s5, $0xb8;
	[tilespmem:$0x1B800] =	vst v63  }
0xdb: {  	s0 =	simm.s32 $0x4800;
	s6 =	simm.s32 $0x11000;
	_ =	swait.ge [sflag:s31], $0x4000  }
0xdc: {  	s7 =	simm.s32 $0x15000;
	s8 =	sadd.s32 $0xFFFFFFFF, s8;
	[sflag:s31] =	ssyncset.done $0x0  }
0xdd: {  	s18 =	simm.s32 $0x11000  }
0xde: {  	s24 =	simm.s32 $0x4C00;
	s17 =	simm.s32 $0x15000;
	s12 =	simm.s32 $0x800  }
0xdf: {  	s13 =	simm.s32 $0xC00;
	s14 =	simm.s32 $0x1000;
	s15 =	simm.s32 $0x1400  }
0xe0: {  	s16 =	simm.s32 $0x1800;
	s20 =	simm.s32 $0x2800;
	s21 =	simm.s32 $0x2C00  }
0xe1: {  	s22 =	simm.s32 $0x3000;
	s26 =	simm.s32 $0x3400;
	s11 =	simm.s32 $0x3800  }
0xe2: {  	s23 =	simm.s32 $0x3C00;
	s25 =	simm.s32 $0x4000;
	s30 =	simm.s32 $0x4400  }
.LBB2_2:
0xe3: {  	[sflag:s31] =	ssyncadd.s32 $0xFFFFC000;
	s4 =	simm.s32 $0x4800  }
0xe4: {  	[spmem:s2] =	stream.indirect.scatter.add.f32 [tilespmem:s18], [sflag:$0x2], $0x10, s4, s5, $0xb8;
	[tilespmem:$0x1B800] =	vst v63  }
0xe5: {  	_ =	swait.ge [sflag:s31], $0x4000  }
0xe6: {  	[sflag:s31] =	ssyncset.done $0x0  }
0xe7: {  	[sflag:s31] =	ssyncadd.s32 $0xFFFFC000  }
0xe8: {  	[spmem:s2] =	stream.indirect.scatter.add.f32 [tilespmem:s17], [sflag:$0x2], $0x10, s24, s5, $0xb8;
	[tilespmem:$0x1B800] =	vst v63  }
0xe9: {  	_ =	swait.ge [sflag:s1], $0x4000  }
0xea: {  	[sflag:s1] =	ssyncset.done $0x0  }
0xeb: {  	[sflag:s1] =	ssyncadd.s32 $0xFFFFC000  }
0xec: {  	_ =	swait.ge [sflag:s1], $0x4000  }
0xed: {  	[sflag:s1] =	ssyncset.done $0x0  }
0xee: {  	[sflag:s1] =	ssyncadd.s32 $0xFFFFC000  }
0xef: {  	_ =	swait.ge [sflag:s1], $0x4000  }
0xf0: {  	[sflag:s1] =	ssyncset.done $0x0  }
0xf1: {  	[sflag:s1] =	ssyncadd.s32 $0xFFFFC000  }
0xf2: {  	_ =	swait.ge [sflag:s1], $0x4000  }
0xf3: {  	[sflag:s1] =	ssyncset.done $0x0  }
0xf4: {  	[sflag:s1] =	ssyncadd.s32 $0xFFFFC000  }
0xf5: {  	_ =	swait.ge [sflag:s1], $0x4000  }
0xf6: {  	[sflag:s1] =	ssyncset.done $0x0  }
0xf7: {  	[sflag:s1] =	ssyncadd.s32 $0xFFFFC000  }
0xf8: {  	[bflag:$0x0] =	sbarrier.arrive $0xFFFF  }
0xf9: {  	s9 =	rddreg [dreg:$0x18]  }
0xfa: {  	s6 =	rddreg [dreg:$0x1a]  }
0xfb: {  	s7 =	rddreg [dreg:$0x1b]  }
0xfc: {  	[hbm:s9], [sflag:s6] =	dma.local [spmem:s7], $0x500  }
0xfd: {  	_ =	swait.ge [sflag:s19], $0x500  }
0xfe: {  	[sflag:s19] =	ssyncset.done $0x0  }
0xff: {  	s10 =	rddreg [dreg:$0x19];
	[sflag:s19] =	ssyncadd.s32 $0xFFFFFB00  }
0x100: {  	[tilespmem:s3], [sflag:$0x3] =	stream.linear.gather [hbm4b:s10+s3], $0x400, $0x38;
	[tilespmem:$0x1B800] =	vst v63  }
0x101: {  	s9 =	rddreg [dreg:$0x4]  }
0x102: {  	[tilespmem:s5], [sflag:$0x3] =	stream.linear.gather [hbm4b:s9+s3], $0x400, $0x38;
	[tilespmem:$0x1B800] =	vst v63  }
0x103: {  	s0 =	rddreg [dreg:$0x5]  }
0x104: {  	[tilespmem:s12], [sflag:$0x3] =	stream.linear.gather [hbm4b:s0+s3], $0x400, $0x38;
	[tilespmem:$0x1B800] =	vst v63  }
0x105: {  	s9 =	rddreg [dreg:$0x6]  }
0x106: {  	[tilespmem:s13], [sflag:$0x3] =	stream.linear.gather [hbm4b:s9+s3], $0x400, $0x38;
	[tilespmem:$0x1B800] =	vst v63  }
0x107: {  	s0 =	rddreg [dreg:$0x7]  }
0x108: {  	[tilespmem:s14], [sflag:$0x3] =	stream.linear.gather [hbm4b:s0+s3], $0x400, $0x38;
	[tilespmem:$0x1B800] =	vst v63  }
0x109: {  	s9 =	rddreg [dreg:$0x8]  }
0x10a: {  	[tilespmem:s15], [sflag:$0x3] =	stream.linear.gather [hbm4b:s9+s3], $0x400, $0x38;
	[tilespmem:$0x1B800] =	vst v63  }
0x10b: {  	s0 =	rddreg [dreg:$0x9]  }
0x10c: {  	[tilespmem:s16], [sflag:$0x3] =	stream.linear.gather [hbm4b:s0+s3], $0x400, $0x38;
	[tilespmem:$0x1B800] =	vst v63  }
0x10d: {  	s9 =	rddreg [dreg:$0xa];
	s0 =	simm.s32 $0x1C00  }
0x10e: {  	[tilespmem:s0], [sflag:$0x3] =	stream.linear.gather [hbm4b:s9+s3], $0x400, $0x38;
	[tilespmem:$0x1B800] =	vst v63  }
0x10f: {  	s10 =	rddreg [dreg:$0xb];
	s9 =	simm.s32 $0x2000  }
0x110: {  	[tilespmem:s9], [sflag:$0x3] =	stream.linear.gather [hbm4b:s10+s3], $0x400, $0x38;
	[tilespmem:$0x1B800] =	vst v63  }
0x111: {  	[tilespmem:$0x27F0] =	vst v0  }
0x112: {  	[tilespmem:$0x27E0] =	vst v1  }
0x113: {  	[tilespmem:$0x27D0] =	vst v2  }
0x114: {  	[tilespmem:$0x27C0] =	vst v3  }
0x115: {  	[tilespmem:$0x27B0] =	vst v4  }
0x116: {  	[tilespmem:$0x27A0] =	vst v5  }
0x117: {  	[tilespmem:$0x2790] =	vst v6  }
0x118: {  	[tilespmem:$0x2780] =	vst v7  }
0x119: {  	[tilespmem:$0x2770] =	vst v0  }
0x11a: {  	[tilespmem:$0x2760] =	vst v1  }
0x11b: {  	[tilespmem:$0x2750] =	vst v2  }
0x11c: {  	[tilespmem:$0x2740] =	vst v3  }
0x11d: {  	[tilespmem:$0x2730] =	vst v4  }
0x11e: {  	[tilespmem:$0x2710] =	vst v6  }
0x11f: {  	s0 =	simm.s32 $0x2400;
	s9 =	rddreg [dreg:$0xc];
	[tilespmem:$0x2720] =	vst v5  }
0x120: {  	[tilespmem:s0], [sflag:$0x3] =	stream.linear.gather [hbm4b:s9+s3], $0x310, $0x38;
	[tilespmem:$0x1B800] =	vst v63  }
0x121: {  	s10 =	rddreg [dreg:$0xd]  }
0x122: {  	[tilespmem:s20], [sflag:$0x3] =	stream.linear.gather [hbm4b:s10+s3], $0x400, $0x38;
	[tilespmem:$0x1B800] =	vst v63  }
0x123: {  	s0 =	rddreg [dreg:$0xe]  }
0x124: {  	[tilespmem:s21], [sflag:$0x3] =	stream.linear.gather [hbm4b:s0+s3], $0x400, $0x38;
	[tilespmem:$0x1B800] =	vst v63  }
0x125: {  	s10 =	rddreg [dreg:$0xf]  }
0x126: {  	[tilespmem:s22], [sflag:$0x3] =	stream.linear.gather [hbm4b:s10+s3], $0x400, $0x38;
	[tilespmem:$0x1B800] =	vst v63  }
0x127: {  	s0 =	rddreg [dreg:$0x10]  }
0x128: {  	[tilespmem:s26], [sflag:$0x3] =	stream.linear.gather [hbm4b:s0+s3], $0x400, $0x38;
	[tilespmem:$0x1B800] =	vst v63  }
0x129: {  	s10 =	rddreg [dreg:$0x11]  }
0x12a: {  	[tilespmem:s11], [sflag:$0x3] =	stream.linear.gather [hbm4b:s10+s3], $0x400, $0x38;
	[tilespmem:$0x1B800] =	vst v63  }
0x12b: {  	s0 =	rddreg [dreg:$0x12]  }
0x12c: {  	[tilespmem:s23], [sflag:$0x3] =	stream.linear.gather [hbm4b:s0+s3], $0x400, $0x38;
	[tilespmem:$0x1B800] =	vst v63  }
0x12d: {  	s10 =	rddreg [dreg:$0x13]  }
0x12e: {  	[tilespmem:s25], [sflag:$0x3] =	stream.linear.gather [hbm4b:s10+s3], $0x400, $0x38;
	[tilespmem:$0x1B800] =	vst v63  }
0x12f: {  	s0 =	rddreg [dreg:$0x14]  }
0x130: {  	[tilespmem:s30], [sflag:$0x3] =	stream.linear.gather [hbm4b:s0+s3], $0x400, $0x38;
	[tilespmem:$0x1B800] =	vst v63  }
0x131: {  	s10 =	rddreg [dreg:$0x15]  }
0x132: {  	[tilespmem:s4], [sflag:$0x3] =	stream.linear.gather [hbm4b:s10+s3], $0x400, $0x38;
	[tilespmem:$0x1B800] =	vst v63  }
0x133: {  	[tilespmem:$0x4F10] =	vst v6  }
0x134: {  	[tilespmem:$0x4FF0] =	vst v0  }
0x135: {  	[tilespmem:$0x4F70] =	vst v0  }
0x136: {  	[tilespmem:$0x4FE0] =	vst v1  }
0x137: {  	[tilespmem:$0x4F50] =	vst v2  }
0x138: {  	[tilespmem:$0x4F60] =	vst v1  }
0x139: {  	[tilespmem:$0x4FD0] =	vst v2  }
0x13a: {  	[tilespmem:$0x4F40] =	vst v3  }
0x13b: {  	[tilespmem:$0x4FB0] =	vst v4  }
0x13c: {  	[tilespmem:$0x4F90] =	vst v6  }
0x13d: {  	[tilespmem:$0x4FC0] =	vst v3  }
0x13e: {  	[tilespmem:$0x4F80] =	vst v7  }
0x13f: {  	[tilespmem:$0x4FA0] =	vst v5  }
0x140: {  	s9 =	rddreg [dreg:$0x16];
	[tilespmem:$0x4F20] =	vst v5  }
0x141: {  	s10 =	rddreg [dreg:$0x17];
	[tilespmem:$0x4F30] =	vst v4  }
0x142: {  	[tilespmem:s24], [sflag:$0x3] =	stream.linear.gather [hbm4b:s9+s3], $0x310, $0x38;
	[tilespmem:$0x1B800] =	vst v63  }
0x143: {  	[spmem:s7], [sflag:s6] =	dma.local [hbm:s10], $0x500  }
0x144: {  	_ =	swait.ge [sflag:s19], $0x500  }
0x145: {  	[sflag:s19] =	ssyncset.done $0x0  }
0x146: {  	[sflag:s19] =	ssyncadd.s32 $0xFFFFFB00  }
0x147: {  	_ =	swait.ge [sflag:s28], $0x400  }
0x148: {  	[sflag:s28] =	ssyncset.done $0x0  }
0x149: {  	[sflag:s28] =	ssyncadd.s32 $0xFFFFFC00  }
0x14a: {  	_ =	swait.ge [sflag:s28], $0x400  }
0x14b: {  	[sflag:s28] =	ssyncset.done $0x0  }
0x14c: {  	[sflag:s28] =	ssyncadd.s32 $0xFFFFFC00  }
0x14d: {  	_ =	swait.ge [sflag:s28], $0x400  }
0x14e: {  	[sflag:s28] =	ssyncset.done $0x0  }
0x14f: {  	[sflag:s28] =	ssyncadd.s32 $0xFFFFFC00  }
0x150: {  	_ =	swait.ge [sflag:s28], $0x400  }
0x151: {  	[sflag:s28] =	ssyncset.done $0x0  }
0x152: {  	[sflag:s28] =	ssyncadd.s32 $0xFFFFFC00  }
0x153: {  	_ =	swait.ge [sflag:s28], $0x400  }
0x154: {  	[sflag:s28] =	ssyncset.done $0x0  }
0x155: {  	[sflag:s28] =	ssyncadd.s32 $0xFFFFFC00  }
0x156: {  	_ =	swait.ge [sflag:s28], $0x400  }
0x157: {  	[sflag:s28] =	ssyncset.done $0x0  }
0x158: {  	[sflag:s28] =	ssyncadd.s32 $0xFFFFFC00  }
0x159: {  	_ =	swait.ge [sflag:s28], $0x400  }
0x15a: {  	[sflag:s28] =	ssyncset.done $0x0  }
0x15b: {  	[sflag:s28] =	ssyncadd.s32 $0xFFFFFC00  }
0x15c: {  	_ =	swait.ge [sflag:s28], $0x400  }
0x15d: {  	[sflag:s28] =	ssyncset.done $0x0  }
0x15e: {  	[sflag:s28] =	ssyncadd.s32 $0xFFFFFC00  }
0x15f: {  	_ =	swait.ge [sflag:s28], $0x400  }
0x160: {  	[sflag:s28] =	ssyncset.done $0x0  }
0x161: {  	[sflag:s28] =	ssyncadd.s32 $0xFFFFFC00  }
0x162: {  	_ =	swait.ge [sflag:s28], $0x310  }
0x163: {  	[sflag:s28] =	ssyncset.done $0x0  }
0x164: {  	[sflag:s28] =	ssyncadd.s32 $0xFFFFFCF0  }
0x165: {  	_ =	swait.ge [sflag:s28], $0x400  }
0x166: {  	[sflag:s28] =	ssyncset.done $0x0  }
0x167: {  	[sflag:s28] =	ssyncadd.s32 $0xFFFFFC00  }
0x168: {  	_ =	swait.ge [sflag:s28], $0x400  }
0x169: {  	[sflag:s28] =	ssyncset.done $0x0  }
0x16a: {  	[sflag:s28] =	ssyncadd.s32 $0xFFFFFC00  }
0x16b: {  	_ =	swait.ge [sflag:s28], $0x400  }
0x16c: {  	[sflag:s28] =	ssyncset.done $0x0  }
0x16d: {  	[sflag:s28] =	ssyncadd.s32 $0xFFFFFC00  }
0x16e: {  	_ =	swait.ge [sflag:s28], $0x400  }
0x16f: {  	[sflag:s28] =	ssyncset.done $0x0  }
0x170: {  	[sflag:s28] =	ssyncadd.s32 $0xFFFFFC00  }
0x171: {  	_ =	swait.ge [sflag:s28], $0x400  }
0x172: {  	[sflag:s28] =	ssyncset.done $0x0  }
0x173: {  	[sflag:s28] =	ssyncadd.s32 $0xFFFFFC00  }
0x174: {  	_ =	swait.ge [sflag:s28], $0x400  }
0x175: {  	[sflag:s28] =	ssyncset.done $0x0  }
0x176: {  	[sflag:s28] =	ssyncadd.s32 $0xFFFFFC00  }
0x177: {  	_ =	swait.ge [sflag:s28], $0x400  }
0x178: {  	[sflag:s28] =	ssyncset.done $0x0  }
0x179: {  	[sflag:s28] =	ssyncadd.s32 $0xFFFFFC00  }
0x17a: {  	_ =	swait.ge [sflag:s28], $0x400  }
0x17b: {  	[sflag:s28] =	ssyncset.done $0x0  }
0x17c: {  	[sflag:s28] =	ssyncadd.s32 $0xFFFFFC00  }
0x17d: {  	_ =	swait.ge [sflag:s28], $0x400  }
0x17e: {  	[sflag:s28] =	ssyncset.done $0x0  }
0x17f: {  	[sflag:s28] =	ssyncadd.s32 $0xFFFFFC00  }
0x180: {  	_ =	swait.ge [sflag:s28], $0x310  }
0x181: {  	[sflag:s28] =	ssyncset.done $0x0  }
0x182: {  	[sflag:s28] =	ssyncadd.s32 $0xFFFFFCF0  }
0x183: {  	s6 =	simm.s32 $0x5000;
	[bflag:$0x0] =	sbarrier.arrive $0xFFFF  }
0x184: {  	[tilespmem:s6], [sflag:$0x1] =	stream.indirect.gather [hbm4b:s29+s5], $0x10, s3, s5, $0xb8;
	[tilespmem:$0x1B800] =	vst v63  }
0x185: {  	s7 =	simm.s32 $0x9000  }
0x186: {  	[tilespmem:s7], [sflag:$0x1] =	stream.indirect.gather [hbm4b:s29+s5], $0x10, s5, s5, $0xb8;
	[tilespmem:$0x1B800] =	vst v63  }
0x187: {  	s9 =	simm.s32 $0xD000  }
0x188: {  	[tilespmem:s9], [sflag:$0x1] =	stream.indirect.gather [hbm4b:s29+s5], $0x10, s12, s5, $0xb8;
	[tilespmem:$0x1B800] =	vst v63  }
0x189: {  	_ =	swait.ge [sflag:s31], $0x4000  }
0x18a: {  	[sflag:s31] =	ssyncset.done $0x0  }
0x18b: {  	[sflag:s31] =	ssyncadd.s32 $0xFFFFC000  }
0x18c: {  	[spmem:s2] =	stream.indirect.scatter.add.f32 [tilespmem:s6], [sflag:$0x2], $0x10, s20, s5, $0xb8;
	[tilespmem:$0x1B800] =	vst v63  }
0x18d: {  	_ = 	snop  }
0x18e: {  	[tilespmem:s18], [sflag:$0x1] =	stream.indirect.gather [hbm4b:s29+s5], $0x10, s13, s5, $0xb8;
	[tilespmem:$0x1B800] =	vst v63  }
0x18f: {  	_ =	swait.ge [sflag:s31], $0x4000  }
0x190: {  	[sflag:s31] =	ssyncset.done $0x0  }
0x191: {  	[sflag:s31] =	ssyncadd.s32 $0xFFFFC000  }
0x192: {  	[spmem:s2] =	stream.indirect.scatter.add.f32 [tilespmem:s7], [sflag:$0x2], $0x10, s21, s5, $0xb8;
	[tilespmem:$0x1B800] =	vst v63  }
0x193: {  	_ = 	snop  }
0x194: {  	[tilespmem:s17], [sflag:$0x1] =	stream.indirect.gather [hbm4b:s29+s5], $0x10, s14, s5, $0xb8;
	[tilespmem:$0x1B800] =	vst v63  }
0x195: {  	_ =	swait.ge [sflag:s31], $0x4000  }
0x196: {  	[sflag:s31] =	ssyncset.done $0x0  }
0x197: {  	[sflag:s31] =	ssyncadd.s32 $0xFFFFC000  }
0x198: {  	[spmem:s2] =	stream.indirect.scatter.add.f32 [tilespmem:s9], [sflag:$0x2], $0x10, s22, s5, $0xb8;
	[tilespmem:$0x1B800] =	vst v63  }
0x199: {  	_ =	swait.ge [sflag:s1], $0x4000  }
0x19a: {  	[sflag:s1] =	ssyncset.done $0x0  }
0x19b: {  	[sflag:s1] =	ssyncadd.s32 $0xFFFFC000  }
0x19c: {  	[tilespmem:s6], [sflag:$0x1] =	stream.indirect.gather [hbm4b:s29+s5], $0x10, s15, s5, $0xb8;
	[tilespmem:$0x1B800] =	vst v63  }
0x19d: {  	_ =	swait.ge [sflag:s31], $0x4000  }
0x19e: {  	[sflag:s31] =	ssyncset.done $0x0  }
0x19f: {  	[sflag:s31] =	ssyncadd.s32 $0xFFFFC000  }
0x1a0: {  	[spmem:s2] =	stream.indirect.scatter.add.f32 [tilespmem:s18], [sflag:$0x2], $0x10, s26, s5, $0xb8;
	[tilespmem:$0x1B800] =	vst v63  }
0x1a1: {  	_ =	swait.ge [sflag:s1], $0x4000  }
0x1a2: {  	[sflag:s1] =	ssyncset.done $0x0  }
0x1a3: {  	[sflag:s1] =	ssyncadd.s32 $0xFFFFC000  }
0x1a4: {  	[tilespmem:s7], [sflag:$0x1] =	stream.indirect.gather [hbm4b:s29+s5], $0x10, s16, s5, $0xb8;
	[tilespmem:$0x1B800] =	vst v63  }
0x1a5: {  	_ =	swait.ge [sflag:s31], $0x4000  }
0x1a6: {  	[sflag:s31] =	ssyncset.done $0x0  }
0x1a7: {  	[sflag:s31] =	ssyncadd.s32 $0xFFFFC000  }
0x1a8: {  	[spmem:s2] =	stream.indirect.scatter.add.f32 [tilespmem:s17], [sflag:$0x2], $0x10, s11, s5, $0xb8;
	[tilespmem:$0x1B800] =	vst v63  }
0x1a9: {  	_ =	swait.ge [sflag:s1], $0x4000  }
0x1aa: {  	[sflag:s1] =	ssyncset.done $0x0  }
0x1ab: {  	s10 =	simm.s32 $0x1C00;
	[sflag:s1] =	ssyncadd.s32 $0xFFFFC000  }
0x1ac: {  	[tilespmem:s9], [sflag:$0x1] =	stream.indirect.gather [hbm4b:s29+s5], $0x10, s10, s5, $0xb8;
	[tilespmem:$0x1B800] =	vst v63  }
0x1ad: {  	_ =	swait.ge [sflag:s31], $0x4000  }
0x1ae: {  	[sflag:s31] =	ssyncset.done $0x0  }
0x1af: {  	[sflag:s31] =	ssyncadd.s32 $0xFFFFC000  }
0x1b0: {  	[spmem:s2] =	stream.indirect.scatter.add.f32 [tilespmem:s6], [sflag:$0x2], $0x10, s23, s5, $0xb8;
	[tilespmem:$0x1B800] =	vst v63  }
0x1b1: {  	_ =	swait.ge [sflag:s1], $0x4000  }
0x1b2: {  	[sflag:s1] =	ssyncset.done $0x0  }
0x1b3: {  	s10 =	simm.s32 $0x2000;
	[sflag:s1] =	ssyncadd.s32 $0xFFFFC000  }
0x1b4: {  	[tilespmem:s18], [sflag:$0x1] =	stream.indirect.gather [hbm4b:s29+s5], $0x10, s10, s5, $0xb8;
	[tilespmem:$0x1B800] =	vst v63  }
0x1b5: {  	_ =	swait.ge [sflag:s31], $0x4000  }
0x1b6: {  	[sflag:s31] =	ssyncset.done $0x0  }
0x1b7: {  	[sflag:s31] =	ssyncadd.s32 $0xFFFFC000  }
0x1b8: {  	[spmem:s2] =	stream.indirect.scatter.add.f32 [tilespmem:s7], [sflag:$0x2], $0x10, s25, s5, $0xb8;
	[tilespmem:$0x1B800] =	vst v63  }
0x1b9: {  	_ =	swait.ge [sflag:s1], $0x4000  }
0x1ba: {  	[sflag:s1] =	ssyncset.done $0x0  }
0x1bb: {  	s10 =	simm.s32 $0x2400;
	[sflag:s1] =	ssyncadd.s32 $0xFFFFC000  }
0x1bc: {  	[tilespmem:s17], [sflag:$0x1] =	stream.indirect.gather [hbm4b:s29+s5], $0x10, s10, s5, $0xb8;
	[tilespmem:$0x1B800] =	vst v63  }
0x1bd: {  	p0 =	sne.s32 s8, $0x1;
	_ =	swait.ge [sflag:s31], $0x4000  }
.Ltmp1:
0x1be: {  	[sflag:s31] =	ssyncset.done $0x0;
	(pc) =	sbr.rel @p0 .LBB2_2-.Ltmp1, $4  }
0x1bf: {  	s8 =	sadd.s32 $0xFFFFFFFF, s8;
	[sflag:s31] =	ssyncadd.s32 $0xFFFFC000  }
0x1c0: {  	[spmem:s2] =	stream.indirect.scatter.add.f32 [tilespmem:s9], [sflag:$0x2], $0x10, s30, s5, $0xb8;
	[tilespmem:$0x1B800] =	vst v63  }
0x1c1: {  	s0 =	simm.s32 $0x4800;
	s4 =	simm.s32 $0x4C00;
	_ =	swait.ge [sflag:s31], $0x4000  }
0x1c2: {  	s6 =	simm.s32 $0x11000;
	s7 =	simm.s32 $0x15000;
	[sflag:s31] =	ssyncset.done $0x0  }
.LBB2_3:
0x1c3: {  	[sflag:s31] =	ssyncadd.s32 $0xFFFFC000  }
0x1c4: {  	[spmem:s2] =	stream.indirect.scatter.add.f32 [tilespmem:s6], [sflag:$0x2], $0x10, s0, s5, $0xb8;
	[tilespmem:$0x1B800] =	vst v63  }
0x1c5: {  	_ =	swait.ge [sflag:s31], $0x4000  }
0x1c6: {  	[sflag:s31] =	ssyncset.done $0x0  }
0x1c7: {  	[sflag:s31] =	ssyncadd.s32 $0xFFFFC000  }
0x1c8: {  	[spmem:s2] =	stream.indirect.scatter.add.f32 [tilespmem:s7], [sflag:$0x2], $0x10, s4, s5, $0xb8;
	[tilespmem:$0x1B800] =	vst v63  }
0x1c9: {  	_ =	swait.ge [sflag:s1], $0x4000  }
0x1ca: {  	[sflag:s1] =	ssyncset.done $0x0  }
0x1cb: {  	[sflag:s1] =	ssyncadd.s32 $0xFFFFC000  }
0x1cc: {  	_ =	swait.ge [sflag:s1], $0x4000  }
0x1cd: {  	[sflag:s1] =	ssyncset.done $0x0  }
0x1ce: {  	[sflag:s1] =	ssyncadd.s32 $0xFFFFC000  }
0x1cf: {  	_ =	swait.ge [sflag:s1], $0x4000  }
0x1d0: {  	[sflag:s1] =	ssyncset.done $0x0  }
0x1d1: {  	[sflag:s1] =	ssyncadd.s32 $0xFFFFC000  }
0x1d2: {  	_ =	swait.ge [sflag:s1], $0x4000  }
0x1d3: {  	[sflag:s1] =	ssyncset.done $0x0  }
0x1d4: {  	[sflag:s1] =	ssyncadd.s32 $0xFFFFC000  }
0x1d5: {  	_ =	swait.ge [sflag:s1], $0x4000  }
0x1d6: {  	[sflag:s1] =	ssyncset.done $0x0  }
0x1d7: {  	[sflag:s1] =	ssyncadd.s32 $0xFFFFC000  }
0x1d8: {  	[bflag:$0x0] =	sbarrier.arrive $0xFFFF  }
0x1d9: {  	s28 =	rddreg [dreg:$0x18]  }
0x1da: {  	s29 =	rddreg [dreg:$0x1a]  }
0x1db: {  	s30 =	rddreg [dreg:$0x1b]  }
0x1dc: {  	[hbm:s28], [sflag:s29] =	dma.local [spmem:s30], $0x500  }
0x1dd: {  	_ =	swait.ge [sflag:s19], $0x500  }
0x1de: {  	[sflag:s19] =	ssyncset.done $0x0  }
0x1df: {  	[sflag:s19] =	ssyncadd.s32 $0xFFFFFB00  }
0x1e0: {  	_ =	sfence.sel $0x180000  }
0x1e1: {  	[bflag:$0x0] =	sbarrier.arrive $0xFFFF  }
0x1e2: {  	_ =	strace $0x9000004A  }
0x1e3: {  	s31 =	stileid.u32;
	[bflag:$0x2] =	sbarrier.arrive $0xFFFF  }
0x1e4: {  	p0 =	sne.s32 s31, $0x0;
	s0 =	rddreg [dreg:$0x3]  }
0x1e5: {  	s0 =	sadd.s32 @!p0 $0x100000, s0  }
0x1e6: {  	[sflag:s0] =	ssyncadd.tile.s32 @!p0 $0x1;
	_ =	shalt  }
.Lfunc_end2:
_tile_overlayer_lowered:
.L_overlay_start_2:
0x1e7: {  	(tag) =	ssettag $0x2  }
0x1e8: {  	s0 =	rddreg [dreg:$0x0];
	s2 =	stileid.u32  }
0x1e9: {  	s1 =	rddreg [dreg:$0x1];
	p0 =	sne.s32 s2, $0x0  }
0x1ea: {  	s3 =	rddreg [dreg:$0x2];
	[bflag:$0x3] =	sbarrier.arrive $0xFFFF;
	s2 =	simm.s32 @!p0 $0x1C04  }
0x1eb: {  	[timem:s3], [sflag:s2] =	dma.local @!p0 [hbm:s0], s1  }
0x1ec: {  	s0 =	simm.s32 @!p0 $0x4  }
0x1ed: {  	_ =	swait.ge @!p0 [sflag:s0], s1  }
0x1ee: {  	s1 =	ssub.s32 @!p0 $0x0, s1;
	[sflag:s0] =	ssyncset.done @!p0 $0x0  }
0x1ef: {  	[sflag:s0] =	ssyncadd.s32 @!p0 s1  }
0x1f0: {  	[bflag:$0x3] =	sbarrier.arrive $0xFFFF  }
0x1f1: {  	_ =	shalt  }

// kernel: kernel.13.cloned.1.call-start
scs
__scs_entry_jumppad:
0x0: {  	(pc) =	sbr.rel $0x88, $3  }
0x1: {  	(tag) =	ssettag $0x0;
	lr =	simm.s32 $0x1  }
0x2: {  	[smem:$0x3F9D] =	sst lr;
	_ =	strace $0xD0000000  }
0x3: {  	_ = 	snop  }
0x4: {  	_ = 	snop  }
0x5: {  	_ = 	snop  }
0x6: {  	_ = 	snop  }
0x7: {  	_ = 	snop  }
__scs_overlays_trampoline_lowered:
0x8: {  	[smem:$0x3FAC] =	sst s0  }
0x9: {  	[smem:$0x3FAD] =	sst s1  }
0xa: {  	[smem:$0x3FAE] =	sst s2  }
0xb: {  	[smem:$0x3FAF] =	sst s3  }
0xc: {  	[smem:$0x3FB0] =	sst s4  }
0xd: {  	[smem:$0x3FB1] =	sst s5  }
0xe: {  	[smem:$0x3FB2] =	sst s6  }
0xf: {  	[smem:$0x3FB3] =	sst s7  }
0x10: {  	[smem:$0x3FB4] =	sst s8  }
0x11: {  	[smem:$0x3FB5] =	sst s9;
	s0 =	simm.s32 @!p0 $0x0  }
0x12: {  	s1 =	sld [smem:$0x3F9B];
	s0 =	simm.s32 @p0 $0x1  }
0x13: {  	[smem:$0x3FB6] =	sst s0;
	s0 =	simm.s32 @!p1 $0x0  }
0x14: {  	s2 =	sld [smem:$0x3F9A];
	s0 =	simm.s32 @p1 $0x1  }
0x15: {  	[smem:$0x3FB7] =	sst s0;
	s0 =	simm.s32 @!p2 $0x0  }
0x16: {  	s3 =	sld [smem:$0x3FDB];
	s0 =	simm.s32 @p2 $0x1  }
0x17: {  	s4 =	simm.s32 $0x1BF5;
	[smem:$0x3FB9] =	sst s0  }
0x18: {  	s0 =	sld [smem:$0x3F9C];
	_ =	swait.ge [sflag:s4], $0x0  }
0x19: {  	s7 =	sld [smem:$0x3F9D]  }
0x1a: {  	s8 =	sadd.s32 $0xFFFFE003, lr  }
0x1b: {  	s9 =	sadd.s32 $0xFFFFFEF7, lr;
	s5 =	simm.s32 $0xFFFFFFFF;
	p2 =	slt.u32 s8, $0xFFFFF086  }
0x1c: {  	p1 =	slt.u32 s9, $0xF7A;
	s5 =	simm.s32 @!p2 $0x0  }
0x1d: {  	s5 =	simm.s32 @p1 $0x1;
	p0 =	seq.s32 s7, s2  }
0x1e: {  	s7 =	smul.u32 @!p0 $0xF7A, s2;
	p2 =	seq.s32 @!p0 s5, $0x0  }
0x1f: {  	s9 =	smul.u32 $0xF7A, s1;
	s8 =	simm.s32 @!p0 $0x1BF5;
	p2 =	por !p2, p0  }
0x20: {  	[sflag:s8] =	ssyncset.s32 @!p0 $0xFFFFF086;
	s6 =	sadd.s32 @!p0 s3, s7;
	s7 =	simm.s32 @!p0 $0x108  }
0x21: {  	s3 =	sadd.s32 s3, s9;
	s6 =	sadd.s32 @!p0 $0x88, s6;
	s7 =	simm.s32 @p2 $0x1082  }
0x22: {  	[simem:s7], [sflag:s8] =	dma.local @!p0 [hbm:s6], $0xF7A  }
0x23: {  	s9 =	sor.u32 $0xD0000000, s2;
	s6 =	simm.s32 $0x108;
	_ =	swait.ge @!p0 [sflag:s8], $0x0  }
0x24: {  	s3 =	sadd.s32 $0x88, s3;
	s6 =	simm.s32 @!p1 $0x1082;
	[sflag:s4] =	ssyncset.s32 $0xFFFFF086  }
0x25: {  	[simem:s6], [sflag:s4] =	dma.local [hbm:s3], $0xF7A  }
0x26: {  	[smem:$0x3F9D] =	sst s1;
	(tag) =	ssettag s2;
	_ =	strace s9  }
0x27: {  	s1 =	sld [smem:$0x3FAD]  }
0x28: {  	s2 =	sld [smem:$0x3FAE]  }
0x29: {  	s4 =	sld [smem:$0x3FB0]  }
0x2a: {  	p0 =	seq.s32 s5, $0x0;
	s5 =	sld [smem:$0x3FB1]  }
0x2b: {  	s6 =	sld [smem:$0x3FB2]  }
0x2c: {  	s7 =	sld [smem:$0x3FB3]  }
0x2d: {  	s3 =	simm.s32 $0x108;
	s8 =	sld [smem:$0x3FB4]  }
0x2e: {  	s3 =	simm.s32 @!p0 $0x1082;
	s9 =	sld [smem:$0x3FB5]  }
0x2f: {  	lr =	sadd.s32 s0, s3;
	s0 =	sld [smem:$0x3FAC]  }
0x30: {  	s3 =	sld [smem:$0x3FAF]  }
0x31: {  	[smem:$0x3FB8] =	sst s10  }
0x32: {  	s10 =	sld [smem:$0x3FB6];
	_ =	sdelay $0x3  }
0x33: {  	p0 =	seq.s32 s10, $0x1;
	s10 =	sld [smem:$0x3FB8];
	_ =	sdelay $0x3  }
0x34: {  	[smem:$0x3FB8] =	sst s10  }
0x35: {  	s10 =	sld [smem:$0x3FB7];
	_ =	sdelay $0x3  }
0x36: {  	p1 =	seq.s32 s10, $0x1;
	s10 =	sld [smem:$0x3FB8];
	_ =	sdelay $0x3  }
0x37: {  	[smem:$0x3FB8] =	sst s10  }
0x38: {  	s10 =	sld [smem:$0x3FB9]  }
0x39: {  	_ = 	snop;
	(pc) =	sbr.ind lr, $3  }
0x3a: {  	_ = 	snop  }
0x3b: {  	_ = 	snop  }
0x3c: {  	p2 =	seq.s32 s10, $0x1;
	s10 =	sld [smem:$0x3FB8]  }
0x3d: {  	_ =	shalt  }
0x3e: {  	_ =	shalt  }
0x3f: {  	_ =	shalt  }
0x40: {  	_ =	shalt  }
0x41: {  	_ =	shalt  }
0x42: {  	_ =	shalt  }
0x43: {  	_ =	shalt  }
0x44: {  	_ =	shalt  }
0x45: {  	_ =	shalt  }
0x46: {  	_ =	shalt  }
0x47: {  	_ =	shalt  }
0x48: {  	_ =	shalt  }
0x49: {  	_ =	shalt  }
0x4a: {  	_ =	shalt  }
0x4b: {  	_ =	shalt  }
0x4c: {  	_ =	shalt  }
0x4d: {  	_ =	shalt  }
0x4e: {  	_ =	shalt  }
0x4f: {  	_ =	shalt  }
0x50: {  	_ =	shalt  }
0x51: {  	_ =	shalt  }
0x52: {  	_ =	shalt  }
0x53: {  	_ =	shalt  }
0x54: {  	_ =	shalt  }
0x55: {  	_ =	shalt  }
0x56: {  	_ =	shalt  }
0x57: {  	_ =	shalt  }
0x58: {  	_ =	shalt  }
0x59: {  	_ =	shalt  }
0x5a: {  	_ =	shalt  }
0x5b: {  	_ =	shalt  }
0x5c: {  	_ =	shalt  }
0x5d: {  	_ =	shalt  }
0x5e: {  	_ =	shalt  }
0x5f: {  	_ =	shalt  }
0x60: {  	_ =	shalt  }
0x61: {  	_ =	shalt  }
0x62: {  	_ =	shalt  }
0x63: {  	_ =	shalt  }
0x64: {  	_ =	shalt  }
0x65: {  	_ =	shalt  }
0x66: {  	_ =	shalt  }
0x67: {  	_ =	shalt  }
0x68: {  	_ =	shalt  }
0x69: {  	_ =	shalt  }
0x6a: {  	_ =	shalt  }
0x6b: {  	_ =	shalt  }
0x6c: {  	_ =	shalt  }
0x6d: {  	_ =	shalt  }
0x6e: {  	_ =	shalt  }
0x6f: {  	_ =	shalt  }
0x70: {  	_ =	shalt  }
0x71: {  	_ =	shalt  }
0x72: {  	_ =	shalt  }
0x73: {  	_ =	shalt  }
0x74: {  	_ =	shalt  }
0x75: {  	_ =	shalt  }
0x76: {  	_ =	shalt  }
0x77: {  	_ =	shalt  }
0x78: {  	_ =	shalt  }
0x79: {  	_ =	shalt  }
0x7a: {  	_ =	shalt  }
0x7b: {  	_ =	shalt  }
0x7c: {  	_ =	shalt  }
0x7d: {  	_ =	shalt  }
0x7e: {  	_ =	shalt  }
0x7f: {  	_ =	shalt  }
0x80: {  	_ =	shalt  }
0x81: {  	_ =	shalt  }
0x82: {  	_ =	shalt  }
0x83: {  	_ =	shalt  }
0x84: {  	_ =	shalt  }
0x85: {  	_ =	shalt  }
0x86: {  	_ =	shalt  }
0x87: {  	_ =	shalt  }
.Lfunc_end0:
.L_simem_size_0:
called_computation.2_lowered:
.L_overlay_start_0:
0x88: {  	s2 =	sld [smem:$0x3FD9]  }
0x89: {  	s3 =	sld [smem:$0x3FFE];
	_ =	sdelay $0x1  }
0x8a: {  	s1 =	srdreg.scid  }
0x8b: {  	s0 =	sand.u32 $0x1, s1  }
0x8c: {  	s17 =	sshll.u32 s0, $0xA;
	s2 =	sadd.s32 s3, s2  }
0x8d: {  	s2 =	sadd.s32 s2, s17  }
0x8e: {  	[smem:$0x3FC4] =	sst s2  }
0x8f: {  	_ = 	snop  }
0x90: {  	s2 =	sld [smem:$0x3FC6]  }
0x91: {  	s18 =	sld [smem:$0x3FD0];
	(tm) =	ssettm $0x1  }
0x92: {  	s4 =	sld [smem:$0x3FFB];
	_ =	sdelay $0x3  }
0x93: {  	_ =	strace s4  }
0x94: {  	s4 =	sld [smem:$0x3FFC];
	_ =	sdelay $0x3  }
0x95: {  	_ =	strace s4  }
0x96: {  	s4 =	sld [smem:$0x3FFD];
	_ =	sdelay $0x3  }
0x97: {  	_ =	strace s4  }
0x98: {  	_ =	strace $0x8FFFFFFF  }
0x99: {  	s19 =	sld [smem:$0x3FDB];
	_ =	sdelay $0x1  }
0x9a: {  	s5 =	simm.s32 $_scs_section_size  }
0x9b: {  	s6 =	simm.s32 $_size__tile_overlayer_lowered;
	s7 =	simm.s32 $_tile_overlayer_lowered  }
0x9c: {  	s22 =	simm.s32 $0x1BFF;
	s21 =	sshll.u32 s7, $0x1;
	s4 =	sadd.s32 s5, s19  }
0x9d: {  	s8 =	simm.s32 $0x0;
	s20 =	sshll.u32 s6, $0x1;
	s6 =	sadd.s32 s21, s4  }
0x9e: {  	[timem:s8], [sflag:s22] =	dma.local [hbm:s6], s20  }
0x9f: {  	_ =	swait.ge [sflag:s22], s20  }
0xa0: {  	s5 =	ssub.s32 $0x0, s20;
	[sflag:s22] =	ssyncset.done $0x0  }
0xa1: {  	[sflag:s22] =	ssyncadd.s32 s5;
	_ =	sdelay $0x1  }
0xa2: {  	s23 =	simm.s32 $0x1B8B  }
0xa3: {  	_ =	swait.ge [sflag:s23], $0x1  }
0xa4: {  	[sflag:s23] =	ssyncset.done $0x0  }
0xa5: {  	s25 =	simm.s32 $0x1B8E;
	s24 =	sld [smem:$0x3FFE];
	[sflag:s23] =	ssyncadd.s32 $0xFFFFFFFF  }
0xa6: {  	s26 =	simm.s32 $execute0_lowered;
	[smem:$0x3FD2] =	sst s25  }
0xa7: {  	s6 =	sshll.u32 s26, $0x1;
	_ =	strace $0x8000004C;
	[dreg:$0x1] =	wrdreg $0xFFFFFFFF  }
0xa8: {  	s28 =	simm.s32 $_size_execute0_lowered;
	s4 =	sadd.s32 s4, s6;
	[dreg:$0x0] =	wrdreg $0x0  }
0xa9: {  	s6 =	sshll.u32 s28, $0x1;
	[dreg:$0x2] =	wrdreg s4  }
0xaa: {  	[dreg:$0x3] =	wrdreg s6  }
0xab: {  	[dreg:$0x4] =	wrdreg $0xC0  }
0xac: {  	_ =	task [dreg:s8], $0x5FFFF  }
0xad: {  	[dreg:$0x1] =	wrdreg $0xFFFFFFFF  }
0xae: {  	[dreg:$0x0] =	wrdreg $0x60  }
0xaf: {  	[dreg:$0x2] =	wrdreg s24  }
0xb0: {  	[dreg:$0x3] =	wrdreg s2  }
0xb1: {  	[dreg:$0x4] =	wrdreg s18  }
0xb2: {  	[dreg:$0x5] =	wrdreg $0x9  }
0xb3: {  	_ =	task.clear_ibuf [dreg:s8], $0x6FFFF;
	_ =	strace $0x9000004C  }
0xb4: {  	s29 =	simm.s32 $0x9;
	_ =	strace $0x8000004E  }
0xb5: {  	_ =	swait.ge [sflag:s29], $0x1  }
0xb6: {  	[sflag:s29] =	ssyncadd.s32 $0xFFFFFFFF  }
0xb7: {  	_ =	strace $0x9000004E  }
0xb8: {  	_ =	sfence  }
0xb9: {  	s30 =	sld [smem:$0x0];
	_ =	sdelay $0x2  }
0xba: {  	s31 =	sshll.u32 s1, $0xD;
	s1 =	sshrl.u32 s1, $0x2  }
0xbb: {  	s3 =	sand.u32 $0x4000, s31;
	s1 =	sadd.s32 s1, s30  }
0xbc: {  	s0 =	sor.u32 s3, s0;
	s1 =	sshll.u32 s1, $0x11  }
0xbd: {  	s0 =	sor.u32 s1, s0  }
0xbe: {  	s0 =	sadd.s32 $0x8F2B, s0  }
0xbf: {  	[sflag:s0] =	ssyncadd.remote.s32 $0x1  }
0xc0: {  	_ =	sfence.sel $0xFFFF  }
0xc1: {  	[dreg:$0x0] =	wrdreg $0xFFFFFFFF;
	(pc) =	sbr.abs _section_cstart, $3  }
0xc2: {  	[dreg:$0x1] =	wrdreg $0xFFFFFFFF  }
0xc3: {  	_ =	task.clear_ibuf [dreg:s8], $0x2FFFF;
	_ =	strace $0x9FFFFFFF  }
0xc4: {  	(tm) =	ssettm $0x7FFFFFFF  }
0xc5: {  	_ =	shalt  }
tec
execute0_lowered:
.L_overlay_start_1:
0x0: {  	(tag) =	ssettag $0x1  }
0x1: {  	s4 =	rddreg [dreg:$0x0]  }
0x2: {  	s0 =	srdreg.scid;
	s2 =	rddreg [dreg:$0x1]  }
0x3: {  	s8 =	rddreg [dreg:$0x2];
	s3 =	simm.s32 $0x0;
	s5 =	sand.u32 $0x1, s0  }
0x4: {  	s12 =	simm.s32 $0x3D40;
	s0 =	stileid.u32;
	s1 =	sshll.u32 s5, $0x4  }
0x5: {  	s13 =	simm.s32 $0x1;
	s14 =	simm.s32 $0x3D50;
	s6 =	sor.u32 s0, s1  }
0x6: {  	s15 =	simm.s32 $0x2;
	s16 =	simm.s32 $0x0;
	s7 =	smul.u32 $0x1400, s6  }
0x7: {  	v0 =	vimm.s32 $0x0;
	[smem:$0x7FF] =	sst s3;
	s5 =	ssub.s32 $0x2, s5;
	s6 =	smul.u32 $0x28, s6  }
0x8: {  	v1 =	vimm.s32 $0x1;
	v2 =	vimm.s32 $0x2;
	v3 =	vimm.s32 $0x3;
	s1 =	rddreg [dreg:$0x3];
	_ =	strace $0x8000004D;
	s10 =	sshrl.u32 s5, $0x1  }
0x9: {  	v4 =	vimm.s32 $0x4;
	v5 =	vimm.s32 $0x5;
	v6 =	vimm.s32 $0x6;
	s10 =	ssub.s32 s5, s10;
	s9 =	sshrl.u32 s7, $0x3;
	s11 =	sadd.s32 s6, s4  }
0xa: {  	v7 =	vimm.s32 $0x7;
	v8 =	vimm.s32 $0x8;
	v9 =	vimm.s32 $0x9;
	s7 =	sadd.s32 s9, s4;
	s8 =	sadd.s32 s8, s9;
	s9 =	smax.u32 s10, $0x1  }
0xb: {  	v10 =	vimm.s32 $0xA;
	v11 =	vimm.s32 $0xB;
	v12 =	vimm.s32 $0xC;
	s10 =	simm.s32 $0x1400;
	s4 =	sadd.s32 $0xC000, s7;
	s5 =	sadd.s32 $0x11000, s7  }
0xc: {  	v13 =	vimm.s32 $0xD;
	v14 =	vimm.s32 $0xE;
	v15 =	vimm.s32 $0xF;
	s6 =	sadd.s32 $0x2000, s7;
	s7 =	sadd.s32 $0x1A00, s11;
	s11 =	simm.s32 $0x2800  }
.LBB2_1:
0xd: {  	[tilespmem:s3], [sflag:$0x1] =	stream.linear.gather [hbm4b:s4+s3], $0x1400, $0x38;
	[tilespmem:$0x5150] =	vst v63  }
0xe: {  	_ = 	snop  }
0xf: {  	[tilespmem:s10], [sflag:$0x1] =	stream.linear.gather [hbm4b:s5+s3], $0x1400, $0x38;
	[tilespmem:$0x5150] =	vst v63  }
0x10: {  	_ = 	snop  }
0x11: {  	[tilespmem:s11], [sflag:$0x1] =	stream.linear.gather [hbm4b:s6+s3], $0x1400, $0x38;
	[tilespmem:$0x5150] =	vst v63  }
0x12: {  	s18 =	simm.s32 $0x3C00  }
0x13: {  	[tilespmem:s18], [sflag:$0x1] =	stream.linear.gather [hbm4b:s7+s3], $0x140, $0x38;
	[tilespmem:$0x5150] =	vst v63  }
0x14: {  	_ = 	snop  }
0x15: {  	[tilespmem:s12], [sflag:$0x1] =	stream.linear.gather [hbm4b:s2+s3], $0x10, $0x38;
	[tilespmem:$0x5150] =	vst v63  }
0x16: {  	_ =	swait.ge [sflag:s13], $0x1400  }
0x17: {  	[sflag:s13] =	ssyncset.done $0x0  }
0x18: {  	[sflag:s13] =	ssyncadd.s32 $0xFFFFEC00  }
0x19: {  	_ =	swait.ge [sflag:s13], $0x1400  }
0x1a: {  	[sflag:s13] =	ssyncset.done $0x0  }
0x1b: {  	[sflag:s13] =	ssyncadd.s32 $0xFFFFEC00  }
0x1c: {  	_ =	swait.ge [sflag:s13], $0x1400  }
0x1d: {  	[sflag:s13] =	ssyncset.done $0x0  }
0x1e: {  	[sflag:s13] =	ssyncadd.s32 $0xFFFFEC00  }
0x1f: {  	_ =	swait.ge [sflag:s13], $0x140  }
0x20: {  	[sflag:s13] =	ssyncset.done $0x0  }
0x21: {  	[sflag:s13] =	ssyncadd.s32 $0xFFFFFEC0  }
0x22: {  	_ =	swait.ge [sflag:s13], $0x10  }
0x23: {  	[sflag:s13] =	ssyncset.done $0x0  }
0x24: {  	[sflag:s13] =	ssyncadd.s32 $0xFFFFFFF0  }
0x25: {  	s19 =	simm.s32 $0x0;
	v16 =	vld [tilespmem:$0x3D40]  }
0x26: {  	v19 =	vld [tilespmem:s19+$0x2800]  }
0x27: {  	v21 =	vld [tilespmem:s19+$0x2810]  }
0x28: {  	v22 =	vld [tilespmem:s19+$0x2820]  }
0x29: {  	v25 =	vld [tilespmem:s19+$0x2830]  }
0x2a: {  	v27 =	vld [tilespmem:s19+$0x2840]  }
0x2b: {  	v28 =	vld [tilespmem:s19+$0x2850]  }
0x2c: {  	v29 =	vld [tilespmem:s19+$0x2860]  }
0x2d: {  	v17 =	vld [tilespmem:s19+$0x0]  }
0x2e: {  	v18 =	vld [tilespmem:s19+$0x1400]  }
0x2f: {  	v20 =	vld [tilespmem:s19+$0x10]  }
0x30: {  	v23 =	vld [tilespmem:s19+$0x1410]  }
0x31: {  	v26 =	vld [tilespmem:s19+$0x20]  }
0x32: {  	v30 =	vld [tilespmem:s19+$0x1420]  }
0x33: {  	v31 =	vld [tilespmem:s19+$0x30]  }
0x34: {  	v32 =	vld [tilespmem:s19+$0x1430]  }
0x35: {  	v33 =	vld [tilespmem:s19+$0x40]  }
0x36: {  	v34 =	vld [tilespmem:s19+$0x1440]  }
0x37: {  	v35 =	vld [tilespmem:s19+$0x50]  }
0x38: {  	v36 =	vld [tilespmem:s19+$0x1450]  }
0x39: {  	v37 =	vld [tilespmem:s19+$0x60]  }
0x3a: {  	v38 =	vld [tilespmem:s19+$0x1460]  }
0x3b: {  	v39 =	vld [tilespmem:s19+$0x70]  }
0x3c: {  	v40 =	vld [tilespmem:s19+$0x1470]  }
0x3d: {  	v41 =	vld [tilespmem:s19+$0x80]  }
0x3e: {  	v42 =	vld [tilespmem:s19+$0x1480]  }
0x3f: {  	v43 =	vld [tilespmem:s19+$0x90]  }
0x40: {  	v44 =	vld [tilespmem:s19+$0x1490]  }
0x41: {  	v45 =	vld [tilespmem:s19+$0xA0]  }
0x42: {  	v46 =	vld [tilespmem:s19+$0x14A0]  }
0x43: {  	v47 =	vld [tilespmem:s19+$0xB0]  }
0x44: {  	v48 =	vld [tilespmem:s19+$0x14B0]  }
0x45: {  	v49 =	vld [tilespmem:s19+$0xC0]  }
0x46: {  	v50 =	vld [tilespmem:s19+$0x14C0]  }
0x47: {  	v51 =	vld [tilespmem:s19+$0xD0]  }
0x48: {  	v52 =	vld [tilespmem:s19+$0x14D0]  }
0x49: {  	v53 =	vld [tilespmem:s19+$0xE0]  }
0x4a: {  	v24 =	vld [tilespmem:s18+$0x0]  }
0x4b: {  	v54 =	vld [tilespmem:s19+$0x14E0]  }
0x4c: {  	v55 =	vld [tilespmem:s19+$0xF0]  }
0x4d: {  	v63 =	vld [tilespmem:s19+$0x2870]  }
0x4e: {  	s17 =	simm.s32 $0x100;
	v58 =	vld [tilespmem:s19+$0x2890]  }
0x4f: {  	v56 =	vadd.f32 v18, v17;
	v17 =	vld [tilespmem:s17+$0x2800]  }
0x50: {  	v18 =	vld [tilespmem:s17+$0x2810]  }
0x51: {  	v23 =	vadd.f32 v23, v20;
	v57 =	vperm.xlane v24, v0;
	v20 =	vld [tilespmem:s17+$0x2830]  }
0x52: {  	v26 =	vadd.f32 v30, v26;
	v30 =	vperm.xlane v24, v1;
	v56 =	vadd.f32 v19, v56;
	v19 =	vld [tilespmem:s17+$0x2820]  }
0x53: {  	v31 =	vadd.f32 v32, v31;
	v60 =	vperm.xlane v24, v2;
	v23 =	vadd.f32 v21, v23;
	v21 =	vld [tilespmem:s17+$0x2840]  }
0x54: {  	v33 =	vadd.f32 v34, v33;
	v26 =	vadd.f32 v22, v26;
	v22 =	vld [tilespmem:s17+$0x2850];
	v56 =	vmul.f32 v57, v56  }
0x55: {  	v35 =	vadd.f32 v36, v35;
	v31 =	vadd.f32 v25, v31;
	v25 =	vld [tilespmem:s17+$0x0];
	v30 =	vmul.f32 v30, v23  }
0x56: {  	v61 =	vperm.xlane v24, v3;
	v27 =	vadd.f32 v27, v33;
	v33 =	vld [tilespmem:s19+$0x14F0];
	v56 =	vadd.f32 v56, v16  }
0x57: {  	v62 =	vperm.xlane v24, v4;
	v23 =	vld [tilespmem:s17+$0x2860];
	v32 =	vmul.f32 v60, v26;
	v30 =	vadd.f32 v30, v16  }
0x58: {  	v37 =	vadd.f32 v38, v37;
	v26 =	vld [tilespmem:s17+$0x1400];
	v31 =	vmul.f32 v61, v31;
	v56 =	vmax.f32 v56, $0.0e+00  }
0x59: {  	v27 =	vmul.f32 v62, v27;
	v60 =	vld [tilespmem:s19+$0x28A0];
	v32 =	vadd.f32 v32, v16;
	v30 =	vmax.f32 v30, $0.0e+00;
	[tilespmem:s19+$0x3D50] =	vst v56  }
0x5a: {  	v28 =	vadd.f32 v28, v35;
	v31 =	vadd.f32 v31, v16;
	v36 =	vld [tilespmem:s17+$0x10];
	[tilespmem:s19+$0x3D60] =	vst v30;
	v30 =	vperm.xlane v24, v5  }
0x5b: {  	v29 =	vadd.f32 v29, v37;
	v27 =	vadd.f32 v27, v16;
	v32 =	vmax.f32 v32, $0.0e+00;
	v56 =	vld [tilespmem:s19+$0x2880]  }
0x5c: {  	v57 =	vadd.f32 v40, v39;
	v31 =	vmax.f32 v31, $0.0e+00;
	v34 =	vld [tilespmem:s17+$0x1410];
	[tilespmem:s19+$0x3D70] =	vst v32;
	v28 =	vmul.f32 v30, v28  }
0x5d: {  	v62 =	vadd.f32 v46, v45;
	v27 =	vmax.f32 v27, $0.0e+00;
	v30 =	vld [tilespmem:s17+$0x20];
	[tilespmem:s19+$0x3D80] =	vst v31;
	v31 =	vperm.xlane v24, v6  }
0x5e: {  	v35 =	vadd.f32 v63, v57;
	v37 =	vld [tilespmem:s17+$0x1420];
	[tilespmem:s19+$0x3D90] =	vst v27;
	v27 =	vperm.xlane v24, v7;
	v28 =	vadd.f32 v28, v16  }
0x5f: {  	v59 =	vadd.f32 v42, v41;
	v61 =	vld [tilespmem:s19+$0x28B0];
	v29 =	vmul.f32 v31, v29  }
0x60: {  	v57 =	vld [tilespmem:s19+$0x28C0];
	v38 =	vadd.f32 v60, v62;
	v27 =	vmul.f32 v27, v35;
	v28 =	vmax.f32 v28, $0.0e+00  }
0x61: {  	v63 =	vperm.xlane v24, v9;
	v42 =	vld [tilespmem:s17+$0x30];
	v31 =	vadd.f32 v44, v43;
	v29 =	vadd.f32 v29, v16;
	[tilespmem:s19+$0x3DA0] =	vst v28  }
0x62: {  	v32 =	vadd.f32 v56, v59;
	v28 =	vperm.xlane v24, v8;
	v27 =	vadd.f32 v27, v16;
	v35 =	vld [tilespmem:s17+$0x1430]  }
0x63: {  	v56 =	vadd.f32 v48, v47;
	v31 =	vadd.f32 v58, v31;
	v45 =	vld [tilespmem:s17+$0x40];
	v29 =	vmax.f32 v29, $0.0e+00  }
0x64: {  	v28 =	vmul.f32 v28, v32;
	v32 =	vld [tilespmem:s17+$0x1440];
	[tilespmem:s19+$0x3DB0] =	vst v29;
	v29 =	vperm.xlane v24, v10;
	v27 =	vmax.f32 v27, $0.0e+00  }
0x65: {  	v40 =	vadd.f32 v61, v56;
	v31 =	vmul.f32 v63, v31;
	v46 =	vld [tilespmem:s17+$0x50];
	[tilespmem:s19+$0x3DC0] =	vst v27;
	v27 =	vperm.xlane v24, v11  }
0x66: {  	v33 =	vadd.f32 v33, v55;
	v58 =	vld [tilespmem:s19+$0x28D0];
	v28 =	vadd.f32 v28, v16;
	v29 =	vmul.f32 v29, v38  }
0x67: {  	v60 =	vld [tilespmem:s19+$0x28E0];
	v62 =	vadd.f32 v54, v53;
	v31 =	vadd.f32 v31, v16;
	v27 =	vmul.f32 v27, v40  }
0x68: {  	v59 =	vadd.f32 v50, v49;
	v61 =	vld [tilespmem:s19+$0x28F0];
	v28 =	vmax.f32 v28, $0.0e+00;
	v29 =	vadd.f32 v29, v16  }
0x69: {  	v38 =	vld [tilespmem:s17+$0x1450];
	[tilespmem:s19+$0x3DD0] =	vst v28;
	v28 =	vmax.f32 v31, $0.0e+00;
	v31 =	vadd.f32 v52, v51;
	v27 =	vadd.f32 v27, v16  }
0x6a: {  	v41 =	vadd.f32 v57, v59;
	v40 =	vld [tilespmem:s17+$0x60];
	[tilespmem:s19+$0x3DE0] =	vst v28;
	v28 =	vperm.xlane v24, v12;
	v29 =	vmax.f32 v29, $0.0e+00  }
0x6b: {  	v48 =	vld [tilespmem:s17+$0x1460];
	v31 =	vadd.f32 v58, v31;
	[tilespmem:s19+$0x3DF0] =	vst v29;
	v29 =	vperm.xlane v24, v13;
	v27 =	vmax.f32 v27, $0.0e+00  }
0x6c: {  	v63 =	vadd.f32 v60, v62;
	v28 =	vmul.f32 v28, v41;
	v49 =	vld [tilespmem:s17+$0x70];
	[tilespmem:s19+$0x3E00] =	vst v27;
	v27 =	vperm.xlane v24, v14  }
0x6d: {  	v24 =	vperm.xlane v24, v15;
	v29 =	vmul.f32 v29, v31;
	v31 =	vadd.f32 v61, v33  }
0x6e: {  	v28 =	vadd.f32 v28, v16;
	v27 =	vmul.f32 v27, v63  }
0x6f: {  	v50 =	vld [tilespmem:s17+$0x1470];
	v29 =	vadd.f32 v29, v16;
	v24 =	vmul.f32 v24, v31  }
0x70: {  	v47 =	vld [tilespmem:s17+$0x80];
	v28 =	vmax.f32 v28, $0.0e+00;
	v27 =	vadd.f32 v27, v16  }
0x71: {  	v51 =	vld [tilespmem:s17+$0x1480];
	[tilespmem:s19+$0x3E10] =	vst v28;
	v28 =	vmax.f32 v29, $0.0e+00;
	v24 =	vadd.f32 v24, v16  }
0x72: {  	v52 =	vld [tilespmem:s17+$0x90];
	[tilespmem:s19+$0x3E20] =	vst v28;
	v27 =	vmax.f32 v27, $0.0e+00  }
0x73: {  	v53 =	vld [tilespmem:s17+$0x1490];
	[tilespmem:s19+$0x3E30] =	vst v27;
	v24 =	vmax.f32 v24, $0.0e+00  }
0x74: {  	v54 =	vld [tilespmem:s17+$0xA0];
	[tilespmem:s19+$0x3E40] =	vst v24  }
0x75: {  	v24 =	vld [tilespmem:s17+$0x14A0]  }
0x76: {  	v55 =	vld [tilespmem:s17+$0xB0]  }
0x77: {  	v56 =	vld [tilespmem:s17+$0x14B0]  }
0x78: {  	v57 =	vld [tilespmem:s17+$0xC0]  }
0x79: {  	v58 =	vld [tilespmem:s17+$0x14C0]  }
0x7a: {  	v59 =	vld [tilespmem:s17+$0xD0]  }
0x7b: {  	v60 =	vld [tilespmem:s17+$0x14D0]  }
0x7c: {  	v41 =	vld [tilespmem:s17+$0xE0]  }
0x7d: {  	v39 =	vadd.f32 v26, v25;
	v26 =	vadd.f32 v37, v30;
	v43 =	vld [tilespmem:s17+$0x14E0]  }
0x7e: {  	v32 =	vadd.f32 v32, v45;
	v31 =	vadd.f32 v34, v36;
	v44 =	vld [tilespmem:s17+$0xF0]  }
0x7f: {  	v33 =	vadd.f32 v48, v40;
	v28 =	vadd.f32 v38, v46;
	v45 =	vld [tilespmem:s17+$0x14F0]  }
0x80: {  	v29 =	vadd.f32 v50, v49;
	v30 =	vadd.f32 v51, v47;
	v37 =	vld [tilespmem:s17+$0x2870]  }
0x81: {  	v27 =	vadd.f32 v35, v42;
	v38 =	vld [tilespmem:s17+$0x2880];
	v34 =	vadd.f32 v53, v52  }
0x82: {  	v40 =	vld [tilespmem:s17+$0x2890];
	v35 =	vadd.f32 v24, v54;
	v36 =	vadd.f32 v56, v55  }
0x83: {  	s19 =	simm.s32 $0x800;
	v42 =	vld [tilespmem:s17+$0x28A0];
	v25 =	vadd.f32 v58, v57;
	v24 =	vadd.f32 v60, v59  }
.LBB2_2:
0x84: {  	p0 =	sne.s32 s19, $0x4C00;
	v46 =	vld [tilespmem:s17+$0x28B0];
	v41 =	vadd.f32 v43, v41;
	v43 =	vadd.f32 v45, v44  }
0x85: {  	v39 =	vadd.f32 v17, v39;
	v31 =	vadd.f32 v18, v31;
	s18 =	sadd.s32 $0x10, s18;
	v44 =	vld [tilespmem:s17+$0x28C0]  }
0x86: {  	v26 =	vadd.f32 v19, v26;
	v27 =	vadd.f32 v20, v27;
	v45 =	vld [tilespmem:s18+$0x0]  }
0x87: {  	v32 =	vadd.f32 v21, v32;
	v28 =	vadd.f32 v22, v28;
	v20 =	vld [tilespmem:s17+$0x28D0]  }
0x88: {  	v33 =	vadd.f32 v23, v33;
	v29 =	vadd.f32 v37, v29;
	v21 =	vld [tilespmem:s17+$0x28E0]  }
0x89: {  	s20 =	sshra.s32 s19, $0x2;
	v30 =	vadd.f32 v38, v30;
	v34 =	vadd.f32 v40, v34;
	v22 =	vld [tilespmem:s17+$0x28F0]  }
0x8a: {  	v35 =	vadd.f32 v42, v35;
	v36 =	vadd.f32 v46, v36;
	v17 =	vld [tilespmem:s20+$0x2800]  }
0x8b: {  	v25 =	vadd.f32 v44, v25;
	v18 =	vld [tilespmem:s20+$0x2810];
	v23 =	vperm.xlane v45, v0;
	v37 =	vperm.xlane v45, v1  }
0x8c: {  	v38 =	vperm.xlane v45, v2;
	v40 =	vperm.xlane v45, v3;
	v19 =	vld [tilespmem:s20+$0x2820];
	v24 =	vadd.f32 v20, v24  }
0x8d: {  	v20 =	vld [tilespmem:s20+$0x2830];
	v23 =	vmul.f32 v23, v39;
	v31 =	vmul.f32 v37, v31;
	v37 =	vadd.f32 v21, v41  }
0x8e: {  	v26 =	vmul.f32 v38, v26;
	v27 =	vmul.f32 v40, v27;
	v21 =	vld [tilespmem:s20+$0x2840];
	v38 =	vadd.f32 v22, v43  }
0x8f: {  	v40 =	vperm.xlane v45, v4;
	v22 =	vld [tilespmem:s20+$0x2850];
	v39 =	vadd.f32 v23, v16;
	v31 =	vadd.f32 v31, v16  }
0x90: {  	v41 =	vperm.xlane v45, v5;
	v26 =	vadd.f32 v26, v16;
	v27 =	vadd.f32 v27, v16;
	v23 =	vld [tilespmem:s20+$0x2860]  }
0x91: {  	v32 =	vmul.f32 v40, v32;
	v42 =	vld [tilespmem:s20+$0x0];
	v39 =	vmax.f32 v39, $0.0e+00;
	v31 =	vmax.f32 v31, $0.0e+00  }
0x92: {  	v28 =	vmul.f32 v41, v28;
	v26 =	vmax.f32 v26, $0.0e+00;
	v27 =	vmax.f32 v27, $0.0e+00;
	v40 =	vld [tilespmem:s20+$0x1400];
	[tilespmem:s17+$0x3D50] =	vst v39  }
0x93: {  	v39 =	vperm.xlane v45, v7;
	v43 =	vld [tilespmem:s20+$0x10];
	[tilespmem:s17+$0x3D60] =	vst v31;
	v31 =	vadd.f32 v32, v16;
	v32 =	vperm.xlane v45, v6  }
0x94: {  	v41 =	vperm.xlane v45, v9;
	v44 =	vld [tilespmem:s20+$0x1410];
	[tilespmem:s17+$0x3D70] =	vst v26;
	v26 =	vadd.f32 v28, v16;
	v28 =	vperm.xlane v45, v8  }
0x95: {  	v29 =	vmul.f32 v39, v29;
	v46 =	vld [tilespmem:s20+$0x20];
	[tilespmem:s17+$0x3D80] =	vst v27;
	v27 =	vmax.f32 v31, $0.0e+00;
	v31 =	vmul.f32 v32, v33  }
0x96: {  	v32 =	vld [tilespmem:s20+$0x1420];
	[tilespmem:s17+$0x3D90] =	vst v27;
	v26 =	vmax.f32 v26, $0.0e+00;
	v27 =	vmul.f32 v28, v30;
	v28 =	vmul.f32 v41, v34  }
0x97: {  	v29 =	vadd.f32 v29, v16;
	v30 =	vld [tilespmem:s20+$0x30];
	[tilespmem:s17+$0x3DA0] =	vst v26;
	v26 =	vadd.f32 v31, v16;
	v31 =	vperm.xlane v45, v10  }
0x98: {  	v34 =	vperm.xlane v45, v11;
	v33 =	vld [tilespmem:s20+$0x1430];
	v27 =	vadd.f32 v27, v16;
	v28 =	vadd.f32 v28, v16  }
0x99: {  	v29 =	vmax.f32 v29, $0.0e+00;
	v47 =	vld [tilespmem:s20+$0x40];
	v26 =	vmax.f32 v26, $0.0e+00;
	v31 =	vmul.f32 v31, v35  }
0x9a: {  	v35 =	vld [tilespmem:s20+$0x1440];
	[tilespmem:s17+$0x3DB0] =	vst v26;
	v26 =	vmax.f32 v27, $0.0e+00;
	v27 =	vmax.f32 v28, $0.0e+00;
	v28 =	vmul.f32 v34, v36  }
0x9b: {  	v36 =	vperm.xlane v45, v13;
	v34 =	vld [tilespmem:s20+$0x50];
	[tilespmem:s17+$0x3DC0] =	vst v29;
	v29 =	vadd.f32 v31, v16;
	v31 =	vperm.xlane v45, v12  }
0x9c: {  	v39 =	vperm.xlane v45, v15;
	v48 =	vld [tilespmem:s20+$0x1450];
	[tilespmem:s17+$0x3DD0] =	vst v26;
	v26 =	vadd.f32 v28, v16;
	v28 =	vperm.xlane v45, v14  }
0x9d: {  	v24 =	vmul.f32 v36, v24;
	v49 =	vld [tilespmem:s20+$0x60];
	[tilespmem:s17+$0x3DE0] =	vst v27;
	v27 =	vmax.f32 v29, $0.0e+00;
	v25 =	vmul.f32 v31, v25  }
0x9e: {  	v29 =	vld [tilespmem:s20+$0x1460];
	[tilespmem:s17+$0x3DF0] =	vst v27;
	v26 =	vmax.f32 v26, $0.0e+00;
	v27 =	vmul.f32 v28, v37;
	v28 =	vmul.f32 v39, v38  }
0x9f: {  	v24 =	vadd.f32 v24, v16;
	v36 =	vld [tilespmem:s20+$0x70];
	[tilespmem:s17+$0x3E00] =	vst v26;
	v25 =	vadd.f32 v25, v16  }
0xa0: {  	v37 =	vld [tilespmem:s20+$0x1470];
	v26 =	vadd.f32 v27, v16;
	v27 =	vadd.f32 v28, v16  }
0xa1: {  	v24 =	vmax.f32 v24, $0.0e+00;
	v38 =	vld [tilespmem:s20+$0x80];
	v25 =	vmax.f32 v25, $0.0e+00  }
0xa2: {  	v50 =	vld [tilespmem:s20+$0x1480];
	[tilespmem:s17+$0x3E10] =	vst v25;
	v25 =	vmax.f32 v26, $0.0e+00;
	v26 =	vmax.f32 v27, $0.0e+00  }
0xa3: {  	v51 =	vld [tilespmem:s20+$0x90];
	[tilespmem:s17+$0x3E20] =	vst v24  }
0xa4: {  	v24 =	vld [tilespmem:s20+$0x1490];
	[tilespmem:s17+$0x3E30] =	vst v25  }
0xa5: {  	v25 =	vld [tilespmem:s20+$0xA0];
	[tilespmem:s17+$0x3E40] =	vst v26;
	s17 =	smov.u32 s20  }
0xa6: {  	v52 =	vld [tilespmem:s17+$0x14A0]  }
0xa7: {  	v53 =	vld [tilespmem:s17+$0xB0]  }
0xa8: {  	v54 =	vld [tilespmem:s17+$0x14B0]  }
0xa9: {  	v55 =	vld [tilespmem:s17+$0xC0]  }
0xaa: {  	v56 =	vld [tilespmem:s17+$0x14C0]  }
0xab: {  	v57 =	vld [tilespmem:s17+$0xD0]  }
0xac: {  	v58 =	vld [tilespmem:s17+$0x14D0]  }
0xad: {  	v41 =	vld [tilespmem:s17+$0xE0]  }
0xae: {  	v31 =	vadd.f32 v44, v43;
	v39 =	vadd.f32 v40, v42;
	v43 =	vld [tilespmem:s17+$0x14E0]  }
0xaf: {  	v27 =	vadd.f32 v33, v30;
	v26 =	vadd.f32 v32, v46;
	v44 =	vld [tilespmem:s17+$0xF0]  }
.Ltmp0:
0xb0: {  	v28 =	vadd.f32 v48, v34;
	v32 =	vadd.f32 v35, v47;
	v45 =	vld [tilespmem:s17+$0x14F0];
	(pc) =	sbr.rel @p0 .LBB2_2-.Ltmp0, $4  }
0xb1: {  	v33 =	vadd.f32 v29, v49;
	v29 =	vadd.f32 v37, v36;
	v37 =	vld [tilespmem:s17+$0x2870]  }
0xb2: {  	v30 =	vadd.f32 v50, v38;
	v34 =	vadd.f32 v24, v51;
	v38 =	vld [tilespmem:s17+$0x2880]  }
0xb3: {  	v35 =	vadd.f32 v52, v25;
	v36 =	vadd.f32 v54, v53;
	v40 =	vld [tilespmem:s17+$0x2890]  }
0xb4: {  	s19 =	sadd.s32 $0x400, s19;
	v25 =	vadd.f32 v56, v55;
	v24 =	vadd.f32 v58, v57;
	v42 =	vld [tilespmem:s17+$0x28A0]  }
0xb5: {  	s18 =	sadd.s32 $0x10, s18  }
0xb6: {  	v41 =	vadd.f32 v43, v41;
	v18 =	vadd.f32 v18, v31;
	v31 =	vld [tilespmem:s18+$0x0]  }
0xb7: {  	v45 =	vadd.f32 v45, v44;
	v17 =	vadd.f32 v17, v39  }
0xb8: {  	v19 =	vadd.f32 v19, v26;
	v20 =	vadd.f32 v20, v27  }
0xb9: {  	v46 =	vld [tilespmem:s17+$0x28B0];
	v21 =	vadd.f32 v21, v32;
	v22 =	vadd.f32 v22, v28  }
0xba: {  	v23 =	vadd.f32 v23, v33;
	v49 =	vld [tilespmem:s17+$0x28E0];
	v50 =	vadd.f32 v37, v29  }
0xbb: {  	v52 =	vld [tilespmem:s17+$0x28F0];
	v51 =	vadd.f32 v38, v30;
	v55 =	vperm.xlane v31, v0;
	v56 =	vperm.xlane v31, v1  }
0xbc: {  	v47 =	vld [tilespmem:s17+$0x28C0];
	v53 =	vadd.f32 v40, v34;
	v57 =	vperm.xlane v31, v2;
	v58 =	vperm.xlane v31, v3  }
0xbd: {  	v48 =	vld [tilespmem:s17+$0x28D0];
	v54 =	vadd.f32 v42, v35;
	v61 =	vperm.xlane v31, v4;
	v62 =	vperm.xlane v31, v5  }
0xbe: {  	v34 =	vadd.f32 v46, v36;
	v63 =	vperm.xlane v31, v6;
	v40 =	vperm.xlane v31, v7  }
0xbf: {  	v59 =	vadd.f32 v49, v41;
	v41 =	vperm.xlane v31, v8;
	v42 =	vperm.xlane v31, v9  }
0xc0: {  	v60 =	vadd.f32 v52, v45;
	v52 =	vperm.xlane v31, v11;
	v17 =	vmul.f32 v55, v17  }
0xc1: {  	v25 =	vadd.f32 v47, v25;
	v18 =	vmul.f32 v56, v18;
	v19 =	vmul.f32 v57, v19  }
0xc2: {  	v24 =	vadd.f32 v48, v24;
	v20 =	vmul.f32 v58, v20;
	v21 =	vmul.f32 v61, v21  }
0xc3: {  	v22 =	vmul.f32 v62, v22;
	v43 =	vmul.f32 v63, v23;
	v17 =	vadd.f32 v17, v16  }
0xc4: {  	v44 =	vmul.f32 v40, v50;
	v46 =	vmul.f32 v41, v51;
	v18 =	vadd.f32 v18, v16  }
0xc5: {  	v47 =	vmul.f32 v42, v53;
	v19 =	vadd.f32 v19, v16;
	v17 =	vmax.f32 v17, $0.0e+00  }
0xc6: {  	v50 =	vperm.xlane v31, v10;
	v20 =	vadd.f32 v20, v16;
	v18 =	vmax.f32 v18, $0.0e+00;
	[tilespmem:s17+$0x3D50] =	vst v17  }
0xc7: {  	v56 =	vperm.xlane v31, v13;
	v21 =	vadd.f32 v21, v16;
	v19 =	vmax.f32 v19, $0.0e+00;
	[tilespmem:s17+$0x3D60] =	vst v18  }
0xc8: {  	v57 =	vperm.xlane v31, v14;
	v20 =	vmax.f32 v20, $0.0e+00;
	v17 =	vadd.f32 v22, v16;
	[tilespmem:s17+$0x3D70] =	vst v19  }
0xc9: {  	v58 =	vperm.xlane v31, v15;
	v51 =	vadd.f32 v47, v16;
	v45 =	vmax.f32 v21, $0.0e+00;
	[tilespmem:s17+$0x3D80] =	vst v20  }
0xca: {  	v48 =	vadd.f32 v43, v16;
	v49 =	vadd.f32 v44, v16;
	[tilespmem:s17+$0x3D90] =	vst v45;
	v17 =	vmax.f32 v17, $0.0e+00  }
0xcb: {  	v21 =	vadd.f32 v46, v16;
	v55 =	vmax.f32 v51, $0.0e+00;
	[tilespmem:s17+$0x3DA0] =	vst v17;
	v17 =	vmul.f32 v50, v54  }
0xcc: {  	v19 =	vmax.f32 v48, $0.0e+00;
	v18 =	vmul.f32 v52, v34;
	[tilespmem:s17+$0x3DE0] =	vst v55;
	v54 =	vperm.xlane v31, v12  }
0xcd: {  	v23 =	vmul.f32 v56, v24;
	v22 =	vmax.f32 v49, $0.0e+00;
	[tilespmem:s17+$0x3DB0] =	vst v19;
	v17 =	vadd.f32 v17, v16  }
0xce: {  	v53 =	vmax.f32 v21, $0.0e+00;
	[tilespmem:s17+$0x3DC0] =	vst v22;
	v18 =	vadd.f32 v18, v16;
	v21 =	vmul.f32 v54, v25  }
0xcf: {  	v59 =	vmul.f32 v57, v59;
	v61 =	vadd.f32 v23, v16;
	[tilespmem:s17+$0x3DD0] =	vst v53;
	v17 =	vmax.f32 v17, $0.0e+00  }
0xd0: {  	v60 =	vmul.f32 v58, v60;
	v21 =	vadd.f32 v21, v16;
	[tilespmem:s17+$0x3DF0] =	vst v17;
	v17 =	vmax.f32 v18, $0.0e+00  }
0xd1: {  	v63 =	vmax.f32 v61, $0.0e+00;
	[tilespmem:s17+$0x3E00] =	vst v17;
	v17 =	vadd.f32 v59, v16  }
0xd2: {  	[tilespmem:s17+$0x3E20] =	vst v63;
	v62 =	vmax.f32 v21, $0.0e+00;
	v16 =	vadd.f32 v60, v16  }
0xd3: {  	s16 =	sadd.s32 $0x1, s16;
	[tilespmem:s17+$0x3E10] =	vst v62;
	v17 =	vmax.f32 v17, $0.0e+00  }
0xd4: {  	p0 =	sne.s32 s16, s9;
	v16 =	vmax.f32 v16, $0.0e+00;
	[tilespmem:s17+$0x3E30] =	vst v17  }
.Ltmp1:
0xd5: {  	[tilespmem:s17+$0x3E40] =	vst v16;
	(pc) =	sbr.rel @p0 .LBB2_1-.Ltmp1, $4  }
0xd6: {  	[hbm4b:s8+s3] =	stream.linear.scatter [tilespmem:s14], [sflag:$0x2], $0x1400, $0x38;
	[tilespmem:$0x5150] =	vst v63  }
0xd7: {  	_ =	swait.ge [sflag:s15], $0x1400  }
0xd8: {  	[sflag:s15] =	ssyncset.done $0x0  }
0xd9: {  	[sflag:s15] =	ssyncadd.s32 $0xFFFFEC00  }
0xda: {  	_ =	sfence.sel $0x180000  }
0xdb: {  	[bflag:$0x0] =	sbarrier.arrive $0xFFFF  }
0xdc: {  	p0 =	sne.s32 s0, $0x0;
	_ =	strace $0x9000004D  }
0xdd: {  	s0 =	sadd.s32 @!p0 $0x100000, s1;
	[bflag:$0x2] =	sbarrier.arrive $0xFFFF  }
0xde: {  	[sflag:s0] =	ssyncadd.tile.s32 @!p0 $0x1;
	_ =	shalt  }
.Lfunc_end2:
_tile_overlayer_lowered:
.L_overlay_start_2:
0xdf: {  	(tag) =	ssettag $0x2  }
0xe0: {  	s0 =	rddreg [dreg:$0x0];
	s2 =	stileid.u32  }
0xe1: {  	s1 =	rddreg [dreg:$0x1];
	p0 =	sne.s32 s2, $0x0  }
0xe2: {  	s3 =	rddreg [dreg:$0x2];
	[bflag:$0x3] =	sbarrier.arrive $0xFFFF;
	s2 =	simm.s32 @!p0 $0x1C02  }
0xe3: {  	[timem:s3], [sflag:s2] =	dma.local @!p0 [hbm:s0], s1  }
0xe4: {  	s0 =	simm.s32 @!p0 $0x2  }
0xe5: {  	_ =	swait.ge @!p0 [sflag:s0], s1  }
0xe6: {  	s1 =	ssub.s32 @!p0 $0x0, s1;
	[sflag:s0] =	ssyncset.done @!p0 $0x0  }
0xe7: {  	[sflag:s0] =	ssyncadd.s32 @!p0 s1  }
0xe8: {  	[bflag:$0x3] =	sbarrier.arrive $0xFFFF  }
0xe9: {  	_ =	shalt  }

// kernel: kernel.7.cloned.1.call-start
scs
__scs_entry_jumppad:
0x0: {  	(pc) =	sbr.rel $0x88, $3  }
0x1: {  	(tag) =	ssettag $0x0;
	lr =	simm.s32 $0x1  }
0x2: {  	[smem:$0x3F9D] =	sst lr;
	_ =	strace $0xD0000000  }
0x3: {  	_ = 	snop  }
0x4: {  	_ = 	snop  }
0x5: {  	_ = 	snop  }
0x6: {  	_ = 	snop  }
0x7: {  	_ = 	snop  }
__scs_overlays_trampoline_lowered:
0x8: {  	[smem:$0x3FAC] =	sst s0  }
0x9: {  	[smem:$0x3FAD] =	sst s1  }
0xa: {  	[smem:$0x3FAE] =	sst s2  }
0xb: {  	[smem:$0x3FAF] =	sst s3  }
0xc: {  	[smem:$0x3FB0] =	sst s4  }
0xd: {  	[smem:$0x3FB1] =	sst s5  }
0xe: {  	[smem:$0x3FB2] =	sst s6  }
0xf: {  	[smem:$0x3FB3] =	sst s7  }
0x10: {  	[smem:$0x3FB4] =	sst s8  }
0x11: {  	[smem:$0x3FB5] =	sst s9;
	s0 =	simm.s32 @!p0 $0x0  }
0x12: {  	s1 =	sld [smem:$0x3F9B];
	s0 =	simm.s32 @p0 $0x1  }
0x13: {  	[smem:$0x3FB6] =	sst s0;
	s0 =	simm.s32 @!p1 $0x0  }
0x14: {  	s2 =	sld [smem:$0x3F9A];
	s0 =	simm.s32 @p1 $0x1  }
0x15: {  	[smem:$0x3FB7] =	sst s0;
	s0 =	simm.s32 @!p2 $0x0  }
0x16: {  	s3 =	sld [smem:$0x3FDB];
	s0 =	simm.s32 @p2 $0x1  }
0x17: {  	s4 =	simm.s32 $0x1BF5;
	[smem:$0x3FB9] =	sst s0  }
0x18: {  	s0 =	sld [smem:$0x3F9C];
	_ =	swait.ge [sflag:s4], $0x0  }
0x19: {  	s7 =	sld [smem:$0x3F9D]  }
0x1a: {  	s8 =	sadd.s32 $0xFFFFE003, lr  }
0x1b: {  	s9 =	sadd.s32 $0xFFFFFEF7, lr;
	s5 =	simm.s32 $0xFFFFFFFF;
	p2 =	slt.u32 s8, $0xFFFFF086  }
0x1c: {  	p1 =	slt.u32 s9, $0xF7A;
	s5 =	simm.s32 @!p2 $0x0  }
0x1d: {  	s5 =	simm.s32 @p1 $0x1;
	p0 =	seq.s32 s7, s2  }
0x1e: {  	s7 =	smul.u32 @!p0 $0xF7A, s2;
	p2 =	seq.s32 @!p0 s5, $0x0  }
0x1f: {  	s9 =	smul.u32 $0xF7A, s1;
	s8 =	simm.s32 @!p0 $0x1BF5;
	p2 =	por !p2, p0  }
0x20: {  	[sflag:s8] =	ssyncset.s32 @!p0 $0xFFFFF086;
	s6 =	sadd.s32 @!p0 s3, s7;
	s7 =	simm.s32 @!p0 $0x108  }
0x21: {  	s3 =	sadd.s32 s3, s9;
	s6 =	sadd.s32 @!p0 $0x88, s6;
	s7 =	simm.s32 @p2 $0x1082  }
0x22: {  	[simem:s7], [sflag:s8] =	dma.local @!p0 [hbm:s6], $0xF7A  }
0x23: {  	s9 =	sor.u32 $0xD0000000, s2;
	s6 =	simm.s32 $0x108;
	_ =	swait.ge @!p0 [sflag:s8], $0x0  }
0x24: {  	s3 =	sadd.s32 $0x88, s3;
	s6 =	simm.s32 @!p1 $0x1082;
	[sflag:s4] =	ssyncset.s32 $0xFFFFF086  }
0x25: {  	[simem:s6], [sflag:s4] =	dma.local [hbm:s3], $0xF7A  }
0x26: {  	[smem:$0x3F9D] =	sst s1;
	(tag) =	ssettag s2;
	_ =	strace s9  }
0x27: {  	s1 =	sld [smem:$0x3FAD]  }
0x28: {  	s2 =	sld [smem:$0x3FAE]  }
0x29: {  	s4 =	sld [smem:$0x3FB0]  }
0x2a: {  	p0 =	seq.s32 s5, $0x0;
	s5 =	sld [smem:$0x3FB1]  }
0x2b: {  	s6 =	sld [smem:$0x3FB2]  }
0x2c: {  	s7 =	sld [smem:$0x3FB3]  }
0x2d: {  	s3 =	simm.s32 $0x108;
	s8 =	sld [smem:$0x3FB4]  }
0x2e: {  	s3 =	simm.s32 @!p0 $0x1082;
	s9 =	sld [smem:$0x3FB5]  }
0x2f: {  	lr =	sadd.s32 s0, s3;
	s0 =	sld [smem:$0x3FAC]  }
0x30: {  	s3 =	sld [smem:$0x3FAF]  }
0x31: {  	[smem:$0x3FB8] =	sst s10  }
0x32: {  	s10 =	sld [smem:$0x3FB6];
	_ =	sdelay $0x3  }
0x33: {  	p0 =	seq.s32 s10, $0x1;
	s10 =	sld [smem:$0x3FB8];
	_ =	sdelay $0x3  }
0x34: {  	[smem:$0x3FB8] =	sst s10  }
0x35: {  	s10 =	sld [smem:$0x3FB7];
	_ =	sdelay $0x3  }
0x36: {  	p1 =	seq.s32 s10, $0x1;
	s10 =	sld [smem:$0x3FB8];
	_ =	sdelay $0x3  }
0x37: {  	[smem:$0x3FB8] =	sst s10  }
0x38: {  	s10 =	sld [smem:$0x3FB9]  }
0x39: {  	_ = 	snop;
	(pc) =	sbr.ind lr, $3  }
0x3a: {  	_ = 	snop  }
0x3b: {  	_ = 	snop  }
0x3c: {  	p2 =	seq.s32 s10, $0x1;
	s10 =	sld [smem:$0x3FB8]  }
0x3d: {  	_ =	shalt  }
0x3e: {  	_ =	shalt  }
0x3f: {  	_ =	shalt  }
0x40: {  	_ =	shalt  }
0x41: {  	_ =	shalt  }
0x42: {  	_ =	shalt  }
0x43: {  	_ =	shalt  }
0x44: {  	_ =	shalt  }
0x45: {  	_ =	shalt  }
0x46: {  	_ =	shalt  }
0x47: {  	_ =	shalt  }
0x48: {  	_ =	shalt  }
0x49: {  	_ =	shalt  }
0x4a: {  	_ =	shalt  }
0x4b: {  	_ =	shalt  }
0x4c: {  	_ =	shalt  }
0x4d: {  	_ =	shalt  }
0x4e: {  	_ =	shalt  }
0x4f: {  	_ =	shalt  }
0x50: {  	_ =	shalt  }
0x51: {  	_ =	shalt  }
0x52: {  	_ =	shalt  }
0x53: {  	_ =	shalt  }
0x54: {  	_ =	shalt  }
0x55: {  	_ =	shalt  }
0x56: {  	_ =	shalt  }
0x57: {  	_ =	shalt  }
0x58: {  	_ =	shalt  }
0x59: {  	_ =	shalt  }
0x5a: {  	_ =	shalt  }
0x5b: {  	_ =	shalt  }
0x5c: {  	_ =	shalt  }
0x5d: {  	_ =	shalt  }
0x5e: {  	_ =	shalt  }
0x5f: {  	_ =	shalt  }
0x60: {  	_ =	shalt  }
0x61: {  	_ =	shalt  }
0x62: {  	_ =	shalt  }
0x63: {  	_ =	shalt  }
0x64: {  	_ =	shalt  }
0x65: {  	_ =	shalt  }
0x66: {  	_ =	shalt  }
0x67: {  	_ =	shalt  }
0x68: {  	_ =	shalt  }
0x69: {  	_ =	shalt  }
0x6a: {  	_ =	shalt  }
0x6b: {  	_ =	shalt  }
0x6c: {  	_ =	shalt  }
0x6d: {  	_ =	shalt  }
0x6e: {  	_ =	shalt  }
0x6f: {  	_ =	shalt  }
0x70: {  	_ =	shalt  }
0x71: {  	_ =	shalt  }
0x72: {  	_ =	shalt  }
0x73: {  	_ =	shalt  }
0x74: {  	_ =	shalt  }
0x75: {  	_ =	shalt  }
0x76: {  	_ =	shalt  }
0x77: {  	_ =	shalt  }
0x78: {  	_ =	shalt  }
0x79: {  	_ =	shalt  }
0x7a: {  	_ =	shalt  }
0x7b: {  	_ =	shalt  }
0x7c: {  	_ =	shalt  }
0x7d: {  	_ =	shalt  }
0x7e: {  	_ =	shalt  }
0x7f: {  	_ =	shalt  }
0x80: {  	_ =	shalt  }
0x81: {  	_ =	shalt  }
0x82: {  	_ =	shalt  }
0x83: {  	_ =	shalt  }
0x84: {  	_ =	shalt  }
0x85: {  	_ =	shalt  }
0x86: {  	_ =	shalt  }
0x87: {  	_ =	shalt  }
.Lfunc_end0:
.L_simem_size_0:
called_computation_lowered:
.L_overlay_start_0:
0x88: {  	s2 =	sld [smem:$0x3FD9]  }
0x89: {  	s3 =	sld [smem:$0x3FFE];
	_ =	sdelay $0x1  }
0x8a: {  	s1 =	srdreg.scid  }
0x8b: {  	s0 =	sand.u32 $0x1, s1  }
0x8c: {  	s17 =	sshll.u32 s0, $0xA;
	s2 =	sadd.s32 s3, s2  }
0x8d: {  	s2 =	sadd.s32 s2, s17  }
0x8e: {  	[smem:$0x3FC4] =	sst s2  }
0x8f: {  	_ = 	snop  }
0x90: {  	s2 =	sld [smem:$0x3FD0];
	(tm) =	ssettm $0x1  }
0x91: {  	s18 =	sld [smem:$0x3FFB];
	_ =	sdelay $0x3  }
0x92: {  	_ =	strace s18  }
0x93: {  	s3 =	sld [smem:$0x3FFC];
	_ =	sdelay $0x3  }
0x94: {  	_ =	strace s3  }
0x95: {  	s3 =	sld [smem:$0x3FFD];
	_ =	sdelay $0x3  }
0x96: {  	_ =	strace s3  }
0x97: {  	_ =	strace $0x8FFFFFFF  }
0x98: {  	s19 =	sld [smem:$0x3FDB];
	_ =	sdelay $0x1  }
0x99: {  	s4 =	simm.s32 $_scs_section_size  }
0x9a: {  	s5 =	simm.s32 $_size__tile_overlayer_lowered;
	s6 =	simm.s32 $_tile_overlayer_lowered  }
0x9b: {  	s22 =	simm.s32 $0x1BFF;
	s21 =	sshll.u32 s6, $0x1;
	s3 =	sadd.s32 s4, s19  }
0x9c: {  	s7 =	simm.s32 $0x0;
	s20 =	sshll.u32 s5, $0x1;
	s5 =	sadd.s32 s21, s3  }
0x9d: {  	[timem:s7], [sflag:s22] =	dma.local [hbm:s5], s20  }
0x9e: {  	_ =	swait.ge [sflag:s22], s20  }
0x9f: {  	s4 =	ssub.s32 $0x0, s20;
	[sflag:s22] =	ssyncset.done $0x0  }
0xa0: {  	[sflag:s22] =	ssyncadd.s32 s4;
	_ =	sdelay $0x1  }
0xa1: {  	s23 =	simm.s32 $0x1B8B  }
0xa2: {  	_ =	swait.ge [sflag:s23], $0x1  }
0xa3: {  	[sflag:s23] =	ssyncset.done $0x0  }
0xa4: {  	s25 =	simm.s32 $0x1B8E;
	s24 =	sld [smem:$0x3FFE];
	[sflag:s23] =	ssyncadd.s32 $0xFFFFFFFF  }
0xa5: {  	s26 =	simm.s32 $execute0_lowered;
	[smem:$0x3FD2] =	sst s25  }
0xa6: {  	s5 =	sshll.u32 s26, $0x1;
	_ =	strace $0x80000046;
	[dreg:$0x1] =	wrdreg $0xFFFFFFFF  }
0xa7: {  	s28 =	simm.s32 $_size_execute0_lowered;
	s3 =	sadd.s32 s3, s5;
	[dreg:$0x0] =	wrdreg $0x0  }
0xa8: {  	s5 =	sshll.u32 s28, $0x1;
	[dreg:$0x2] =	wrdreg s3  }
0xa9: {  	[dreg:$0x3] =	wrdreg s5  }
0xaa: {  	[dreg:$0x4] =	wrdreg $0xC0  }
0xab: {  	_ =	task [dreg:s7], $0x5FFFF  }
0xac: {  	[dreg:$0x1] =	wrdreg $0xFFFFFFFF  }
0xad: {  	[dreg:$0x0] =	wrdreg $0x60  }
0xae: {  	[dreg:$0x2] =	wrdreg s2  }
0xaf: {  	[dreg:$0x3] =	wrdreg s24  }
0xb0: {  	[dreg:$0x4] =	wrdreg $0x2E800  }
0xb1: {  	[dreg:$0x5] =	wrdreg $0x9  }
0xb2: {  	_ =	task.clear_ibuf [dreg:s7], $0x6FFFF;
	_ =	strace $0x90000046  }
0xb3: {  	s29 =	simm.s32 $0x9;
	_ =	strace $0x80000048  }
0xb4: {  	_ =	swait.ge [sflag:s29], $0x1  }
0xb5: {  	[sflag:s29] =	ssyncadd.s32 $0xFFFFFFFF  }
0xb6: {  	_ =	strace $0x90000048  }
0xb7: {  	_ =	sfence  }
0xb8: {  	s30 =	sld [smem:$0x0];
	_ =	sdelay $0x2  }
0xb9: {  	s31 =	sshll.u32 s1, $0xD;
	s1 =	sshrl.u32 s1, $0x2  }
0xba: {  	s3 =	sand.u32 $0x4000, s31;
	s1 =	sadd.s32 s1, s30  }
0xbb: {  	s0 =	sor.u32 s3, s0;
	s1 =	sshll.u32 s1, $0x11  }
0xbc: {  	s0 =	sor.u32 s1, s0  }
0xbd: {  	s0 =	sadd.s32 $0x8F2B, s0  }
0xbe: {  	[sflag:s0] =	ssyncadd.remote.s32 $0x1  }
0xbf: {  	_ =	sfence.sel $0xFFFF  }
0xc0: {  	[dreg:$0x0] =	wrdreg $0xFFFFFFFF;
	(pc) =	sbr.abs _section_cstart, $3  }
0xc1: {  	[dreg:$0x1] =	wrdreg $0xFFFFFFFF  }
0xc2: {  	_ =	task.clear_ibuf [dreg:s7], $0x2FFFF;
	_ =	strace $0x9FFFFFFF  }
0xc3: {  	(tm) =	ssettm $0x7FFFFFFF  }
tec
execute0_lowered:
.L_overlay_start_1:
0x0: {  	(tag) =	ssettag $0x1  }
0x1: {  	s5 =	rddreg [dreg:$0x0]  }
0x2: {  	s6 =	rddreg [dreg:$0x1]  }
0x3: {  	s0 =	srdreg.scid;
	s2 =	rddreg [dreg:$0x2];
	s3 =	simm.s32 $0x0  }
0x4: {  	s14 =	simm.s32 $0x400;
	s15 =	simm.s32 $0x800;
	s16 =	simm.s32 $0xC00  }
0x5: {  	s17 =	simm.s32 $0x1000;
	s18 =	simm.s32 $0x1400;
	s19 =	simm.s32 $0x1800  }
0x6: {  	s20 =	simm.s32 $0x1C00;
	s21 =	simm.s32 $0x2000;
	s22 =	simm.s32 $0x2400  }
0x7: {  	s23 =	simm.s32 $0x2C00;
	s24 =	simm.s32 $0x3;
	s25 =	simm.s32 $0x2  }
0x8: {  	s28 =	simm.s32 $0x1;
	s4 =	sand.u32 $0x1, s0;
	s0 =	stileid.u32  }
0x9: {  	[smem:$0x7FF] =	sst s3;
	s1 =	sshll.u32 s4, $0x4;
	s11 =	smul.u32 $0x280, s0  }
0xa: {  	s8 =	smul.u32 $0x2800, s4;
	s4 =	ssub.s32 $0x2, s4;
	s1 =	sor.u32 s0, s1  }
0xb: {  	s30 =	sshrl.u32 s4, $0x1;
	s7 =	smul.u32 $0x2710, s1;
	s1 =	rddreg [dreg:$0x3]  }
0xc: {  	s8 =	sadd.s32 s11, s8;
	_ =	strace $0x80000047;
	s13 =	ssub.s32 s4, s30  }
0xd: {  	s11 =	sadd.s32 s11, s2;
	s26 =	sshrl.u32 s8, $0x3;
	s7 =	sshrl.u32 s7, $0x3  }
0xe: {  	s13 =	smax.u32 s13, $0x1;
	s12 =	sadd.s32 s26, s6;
	s10 =	sadd.s32 s5, s7  }
0xf: {  	s26 =	simm.s32 $0x2800;
	s12 =	sadd.s32 $0x1A00, s12;
	s7 =	sadd.s32 $0x9C40, s10  }
0x10: {  	v7 =	vlaneseq.u32;
	v8 =	vimm.f32 $1.000000000e+00;
	s29 =	sadd.s32 $0x9CC0, s10;
	s31 =	sadd.s32 $0x9D40, s10;
	s4 =	sadd.s32 $0x9DC0, s10  }
0x11: {  	v9 =	vimm.f32 $0.0e+00;
	v0 =	vor.u32 $0x2710, v7;
	v1 =	vor.u32 $0x2720, v7;
	s5 =	sadd.s32 $0x9E40, s10;
	s6 =	sadd.s32 $0x9EC0, s10;
	[dreg:$0x4] =	wrdreg s7  }
0x12: {  	v2 =	vor.u32 $0x2730, v7;
	v3 =	vor.u32 $0x2740, v7;
	v4 =	vor.u32 $0x2750, v7;
	s8 =	sadd.s32 $0x9FC0, s10;
	s9 =	sadd.s32 $0xA040, s10;
	[dreg:$0x5] =	wrdreg s29  }
0x13: {  	v5 =	vor.u32 $0x2760, v7;
	v6 =	vor.u32 $0x2770, v7;
	v7 =	vor.u32 $0x2780, v7;
	[dreg:$0x6] =	wrdreg s31;
	s7 =	sadd.s32 $0x9F40, s10;
	s10 =	sadd.s32 $0xA0C0, s10  }
.LBB2_1:
0x14: {  	s29 =	rddreg [dreg:$0x4]  }
0x15: {  	[tilespmem:s3], [sflag:$0x2] =	stream.linear.gather [hbm4b:s29+s3], $0x400, $0x38;
	[tilespmem:$0x3100] =	vst v63  }
0x16: {  	s30 =	rddreg [dreg:$0x5]  }
0x17: {  	[tilespmem:s14], [sflag:$0x2] =	stream.linear.gather [hbm4b:s30+s3], $0x400, $0x38;
	[tilespmem:$0x3100] =	vst v63  }
0x18: {  	s31 =	rddreg [dreg:$0x6]  }
0x19: {  	[tilespmem:s15], [sflag:$0x2] =	stream.linear.gather [hbm4b:s31+s3], $0x400, $0x38;
	[tilespmem:$0x3100] =	vst v63  }
0x1a: {  	_ = 	snop  }
0x1b: {  	[tilespmem:s16], [sflag:$0x2] =	stream.linear.gather [hbm4b:s4+s3], $0x400, $0x38;
	[tilespmem:$0x3100] =	vst v63  }
0x1c: {  	_ = 	snop  }
0x1d: {  	[tilespmem:s17], [sflag:$0x2] =	stream.linear.gather [hbm4b:s5+s3], $0x400, $0x38;
	[tilespmem:$0x3100] =	vst v63  }
0x1e: {  	_ = 	snop  }
0x1f: {  	[tilespmem:s18], [sflag:$0x2] =	stream.linear.gather [hbm4b:s6+s3], $0x400, $0x38;
	[tilespmem:$0x3100] =	vst v63  }
0x20: {  	_ = 	snop  }
0x21: {  	[tilespmem:s19], [sflag:$0x2] =	stream.linear.gather [hbm4b:s7+s3], $0x400, $0x38;
	[tilespmem:$0x3100] =	vst v63  }
0x22: {  	_ = 	snop  }
0x23: {  	[tilespmem:s20], [sflag:$0x2] =	stream.linear.gather [hbm4b:s8+s3], $0x400, $0x38;
	[tilespmem:$0x3100] =	vst v63  }
0x24: {  	_ = 	snop  }
0x25: {  	[tilespmem:s21], [sflag:$0x2] =	stream.linear.gather [hbm4b:s9+s3], $0x400, $0x38;
	[tilespmem:$0x3100] =	vst v63  }
0x26: {  	[tilespmem:$0x2710] =	vst v0  }
0x27: {  	[tilespmem:$0x2720] =	vst v1  }
0x28: {  	[tilespmem:$0x2730] =	vst v2  }
0x29: {  	[tilespmem:$0x2740] =	vst v3  }
0x2a: {  	[tilespmem:$0x2750] =	vst v4  }
0x2b: {  	[tilespmem:$0x2760] =	vst v5  }
0x2c: {  	[tilespmem:$0x2770] =	vst v6  }
0x2d: {  	[tilespmem:$0x2780] =	vst v7  }
0x2e: {  	[tilespmem:$0x2790] =	vst v0  }
0x2f: {  	[tilespmem:$0x27A0] =	vst v1  }
0x30: {  	[tilespmem:$0x27B0] =	vst v2  }
0x31: {  	[tilespmem:$0x27C0] =	vst v3  }
0x32: {  	[tilespmem:$0x27D0] =	vst v4  }
0x33: {  	[tilespmem:$0x27E0] =	vst v5  }
0x34: {  	[tilespmem:$0x27F0] =	vst v6  }
0x35: {  	[tilespmem:s22], [sflag:$0x2] =	stream.linear.gather [hbm4b:s10+s3], $0x310, $0x38;
	[tilespmem:$0x3100] =	vst v63  }
0x36: {  	[tilespmem:$0x2800] =	vst v8  }
0x37: {  	[tilespmem:$0x2810] =	vst v8  }
0x38: {  	[tilespmem:$0x2820] =	vst v8  }
0x39: {  	[tilespmem:$0x2830] =	vst v8  }
0x3a: {  	[tilespmem:$0x2840] =	vst v8  }
0x3b: {  	[tilespmem:$0x2850] =	vst v8  }
0x3c: {  	[tilespmem:$0x2860] =	vst v8  }
0x3d: {  	[tilespmem:$0x2870] =	vst v8  }
0x3e: {  	[tilespmem:$0x2880] =	vst v8  }
0x3f: {  	[tilespmem:$0x2890] =	vst v8  }
0x40: {  	[tilespmem:$0x28A0] =	vst v8  }
0x41: {  	[tilespmem:$0x28B0] =	vst v8  }
0x42: {  	[tilespmem:$0x28C0] =	vst v8  }
0x43: {  	[tilespmem:$0x28D0] =	vst v8  }
0x44: {  	[tilespmem:$0x28E0] =	vst v8  }
0x45: {  	[tilespmem:$0x28F0] =	vst v8  }
0x46: {  	[tilespmem:$0x2900] =	vst v8  }
0x47: {  	[tilespmem:$0x2910] =	vst v8  }
0x48: {  	[tilespmem:$0x2920] =	vst v8  }
0x49: {  	[tilespmem:$0x2930] =	vst v8  }
0x4a: {  	[tilespmem:$0x2940] =	vst v8  }
0x4b: {  	[tilespmem:$0x2950] =	vst v8  }
0x4c: {  	[tilespmem:$0x2960] =	vst v8  }
0x4d: {  	[tilespmem:$0x2970] =	vst v8  }
0x4e: {  	[tilespmem:$0x2980] =	vst v8  }
0x4f: {  	[tilespmem:$0x2990] =	vst v8  }
0x50: {  	[tilespmem:$0x29A0] =	vst v8  }
0x51: {  	[tilespmem:$0x29B0] =	vst v8  }
0x52: {  	[tilespmem:$0x29C0] =	vst v8  }
0x53: {  	[tilespmem:$0x29D0] =	vst v8  }
0x54: {  	[tilespmem:$0x29E0] =	vst v8  }
0x55: {  	[tilespmem:$0x29F0] =	vst v8  }
0x56: {  	[tilespmem:$0x2A00] =	vst v8  }
0x57: {  	[tilespmem:$0x2A10] =	vst v8  }
0x58: {  	[tilespmem:$0x2A20] =	vst v8  }
0x59: {  	[tilespmem:$0x2A30] =	vst v8  }
0x5a: {  	[tilespmem:$0x2A40] =	vst v8  }
0x5b: {  	[tilespmem:$0x2A50] =	vst v8  }
0x5c: {  	[tilespmem:$0x2A60] =	vst v8  }
0x5d: {  	[tilespmem:$0x2A70] =	vst v8  }
0x5e: {  	[tilespmem:$0x2A80] =	vst v8  }
0x5f: {  	[tilespmem:$0x2A90] =	vst v8  }
0x60: {  	[tilespmem:$0x2AA0] =	vst v8  }
0x61: {  	[tilespmem:$0x2AB0] =	vst v8  }
0x62: {  	[tilespmem:$0x2AC0] =	vst v8  }
0x63: {  	[tilespmem:$0x2AD0] =	vst v8  }
0x64: {  	[tilespmem:$0x2AE0] =	vst v8  }
0x65: {  	[tilespmem:$0x2AF0] =	vst v8  }
0x66: {  	[tilespmem:$0x2B00] =	vst v8  }
0x67: {  	[tilespmem:$0x2B10] =	vst v8  }
0x68: {  	[tilespmem:$0x2B20] =	vst v8  }
0x69: {  	[tilespmem:$0x2B30] =	vst v8  }
0x6a: {  	[tilespmem:$0x2B40] =	vst v8  }
0x6b: {  	[tilespmem:$0x2B50] =	vst v8  }
0x6c: {  	[tilespmem:$0x2B60] =	vst v8  }
0x6d: {  	[tilespmem:$0x2B70] =	vst v8  }
0x6e: {  	[tilespmem:$0x2B80] =	vst v8  }
0x6f: {  	[tilespmem:$0x2B90] =	vst v8  }
0x70: {  	[tilespmem:$0x2BA0] =	vst v8  }
0x71: {  	[tilespmem:$0x2BB0] =	vst v8  }
0x72: {  	[tilespmem:$0x2BC0] =	vst v8  }
0x73: {  	[tilespmem:$0x2BD0] =	vst v8  }
0x74: {  	[tilespmem:$0x2BE0] =	vst v8  }
0x75: {  	[tilespmem:$0x2BF0] =	vst v8  }
0x76: {  	[tilespmem:$0x2C00] =	vst v9  }
0x77: {  	[tilespmem:$0x2C10] =	vst v9  }
0x78: {  	[tilespmem:$0x2C20] =	vst v9  }
0x79: {  	[tilespmem:$0x2C30] =	vst v9  }
0x7a: {  	[tilespmem:$0x2C40] =	vst v9  }
0x7b: {  	[tilespmem:$0x2C50] =	vst v9  }
0x7c: {  	[tilespmem:$0x2C60] =	vst v9  }
0x7d: {  	[tilespmem:$0x2C70] =	vst v9  }
0x7e: {  	[tilespmem:$0x2C80] =	vst v9  }
0x7f: {  	[tilespmem:$0x2C90] =	vst v9  }
0x80: {  	[tilespmem:$0x2CA0] =	vst v9  }
0x81: {  	[tilespmem:$0x2CB0] =	vst v9  }
0x82: {  	[tilespmem:$0x2CC0] =	vst v9  }
0x83: {  	[tilespmem:$0x2CD0] =	vst v9  }
0x84: {  	[tilespmem:$0x2CE0] =	vst v9  }
0x85: {  	[tilespmem:$0x2CF0] =	vst v9  }
0x86: {  	[tilespmem:$0x2D00] =	vst v9  }
0x87: {  	[tilespmem:$0x2D10] =	vst v9  }
0x88: {  	[tilespmem:$0x2D20] =	vst v9  }
0x89: {  	[tilespmem:$0x2D30] =	vst v9  }
0x8a: {  	[tilespmem:$0x2D40] =	vst v9  }
0x8b: {  	[tilespmem:$0x2D50] =	vst v9  }
0x8c: {  	[tilespmem:$0x2D60] =	vst v9  }
0x8d: {  	[tilespmem:$0x2D70] =	vst v9  }
0x8e: {  	[tilespmem:$0x2D80] =	vst v9  }
0x8f: {  	[tilespmem:$0x2D90] =	vst v9  }
0x90: {  	[tilespmem:$0x2DA0] =	vst v9  }
0x91: {  	[tilespmem:$0x2DB0] =	vst v9  }
0x92: {  	[tilespmem:$0x2DC0] =	vst v9  }
0x93: {  	[tilespmem:$0x2DD0] =	vst v9  }
0x94: {  	[tilespmem:$0x2DE0] =	vst v9  }
0x95: {  	[tilespmem:$0x2DF0] =	vst v9  }
0x96: {  	[tilespmem:$0x2E00] =	vst v9  }
0x97: {  	[tilespmem:$0x2E10] =	vst v9  }
0x98: {  	[tilespmem:$0x2E20] =	vst v9  }
0x99: {  	[tilespmem:$0x2E30] =	vst v9  }
0x9a: {  	[tilespmem:$0x2E40] =	vst v9  }
0x9b: {  	[tilespmem:$0x2E50] =	vst v9  }
0x9c: {  	[tilespmem:$0x2E60] =	vst v9  }
0x9d: {  	[tilespmem:$0x2E70] =	vst v9  }
0x9e: {  	[spmem:s11] =	stream.linear.scatter [tilespmem:s23], [sflag:$0x3], $0x280, $0x38;
	[tilespmem:$0x3100] =	vst v63  }
0x9f: {  	_ =	swait.ge [sflag:s24], $0x280  }
0xa0: {  	[sflag:s24] =	ssyncset.done $0x0  }
0xa1: {  	[sflag:s24] =	ssyncadd.s32 $0xFFFFFD80  }
0xa2: {  	_ =	swait.ge [sflag:s25], $0x400  }
0xa3: {  	[sflag:s25] =	ssyncset.done $0x0  }
0xa4: {  	[sflag:s25] =	ssyncadd.s32 $0xFFFFFC00  }
0xa5: {  	_ =	swait.ge [sflag:s25], $0x400  }
0xa6: {  	[sflag:s25] =	ssyncset.done $0x0  }
0xa7: {  	[sflag:s25] =	ssyncadd.s32 $0xFFFFFC00  }
0xa8: {  	_ =	swait.ge [sflag:s25], $0x400  }
0xa9: {  	[sflag:s25] =	ssyncset.done $0x0  }
0xaa: {  	[sflag:s25] =	ssyncadd.s32 $0xFFFFFC00  }
0xab: {  	_ =	swait.ge [sflag:s25], $0x400  }
0xac: {  	[sflag:s25] =	ssyncset.done $0x0  }
0xad: {  	[sflag:s25] =	ssyncadd.s32 $0xFFFFFC00  }
0xae: {  	_ =	swait.ge [sflag:s25], $0x400  }
0xaf: {  	[sflag:s25] =	ssyncset.done $0x0  }
0xb0: {  	[sflag:s25] =	ssyncadd.s32 $0xFFFFFC00  }
0xb1: {  	_ =	swait.ge [sflag:s25], $0x400  }
0xb2: {  	[sflag:s25] =	ssyncset.done $0x0  }
0xb3: {  	[sflag:s25] =	ssyncadd.s32 $0xFFFFFC00  }
0xb4: {  	_ =	swait.ge [sflag:s25], $0x400  }
0xb5: {  	[sflag:s25] =	ssyncset.done $0x0  }
0xb6: {  	[sflag:s25] =	ssyncadd.s32 $0xFFFFFC00  }
0xb7: {  	_ =	swait.ge [sflag:s25], $0x400  }
0xb8: {  	[sflag:s25] =	ssyncset.done $0x0  }
0xb9: {  	[sflag:s25] =	ssyncadd.s32 $0xFFFFFC00  }
0xba: {  	_ =	swait.ge [sflag:s25], $0x400  }
0xbb: {  	[sflag:s25] =	ssyncset.done $0x0  }
0xbc: {  	[sflag:s25] =	ssyncadd.s32 $0xFFFFFC00  }
0xbd: {  	_ =	swait.ge [sflag:s25], $0x310  }
0xbe: {  	[sflag:s25] =	ssyncset.done $0x0  }
0xbf: {  	[sflag:s25] =	ssyncadd.s32 $0xFFFFFCF0  }
0xc0: {  	[bflag:$0x0] =	sbarrier.arrive $0xFFFF  }
0xc1: {  	[spmem:s2] =	stream.indirect.scatter.add.f32 [tilespmem:s26], [sflag:$0x1], $0x1, s3, s14, $0xb8;
	[tilespmem:$0x3100] =	vst v63  }
0xc2: {  	_ = 	snop  }
0xc3: {  	[spmem:s2] =	stream.indirect.scatter.add.f32 [tilespmem:s26], [sflag:$0x1], $0x1, s14, s14, $0xb8;
	[tilespmem:$0x3100] =	vst v63  }
0xc4: {  	_ = 	snop  }
0xc5: {  	[spmem:s2] =	stream.indirect.scatter.add.f32 [tilespmem:s26], [sflag:$0x1], $0x1, s15, s14, $0xb8;
	[tilespmem:$0x3100] =	vst v63  }
0xc6: {  	_ = 	snop  }
0xc7: {  	[spmem:s2] =	stream.indirect.scatter.add.f32 [tilespmem:s26], [sflag:$0x1], $0x1, s16, s14, $0xb8;
	[tilespmem:$0x3100] =	vst v63  }
0xc8: {  	_ = 	snop  }
0xc9: {  	[spmem:s2] =	stream.indirect.scatter.add.f32 [tilespmem:s26], [sflag:$0x1], $0x1, s17, s14, $0xb8;
	[tilespmem:$0x3100] =	vst v63  }
0xca: {  	_ =	swait.ge [sflag:s28], $0x400  }
0xcb: {  	[sflag:s28] =	ssyncset.done $0x0  }
0xcc: {  	[sflag:s28] =	ssyncadd.s32 $0xFFFFFC00  }
0xcd: {  	[spmem:s2] =	stream.indirect.scatter.add.f32 [tilespmem:s26], [sflag:$0x1], $0x1, s18, s14, $0xb8;
	[tilespmem:$0x3100] =	vst v63  }
0xce: {  	_ =	swait.ge [sflag:s28], $0x400  }
0xcf: {  	[sflag:s28] =	ssyncset.done $0x0  }
0xd0: {  	[sflag:s28] =	ssyncadd.s32 $0xFFFFFC00  }
0xd1: {  	[spmem:s2] =	stream.indirect.scatter.add.f32 [tilespmem:s26], [sflag:$0x1], $0x1, s19, s14, $0xb8;
	[tilespmem:$0x3100] =	vst v63  }
0xd2: {  	_ =	swait.ge [sflag:s28], $0x400  }
0xd3: {  	[sflag:s28] =	ssyncset.done $0x0  }
0xd4: {  	[sflag:s28] =	ssyncadd.s32 $0xFFFFFC00  }
0xd5: {  	[spmem:s2] =	stream.indirect.scatter.add.f32 [tilespmem:s26], [sflag:$0x1], $0x1, s20, s14, $0xb8;
	[tilespmem:$0x3100] =	vst v63  }
0xd6: {  	_ =	swait.ge [sflag:s28], $0x400  }
0xd7: {  	[sflag:s28] =	ssyncset.done $0x0  }
0xd8: {  	[sflag:s28] =	ssyncadd.s32 $0xFFFFFC00  }
0xd9: {  	[spmem:s2] =	stream.indirect.scatter.add.f32 [tilespmem:s26], [sflag:$0x1], $0x1, s21, s14, $0xb8;
	[tilespmem:$0x3100] =	vst v63  }
0xda: {  	_ =	swait.ge [sflag:s28], $0x400  }
0xdb: {  	[sflag:s28] =	ssyncset.done $0x0  }
0xdc: {  	[sflag:s28] =	ssyncadd.s32 $0xFFFFFC00  }
0xdd: {  	[spmem:s2] =	stream.indirect.scatter.add.f32 [tilespmem:s26], [sflag:$0x1], $0x1, s22, s14, $0xb8;
	[tilespmem:$0x3100] =	vst v63  }
0xde: {  	_ =	swait.ge [sflag:s28], $0x400  }
0xdf: {  	[sflag:s28] =	ssyncset.done $0x0  }
0xe0: {  	[sflag:s28] =	ssyncadd.s32 $0xFFFFFC00  }
0xe1: {  	_ =	swait.ge [sflag:s28], $0x400  }
0xe2: {  	[sflag:s28] =	ssyncset.done $0x0  }
0xe3: {  	[sflag:s28] =	ssyncadd.s32 $0xFFFFFC00  }
0xe4: {  	_ =	swait.ge [sflag:s28], $0x400  }
0xe5: {  	[sflag:s28] =	ssyncset.done $0x0  }
0xe6: {  	[sflag:s28] =	ssyncadd.s32 $0xFFFFFC00  }
0xe7: {  	_ =	swait.ge [sflag:s28], $0x400  }
0xe8: {  	[sflag:s28] =	ssyncset.done $0x0  }
0xe9: {  	[sflag:s28] =	ssyncadd.s32 $0xFFFFFC00  }
0xea: {  	_ =	swait.ge [sflag:s28], $0x400  }
0xeb: {  	s30 =	sshll.u32 s0, $0x6;
	[sflag:s28] =	ssyncset.done $0x0  }
0xec: {  	p0 =	sne.s32 s13, $0x1;
	s29 =	sor.u32 $0x1C03, s30;
	[sflag:s28] =	ssyncadd.s32 $0xFFFFFC00  }
.Ltmp0:
0xed: {  	s31 =	sshrl.u32 s11, $0x3;
	[bflag:$0x0] =	sbarrier.arrive $0xFFFF;
	(pc) =	sbr.rel @p0 .LBB2_1-.Ltmp0, $4  }
0xee: {  	[hbm:s12], [sflag:s29] =	dma.local [spmem:s31], $0x50  }
0xef: {  	_ =	swait.ge [sflag:s24], $0x50  }
0xf0: {  	[sflag:s24] =	ssyncset.done $0x0  }
0xf1: {  	s13 =	sadd.s32 $0xFFFFFFFF, s13;
	[sflag:s24] =	ssyncadd.s32 $0xFFFFFFB0  }
0xf2: {  	_ =	sfence.sel $0x180000  }
0xf3: {  	[bflag:$0x0] =	sbarrier.arrive $0xFFFF  }
0xf4: {  	p0 =	sne.s32 s0, $0x0;
	_ =	strace $0x90000047  }
0xf5: {  	s0 =	sadd.s32 @!p0 $0x100000, s1;
	[bflag:$0x2] =	sbarrier.arrive $0xFFFF  }
0xf6: {  	[sflag:s0] =	ssyncadd.tile.s32 @!p0 $0x1;
	_ =	shalt  }
.Lfunc_end2:
_tile_overlayer_lowered:
.L_overlay_start_2:
0xf7: {  	(tag) =	ssettag $0x2  }
0xf8: {  	s0 =	rddreg [dreg:$0x0];
	s2 =	stileid.u32  }
0xf9: {  	s1 =	rddreg [dreg:$0x1];
	p0 =	sne.s32 s2, $0x0  }
0xfa: {  	s3 =	rddreg [dreg:$0x2];
	[bflag:$0x3] =	sbarrier.arrive $0xFFFF;
	s2 =	simm.s32 @!p0 $0x1C03  }
0xfb: {  	[timem:s3], [sflag:s2] =	dma.local @!p0 [hbm:s0], s1  }
0xfc: {  	s0 =	simm.s32 @!p0 $0x3  }
0xfd: {  	_ =	swait.ge @!p0 [sflag:s0], s1  }
0xfe: {  	s1 =	ssub.s32 @!p0 $0x0, s1;
	[sflag:s0] =	ssyncset.done @!p0 $0x0  }
0xff: {  	[sflag:s0] =	ssyncadd.s32 @!p0 s1  }
0x100: {  	[bflag:$0x3] =	sbarrier.arrive $0xFFFF  }
0x101: {  	_ =	shalt  }

</sc_bundles>
